<compile_context>
chip_gen: v7x
topology: tpu7x:2x2x1
jax: 0.10.2.dev20260603
libtpu: 0.0.44.dev20260713+nightly
codegen_flags: <defaults>
</compile_context>

<pallas_src>
import jax
import jax.numpy as jnp
from jax import lax
from jax.experimental import pallas as pl
from jax.experimental.pallas import tpu as pltpu
from jax.experimental.pallas import tpu_sc as plsc

NC = 2
NS = 16
NW = NC * NS

N = 10000
E = 320000
D = 128
K = 6

GL = 128
GPW = 79
EP = NW * GPW * GL
NP = 10240
RPT = NP // NS
ZR = 128
CHG = 16
NCH = GPW // CHG

_mesh = plsc.VectorSubcoreMesh(core_axis_name="c", subcore_axis_name="s")


def _matvec_body(x_h, w2f_h, send3_h, recv3_h, p_h,
                 sidx_v, ridx_v, wflat_v, pad_v, rows_v, acc_sh, gsem):
    c = lax.axis_index("c")
    s = lax.axis_index("s")
    wid = s * NC + c

    def _zb(i, carry):
        for b in range(D // 16):
            rows_v[i, pl.ds(b * 16, 16)] = jnp.zeros((16,), jnp.float32)
        return carry
    lax.fori_loop(0, ZR, _zb, 0)
    for i in range(RPT // ZR):
        pltpu.sync_copy(rows_v, acc_sh.at[pl.ds(s * RPT + i * ZR, ZR)])

    pltpu.sync_copy(send3_h.at[wid], sidx_v)
    pltpu.sync_copy(recv3_h.at[wid], ridx_v)
    pltpu.sync_copy(w2f_h.at[wid], wflat_v)
    plsc.subcore_barrier()

    def _grp(j, carry):
        pltpu.async_copy(x_h.at[ridx_v.at[j]], rows_v, gsem).wait()

        def _r(r, cy):
            wb = plsc.load_gather(
                wflat_v, [jnp.zeros((16,), jnp.int32) + (j * GL + r)])
            for b in range(D // 16):
                rows_v[r, pl.ds(b * 16, 16)] = (
                    rows_v[r, pl.ds(b * 16, 16)] * wb)
            return cy
        lax.fori_loop(0, GL, _r, 0)

        pltpu.sync_copy(rows_v, acc_sh.at[sidx_v.at[j]], add=True)
        return carry
    lax.fori_loop(0, GPW, _grp, 0)

    plsc.subcore_barrier()
    for i in range(RPT // ZR):
        off = s * RPT + i * ZR
        pltpu.sync_copy(acc_sh.at[pl.ds(off, ZR)], p_h.at[c, pl.ds(off, ZR)])


_matvec = pl.kernel(
    _matvec_body,
    out_type=jax.ShapeDtypeStruct((NC, NP, D), jnp.float32),
    mesh=_mesh,
    compiler_params=pltpu.CompilerParams(needs_layout_passes=False),
    scratch_types=[
        pltpu.VMEM((GPW, GL), jnp.int32),
        pltpu.VMEM((GPW, GL), jnp.int32),
        pltpu.VMEM((GPW * GL,), jnp.float32),
        pltpu.VMEM((8, GL), jnp.float32),
        pltpu.VMEM((GL, D), jnp.float32),
        pltpu.VMEM_SHARED((NP, D), jnp.float32),
        pltpu.SemaphoreType.DMA,
    ],
)


def _deg_body(w3_h, send3_h, pdeg_h, sidx_v, wval_v, zv_v, accd_sh):
    c = lax.axis_index("c")
    s = lax.axis_index("s")
    wid = s * NC + c

    def _zb(i, carry):
        zv_v[pl.ds(i * 16, 16)] = jnp.zeros((16,), jnp.float32)
        return carry
    lax.fori_loop(0, RPT // 16, _zb, 0)
    pltpu.sync_copy(zv_v, accd_sh.at[pl.ds(s * RPT, RPT)])

    pltpu.sync_copy(send3_h.at[wid], sidx_v)
    pltpu.sync_copy(w3_h.at[wid], wval_v)
    plsc.subcore_barrier()

    def _grp(j, carry):
        pltpu.sync_copy(wval_v.at[j], accd_sh.at[sidx_v.at[j]], add=True)
        return carry
    lax.fori_loop(0, GPW, _grp, 0)

    plsc.subcore_barrier()
    pltpu.sync_copy(accd_sh.at[pl.ds(s * RPT, RPT)],
                    pdeg_h.at[c, pl.ds(s * RPT, RPT)])


_deg = pl.kernel(
    _deg_body,
    out_type=jax.ShapeDtypeStruct((NC, NP), jnp.float32),
    mesh=_mesh,
    scratch_types=[
        pltpu.VMEM((GPW, GL), jnp.int32),
        pltpu.VMEM((GPW, GL), jnp.float32),
        pltpu.VMEM((RPT,), jnp.float32),
        pltpu.VMEM_SHARED((NP,), jnp.float32),
    ],
)



BM = 1000


def _scale_body(pdeg_ref, edges_ref, sdeg_ref, scale_ref):
    deg = pdeg_ref[0, :] + pdeg_ref[1, :]
    m = jnp.maximum(jnp.max(deg), jnp.max(-edges_ref[...]))
    sc = 1.0 / m
    scale_ref[0, 0] = sc
    sdeg_ref[...] = deg * sc


def _scale_call(pdeg, edges):
    return pl.pallas_call(
        _scale_body,
        out_shape=[
            jax.ShapeDtypeStruct((NP,), jnp.float32),
            jax.ShapeDtypeStruct((1, 1), jnp.float32),
        ],
        out_specs=[
            pl.BlockSpec(memory_space=pltpu.VMEM),
            pl.BlockSpec(memory_space=pltpu.SMEM),
        ],
    )(pdeg, edges)


def _combine1_body(scale_ref, sdeg_ref, x_ref, p_ref, y_ref):
    sc = scale_ref[0, 0]
    ax = p_ref[0] + p_ref[1]
    y_ref[...] = sdeg_ref[...] * x_ref[...] - sc * ax


def _combine2_body(scale_ref, sdeg_ref, x_ref, p_ref, prev_ref, y_ref):
    sc = scale_ref[0, 0]
    ax = p_ref[0] + p_ref[1]
    y_ref[...] = 2.0 * (sdeg_ref[...] * x_ref[...] - sc * ax) - prev_ref[...]


def _combine(scale, sdeg2, x, p, prev=None):
    grid = (N // BM,)
    scale_spec = pl.BlockSpec(memory_space=pltpu.SMEM)
    sdeg_spec = pl.BlockSpec((BM, 1), lambda i: (i, 0))
    row_spec = pl.BlockSpec((BM, D), lambda i: (i, 0))
    p_spec = pl.BlockSpec((NC, BM, D), lambda i: (0, i, 0))
    if prev is None:
        return pl.pallas_call(
            _combine1_body,
            grid=grid,
            in_specs=[scale_spec, sdeg_spec, row_spec, p_spec],
            out_specs=row_spec,
            out_shape=jax.ShapeDtypeStruct((N, D), jnp.float32),
        )(scale, sdeg2, x, p)
    return pl.pallas_call(
        _combine2_body,
        grid=grid,
        in_specs=[scale_spec, sdeg_spec, row_spec, p_spec, row_spec],
        out_specs=row_spec,
        out_shape=jax.ShapeDtypeStruct((N, D), jnp.float32),
    )(scale, sdeg2, x, p, prev)


def _matmul_body(x_ref, w_ref, db_ref, b_ref, o_ref):
    acc = jnp.dot(x_ref[...], w_ref[...], preferred_element_type=jnp.float32)
    o_ref[...] = acc + jnp.sum(db_ref[...], axis=0, keepdims=True) + b_ref[...]


def _matmul(xs, wf, dense_b, bias2):
    grid = (N // BM,)
    return pl.pallas_call(
        _matmul_body,
        grid=grid,
        in_specs=[
            pl.BlockSpec((BM, K * D), lambda i: (i, 0)),
            pl.BlockSpec((K * D, D), lambda i: (0, 0)),
            pl.BlockSpec((K, D), lambda i: (0, 0)),
            pl.BlockSpec((1, D), lambda i: (0, 0)),
        ],
        out_specs=pl.BlockSpec((BM, D), lambda i: (i, 0)),
        out_shape=jax.ShapeDtypeStruct((N, D), jnp.float32),
    )(xs, wf, dense_b, bias2)


def kernel(nodes, edges, senders, receivers, W, dense_b, bias):
    pad = EP - E
    send3 = jnp.concatenate(
        [senders, jnp.zeros((pad,), senders.dtype)]).reshape(NW, GPW, GL)
    recv3 = jnp.concatenate(
        [receivers, jnp.zeros((pad,), receivers.dtype)]).reshape(NW, GPW, GL)
    wp = jnp.concatenate([edges, jnp.zeros((pad,), edges.dtype)])
    w3 = wp.reshape(NW, GPW, GL)
    w2f = wp.reshape(NW, GPW * GL)

    pdeg = _deg(w3, send3)
    sdeg, scale = _scale_call(pdeg, edges)
    sdeg2 = sdeg.reshape(NP, 1)

    txs = [nodes]
    x = nodes
    prev = None
    for _ in range(1, K):
        p = _matvec(x, w2f, send3, recv3)
        y = _combine(scale, sdeg2, x, p, prev)
        txs.append(y)
        prev, x = x, y

    xs = jnp.stack(txs, axis=1).reshape(N, K * D)
    wf = W.reshape(K * D, D)
    bias2 = bias.reshape(1, D)
    return _matmul(xs, wf, dense_b, bias2)

# --- scband reference (transcript-rebuilt; emitter-appended) ---
"""Pipeline reference for scband-cheb-conv-26250840113269 (READ-ONLY COPY).

The authoritative reference and input builder live on the scoring server;
editing this copy changes nothing except your own understanding.
"""

import jax, jax.numpy as jnp
import numpy as np

K = 6

def setup_inputs(seed: int = 0) -> dict:
    key = jax.random.key(seed)
    k1, k2, k3, k4, k5, k6, k7 = jax.random.split(key, 7)
    N = 10000
    E = 320000
    D = 128
    OUT = 128
    nodes = jax.random.normal(k1, (N, D), dtype=jnp.float32)
    edges = jax.random.uniform(k2, (E,), dtype=jnp.float32)  # positive edge weights
    senders = jax.random.randint(k3, (E,), 0, N, dtype=jnp.int32)
    receivers = jax.random.randint(k4, (E,), 0, N, dtype=jnp.int32)
    # K Dense layers (d_feat -> out_channels), each with kernel + bias, plus final bias param
    W = jax.random.normal(k5, (K, D, OUT), dtype=jnp.float32) * 0.05
    dense_b = jnp.zeros((K, OUT), dtype=jnp.float32)
    bias = jnp.zeros((OUT,), dtype=jnp.float32)
    return {"nodes": nodes, "edges": edges, "senders": senders, "receivers": receivers,
            "W": W, "dense_b": dense_b, "bias": bias}


def reference(nodes, edges, senders, receivers, W, dense_b, bias):
    N = nodes.shape[0]
    OUT = W.shape[2]
    # get_laplacian: A = BCOO(edges, (senders, receivers)); deg = A.sum(axis=1) (row sums over senders)
    deg = jax.ops.segment_sum(edges, senders, num_segments=N)
    # L = D - A; L.data = concat(deg, -edges); lambda_max = 2 * L.data.max()
    max_L_data = jnp.maximum(deg.max(), (-edges).max())
    lambda_max = 2.0 * max_L_data
    scale = 2.0 / lambda_max  # L_hat = 2 * L / lambda_max

    def L_matvec(x):
        # (D - A) @ x = deg * x - scatter_add(senders, edges * x[receivers])
        ax = jax.ops.segment_sum(edges[:, None] * x[receivers], senders, num_segments=N)
        return scale * (deg[:, None] * x - ax)

    out = jnp.zeros((N, OUT), dtype=nodes.dtype)
    Tx_0 = nodes
    Tx_1 = None
    for k in range(K):
        if k == 0:
            Tx_k = Tx_0
        elif k == 1:
            Tx_1 = L_matvec(Tx_0)
            Tx_k = Tx_1
        else:
            Tx_2 = 2.0 * L_matvec(Tx_1) - Tx_0
            Tx_0, Tx_1 = Tx_1, Tx_2
            Tx_k = Tx_1
        out = out + Tx_k @ W[k] + dense_b[k]
    out = out + bias
    return out

if __name__ == "__main__":
    import jax
    _d = setup_inputs()
    print(jax.jit(kernel)(*tuple(_d.values())))

</pallas_src>

<mosaic_0001>
#map = affine_map<(d0, d1) -> (0, 0)>
#map1 = affine_map<(d0, d1) -> (0, 0, 0)>
module attributes {stable_mosaic.version = 14 : i64} {
  func.func @_matvec_body(%arg0: i32, %arg1: i32, %arg2: memref<10000x128xf32, #tpu.memory_space<hbm>>, %arg3: memref<32x10112xf32, #tpu.memory_space<hbm>>, %arg4: memref<32x79x128xi32, #tpu.memory_space<hbm>>, %arg5: memref<32x79x128xi32, #tpu.memory_space<hbm>>, %arg6: memref<2x10240x128xf32, #tpu.memory_space<hbm>>, %arg7: memref<79x128xi32, #tpu.memory_space<vmem>>, %arg8: memref<79x128xi32, #tpu.memory_space<vmem>>, %arg9: memref<10112xf32, #tpu.memory_space<vmem>>, %arg10: memref<8x128xf32, #tpu.memory_space<vmem>>, %arg11: memref<128x128xf32, #tpu.memory_space<vmem>>, %arg12: memref<10240x128xf32, #tpu.memory_space<vmem_shared>>, %arg13: memref<!tpu.dma_semaphore, #tpu.memory_space<semaphore_mem>>) attributes {dimension_semantics = [#tpu.dimension_semantics<core_parallel>, #tpu.dimension_semantics<subcore_parallel>], iteration_bounds = array<i64: 2, 16>, scalar_prefetch = 0 : i64, scratch_operands = 7 : i64, tpu.core_type = #tpu.core_type<sc_vector_subcore>, window_params = [{transform_indices = #map}, {transform_indices = #map}, {transform_indices = #map1}, {transform_indices = #map1}, {transform_indices = #map1}]} {
    %mul3A = arith.constant 2 : i32
    %mul3A_0 = arith.muli %arg1, %mul3A : i32
    %add3A = arith.addi %mul3A_0, %arg0 : i32
    %scan3A = arith.constant 0 : i32
    %scan3A_1 = arith.constant 0 : i32
    %scan3A_2 = arith.constant 128 : i32
    %scan3A_3 = arith.addi %scan3A_1, %scan3A_2 : i32
    %scan3A_4 = arith.constant 1 : i32
    scf.for %scan3A_53 = %scan3A_1 to %scan3A_3 step %scan3A_4  : i32 {
      %broadcast_in_dim3A = arith.constant 0.000000e+00 : f32
      %broadcast_in_dim3A_54 = vector.broadcast %broadcast_in_dim3A : f32 to vector<16xf32>
      %swap3A = arith.index_cast %scan3A_53 : i32 to index
      %swap3A_55 = arith.constant 0 : index
      %swap3A_56 = tpu.vector_load %arg11[%swap3A, %swap3A_55] {strides = array<i32>} : memref<128x128xf32, #tpu.memory_space<vmem>>, vector<16xf32>,
      tpu.vector_store %arg11[%swap3A, %swap3A_55], %broadcast_in_dim3A_54 {strides = array<i32>} : memref<128x128xf32, #tpu.memory_space<vmem>>, vector<16xf32>,
      %broadcast_in_dim3A_57 = arith.constant 0.000000e+00 : f32
      %broadcast_in_dim3A_58 = vector.broadcast %broadcast_in_dim3A_57 : f32 to vector<16xf32>
      %swap3A_59 = arith.index_cast %scan3A_53 : i32 to index
      %swap3A_60 = arith.constant 16 : index
      %swap3A_61 = tpu.vector_load %arg11[%swap3A_59, %swap3A_60] {strides = array<i32>} : memref<128x128xf32, #tpu.memory_space<vmem>>, vector<16xf32>,
      tpu.vector_store %arg11[%swap3A_59, %swap3A_60], %broadcast_in_dim3A_58 {strides = array<i32>} : memref<128x128xf32, #tpu.memory_space<vmem>>, vector<16xf32>,
      %broadcast_in_dim3A_62 = arith.constant 0.000000e+00 : f32
      %broadcast_in_dim3A_63 = vector.broadcast %broadcast_in_dim3A_62 : f32 to vector<16xf32>
      %swap3A_64 = arith.index_cast %scan3A_53 : i32 to index
      %swap3A_65 = arith.constant 32 : index
      %swap3A_66 = tpu.vector_load %arg11[%swap3A_64, %swap3A_65] {strides = array<i32>} : memref<128x128xf32, #tpu.memory_space<vmem>>, vector<16xf32>,
      tpu.vector_store %arg11[%swap3A_64, %swap3A_65], %broadcast_in_dim3A_63 {strides = array<i32>} : memref<128x128xf32, #tpu.memory_space<vmem>>, vector<16xf32>,
      %broadcast_in_dim3A_67 = arith.constant 0.000000e+00 : f32
      %broadcast_in_dim3A_68 = vector.broadcast %broadcast_in_dim3A_67 : f32 to vector<16xf32>
      %swap3A_69 = arith.index_cast %scan3A_53 : i32 to index
      %swap3A_70 = arith.constant 48 : index
      %swap3A_71 = tpu.vector_load %arg11[%swap3A_69, %swap3A_70] {strides = array<i32>} : memref<128x128xf32, #tpu.memory_space<vmem>>, vector<16xf32>,
      tpu.vector_store %arg11[%swap3A_69, %swap3A_70], %broadcast_in_dim3A_68 {strides = array<i32>} : memref<128x128xf32, #tpu.memory_space<vmem>>, vector<16xf32>,
      %broadcast_in_dim3A_72 = arith.constant 0.000000e+00 : f32
      %broadcast_in_dim3A_73 = vector.broadcast %broadcast_in_dim3A_72 : f32 to vector<16xf32>
      %swap3A_74 = arith.index_cast %scan3A_53 : i32 to index
      %swap3A_75 = arith.constant 64 : index
      %swap3A_76 = tpu.vector_load %arg11[%swap3A_74, %swap3A_75] {strides = array<i32>} : memref<128x128xf32, #tpu.memory_space<vmem>>, vector<16xf32>,
      tpu.vector_store %arg11[%swap3A_74, %swap3A_75], %broadcast_in_dim3A_73 {strides = array<i32>} : memref<128x128xf32, #tpu.memory_space<vmem>>, vector<16xf32>,
      %broadcast_in_dim3A_77 = arith.constant 0.000000e+00 : f32
      %broadcast_in_dim3A_78 = vector.broadcast %broadcast_in_dim3A_77 : f32 to vector<16xf32>
      %swap3A_79 = arith.index_cast %scan3A_53 : i32 to index
      %swap3A_80 = arith.constant 80 : index
      %swap3A_81 = tpu.vector_load %arg11[%swap3A_79, %swap3A_80] {strides = array<i32>} : memref<128x128xf32, #tpu.memory_space<vmem>>, vector<16xf32>,
      tpu.vector_store %arg11[%swap3A_79, %swap3A_80], %broadcast_in_dim3A_78 {strides = array<i32>} : memref<128x128xf32, #tpu.memory_space<vmem>>, vector<16xf32>,
      %broadcast_in_dim3A_82 = arith.constant 0.000000e+00 : f32
      %broadcast_in_dim3A_83 = vector.broadcast %broadcast_in_dim3A_82 : f32 to vector<16xf32>
      %swap3A_84 = arith.index_cast %scan3A_53 : i32 to index
      %swap3A_85 = arith.constant 96 : index
      %swap3A_86 = tpu.vector_load %arg11[%swap3A_84, %swap3A_85] {strides = array<i32>} : memref<128x128xf32, #tpu.memory_space<vmem>>, vector<16xf32>,
      tpu.vector_store %arg11[%swap3A_84, %swap3A_85], %broadcast_in_dim3A_83 {strides = array<i32>} : memref<128x128xf32, #tpu.memory_space<vmem>>, vector<16xf32>,
      %broadcast_in_dim3A_87 = arith.constant 0.000000e+00 : f32
      %broadcast_in_dim3A_88 = vector.broadcast %broadcast_in_dim3A_87 : f32 to vector<16xf32>
      %swap3A_89 = arith.index_cast %scan3A_53 : i32 to index
      %swap3A_90 = arith.constant 112 : index
      %swap3A_91 = tpu.vector_load %arg11[%swap3A_89, %swap3A_90] {strides = array<i32>} : memref<128x128xf32, #tpu.memory_space<vmem>>, vector<16xf32>,
      tpu.vector_store %arg11[%swap3A_89, %swap3A_90], %broadcast_in_dim3A_88 {strides = array<i32>} : memref<128x128xf32, #tpu.memory_space<vmem>>, vector<16xf32>,
    }
    %scan3A_5 = arith.constant 128 : i32
    %mul3A_6 = arith.constant 640 : i32
    %mul3A_7 = arith.muli %arg1, %mul3A_6 : i32
    %add3A_8 = arith.constant 0 : i32
    %add3A_9 = arith.addi %mul3A_7, %add3A_8 : i32
    "tpu.region"() ({
      %run_scoped3A = tpu.sem_alloc : memref<!tpu.dma_semaphore, #tpu.memory_space<semaphore_mem>>
      %dma_start3A = arith.constant 0 : i32
      %dma_start3A_53 = tpu.memref_slice %arg12[%add3A_9, %dma_start3A] : memref<10240x128xf32, #tpu.memory_space<vmem_shared>> -> memref<128x128xf32, #tpu.memory_space<vmem_shared>>
      %dma_start3A_54 = arith.constant 0 : i32
      %dma_start3A_55 = tpu.memref_slice %arg12[%add3A_9, %dma_start3A_54] : memref<10240x128xf32, #tpu.memory_space<vmem_shared>> -> memref<128x128xf32, #tpu.memory_space<vmem_shared>>
      tpu.enqueue_dma source(%arg11 : memref<128x128xf32, #tpu.memory_space<vmem>>) target(%dma_start3A_55 : memref<128x128xf32, #tpu.memory_space<vmem_shared>>) target_semaphore(%run_scoped3A : memref<!tpu.dma_semaphore, #tpu.memory_space<semaphore_mem>>)
      %dma_wait3A = arith.constant 0 : i32
      %dma_wait3A_56 = tpu.memref_slice %arg12[%add3A_9, %dma_wait3A] : memref<10240x128xf32, #tpu.memory_space<vmem_shared>> -> memref<128x128xf32, #tpu.memory_space<vmem_shared>>
      %dma_wait3A_57 = arith.constant 0 : i32
      %dma_wait3A_58 = tpu.memref_slice %arg12[%add3A_9, %dma_wait3A_57] : memref<10240x128xf32, #tpu.memory_space<vmem_shared>> -> memref<128x128xf32, #tpu.memory_space<vmem_shared>>
      tpu.wait_dma2 semaphore(%run_scoped3A : memref<!tpu.dma_semaphore, #tpu.memory_space<semaphore_mem>>) src(%arg11 : memref<128x128xf32, #tpu.memory_space<vmem>>) dst(%dma_wait3A_58 : memref<128x128xf32, #tpu.memory_space<vmem_shared>>)
      tpu.yield
    }) : () -> ()
    %mul3A_10 = arith.constant 640 : i32
    %mul3A_11 = arith.muli %arg1, %mul3A_10 : i32
    %add3A_12 = arith.constant 128 : i32
    %add3A_13 = arith.addi %mul3A_11, %add3A_12 : i32
    "tpu.region"() ({
      %run_scoped3A = tpu.sem_alloc : memref<!tpu.dma_semaphore, #tpu.memory_space<semaphore_mem>>
      %dma_start3A = arith.constant 0 : i32
      %dma_start3A_53 = tpu.memref_slice %arg12[%add3A_13, %dma_start3A] : memref<10240x128xf32, #tpu.memory_space<vmem_shared>> -> memref<128x128xf32, #tpu.memory_space<vmem_shared>>
      %dma_start3A_54 = arith.constant 0 : i32
      %dma_start3A_55 = tpu.memref_slice %arg12[%add3A_13, %dma_start3A_54] : memref<10240x128xf32, #tpu.memory_space<vmem_shared>> -> memref<128x128xf32, #tpu.memory_space<vmem_shared>>
      tpu.enqueue_dma source(%arg11 : memref<128x128xf32, #tpu.memory_space<vmem>>) target(%dma_start3A_55 : memref<128x128xf32, #tpu.memory_space<vmem_shared>>) target_semaphore(%run_scoped3A : memref<!tpu.dma_semaphore, #tpu.memory_space<semaphore_mem>>)
      %dma_wait3A = arith.constant 0 : i32
      %dma_wait3A_56 = tpu.memref_slice %arg12[%add3A_13, %dma_wait3A] : memref<10240x128xf32, #tpu.memory_space<vmem_shared>> -> memref<128x128xf32, #tpu.memory_space<vmem_shared>>
      %dma_wait3A_57 = arith.constant 0 : i32
      %dma_wait3A_58 = tpu.memref_slice %arg12[%add3A_13, %dma_wait3A_57] : memref<10240x128xf32, #tpu.memory_space<vmem_shared>> -> memref<128x128xf32, #tpu.memory_space<vmem_shared>>
      tpu.wait_dma2 semaphore(%run_scoped3A : memref<!tpu.dma_semaphore, #tpu.memory_space<semaphore_mem>>) src(%arg11 : memref<128x128xf32, #tpu.memory_space<vmem>>) dst(%dma_wait3A_58 : memref<128x128xf32, #tpu.memory_space<vmem_shared>>)
      tpu.yield
    }) : () -> ()
    %mul3A_14 = arith.constant 640 : i32
    %mul3A_15 = arith.muli %arg1, %mul3A_14 : i32
    %add3A_16 = arith.constant 256 : i32
    %add3A_17 = arith.addi %mul3A_15, %add3A_16 : i32
    "tpu.region"() ({
      %run_scoped3A = tpu.sem_alloc : memref<!tpu.dma_semaphore, #tpu.memory_space<semaphore_mem>>
      %dma_start3A = arith.constant 0 : i32
      %dma_start3A_53 = tpu.memref_slice %arg12[%add3A_17, %dma_start3A] : memref<10240x128xf32, #tpu.memory_space<vmem_shared>> -> memref<128x128xf32, #tpu.memory_space<vmem_shared>>
      %dma_start3A_54 = arith.constant 0 : i32
      %dma_start3A_55 = tpu.memref_slice %arg12[%add3A_17, %dma_start3A_54] : memref<10240x128xf32, #tpu.memory_space<vmem_shared>> -> memref<128x128xf32, #tpu.memory_space<vmem_shared>>
      tpu.enqueue_dma source(%arg11 : memref<128x128xf32, #tpu.memory_space<vmem>>) target(%dma_start3A_55 : memref<128x128xf32, #tpu.memory_space<vmem_shared>>) target_semaphore(%run_scoped3A : memref<!tpu.dma_semaphore, #tpu.memory_space<semaphore_mem>>)
      %dma_wait3A = arith.constant 0 : i32
      %dma_wait3A_56 = tpu.memref_slice %arg12[%add3A_17, %dma_wait3A] : memref<10240x128xf32, #tpu.memory_space<vmem_shared>> -> memref<128x128xf32, #tpu.memory_space<vmem_shared>>
      %dma_wait3A_57 = arith.constant 0 : i32
      %dma_wait3A_58 = tpu.memref_slice %arg12[%add3A_17, %dma_wait3A_57] : memref<10240x128xf32, #tpu.memory_space<vmem_shared>> -> memref<128x128xf32, #tpu.memory_space<vmem_shared>>
      tpu.wait_dma2 semaphore(%run_scoped3A : memref<!tpu.dma_semaphore, #tpu.memory_space<semaphore_mem>>) src(%arg11 : memref<128x128xf32, #tpu.memory_space<vmem>>) dst(%dma_wait3A_58 : memref<128x128xf32, #tpu.memory_space<vmem_shared>>)
      tpu.yield
    }) : () -> ()
    %mul3A_18 = arith.constant 640 : i32
    %mul3A_19 = arith.muli %arg1, %mul3A_18 : i32
    %add3A_20 = arith.constant 384 : i32
    %add3A_21 = arith.addi %mul3A_19, %add3A_20 : i32
    "tpu.region"() ({
      %run_scoped3A = tpu.sem_alloc : memref<!tpu.dma_semaphore, #tpu.memory_space<semaphore_mem>>
      %dma_start3A = arith.constant 0 : i32
      %dma_start3A_53 = tpu.memref_slice %arg12[%add3A_21, %dma_start3A] : memref<10240x128xf32, #tpu.memory_space<vmem_shared>> -> memref<128x128xf32, #tpu.memory_space<vmem_shared>>
      %dma_start3A_54 = arith.constant 0 : i32
      %dma_start3A_55 = tpu.memref_slice %arg12[%add3A_21, %dma_start3A_54] : memref<10240x128xf32, #tpu.memory_space<vmem_shared>> -> memref<128x128xf32, #tpu.memory_space<vmem_shared>>
      tpu.enqueue_dma source(%arg11 : memref<128x128xf32, #tpu.memory_space<vmem>>) target(%dma_start3A_55 : memref<128x128xf32, #tpu.memory_space<vmem_shared>>) target_semaphore(%run_scoped3A : memref<!tpu.dma_semaphore, #tpu.memory_space<semaphore_mem>>)
      %dma_wait3A = arith.constant 0 : i32
      %dma_wait3A_56 = tpu.memref_slice %arg12[%add3A_21, %dma_wait3A] : memref<10240x128xf32, #tpu.memory_space<vmem_shared>> -> memref<128x128xf32, #tpu.memory_space<vmem_shared>>
      %dma_wait3A_57 = arith.constant 0 : i32
      %dma_wait3A_58 = tpu.memref_slice %arg12[%add3A_21, %dma_wait3A_57] : memref<10240x128xf32, #tpu.memory_space<vmem_shared>> -> memref<128x128xf32, #tpu.memory_space<vmem_shared>>
      tpu.wait_dma2 semaphore(%run_scoped3A : memref<!tpu.dma_semaphore, #tpu.memory_space<semaphore_mem>>) src(%arg11 : memref<128x128xf32, #tpu.memory_space<vmem>>) dst(%dma_wait3A_58 : memref<128x128xf32, #tpu.memory_space<vmem_shared>>)
      tpu.yield
    }) : () -> ()
    %mul3A_22 = arith.constant 640 : i32
    %mul3A_23 = arith.muli %arg1, %mul3A_22 : i32
    %add3A_24 = arith.constant 512 : i32
    %add3A_25 = arith.addi %mul3A_23, %add3A_24 : i32
    "tpu.region"() ({
      %run_scoped3A = tpu.sem_alloc : memref<!tpu.dma_semaphore, #tpu.memory_space<semaphore_mem>>
      %dma_start3A = arith.constant 0 : i32
      %dma_start3A_53 = tpu.memref_slice %arg12[%add3A_25, %dma_start3A] : memref<10240x128xf32, #tpu.memory_space<vmem_shared>> -> memref<128x128xf32, #tpu.memory_space<vmem_shared>>
      %dma_start3A_54 = arith.constant 0 : i32
      %dma_start3A_55 = tpu.memref_slice %arg12[%add3A_25, %dma_start3A_54] : memref<10240x128xf32, #tpu.memory_space<vmem_shared>> -> memref<128x128xf32, #tpu.memory_space<vmem_shared>>
      tpu.enqueue_dma source(%arg11 : memref<128x128xf32, #tpu.memory_space<vmem>>) target(%dma_start3A_55 : memref<128x128xf32, #tpu.memory_space<vmem_shared>>) target_semaphore(%run_scoped3A : memref<!tpu.dma_semaphore, #tpu.memory_space<semaphore_mem>>)
      %dma_wait3A = arith.constant 0 : i32
      %dma_wait3A_56 = tpu.memref_slice %arg12[%add3A_25, %dma_wait3A] : memref<10240x128xf32, #tpu.memory_space<vmem_shared>> -> memref<128x128xf32, #tpu.memory_space<vmem_shared>>
      %dma_wait3A_57 = arith.constant 0 : i32
      %dma_wait3A_58 = tpu.memref_slice %arg12[%add3A_25, %dma_wait3A_57] : memref<10240x128xf32, #tpu.memory_space<vmem_shared>> -> memref<128x128xf32, #tpu.memory_space<vmem_shared>>
      tpu.wait_dma2 semaphore(%run_scoped3A : memref<!tpu.dma_semaphore, #tpu.memory_space<semaphore_mem>>) src(%arg11 : memref<128x128xf32, #tpu.memory_space<vmem>>) dst(%dma_wait3A_58 : memref<128x128xf32, #tpu.memory_space<vmem_shared>>)
      tpu.yield
    }) : () -> ()
    "tpu.region"() ({
      %run_scoped3A = tpu.sem_alloc : memref<!tpu.dma_semaphore, #tpu.memory_space<semaphore_mem>>
      %dma_start3A = arith.constant 0 : i32
      %dma_start3A_53 = arith.constant 0 : i32
      %dma_start3A_54 = tpu.memref_slice %arg4[%add3A, %dma_start3A, %dma_start3A_53] : memref<32x79x128xi32, #tpu.memory_space<hbm>> -> memref<1x79x128xi32, #tpu.memory_space<hbm>>
      %dma_start3A_55 = tpu.memref_squeeze %dma_start3A_54 : memref<1x79x128xi32, #tpu.memory_space<hbm>> -> memref<79x128xi32, #tpu.memory_space<hbm>>
      %dma_start3A_56 = arith.constant 0 : i32
      %dma_start3A_57 = arith.constant 0 : i32
      %dma_start3A_58 = tpu.memref_slice %arg4[%add3A, %dma_start3A_56, %dma_start3A_57] : memref<32x79x128xi32, #tpu.memory_space<hbm>> -> memref<1x79x128xi32, #tpu.memory_space<hbm>>
      %dma_start3A_59 = tpu.memref_squeeze %dma_start3A_58 : memref<1x79x128xi32, #tpu.memory_space<hbm>> -> memref<79x128xi32, #tpu.memory_space<hbm>>
      tpu.enqueue_dma source(%dma_start3A_59 : memref<79x128xi32, #tpu.memory_space<hbm>>) target(%arg7 : memref<79x128xi32, #tpu.memory_space<vmem>>) target_semaphore(%run_scoped3A : memref<!tpu.dma_semaphore, #tpu.memory_space<semaphore_mem>>)
      %dma_wait3A = arith.constant 0 : i32
      %dma_wait3A_60 = arith.constant 0 : i32
      %dma_wait3A_61 = tpu.memref_slice %arg4[%add3A, %dma_wait3A, %dma_wait3A_60] : memref<32x79x128xi32, #tpu.memory_space<hbm>> -> memref<1x79x128xi32, #tpu.memory_space<hbm>>
      %dma_wait3A_62 = tpu.memref_squeeze %dma_wait3A_61 : memref<1x79x128xi32, #tpu.memory_space<hbm>> -> memref<79x128xi32, #tpu.memory_space<hbm>>
      %dma_wait3A_63 = arith.constant 0 : i32
      %dma_wait3A_64 = arith.constant 0 : i32
      %dma_wait3A_65 = tpu.memref_slice %arg4[%add3A, %dma_wait3A_63, %dma_wait3A_64] : memref<32x79x128xi32, #tpu.memory_space<hbm>> -> memref<1x79x128xi32, #tpu.memory_space<hbm>>
      %dma_wait3A_66 = tpu.memref_squeeze %dma_wait3A_65 : memref<1x79x128xi32, #tpu.memory_space<hbm>> -> memref<79x128xi32, #tpu.memory_space<hbm>>
      tpu.wait_dma2 semaphore(%run_scoped3A : memref<!tpu.dma_semaphore, #tpu.memory_space<semaphore_mem>>) src(%dma_wait3A_66 : memref<79x128xi32, #tpu.memory_space<hbm>>) dst(%arg7 : memref<79x128xi32, #tpu.memory_space<vmem>>)
      tpu.yield
    }) : () -> ()
    "tpu.region"() ({
      %run_scoped3A = tpu.sem_alloc : memref<!tpu.dma_semaphore, #tpu.memory_space<semaphore_mem>>
      %dma_start3A = arith.constant 0 : i32
      %dma_start3A_53 = arith.constant 0 : i32
      %dma_start3A_54 = tpu.memref_slice %arg5[%add3A, %dma_start3A, %dma_start3A_53] : memref<32x79x128xi32, #tpu.memory_space<hbm>> -> memref<1x79x128xi32, #tpu.memory_space<hbm>>
      %dma_start3A_55 = tpu.memref_squeeze %dma_start3A_54 : memref<1x79x128xi32, #tpu.memory_space<hbm>> -> memref<79x128xi32, #tpu.memory_space<hbm>>
      %dma_start3A_56 = arith.constant 0 : i32
      %dma_start3A_57 = arith.constant 0 : i32
      %dma_start3A_58 = tpu.memref_slice %arg5[%add3A, %dma_start3A_56, %dma_start3A_57] : memref<32x79x128xi32, #tpu.memory_space<hbm>> -> memref<1x79x128xi32, #tpu.memory_space<hbm>>
      %dma_start3A_59 = tpu.memref_squeeze %dma_start3A_58 : memref<1x79x128xi32, #tpu.memory_space<hbm>> -> memref<79x128xi32, #tpu.memory_space<hbm>>
      tpu.enqueue_dma source(%dma_start3A_59 : memref<79x128xi32, #tpu.memory_space<hbm>>) target(%arg8 : memref<79x128xi32, #tpu.memory_space<vmem>>) target_semaphore(%run_scoped3A : memref<!tpu.dma_semaphore, #tpu.memory_space<semaphore_mem>>)
      %dma_wait3A = arith.constant 0 : i32
      %dma_wait3A_60 = arith.constant 0 : i32
      %dma_wait3A_61 = tpu.memref_slice %arg5[%add3A, %dma_wait3A, %dma_wait3A_60] : memref<32x79x128xi32, #tpu.memory_space<hbm>> -> memref<1x79x128xi32, #tpu.memory_space<hbm>>
      %dma_wait3A_62 = tpu.memref_squeeze %dma_wait3A_61 : memref<1x79x128xi32, #tpu.memory_space<hbm>> -> memref<79x128xi32, #tpu.memory_space<hbm>>
      %dma_wait3A_63 = arith.constant 0 : i32
      %dma_wait3A_64 = arith.constant 0 : i32
      %dma_wait3A_65 = tpu.memref_slice %arg5[%add3A, %dma_wait3A_63, %dma_wait3A_64] : memref<32x79x128xi32, #tpu.memory_space<hbm>> -> memref<1x79x128xi32, #tpu.memory_space<hbm>>
      %dma_wait3A_66 = tpu.memref_squeeze %dma_wait3A_65 : memref<1x79x128xi32, #tpu.memory_space<hbm>> -> memref<79x128xi32, #tpu.memory_space<hbm>>
      tpu.wait_dma2 semaphore(%run_scoped3A : memref<!tpu.dma_semaphore, #tpu.memory_space<semaphore_mem>>) src(%dma_wait3A_66 : memref<79x128xi32, #tpu.memory_space<hbm>>) dst(%arg8 : memref<79x128xi32, #tpu.memory_space<vmem>>)
      tpu.yield
    }) : () -> ()
    "tpu.region"() ({
      %run_scoped3A = tpu.sem_alloc : memref<!tpu.dma_semaphore, #tpu.memory_space<semaphore_mem>>
      %dma_start3A = arith.constant 0 : i32
      %dma_start3A_53 = tpu.memref_slice %arg3[%add3A, %dma_start3A] : memref<32x10112xf32, #tpu.memory_space<hbm>> -> memref<1x10112xf32, #tpu.memory_space<hbm>>
      %dma_start3A_54 = tpu.memref_squeeze %dma_start3A_53 : memref<1x10112xf32, #tpu.memory_space<hbm>> -> memref<10112xf32, #tpu.memory_space<hbm>>
      %dma_start3A_55 = arith.constant 0 : i32
      %dma_start3A_56 = tpu.memref_slice %arg3[%add3A, %dma_start3A_55] : memref<32x10112xf32, #tpu.memory_space<hbm>> -> memref<1x10112xf32, #tpu.memory_space<hbm>>
      %dma_start3A_57 = tpu.memref_squeeze %dma_start3A_56 : memref<1x10112xf32, #tpu.memory_space<hbm>> -> memref<10112xf32, #tpu.memory_space<hbm>>
      tpu.enqueue_dma source(%dma_start3A_57 : memref<10112xf32, #tpu.memory_space<hbm>>) target(%arg9 : memref<10112xf32, #tpu.memory_space<vmem>>) target_semaphore(%run_scoped3A : memref<!tpu.dma_semaphore, #tpu.memory_space<semaphore_mem>>)
      %dma_wait3A = arith.constant 0 : i32
      %dma_wait3A_58 = tpu.memref_slice %arg3[%add3A, %dma_wait3A] : memref<32x10112xf32, #tpu.memory_space<hbm>> -> memref<1x10112xf32, #tpu.memory_space<hbm>>
      %dma_wait3A_59 = tpu.memref_squeeze %dma_wait3A_58 : memref<1x10112xf32, #tpu.memory_space<hbm>> -> memref<10112xf32, #tpu.memory_space<hbm>>
      %dma_wait3A_60 = arith.constant 0 : i32
      %dma_wait3A_61 = tpu.memref_slice %arg3[%add3A, %dma_wait3A_60] : memref<32x10112xf32, #tpu.memory_space<hbm>> -> memref<1x10112xf32, #tpu.memory_space<hbm>>
      %dma_wait3A_62 = tpu.memref_squeeze %dma_wait3A_61 : memref<1x10112xf32, #tpu.memory_space<hbm>> -> memref<10112xf32, #tpu.memory_space<hbm>>
      tpu.wait_dma2 semaphore(%run_scoped3A : memref<!tpu.dma_semaphore, #tpu.memory_space<semaphore_mem>>) src(%dma_wait3A_62 : memref<10112xf32, #tpu.memory_space<hbm>>) dst(%arg9 : memref<10112xf32, #tpu.memory_space<vmem>>)
      tpu.yield
    }) : () -> ()
    %barrier3A = arith.constant 0 : index
    tpu.barrier barrier_id(%barrier3A)
    %scan3A_26 = arith.constant 0 : i32
    %scan3A_27 = arith.constant 0 : i32
    %scan3A_28 = arith.constant 79 : i32
    %scan3A_29 = arith.addi %scan3A_27, %scan3A_28 : i32
    %scan3A_30 = arith.constant 1 : i32
    scf.for %scan3A_53 = %scan3A_27 to %scan3A_29 step %scan3A_30  : i32 {
      %dma_start3A = arith.constant 0 : i32
      %dma_start3A_54 = tpu.memref_slice %arg8[%scan3A_53, %dma_start3A] : memref<79x128xi32, #tpu.memory_space<vmem>> -> memref<1x128xi32, #tpu.memory_space<vmem>>
      %dma_start3A_55 = tpu.memref_squeeze %dma_start3A_54 : memref<1x128xi32, #tpu.memory_space<vmem>> -> memref<128xi32, #tpu.memory_space<vmem>>
      %dma_start3A_56 = arith.constant 0 : i32
      %dma_start3A_57 = arith.constant 0 : i32
      %dma_start3A_58 = tpu.memref_slice %arg2[%dma_start3A_56, %dma_start3A_57] : memref<10000x128xf32, #tpu.memory_space<hbm>> -> memref<10000x128xf32, #tpu.memory_space<hbm>>
      tpu.enqueue_indirect_dma source(%dma_start3A_58 : memref<10000x128xf32, #tpu.memory_space<hbm>>) target(%arg11 : memref<128x128xf32, #tpu.memory_space<vmem>>) offsets(%dma_start3A_55 : memref<128xi32, #tpu.memory_space<vmem>>) semaphore(%arg13 : memref<!tpu.dma_semaphore, #tpu.memory_space<semaphore_mem>>)
      %dma_wait3A = arith.constant 0 : i32
      %dma_wait3A_59 = tpu.memref_slice %arg8[%scan3A_53, %dma_wait3A] : memref<79x128xi32, #tpu.memory_space<vmem>> -> memref<1x128xi32, #tpu.memory_space<vmem>>
      %dma_wait3A_60 = tpu.memref_squeeze %dma_wait3A_59 : memref<1x128xi32, #tpu.memory_space<vmem>> -> memref<128xi32, #tpu.memory_space<vmem>>
      %dma_wait3A_61 = arith.constant 0 : i32
      %dma_wait3A_62 = arith.constant 0 : i32
      %dma_wait3A_63 = tpu.memref_slice %arg2[%dma_wait3A_61, %dma_wait3A_62] : memref<10000x128xf32, #tpu.memory_space<hbm>> -> memref<10000x128xf32, #tpu.memory_space<hbm>>
      tpu.wait_indirect_dma semaphore(%arg13 : memref<!tpu.dma_semaphore, #tpu.memory_space<semaphore_mem>>) src(%dma_wait3A_63 : memref<10000x128xf32, #tpu.memory_space<hbm>>) dst(%arg11 : memref<128x128xf32, #tpu.memory_space<vmem>>)
      %scan3A_64 = arith.constant 0 : i32
      %scan3A_65 = arith.constant 0 : i32
      %scan3A_66 = arith.constant 128 : i32
      %scan3A_67 = arith.addi %scan3A_65, %scan3A_66 : i32
      %scan3A_68 = arith.constant 1 : i32
      scf.for %scan3A_70 = %scan3A_65 to %scan3A_67 step %scan3A_68  : i32 {
        %broadcast_in_dim3A = arith.constant 0 : i32
        %broadcast_in_dim3A_71 = vector.broadcast %broadcast_in_dim3A : i32 to vector<16xi32>
        %mul3A_72 = arith.constant 128 : i32
        %mul3A_73 = arith.muli %scan3A_53, %mul3A_72 : i32
        %add3A_74 = arith.addi %mul3A_73, %scan3A_70 : i32
        %add3A_75 = vector.broadcast %add3A_74 : i32 to vector<16xi32>
        %add3A_76 = arith.addi %broadcast_in_dim3A_71, %add3A_75 : vector<16xi32>
        %gather3A = tpu.vector_load_idx %arg9[%add3A_76] : memref<10112xf32, #tpu.memory_space<vmem>>[vector<16xi32>], vector<16xf32>,
        %get3A = arith.index_cast %scan3A_70 : i32 to index
        %get3A_77 = arith.constant 0 : index
        %get3A_78 = tpu.vector_load %arg11[%get3A, %get3A_77] {strides = array<i32>} : memref<128x128xf32, #tpu.memory_space<vmem>>, vector<16xf32>,
        %mul3A_79 = arith.mulf %get3A_78, %gather3A : vector<16xf32>
        %swap3A = arith.index_cast %scan3A_70 : i32 to index
        %swap3A_80 = arith.constant 0 : index
        %swap3A_81 = tpu.vector_load %arg11[%swap3A, %swap3A_80] {strides = array<i32>} : memref<128x128xf32, #tpu.memory_space<vmem>>, vector<16xf32>,
        tpu.vector_store %arg11[%swap3A, %swap3A_80], %mul3A_79 {strides = array<i32>} : memref<128x128xf32, #tpu.memory_space<vmem>>, vector<16xf32>,
        %get3A_82 = arith.index_cast %scan3A_70 : i32 to index
        %get3A_83 = arith.constant 16 : index
        %get3A_84 = tpu.vector_load %arg11[%get3A_82, %get3A_83] {strides = array<i32>} : memref<128x128xf32, #tpu.memory_space<vmem>>, vector<16xf32>,
        %mul3A_85 = arith.mulf %get3A_84, %gather3A : vector<16xf32>
        %swap3A_86 = arith.index_cast %scan3A_70 : i32 to index
        %swap3A_87 = arith.constant 16 : index
        %swap3A_88 = tpu.vector_load %arg11[%swap3A_86, %swap3A_87] {strides = array<i32>} : memref<128x128xf32, #tpu.memory_space<vmem>>, vector<16xf32>,
        tpu.vector_store %arg11[%swap3A_86, %swap3A_87], %mul3A_85 {strides = array<i32>} : memref<128x128xf32, #tpu.memory_space<vmem>>, vector<16xf32>,
        %get3A_89 = arith.index_cast %scan3A_70 : i32 to index
        %get3A_90 = arith.constant 32 : index
        %get3A_91 = tpu.vector_load %arg11[%get3A_89, %get3A_90] {strides = array<i32>} : memref<128x128xf32, #tpu.memory_space<vmem>>, vector<16xf32>,
        %mul3A_92 = arith.mulf %get3A_91, %gather3A : vector<16xf32>
        %swap3A_93 = arith.index_cast %scan3A_70 : i32 to index
        %swap3A_94 = arith.constant 32 : index
        %swap3A_95 = tpu.vector_load %arg11[%swap3A_93, %swap3A_94] {strides = array<i32>} : memref<128x128xf32, #tpu.memory_space<vmem>>, vector<16xf32>,
        tpu.vector_store %arg11[%swap3A_93, %swap3A_94], %mul3A_92 {strides = array<i32>} : memref<128x128xf32, #tpu.memory_space<vmem>>, vector<16xf32>,
        %get3A_96 = arith.index_cast %scan3A_70 : i32 to index
        %get3A_97 = arith.constant 48 : index
        %get3A_98 = tpu.vector_load %arg11[%get3A_96, %get3A_97] {strides = array<i32>} : memref<128x128xf32, #tpu.memory_space<vmem>>, vector<16xf32>,
        %mul3A_99 = arith.mulf %get3A_98, %gather3A : vector<16xf32>
        %swap3A_100 = arith.index_cast %scan3A_70 : i32 to index
        %swap3A_101 = arith.constant 48 : index
        %swap3A_102 = tpu.vector_load %arg11[%swap3A_100, %swap3A_101] {strides = array<i32>} : memref<128x128xf32, #tpu.memory_space<vmem>>, vector<16xf32>,
        tpu.vector_store %arg11[%swap3A_100, %swap3A_101], %mul3A_99 {strides = array<i32>} : memref<128x128xf32, #tpu.memory_space<vmem>>, vector<16xf32>,
        %get3A_103 = arith.index_cast %scan3A_70 : i32 to index
        %get3A_104 = arith.constant 64 : index
        %get3A_105 = tpu.vector_load %arg11[%get3A_103, %get3A_104] {strides = array<i32>} : memref<128x128xf32, #tpu.memory_space<vmem>>, vector<16xf32>,
        %mul3A_106 = arith.mulf %get3A_105, %gather3A : vector<16xf32>
        %swap3A_107 = arith.index_cast %scan3A_70 : i32 to index
        %swap3A_108 = arith.constant 64 : index
        %swap3A_109 = tpu.vector_load %arg11[%swap3A_107, %swap3A_108] {strides = array<i32>} : memref<128x128xf32, #tpu.memory_space<vmem>>, vector<16xf32>,
        tpu.vector_store %arg11[%swap3A_107, %swap3A_108], %mul3A_106 {strides = array<i32>} : memref<128x128xf32, #tpu.memory_space<vmem>>, vector<16xf32>,
        %get3A_110 = arith.index_cast %scan3A_70 : i32 to index
        %get3A_111 = arith.constant 80 : index
        %get3A_112 = tpu.vector_load %arg11[%get3A_110, %get3A_111] {strides = array<i32>} : memref<128x128xf32, #tpu.memory_space<vmem>>, vector<16xf32>,
        %mul3A_113 = arith.mulf %get3A_112, %gather3A : vector<16xf32>
        %swap3A_114 = arith.index_cast %scan3A_70 : i32 to index
        %swap3A_115 = arith.constant 80 : index
        %swap3A_116 = tpu.vector_load %arg11[%swap3A_114, %swap3A_115] {strides = array<i32>} : memref<128x128xf32, #tpu.memory_space<vmem>>, vector<16xf32>,
        tpu.vector_store %arg11[%swap3A_114, %swap3A_115], %mul3A_113 {strides = array<i32>} : memref<128x128xf32, #tpu.memory_space<vmem>>, vector<16xf32>,
        %get3A_117 = arith.index_cast %scan3A_70 : i32 to index
        %get3A_118 = arith.constant 96 : index
        %get3A_119 = tpu.vector_load %arg11[%get3A_117, %get3A_118] {strides = array<i32>} : memref<128x128xf32, #tpu.memory_space<vmem>>, vector<16xf32>,
        %mul3A_120 = arith.mulf %get3A_119, %gather3A : vector<16xf32>
        %swap3A_121 = arith.index_cast %scan3A_70 : i32 to index
        %swap3A_122 = arith.constant 96 : index
        %swap3A_123 = tpu.vector_load %arg11[%swap3A_121, %swap3A_122] {strides = array<i32>} : memref<128x128xf32, #tpu.memory_space<vmem>>, vector<16xf32>,
        tpu.vector_store %arg11[%swap3A_121, %swap3A_122], %mul3A_120 {strides = array<i32>} : memref<128x128xf32, #tpu.memory_space<vmem>>, vector<16xf32>,
        %get3A_124 = arith.index_cast %scan3A_70 : i32 to index
        %get3A_125 = arith.constant 112 : index
        %get3A_126 = tpu.vector_load %arg11[%get3A_124, %get3A_125] {strides = array<i32>} : memref<128x128xf32, #tpu.memory_space<vmem>>, vector<16xf32>,
        %mul3A_127 = arith.mulf %get3A_126, %gather3A : vector<16xf32>
        %swap3A_128 = arith.index_cast %scan3A_70 : i32 to index
        %swap3A_129 = arith.constant 112 : index
        %swap3A_130 = tpu.vector_load %arg11[%swap3A_128, %swap3A_129] {strides = array<i32>} : memref<128x128xf32, #tpu.memory_space<vmem>>, vector<16xf32>,
        tpu.vector_store %arg11[%swap3A_128, %swap3A_129], %mul3A_127 {strides = array<i32>} : memref<128x128xf32, #tpu.memory_space<vmem>>, vector<16xf32>,
      }
      %scan3A_69 = arith.constant 128 : i32
      "tpu.region"() ({
        %run_scoped3A = tpu.sem_alloc : memref<!tpu.dma_semaphore, #tpu.memory_space<semaphore_mem>>
        %dma_start3A_70 = arith.constant 0 : i32
        %dma_start3A_71 = tpu.memref_slice %arg7[%scan3A_53, %dma_start3A_70] : memref<79x128xi32, #tpu.memory_space<vmem>> -> memref<1x128xi32, #tpu.memory_space<vmem>>
        %dma_start3A_72 = tpu.memref_squeeze %dma_start3A_71 : memref<1x128xi32, #tpu.memory_space<vmem>> -> memref<128xi32, #tpu.memory_space<vmem>>
        %dma_start3A_73 = arith.constant 0 : i32
        %dma_start3A_74 = arith.constant 0 : i32
        %dma_start3A_75 = tpu.memref_slice %arg12[%dma_start3A_73, %dma_start3A_74] : memref<10240x128xf32, #tpu.memory_space<vmem_shared>> -> memref<10240x128xf32, #tpu.memory_space<vmem_shared>>
        tpu.enqueue_indirect_dma source(%arg11 : memref<128x128xf32, #tpu.memory_space<vmem>>) target(%dma_start3A_75 : memref<10240x128xf32, #tpu.memory_space<vmem_shared>>) offsets(%dma_start3A_72 : memref<128xi32, #tpu.memory_space<vmem>>) semaphore(%run_scoped3A : memref<!tpu.dma_semaphore, #tpu.memory_space<semaphore_mem>>) {add = true}
        %dma_wait3A_76 = arith.constant 0 : i32
        %dma_wait3A_77 = tpu.memref_slice %arg7[%scan3A_53, %dma_wait3A_76] : memref<79x128xi32, #tpu.memory_space<vmem>> -> memref<1x128xi32, #tpu.memory_space<vmem>>
        %dma_wait3A_78 = tpu.memref_squeeze %dma_wait3A_77 : memref<1x128xi32, #tpu.memory_space<vmem>> -> memref<128xi32, #tpu.memory_space<vmem>>
        %dma_wait3A_79 = arith.constant 0 : i32
        %dma_wait3A_80 = arith.constant 0 : i32
        %dma_wait3A_81 = tpu.memref_slice %arg12[%dma_wait3A_79, %dma_wait3A_80] : memref<10240x128xf32, #tpu.memory_space<vmem_shared>> -> memref<10240x128xf32, #tpu.memory_space<vmem_shared>>
        tpu.wait_indirect_dma semaphore(%run_scoped3A : memref<!tpu.dma_semaphore, #tpu.memory_space<semaphore_mem>>) src(%arg11 : memref<128x128xf32, #tpu.memory_space<vmem>>) dst(%dma_wait3A_81 : memref<10240x128xf32, #tpu.memory_space<vmem_shared>>)
        tpu.yield
      }) : () -> ()
    }
    %scan3A_31 = arith.constant 79 : i32
    %barrier3A_32 = arith.constant 0 : index
    tpu.barrier barrier_id(%barrier3A_32)
    %mul3A_33 = arith.constant 640 : i32
    %mul3A_34 = arith.muli %arg1, %mul3A_33 : i32
    %add3A_35 = arith.constant 0 : i32
    %add3A_36 = arith.addi %mul3A_34, %add3A_35 : i32
    "tpu.region"() ({
      %run_scoped3A = tpu.sem_alloc : memref<!tpu.dma_semaphore, #tpu.memory_space<semaphore_mem>>
      %dma_start3A = arith.constant 0 : i32
      %dma_start3A_53 = tpu.memref_slice %arg6[%arg0, %add3A_36, %dma_start3A] : memref<2x10240x128xf32, #tpu.memory_space<hbm>> -> memref<1x128x128xf32, #tpu.memory_space<hbm>>
      %dma_start3A_54 = tpu.memref_squeeze %dma_start3A_53 : memref<1x128x128xf32, #tpu.memory_space<hbm>> -> memref<128x128xf32, #tpu.memory_space<hbm>>
      %dma_start3A_55 = arith.constant 0 : i32
      %dma_start3A_56 = tpu.memref_slice %arg12[%add3A_36, %dma_start3A_55] : memref<10240x128xf32, #tpu.memory_space<vmem_shared>> -> memref<128x128xf32, #tpu.memory_space<vmem_shared>>
      tpu.enqueue_dma source(%dma_start3A_56 : memref<128x128xf32, #tpu.memory_space<vmem_shared>>) target(%dma_start3A_54 : memref<128x128xf32, #tpu.memory_space<hbm>>) target_semaphore(%run_scoped3A : memref<!tpu.dma_semaphore, #tpu.memory_space<semaphore_mem>>)
      %dma_wait3A = arith.constant 0 : i32
      %dma_wait3A_57 = tpu.memref_slice %arg6[%arg0, %add3A_36, %dma_wait3A] : memref<2x10240x128xf32, #tpu.memory_space<hbm>> -> memref<1x128x128xf32, #tpu.memory_space<hbm>>
      %dma_wait3A_58 = tpu.memref_squeeze %dma_wait3A_57 : memref<1x128x128xf32, #tpu.memory_space<hbm>> -> memref<128x128xf32, #tpu.memory_space<hbm>>
      %dma_wait3A_59 = arith.constant 0 : i32
      %dma_wait3A_60 = tpu.memref_slice %arg12[%add3A_36, %dma_wait3A_59] : memref<10240x128xf32, #tpu.memory_space<vmem_shared>> -> memref<128x128xf32, #tpu.memory_space<vmem_shared>>
      tpu.wait_dma2 semaphore(%run_scoped3A : memref<!tpu.dma_semaphore, #tpu.memory_space<semaphore_mem>>) src(%dma_wait3A_60 : memref<128x128xf32, #tpu.memory_space<vmem_shared>>) dst(%dma_wait3A_58 : memref<128x128xf32, #tpu.memory_space<hbm>>)
      tpu.yield
    }) : () -> ()
    %mul3A_37 = arith.constant 640 : i32
    %mul3A_38 = arith.muli %arg1, %mul3A_37 : i32
    %add3A_39 = arith.constant 128 : i32
    %add3A_40 = arith.addi %mul3A_38, %add3A_39 : i32
    "tpu.region"() ({
      %run_scoped3A = tpu.sem_alloc : memref<!tpu.dma_semaphore, #tpu.memory_space<semaphore_mem>>
      %dma_start3A = arith.constant 0 : i32
      %dma_start3A_53 = tpu.memref_slice %arg6[%arg0, %add3A_40, %dma_start3A] : memref<2x10240x128xf32, #tpu.memory_space<hbm>> -> memref<1x128x128xf32, #tpu.memory_space<hbm>>
      %dma_start3A_54 = tpu.memref_squeeze %dma_start3A_53 : memref<1x128x128xf32, #tpu.memory_space<hbm>> -> memref<128x128xf32, #tpu.memory_space<hbm>>
      %dma_start3A_55 = arith.constant 0 : i32
      %dma_start3A_56 = tpu.memref_slice %arg12[%add3A_40, %dma_start3A_55] : memref<10240x128xf32, #tpu.memory_space<vmem_shared>> -> memref<128x128xf32, #tpu.memory_space<vmem_shared>>
      tpu.enqueue_dma source(%dma_start3A_56 : memref<128x128xf32, #tpu.memory_space<vmem_shared>>) target(%dma_start3A_54 : memref<128x128xf32, #tpu.memory_space<hbm>>) target_semaphore(%run_scoped3A : memref<!tpu.dma_semaphore, #tpu.memory_space<semaphore_mem>>)
      %dma_wait3A = arith.constant 0 : i32
      %dma_wait3A_57 = tpu.memref_slice %arg6[%arg0, %add3A_40, %dma_wait3A] : memref<2x10240x128xf32, #tpu.memory_space<hbm>> -> memref<1x128x128xf32, #tpu.memory_space<hbm>>
      %dma_wait3A_58 = tpu.memref_squeeze %dma_wait3A_57 : memref<1x128x128xf32, #tpu.memory_space<hbm>> -> memref<128x128xf32, #tpu.memory_space<hbm>>
      %dma_wait3A_59 = arith.constant 0 : i32
      %dma_wait3A_60 = tpu.memref_slice %arg12[%add3A_40, %dma_wait3A_59] : memref<10240x128xf32, #tpu.memory_space<vmem_shared>> -> memref<128x128xf32, #tpu.memory_space<vmem_shared>>
      tpu.wait_dma2 semaphore(%run_scoped3A : memref<!tpu.dma_semaphore, #tpu.memory_space<semaphore_mem>>) src(%dma_wait3A_60 : memref<128x128xf32, #tpu.memory_space<vmem_shared>>) dst(%dma_wait3A_58 : memref<128x128xf32, #tpu.memory_space<hbm>>)
      tpu.yield
    }) : () -> ()
    %mul3A_41 = arith.constant 640 : i32
    %mul3A_42 = arith.muli %arg1, %mul3A_41 : i32
    %add3A_43 = arith.constant 256 : i32
    %add3A_44 = arith.addi %mul3A_42, %add3A_43 : i32
    "tpu.region"() ({
      %run_scoped3A = tpu.sem_alloc : memref<!tpu.dma_semaphore, #tpu.memory_space<semaphore_mem>>
      %dma_start3A = arith.constant 0 : i32
      %dma_start3A_53 = tpu.memref_slice %arg6[%arg0, %add3A_44, %dma_start3A] : memref<2x10240x128xf32, #tpu.memory_space<hbm>> -> memref<1x128x128xf32, #tpu.memory_space<hbm>>
      %dma_start3A_54 = tpu.memref_squeeze %dma_start3A_53 : memref<1x128x128xf32, #tpu.memory_space<hbm>> -> memref<128x128xf32, #tpu.memory_space<hbm>>
      %dma_start3A_55 = arith.constant 0 : i32
      %dma_start3A_56 = tpu.memref_slice %arg12[%add3A_44, %dma_start3A_55] : memref<10240x128xf32, #tpu.memory_space<vmem_shared>> -> memref<128x128xf32, #tpu.memory_space<vmem_shared>>
      tpu.enqueue_dma source(%dma_start3A_56 : memref<128x128xf32, #tpu.memory_space<vmem_shared>>) target(%dma_start3A_54 : memref<128x128xf32, #tpu.memory_space<hbm>>) target_semaphore(%run_scoped3A : memref<!tpu.dma_semaphore, #tpu.memory_space<semaphore_mem>>)
      %dma_wait3A = arith.constant 0 : i32
      %dma_wait3A_57 = tpu.memref_slice %arg6[%arg0, %add3A_44, %dma_wait3A] : memref<2x10240x128xf32, #tpu.memory_space<hbm>> -> memref<1x128x128xf32, #tpu.memory_space<hbm>>
      %dma_wait3A_58 = tpu.memref_squeeze %dma_wait3A_57 : memref<1x128x128xf32, #tpu.memory_space<hbm>> -> memref<128x128xf32, #tpu.memory_space<hbm>>
      %dma_wait3A_59 = arith.constant 0 : i32
      %dma_wait3A_60 = tpu.memref_slice %arg12[%add3A_44, %dma_wait3A_59] : memref<10240x128xf32, #tpu.memory_space<vmem_shared>> -> memref<128x128xf32, #tpu.memory_space<vmem_shared>>
      tpu.wait_dma2 semaphore(%run_scoped3A : memref<!tpu.dma_semaphore, #tpu.memory_space<semaphore_mem>>) src(%dma_wait3A_60 : memref<128x128xf32, #tpu.memory_space<vmem_shared>>) dst(%dma_wait3A_58 : memref<128x128xf32, #tpu.memory_space<hbm>>)
      tpu.yield
    }) : () -> ()
    %mul3A_45 = arith.constant 640 : i32
    %mul3A_46 = arith.muli %arg1, %mul3A_45 : i32
    %add3A_47 = arith.constant 384 : i32
    %add3A_48 = arith.addi %mul3A_46, %add3A_47 : i32
    "tpu.region"() ({
      %run_scoped3A = tpu.sem_alloc : memref<!tpu.dma_semaphore, #tpu.memory_space<semaphore_mem>>
      %dma_start3A = arith.constant 0 : i32
      %dma_start3A_53 = tpu.memref_slice %arg6[%arg0, %add3A_48, %dma_start3A] : memref<2x10240x128xf32, #tpu.memory_space<hbm>> -> memref<1x128x128xf32, #tpu.memory_space<hbm>>
      %dma_start3A_54 = tpu.memref_squeeze %dma_start3A_53 : memref<1x128x128xf32, #tpu.memory_space<hbm>> -> memref<128x128xf32, #tpu.memory_space<hbm>>
      %dma_start3A_55 = arith.constant 0 : i32
      %dma_start3A_56 = tpu.memref_slice %arg12[%add3A_48, %dma_start3A_55] : memref<10240x128xf32, #tpu.memory_space<vmem_shared>> -> memref<128x128xf32, #tpu.memory_space<vmem_shared>>
      tpu.enqueue_dma source(%dma_start3A_56 : memref<128x128xf32, #tpu.memory_space<vmem_shared>>) target(%dma_start3A_54 : memref<128x128xf32, #tpu.memory_space<hbm>>) target_semaphore(%run_scoped3A : memref<!tpu.dma_semaphore, #tpu.memory_space<semaphore_mem>>)
      %dma_wait3A = arith.constant 0 : i32
      %dma_wait3A_57 = tpu.memref_slice %arg6[%arg0, %add3A_48, %dma_wait3A] : memref<2x10240x128xf32, #tpu.memory_space<hbm>> -> memref<1x128x128xf32, #tpu.memory_space<hbm>>
      %dma_wait3A_58 = tpu.memref_squeeze %dma_wait3A_57 : memref<1x128x128xf32, #tpu.memory_space<hbm>> -> memref<128x128xf32, #tpu.memory_space<hbm>>
      %dma_wait3A_59 = arith.constant 0 : i32
      %dma_wait3A_60 = tpu.memref_slice %arg12[%add3A_48, %dma_wait3A_59] : memref<10240x128xf32, #tpu.memory_space<vmem_shared>> -> memref<128x128xf32, #tpu.memory_space<vmem_shared>>
      tpu.wait_dma2 semaphore(%run_scoped3A : memref<!tpu.dma_semaphore, #tpu.memory_space<semaphore_mem>>) src(%dma_wait3A_60 : memref<128x128xf32, #tpu.memory_space<vmem_shared>>) dst(%dma_wait3A_58 : memref<128x128xf32, #tpu.memory_space<hbm>>)
      tpu.yield
    }) : () -> ()
    %mul3A_49 = arith.constant 640 : i32
    %mul3A_50 = arith.muli %arg1, %mul3A_49 : i32
    %add3A_51 = arith.constant 512 : i32
    %add3A_52 = arith.addi %mul3A_50, %add3A_51 : i32
    "tpu.region"() ({
      %run_scoped3A = tpu.sem_alloc : memref<!tpu.dma_semaphore, #tpu.memory_space<semaphore_mem>>
      %dma_start3A = arith.constant 0 : i32
      %dma_start3A_53 = tpu.memref_slice %arg6[%arg0, %add3A_52, %dma_start3A] : memref<2x10240x128xf32, #tpu.memory_space<hbm>> -> memref<1x128x128xf32, #tpu.memory_space<hbm>>
      %dma_start3A_54 = tpu.memref_squeeze %dma_start3A_53 : memref<1x128x128xf32, #tpu.memory_space<hbm>> -> memref<128x128xf32, #tpu.memory_space<hbm>>
      %dma_start3A_55 = arith.constant 0 : i32
      %dma_start3A_56 = tpu.memref_slice %arg12[%add3A_52, %dma_start3A_55] : memref<10240x128xf32, #tpu.memory_space<vmem_shared>> -> memref<128x128xf32, #tpu.memory_space<vmem_shared>>
      tpu.enqueue_dma source(%dma_start3A_56 : memref<128x128xf32, #tpu.memory_space<vmem_shared>>) target(%dma_start3A_54 : memref<128x128xf32, #tpu.memory_space<hbm>>) target_semaphore(%run_scoped3A : memref<!tpu.dma_semaphore, #tpu.memory_space<semaphore_mem>>)
      %dma_wait3A = arith.constant 0 : i32
      %dma_wait3A_57 = tpu.memref_slice %arg6[%arg0, %add3A_52, %dma_wait3A] : memref<2x10240x128xf32, #tpu.memory_space<hbm>> -> memref<1x128x128xf32, #tpu.memory_space<hbm>>
      %dma_wait3A_58 = tpu.memref_squeeze %dma_wait3A_57 : memref<1x128x128xf32, #tpu.memory_space<hbm>> -> memref<128x128xf32, #tpu.memory_space<hbm>>
      %dma_wait3A_59 = arith.constant 0 : i32
      %dma_wait3A_60 = tpu.memref_slice %arg12[%add3A_52, %dma_wait3A_59] : memref<10240x128xf32, #tpu.memory_space<vmem_shared>> -> memref<128x128xf32, #tpu.memory_space<vmem_shared>>
      tpu.wait_dma2 semaphore(%run_scoped3A : memref<!tpu.dma_semaphore, #tpu.memory_space<semaphore_mem>>) src(%dma_wait3A_60 : memref<128x128xf32, #tpu.memory_space<vmem_shared>>) dst(%dma_wait3A_58 : memref<128x128xf32, #tpu.memory_space<hbm>>)
      tpu.yield
    }) : () -> ()
    return
  }
}

#map = affine_map<(d0, d1) -> (0, 0)>
#map1 = affine_map<(d0, d1) -> (0, 0, 0)>
module attributes {stable_mosaic.version = 14 : i64} {
  func.func @_matvec_body(%arg0: i32, %arg1: i32, %arg2: memref<10000x128xf32, #tpu.memory_space<hbm>>, %arg3: memref<32x10112xf32, #tpu.memory_space<hbm>>, %arg4: memref<32x79x128xi32, #tpu.memory_space<hbm>>, %arg5: memref<32x79x128xi32, #tpu.memory_space<hbm>>, %arg6: memref<2x10240x128xf32, #tpu.memory_space<hbm>>, %arg7: memref<79x128xi32, #tpu.memory_space<vmem>>, %arg8: memref<79x128xi32, #tpu.memory_space<vmem>>, %arg9: memref<10112xf32, #tpu.memory_space<vmem>>, %arg10: memref<8x128xf32, #tpu.memory_space<vmem>>, %arg11: memref<128x128xf32, #tpu.memory_space<vmem>>, %arg12: memref<10240x128xf32, #tpu.memory_space<vmem_shared>>, %arg13: memref<!tpu.dma_semaphore, #tpu.memory_space<semaphore_mem>>) attributes {dimension_semantics = [#tpu.dimension_semantics<core_parallel>, #tpu.dimension_semantics<subcore_parallel>], iteration_bounds = array<i64: 2, 16>, scalar_prefetch = 0 : i64, scratch_operands = 7 : i64, tpu.core_type = #tpu.core_type<sc_vector_subcore>, window_params = [{transform_indices = #map}, {transform_indices = #map}, {transform_indices = #map1}, {transform_indices = #map1}, {transform_indices = #map1}]} {
    %mul3A = arith.constant 2 : i32
    %mul3A_0 = arith.muli %arg1, %mul3A : i32
    %add3A = arith.addi %mul3A_0, %arg0 : i32
    %scan3A = arith.constant 0 : i32
    %scan3A_1 = arith.constant 0 : i32
    %scan3A_2 = arith.constant 128 : i32
    %scan3A_3 = arith.addi %scan3A_1, %scan3A_2 : i32
    %scan3A_4 = arith.constant 1 : i32
    scf.for %scan3A_53 = %scan3A_1 to %scan3A_3 step %scan3A_4  : i32 {
      %broadcast_in_dim3A = arith.constant 0.000000e+00 : f32
      %broadcast_in_dim3A_54 = vector.broadcast %broadcast_in_dim3A : f32 to vector<16xf32>
      %swap3A = arith.index_cast %scan3A_53 : i32 to index
      %swap3A_55 = arith.constant 0 : index
      %swap3A_56 = tpu.vector_load %arg11[%swap3A, %swap3A_55] {strides = array<i32>} : memref<128x128xf32, #tpu.memory_space<vmem>>, vector<16xf32>,
      tpu.vector_store %arg11[%swap3A, %swap3A_55], %broadcast_in_dim3A_54 {strides = array<i32>} : memref<128x128xf32, #tpu.memory_space<vmem>>, vector<16xf32>,
      %broadcast_in_dim3A_57 = arith.constant 0.000000e+00 : f32
      %broadcast_in_dim3A_58 = vector.broadcast %broadcast_in_dim3A_57 : f32 to vector<16xf32>
      %swap3A_59 = arith.index_cast %scan3A_53 : i32 to index
      %swap3A_60 = arith.constant 16 : index
      %swap3A_61 = tpu.vector_load %arg11[%swap3A_59, %swap3A_60] {strides = array<i32>} : memref<128x128xf32, #tpu.memory_space<vmem>>, vector<16xf32>,
      tpu.vector_store %arg11[%swap3A_59, %swap3A_60], %broadcast_in_dim3A_58 {strides = array<i32>} : memref<128x128xf32, #tpu.memory_space<vmem>>, vector<16xf32>,
      %broadcast_in_dim3A_62 = arith.constant 0.000000e+00 : f32
      %broadcast_in_dim3A_63 = vector.broadcast %broadcast_in_dim3A_62 : f32 to vector<16xf32>
      %swap3A_64 = arith.index_cast %scan3A_53 : i32 to index
      %swap3A_65 = arith.constant 32 : index
      %swap3A_66 = tpu.vector_load %arg11[%swap3A_64, %swap3A_65] {strides = array<i32>} : memref<128x128xf32, #tpu.memory_space<vmem>>, vector<16xf32>,
      tpu.vector_store %arg11[%swap3A_64, %swap3A_65], %broadcast_in_dim3A_63 {strides = array<i32>} : memref<128x128xf32, #tpu.memory_space<vmem>>, vector<16xf32>,
      %broadcast_in_dim3A_67 = arith.constant 0.000000e+00 : f32
      %broadcast_in_dim3A_68 = vector.broadcast %broadcast_in_dim3A_67 : f32 to vector<16xf32>
      %swap3A_69 = arith.index_cast %scan3A_53 : i32 to index
      %swap3A_70 = arith.constant 48 : index
      %swap3A_71 = tpu.vector_load %arg11[%swap3A_69, %swap3A_70] {strides = array<i32>} : memref<128x128xf32, #tpu.memory_space<vmem>>, vector<16xf32>,
      tpu.vector_store %arg11[%swap3A_69, %swap3A_70], %broadcast_in_dim3A_68 {strides = array<i32>} : memref<128x128xf32, #tpu.memory_space<vmem>>, vector<16xf32>,
      %broadcast_in_dim3A_72 = arith.constant 0.000000e+00 : f32
      %broadcast_in_dim3A_73 = vector.broadcast %broadcast_in_dim3A_72 : f32 to vector<16xf32>
      %swap3A_74 = arith.index_cast %scan3A_53 : i32 to index
      %swap3A_75 = arith.constant 64 : index
      %swap3A_76 = tpu.vector_load %arg11[%swap3A_74, %swap3A_75] {strides = array<i32>} : memref<128x128xf32, #tpu.memory_space<vmem>>, vector<16xf32>,
      tpu.vector_store %arg11[%swap3A_74, %swap3A_75], %broadcast_in_dim3A_73 {strides = array<i32>} : memref<128x128xf32, #tpu.memory_space<vmem>>, vector<16xf32>,
      %broadcast_in_dim3A_77 = arith.constant 0.000000e+00 : f32
      %broadcast_in_dim3A_78 = vector.broadcast %broadcast_in_dim3A_77 : f32 to vector<16xf32>
      %swap3A_79 = arith.index_cast %scan3A_53 : i32 to index
      %swap3A_80 = arith.constant 80 : index
      %swap3A_81 = tpu.vector_load %arg11[%swap3A_79, %swap3A_80] {strides = array<i32>} : memref<128x128xf32, #tpu.memory_space<vmem>>, vector<16xf32>,
      tpu.vector_store %arg11[%swap3A_79, %swap3A_80], %broadcast_in_dim3A_78 {strides = array<i32>} : memref<128x128xf32, #tpu.memory_space<vmem>>, vector<16xf32>,
      %broadcast_in_dim3A_82 = arith.constant 0.000000e+00 : f32
      %broadcast_in_dim3A_83 = vector.broadcast %broadcast_in_dim3A_82 : f32 to vector<16xf32>
      %swap3A_84 = arith.index_cast %scan3A_53 : i32 to index
      %swap3A_85 = arith.constant 96 : index
      %swap3A_86 = tpu.vector_load %arg11[%swap3A_84, %swap3A_85] {strides = array<i32>} : memref<128x128xf32, #tpu.memory_space<vmem>>, vector<16xf32>,
      tpu.vector_store %arg11[%swap3A_84, %swap3A_85], %broadcast_in_dim3A_83 {strides = array<i32>} : memref<128x128xf32, #tpu.memory_space<vmem>>, vector<16xf32>,
      %broadcast_in_dim3A_87 = arith.constant 0.000000e+00 : f32
      %broadcast_in_dim3A_88 = vector.broadcast %broadcast_in_dim3A_87 : f32 to vector<16xf32>
      %swap3A_89 = arith.index_cast %scan3A_53 : i32 to index
      %swap3A_90 = arith.constant 112 : index
      %swap3A_91 = tpu.vector_load %arg11[%swap3A_89, %swap3A_90] {strides = array<i32>} : memref<128x128xf32, #tpu.memory_space<vmem>>, vector<16xf32>,
      tpu.vector_store %arg11[%swap3A_89, %swap3A_90], %broadcast_in_dim3A_88 {strides = array<i32>} : memref<128x128xf32, #tpu.memory_space<vmem>>, vector<16xf32>,
    }
    %scan3A_5 = arith.constant 128 : i32
    %mul3A_6 = arith.constant 640 : i32
    %mul3A_7 = arith.muli %arg1, %mul3A_6 : i32
    %add3A_8 = arith.constant 0 : i32
    %add3A_9 = arith.addi %mul3A_7, %add3A_8 : i32
    "tpu.region"() ({
      %run_scoped3A = tpu.sem_alloc : memref<!tpu.dma_semaphore, #tpu.memory_space<semaphore_mem>>
      %dma_start3A = arith.constant 0 : i32
      %dma_start3A_53 = tpu.memref_slice %arg12[%add3A_9, %dma_start3A] : memref<10240x128xf32, #tpu.memory_space<vmem_shared>> -> memref<128x128xf32, #tpu.memory_space<vmem_shared>>
      %dma_start3A_54 = arith.constant 0 : i32
      %dma_start3A_55 = tpu.memref_slice %arg12[%add3A_9, %dma_start3A_54] : memref<10240x128xf32, #tpu.memory_space<vmem_shared>> -> memref<128x128xf32, #tpu.memory_space<vmem_shared>>
      tpu.enqueue_dma source(%arg11 : memref<128x128xf32, #tpu.memory_space<vmem>>) target(%dma_start3A_55 : memref<128x128xf32, #tpu.memory_space<vmem_shared>>) target_semaphore(%run_scoped3A : memref<!tpu.dma_semaphore, #tpu.memory_space<semaphore_mem>>)
      %dma_wait3A = arith.constant 0 : i32
      %dma_wait3A_56 = tpu.memref_slice %arg12[%add3A_9, %dma_wait3A] : memref<10240x128xf32, #tpu.memory_space<vmem_shared>> -> memref<128x128xf32, #tpu.memory_space<vmem_shared>>
      %dma_wait3A_57 = arith.constant 0 : i32
      %dma_wait3A_58 = tpu.memref_slice %arg12[%add3A_9, %dma_wait3A_57] : memref<10240x128xf32, #tpu.memory_space<vmem_shared>> -> memref<128x128xf32, #tpu.memory_space<vmem_shared>>
      tpu.wait_dma2 semaphore(%run_scoped3A : memref<!tpu.dma_semaphore, #tpu.memory_space<semaphore_mem>>) src(%arg11 : memref<128x128xf32, #tpu.memory_space<vmem>>) dst(%dma_wait3A_58 : memref<128x128xf32, #tpu.memory_space<vmem_shared>>)
      tpu.yield
    }) : () -> ()
    %mul3A_10 = arith.constant 640 : i32
    %mul3A_11 = arith.muli %arg1, %mul3A_10 : i32
    %add3A_12 = arith.constant 128 : i32
    %add3A_13 = arith.addi %mul3A_11, %add3A_12 : i32
    "tpu.region"() ({
      %run_scoped3A = tpu.sem_alloc : memref<!tpu.dma_semaphore, #tpu.memory_space<semaphore_mem>>
      %dma_start3A = arith.constant 0 : i32
      %dma_start3A_53 = tpu.memref_slice %arg12[%add3A_13, %dma_start3A] : memref<10240x128xf32, #tpu.memory_space<vmem_shared>> -> memref<128x128xf32, #tpu.memory_space<vmem_shared>>
      %dma_start3A_54 = arith.constant 0 : i32
      %dma_start3A_55 = tpu.memref_slice %arg12[%add3A_13, %dma_start3A_54] : memref<10240x128xf32, #tpu.memory_space<vmem_shared>> -> memref<128x128xf32, #tpu.memory_space<vmem_shared>>
      tpu.enqueue_dma source(%arg11 : memref<128x128xf32, #tpu.memory_space<vmem>>) target(%dma_start3A_55 : memref<128x128xf32, #tpu.memory_space<vmem_shared>>) target_semaphore(%run_scoped3A : memref<!tpu.dma_semaphore, #tpu.memory_space<semaphore_mem>>)
      %dma_wait3A = arith.constant 0 : i32
      %dma_wait3A_56 = tpu.memref_slice %arg12[%add3A_13, %dma_wait3A] : memref<10240x128xf32, #tpu.memory_space<vmem_shared>> -> memref<128x128xf32, #tpu.memory_space<vmem_shared>>
      %dma_wait3A_57 = arith.constant 0 : i32
      %dma_wait3A_58 = tpu.memref_slice %arg12[%add3A_13, %dma_wait3A_57] : memref<10240x128xf32, #tpu.memory_space<vmem_shared>> -> memref<128x128xf32, #tpu.memory_space<vmem_shared>>
      tpu.wait_dma2 semaphore(%run_scoped3A : memref<!tpu.dma_semaphore, #tpu.memory_space<semaphore_mem>>) src(%arg11 : memref<128x128xf32, #tpu.memory_space<vmem>>) dst(%dma_wait3A_58 : memref<128x128xf32, #tpu.memory_space<vmem_shared>>)
      tpu.yield
    }) : () -> ()
    %mul3A_14 = arith.constant 640 : i32
    %mul3A_15 = arith.muli %arg1, %mul3A_14 : i32
    %add3A_16 = arith.constant 256 : i32
    %add3A_17 = arith.addi %mul3A_15, %add3A_16 : i32
    "tpu.region"() ({
      %run_scoped3A = tpu.sem_alloc : memref<!tpu.dma_semaphore, #tpu.memory_space<semaphore_mem>>
      %dma_start3A = arith.constant 0 : i32
      %dma_start3A_53 = tpu.memref_slice %arg12[%add3A_17, %dma_start3A] : memref<10240x128xf32, #tpu.memory_space<vmem_shared>> -> memref<128x128xf32, #tpu.memory_space<vmem_shared>>
      %dma_start3A_54 = arith.constant 0 : i32
      %dma_start3A_55 = tpu.memref_slice %arg12[%add3A_17, %dma_start3A_54] : memref<10240x128xf32, #tpu.memory_space<vmem_shared>> -> memref<128x128xf32, #tpu.memory_space<vmem_shared>>
      tpu.enqueue_dma source(%arg11 : memref<128x128xf32, #tpu.memory_space<vmem>>) target(%dma_start3A_55 : memref<128x128xf32, #tpu.memory_space<vmem_shared>>) target_semaphore(%run_scoped3A : memref<!tpu.dma_semaphore, #tpu.memory_space<semaphore_mem>>)
      %dma_wait3A = arith.constant 0 : i32
      %dma_wait3A_56 = tpu.memref_slice %arg12[%add3A_17, %dma_wait3A] : memref<10240x128xf32, #tpu.memory_space<vmem_shared>> -> memref<128x128xf32, #tpu.memory_space<vmem_shared>>
      %dma_wait3A_57 = arith.constant 0 : i32
      %dma_wait3A_58 = tpu.memref_slice %arg12[%add3A_17, %dma_wait3A_57] : memref<10240x128xf32, #tpu.memory_space<vmem_shared>> -> memref<128x128xf32, #tpu.memory_space<vmem_shared>>
      tpu.wait_dma2 semaphore(%run_scoped3A : memref<!tpu.dma_semaphore, #tpu.memory_space<semaphore_mem>>) src(%arg11 : memref<128x128xf32, #tpu.memory_space<vmem>>) dst(%dma_wait3A_58 : memref<128x128xf32, #tpu.memory_space<vmem_shared>>)
      tpu.yield
    }) : () -> ()
    %mul3A_18 = arith.constant 640 : i32
    %mul3A_19 = arith.muli %arg1, %mul3A_18 : i32
    %add3A_20 = arith.constant 384 : i32
    %add3A_21 = arith.addi %mul3A_19, %add3A_20 : i32
    "tpu.region"() ({
      %run_scoped3A = tpu.sem_alloc : memref<!tpu.dma_semaphore, #tpu.memory_space<semaphore_mem>>
      %dma_start3A = arith.constant 0 : i32
      %dma_start3A_53 = tpu.memref_slice %arg12[%add3A_21, %dma_start3A] : memref<10240x128xf32, #tpu.memory_space<vmem_shared>> -> memref<128x128xf32, #tpu.memory_space<vmem_shared>>
      %dma_start3A_54 = arith.constant 0 : i32
      %dma_start3A_55 = tpu.memref_slice %arg12[%add3A_21, %dma_start3A_54] : memref<10240x128xf32, #tpu.memory_space<vmem_shared>> -> memref<128x128xf32, #tpu.memory_space<vmem_shared>>
      tpu.enqueue_dma source(%arg11 : memref<128x128xf32, #tpu.memory_space<vmem>>) target(%dma_start3A_55 : memref<128x128xf32, #tpu.memory_space<vmem_shared>>) target_semaphore(%run_scoped3A : memref<!tpu.dma_semaphore, #tpu.memory_space<semaphore_mem>>)
      %dma_wait3A = arith.constant 0 : i32
      %dma_wait3A_56 = tpu.memref_slice %arg12[%add3A_21, %dma_wait3A] : memref<10240x128xf32, #tpu.memory_space<vmem_shared>> -> memref<128x128xf32, #tpu.memory_space<vmem_shared>>
      %dma_wait3A_57 = arith.constant 0 : i32
      %dma_wait3A_58 = tpu.memref_slice %arg12[%add3A_21, %dma_wait3A_57] : memref<10240x128xf32, #tpu.memory_space<vmem_shared>> -> memref<128x128xf32, #tpu.memory_space<vmem_shared>>
      tpu.wait_dma2 semaphore(%run_scoped3A : memref<!tpu.dma_semaphore, #tpu.memory_space<semaphore_mem>>) src(%arg11 : memref<128x128xf32, #tpu.memory_space<vmem>>) dst(%dma_wait3A_58 : memref<128x128xf32, #tpu.memory_space<vmem_shared>>)
      tpu.yield
    }) : () -> ()
    %mul3A_22 = arith.constant 640 : i32
    %mul3A_23 = arith.muli %arg1, %mul3A_22 : i32
    %add3A_24 = arith.constant 512 : i32
    %add3A_25 = arith.addi %mul3A_23, %add3A_24 : i32
    "tpu.region"() ({
      %run_scoped3A = tpu.sem_alloc : memref<!tpu.dma_semaphore, #tpu.memory_space<semaphore_mem>>
      %dma_start3A = arith.constant 0 : i32
      %dma_start3A_53 = tpu.memref_slice %arg12[%add3A_25, %dma_start3A] : memref<10240x128xf32, #tpu.memory_space<vmem_shared>> -> memref<128x128xf32, #tpu.memory_space<vmem_shared>>
      %dma_start3A_54 = arith.constant 0 : i32
      %dma_start3A_55 = tpu.memref_slice %arg12[%add3A_25, %dma_start3A_54] : memref<10240x128xf32, #tpu.memory_space<vmem_shared>> -> memref<128x128xf32, #tpu.memory_space<vmem_shared>>
      tpu.enqueue_dma source(%arg11 : memref<128x128xf32, #tpu.memory_space<vmem>>) target(%dma_start3A_55 : memref<128x128xf32, #tpu.memory_space<vmem_shared>>) target_semaphore(%run_scoped3A : memref<!tpu.dma_semaphore, #tpu.memory_space<semaphore_mem>>)
      %dma_wait3A = arith.constant 0 : i32
      %dma_wait3A_56 = tpu.memref_slice %arg12[%add3A_25, %dma_wait3A] : memref<10240x128xf32, #tpu.memory_space<vmem_shared>> -> memref<128x128xf32, #tpu.memory_space<vmem_shared>>
      %dma_wait3A_57 = arith.constant 0 : i32
      %dma_wait3A_58 = tpu.memref_slice %arg12[%add3A_25, %dma_wait3A_57] : memref<10240x128xf32, #tpu.memory_space<vmem_shared>> -> memref<128x128xf32, #tpu.memory_space<vmem_shared>>
      tpu.wait_dma2 semaphore(%run_scoped3A : memref<!tpu.dma_semaphore, #tpu.memory_space<semaphore_mem>>) src(%arg11 : memref<128x128xf32, #tpu.memory_space<vmem>>) dst(%dma_wait3A_58 : memref<128x128xf32, #tpu.memory_space<vmem_shared>>)
      tpu.yield
    }) : () -> ()
    "tpu.region"() ({
      %run_scoped3A = tpu.sem_alloc : memref<!tpu.dma_semaphore, #tpu.memory_space<semaphore_mem>>
      %dma_start3A = arith.constant 0 : i32
      %dma_start3A_53 = arith.constant 0 : i32
      %dma_start3A_54 = tpu.memref_slice %arg4[%add3A, %dma_start3A, %dma_start3A_53] : memref<32x79x128xi32, #tpu.memory_space<hbm>> -> memref<1x79x128xi32, #tpu.memory_space<hbm>>
      %dma_start3A_55 = tpu.memref_squeeze %dma_start3A_54 : memref<1x79x128xi32, #tpu.memory_space<hbm>> -> memref<79x128xi32, #tpu.memory_space<hbm>>
      %dma_start3A_56 = arith.constant 0 : i32
      %dma_start3A_57 = arith.constant 0 : i32
      %dma_start3A_58 = tpu.memref_slice %arg4[%add3A, %dma_start3A_56, %dma_start3A_57] : memref<32x79x128xi32, #tpu.memory_space<hbm>> -> memref<1x79x128xi32, #tpu.memory_space<hbm>>
      %dma_start3A_59 = tpu.memref_squeeze %dma_start3A_58 : memref<1x79x128xi32, #tpu.memory_space<hbm>> -> memref<79x128xi32, #tpu.memory_space<hbm>>
      tpu.enqueue_dma source(%dma_start3A_59 : memref<79x128xi32, #tpu.memory_space<hbm>>) target(%arg7 : memref<79x128xi32, #tpu.memory_space<vmem>>) target_semaphore(%run_scoped3A : memref<!tpu.dma_semaphore, #tpu.memory_space<semaphore_mem>>)
      %dma_wait3A = arith.constant 0 : i32
      %dma_wait3A_60 = arith.constant 0 : i32
      %dma_wait3A_61 = tpu.memref_slice %arg4[%add3A, %dma_wait3A, %dma_wait3A_60] : memref<32x79x128xi32, #tpu.memory_space<hbm>> -> memref<1x79x128xi32, #tpu.memory_space<hbm>>
      %dma_wait3A_62 = tpu.memref_squeeze %dma_wait3A_61 : memref<1x79x128xi32, #tpu.memory_space<hbm>> -> memref<79x128xi32, #tpu.memory_space<hbm>>
      %dma_wait3A_63 = arith.constant 0 : i32
      %dma_wait3A_64 = arith.constant 0 : i32
      %dma_wait3A_65 = tpu.memref_slice %arg4[%add3A, %dma_wait3A_63, %dma_wait3A_64] : memref<32x79x128xi32, #tpu.memory_space<hbm>> -> memref<1x79x128xi32, #tpu.memory_space<hbm>>
      %dma_wait3A_66 = tpu.memref_squeeze %dma_wait3A_65 : memref<1x79x128xi32, #tpu.memory_space<hbm>> -> memref<79x128xi32, #tpu.memory_space<hbm>>
      tpu.wait_dma2 semaphore(%run_scoped3A : memref<!tpu.dma_semaphore, #tpu.memory_space<semaphore_mem>>) src(%dma_wait3A_66 : memref<79x128xi32, #tpu.memory_space<hbm>>) dst(%arg7 : memref<79x128xi32, #tpu.memory_space<vmem>>)
      tpu.yield
    }) : () -> ()
    "tpu.region"() ({
      %run_scoped3A = tpu.sem_alloc : memref<!tpu.dma_semaphore, #tpu.memory_space<semaphore_mem>>
      %dma_start3A = arith.constant 0 : i32
      %dma_start3A_53 = arith.constant 0 : i32
      %dma_start3A_54 = tpu.memref_slice %arg5[%add3A, %dma_start3A, %dma_start3A_53] : memref<32x79x128xi32, #tpu.memory_space<hbm>> -> memref<1x79x128xi32, #tpu.memory_space<hbm>>
      %dma_start3A_55 = tpu.memref_squeeze %dma_start3A_54 : memref<1x79x128xi32, #tpu.memory_space<hbm>> -> memref<79x128xi32, #tpu.memory_space<hbm>>
      %dma_start3A_56 = arith.constant 0 : i32
      %dma_start3A_57 = arith.constant 0 : i32
      %dma_start3A_58 = tpu.memref_slice %arg5[%add3A, %dma_start3A_56, %dma_start3A_57] : memref<32x79x128xi32, #tpu.memory_space<hbm>> -> memref<1x79x128xi32, #tpu.memory_space<hbm>>
      %dma_start3A_59 = tpu.memref_squeeze %dma_start3A_58 : memref<1x79x128xi32, #tpu.memory_space<hbm>> -> memref<79x128xi32, #tpu.memory_space<hbm>>
      tpu.enqueue_dma source(%dma_start3A_59 : memref<79x128xi32, #tpu.memory_space<hbm>>) target(%arg8 : memref<79x128xi32, #tpu.memory_space<vmem>>) target_semaphore(%run_scoped3A : memref<!tpu.dma_semaphore, #tpu.memory_space<semaphore_mem>>)
      %dma_wait3A = arith.constant 0 : i32
      %dma_wait3A_60 = arith.constant 0 : i32
      %dma_wait3A_61 = tpu.memref_slice %arg5[%add3A, %dma_wait3A, %dma_wait3A_60] : memref<32x79x128xi32, #tpu.memory_space<hbm>> -> memref<1x79x128xi32, #tpu.memory_space<hbm>>
      %dma_wait3A_62 = tpu.memref_squeeze %dma_wait3A_61 : memref<1x79x128xi32, #tpu.memory_space<hbm>> -> memref<79x128xi32, #tpu.memory_space<hbm>>
      %dma_wait3A_63 = arith.constant 0 : i32
      %dma_wait3A_64 = arith.constant 0 : i32
      %dma_wait3A_65 = tpu.memref_slice %arg5[%add3A, %dma_wait3A_63, %dma_wait3A_64] : memref<32x79x128xi32, #tpu.memory_space<hbm>> -> memref<1x79x128xi32, #tpu.memory_space<hbm>>
      %dma_wait3A_66 = tpu.memref_squeeze %dma_wait3A_65 : memref<1x79x128xi32, #tpu.memory_space<hbm>> -> memref<79x128xi32, #tpu.memory_space<hbm>>
      tpu.wait_dma2 semaphore(%run_scoped3A : memref<!tpu.dma_semaphore, #tpu.memory_space<semaphore_mem>>) src(%dma_wait3A_66 : memref<79x128xi32, #tpu.memory_space<hbm>>) dst(%arg8 : memref<79x128xi32, #tpu.memory_space<vmem>>)
      tpu.yield
    }) : () -> ()
    "tpu.region"() ({
      %run_scoped3A = tpu.sem_alloc : memref<!tpu.dma_semaphore, #tpu.memory_space<semaphore_mem>>
      %dma_start3A = arith.constant 0 : i32
      %dma_start3A_53 = tpu.memref_slice %arg3[%add3A, %dma_start3A] : memref<32x10112xf32, #tpu.memory_space<hbm>> -> memref<1x10112xf32, #tpu.memory_space<hbm>>
      %dma_start3A_54 = tpu.memref_squeeze %dma_start3A_53 : memref<1x10112xf32, #tpu.memory_space<hbm>> -> memref<10112xf32, #tpu.memory_space<hbm>>
      %dma_start3A_55 = arith.constant 0 : i32
      %dma_start3A_56 = tpu.memref_slice %arg3[%add3A, %dma_start3A_55] : memref<32x10112xf32, #tpu.memory_space<hbm>> -> memref<1x10112xf32, #tpu.memory_space<hbm>>
      %dma_start3A_57 = tpu.memref_squeeze %dma_start3A_56 : memref<1x10112xf32, #tpu.memory_space<hbm>> -> memref<10112xf32, #tpu.memory_space<hbm>>
      tpu.enqueue_dma source(%dma_start3A_57 : memref<10112xf32, #tpu.memory_space<hbm>>) target(%arg9 : memref<10112xf32, #tpu.memory_space<vmem>>) target_semaphore(%run_scoped3A : memref<!tpu.dma_semaphore, #tpu.memory_space<semaphore_mem>>)
      %dma_wait3A = arith.constant 0 : i32
      %dma_wait3A_58 = tpu.memref_slice %arg3[%add3A, %dma_wait3A] : memref<32x10112xf32, #tpu.memory_space<hbm>> -> memref<1x10112xf32, #tpu.memory_space<hbm>>
      %dma_wait3A_59 = tpu.memref_squeeze %dma_wait3A_58 : memref<1x10112xf32, #tpu.memory_space<hbm>> -> memref<10112xf32, #tpu.memory_space<hbm>>
      %dma_wait3A_60 = arith.constant 0 : i32
      %dma_wait3A_61 = tpu.memref_slice %arg3[%add3A, %dma_wait3A_60] : memref<32x10112xf32, #tpu.memory_space<hbm>> -> memref<1x10112xf32, #tpu.memory_space<hbm>>
      %dma_wait3A_62 = tpu.memref_squeeze %dma_wait3A_61 : memref<1x10112xf32, #tpu.memory_space<hbm>> -> memref<10112xf32, #tpu.memory_space<hbm>>
      tpu.wait_dma2 semaphore(%run_scoped3A : memref<!tpu.dma_semaphore, #tpu.memory_space<semaphore_mem>>) src(%dma_wait3A_62 : memref<10112xf32, #tpu.memory_space<hbm>>) dst(%arg9 : memref<10112xf32, #tpu.memory_space<vmem>>)
      tpu.yield
    }) : () -> ()
    %barrier3A = arith.constant 0 : index
    tpu.barrier barrier_id(%barrier3A)
    %scan3A_26 = arith.constant 0 : i32
    %scan3A_27 = arith.constant 0 : i32
    %scan3A_28 = arith.constant 79 : i32
    %scan3A_29 = arith.addi %scan3A_27, %scan3A_28 : i32
    %scan3A_30 = arith.constant 1 : i32
    scf.for %scan3A_53 = %scan3A_27 to %scan3A_29 step %scan3A_30  : i32 {
      %dma_start3A = arith.constant 0 : i32
      %dma_start3A_54 = tpu.memref_slice %arg8[%scan3A_53, %dma_start3A] : memref<79x128xi32, #tpu.memory_space<vmem>> -> memref<1x128xi32, #tpu.memory_space<vmem>>
      %dma_start3A_55 = tpu.memref_squeeze %dma_start3A_54 : memref<1x128xi32, #tpu.memory_space<vmem>> -> memref<128xi32, #tpu.memory_space<vmem>>
      %dma_start3A_56 = arith.constant 0 : i32
      %dma_start3A_57 = arith.constant 0 : i32
      %dma_start3A_58 = tpu.memref_slice %arg2[%dma_start3A_56, %dma_start3A_57] : memref<10000x128xf32, #tpu.memory_space<hbm>> -> memref<10000x128xf32, #tpu.memory_space<hbm>>
      tpu.enqueue_indirect_dma source(%dma_start3A_58 : memref<10000x128xf32, #tpu.memory_space<hbm>>) target(%arg11 : memref<128x128xf32, #tpu.memory_space<vmem>>) offsets(%dma_start3A_55 : memref<128xi32, #tpu.memory_space<vmem>>) semaphore(%arg13 : memref<!tpu.dma_semaphore, #tpu.memory_space<semaphore_mem>>)
      %dma_wait3A = arith.constant 0 : i32
      %dma_wait3A_59 = tpu.memref_slice %arg8[%scan3A_53, %dma_wait3A] : memref<79x128xi32, #tpu.memory_space<vmem>> -> memref<1x128xi32, #tpu.memory_space<vmem>>
      %dma_wait3A_60 = tpu.memref_squeeze %dma_wait3A_59 : memref<1x128xi32, #tpu.memory_space<vmem>> -> memref<128xi32, #tpu.memory_space<vmem>>
      %dma_wait3A_61 = arith.constant 0 : i32
      %dma_wait3A_62 = arith.constant 0 : i32
      %dma_wait3A_63 = tpu.memref_slice %arg2[%dma_wait3A_61, %dma_wait3A_62] : memref<10000x128xf32, #tpu.memory_space<hbm>> -> memref<10000x128xf32, #tpu.memory_space<hbm>>
      tpu.wait_indirect_dma semaphore(%arg13 : memref<!tpu.dma_semaphore, #tpu.memory_space<semaphore_mem>>) src(%dma_wait3A_63 : memref<10000x128xf32, #tpu.memory_space<hbm>>) dst(%arg11 : memref<128x128xf32, #tpu.memory_space<vmem>>)
      %scan3A_64 = arith.constant 0 : i32
      %scan3A_65 = arith.constant 0 : i32
      %scan3A_66 = arith.constant 128 : i32
      %scan3A_67 = arith.addi %scan3A_65, %scan3A_66 : i32
      %scan3A_68 = arith.constant 1 : i32
      scf.for %scan3A_70 = %scan3A_65 to %scan3A_67 step %scan3A_68  : i32 {
        %broadcast_in_dim3A = arith.constant 0 : i32
        %broadcast_in_dim3A_71 = vector.broadcast %broadcast_in_dim3A : i32 to vector<16xi32>
        %mul3A_72 = arith.constant 128 : i32
        %mul3A_73 = arith.muli %scan3A_53, %mul3A_72 : i32
        %add3A_74 = arith.addi %mul3A_73, %scan3A_70 : i32
        %add3A_75 = vector.broadcast %add3A_74 : i32 to vector<16xi32>
        %add3A_76 = arith.addi %broadcast_in_dim3A_71, %add3A_75 : vector<16xi32>
        %gather3A = tpu.vector_load_idx %arg9[%add3A_76] : memref<10112xf32, #tpu.memory_space<vmem>>[vector<16xi32>], vector<16xf32>,
        %get3A = arith.index_cast %scan3A_70 : i32 to index
        %get3A_77 = arith.constant 0 : index
        %get3A_78 = tpu.vector_load %arg11[%get3A, %get3A_77] {strides = array<i32>} : memref<128x128xf32, #tpu.memory_space<vmem>>, vector<16xf32>,
        %mul3A_79 = arith.mulf %get3A_78, %gather3A : vector<16xf32>
        %swap3A = arith.index_cast %scan3A_70 : i32 to index
        %swap3A_80 = arith.constant 0 : index
        %swap3A_81 = tpu.vector_load %arg11[%swap3A, %swap3A_80] {strides = array<i32>} : memref<128x128xf32, #tpu.memory_space<vmem>>, vector<16xf32>,
        tpu.vector_store %arg11[%swap3A, %swap3A_80], %mul3A_79 {strides = array<i32>} : memref<128x128xf32, #tpu.memory_space<vmem>>, vector<16xf32>,
        %get3A_82 = arith.index_cast %scan3A_70 : i32 to index
        %get3A_83 = arith.constant 16 : index
        %get3A_84 = tpu.vector_load %arg11[%get3A_82, %get3A_83] {strides = array<i32>} : memref<128x128xf32, #tpu.memory_space<vmem>>, vector<16xf32>,
        %mul3A_85 = arith.mulf %get3A_84, %gather3A : vector<16xf32>
        %swap3A_86 = arith.index_cast %scan3A_70 : i32 to index
        %swap3A_87 = arith.constant 16 : index
        %swap3A_88 = tpu.vector_load %arg11[%swap3A_86, %swap3A_87] {strides = array<i32>} : memref<128x128xf32, #tpu.memory_space<vmem>>, vector<16xf32>,
        tpu.vector_store %arg11[%swap3A_86, %swap3A_87], %mul3A_85 {strides = array<i32>} : memref<128x128xf32, #tpu.memory_space<vmem>>, vector<16xf32>,
        %get3A_89 = arith.index_cast %scan3A_70 : i32 to index
        %get3A_90 = arith.constant 32 : index
        %get3A_91 = tpu.vector_load %arg11[%get3A_89, %get3A_90] {strides = array<i32>} : memref<128x128xf32, #tpu.memory_space<vmem>>, vector<16xf32>,
        %mul3A_92 = arith.mulf %get3A_91, %gather3A : vector<16xf32>
        %swap3A_93 = arith.index_cast %scan3A_70 : i32 to index
        %swap3A_94 = arith.constant 32 : index
        %swap3A_95 = tpu.vector_load %arg11[%swap3A_93, %swap3A_94] {strides = array<i32>} : memref<128x128xf32, #tpu.memory_space<vmem>>, vector<16xf32>,
        tpu.vector_store %arg11[%swap3A_93, %swap3A_94], %mul3A_92 {strides = array<i32>} : memref<128x128xf32, #tpu.memory_space<vmem>>, vector<16xf32>,
        %get3A_96 = arith.index_cast %scan3A_70 : i32 to index
        %get3A_97 = arith.constant 48 : index
        %get3A_98 = tpu.vector_load %arg11[%get3A_96, %get3A_97] {strides = array<i32>} : memref<128x128xf32, #tpu.memory_space<vmem>>, vector<16xf32>,
        %mul3A_99 = arith.mulf %get3A_98, %gather3A : vector<16xf32>
        %swap3A_100 = arith.index_cast %scan3A_70 : i32 to index
        %swap3A_101 = arith.constant 48 : index
        %swap3A_102 = tpu.vector_load %arg11[%swap3A_100, %swap3A_101] {strides = array<i32>} : memref<128x128xf32, #tpu.memory_space<vmem>>, vector<16xf32>,
        tpu.vector_store %arg11[%swap3A_100, %swap3A_101], %mul3A_99 {strides = array<i32>} : memref<128x128xf32, #tpu.memory_space<vmem>>, vector<16xf32>,
        %get3A_103 = arith.index_cast %scan3A_70 : i32 to index
        %get3A_104 = arith.constant 64 : index
        %get3A_105 = tpu.vector_load %arg11[%get3A_103, %get3A_104] {strides = array<i32>} : memref<128x128xf32, #tpu.memory_space<vmem>>, vector<16xf32>,
        %mul3A_106 = arith.mulf %get3A_105, %gather3A : vector<16xf32>
        %swap3A_107 = arith.index_cast %scan3A_70 : i32 to index
        %swap3A_108 = arith.constant 64 : index
        %swap3A_109 = tpu.vector_load %arg11[%swap3A_107, %swap3A_108] {strides = array<i32>} : memref<128x128xf32, #tpu.memory_space<vmem>>, vector<16xf32>,
        tpu.vector_store %arg11[%swap3A_107, %swap3A_108], %mul3A_106 {strides = array<i32>} : memref<128x128xf32, #tpu.memory_space<vmem>>, vector<16xf32>,
        %get3A_110 = arith.index_cast %scan3A_70 : i32 to index
        %get3A_111 = arith.constant 80 : index
        %get3A_112 = tpu.vector_load %arg11[%get3A_110, %get3A_111] {strides = array<i32>} : memref<128x128xf32, #tpu.memory_space<vmem>>, vector<16xf32>,
        %mul3A_113 = arith.mulf %get3A_112, %gather3A : vector<16xf32>
        %swap3A_114 = arith.index_cast %scan3A_70 : i32 to index
        %swap3A_115 = arith.constant 80 : index
        %swap3A_116 = tpu.vector_load %arg11[%swap3A_114, %swap3A_115] {strides = array<i32>} : memref<128x128xf32, #tpu.memory_space<vmem>>, vector<16xf32>,
        tpu.vector_store %arg11[%swap3A_114, %swap3A_115], %mul3A_113 {strides = array<i32>} : memref<128x128xf32, #tpu.memory_space<vmem>>, vector<16xf32>,
        %get3A_117 = arith.index_cast %scan3A_70 : i32 to index
        %get3A_118 = arith.constant 96 : index
        %get3A_119 = tpu.vector_load %arg11[%get3A_117, %get3A_118] {strides = array<i32>} : memref<128x128xf32, #tpu.memory_space<vmem>>, vector<16xf32>,
        %mul3A_120 = arith.mulf %get3A_119, %gather3A : vector<16xf32>
        %swap3A_121 = arith.index_cast %scan3A_70 : i32 to index
        %swap3A_122 = arith.constant 96 : index
        %swap3A_123 = tpu.vector_load %arg11[%swap3A_121, %swap3A_122] {strides = array<i32>} : memref<128x128xf32, #tpu.memory_space<vmem>>, vector<16xf32>,
        tpu.vector_store %arg11[%swap3A_121, %swap3A_122], %mul3A_120 {strides = array<i32>} : memref<128x128xf32, #tpu.memory_space<vmem>>, vector<16xf32>,
        %get3A_124 = arith.index_cast %scan3A_70 : i32 to index
        %get3A_125 = arith.constant 112 : index
        %get3A_126 = tpu.vector_load %arg11[%get3A_124, %get3A_125] {strides = array<i32>} : memref<128x128xf32, #tpu.memory_space<vmem>>, vector<16xf32>,
        %mul3A_127 = arith.mulf %get3A_126, %gather3A : vector<16xf32>
        %swap3A_128 = arith.index_cast %scan3A_70 : i32 to index
        %swap3A_129 = arith.constant 112 : index
        %swap3A_130 = tpu.vector_load %arg11[%swap3A_128, %swap3A_129] {strides = array<i32>} : memref<128x128xf32, #tpu.memory_space<vmem>>, vector<16xf32>,
        tpu.vector_store %arg11[%swap3A_128, %swap3A_129], %mul3A_127 {strides = array<i32>} : memref<128x128xf32, #tpu.memory_space<vmem>>, vector<16xf32>,
      }
      %scan3A_69 = arith.constant 128 : i32
      "tpu.region"() ({
        %run_scoped3A = tpu.sem_alloc : memref<!tpu.dma_semaphore, #tpu.memory_space<semaphore_mem>>
        %dma_start3A_70 = arith.constant 0 : i32
        %dma_start3A_71 = tpu.memref_slice %arg7[%scan3A_53, %dma_start3A_70] : memref<79x128xi32, #tpu.memory_space<vmem>> -> memref<1x128xi32, #tpu.memory_space<vmem>>
        %dma_start3A_72 = tpu.memref_squeeze %dma_start3A_71 : memref<1x128xi32, #tpu.memory_space<vmem>> -> memref<128xi32, #tpu.memory_space<vmem>>
        %dma_start3A_73 = arith.constant 0 : i32
        %dma_start3A_74 = arith.constant 0 : i32
        %dma_start3A_75 = tpu.memref_slice %arg12[%dma_start3A_73, %dma_start3A_74] : memref<10240x128xf32, #tpu.memory_space<vmem_shared>> -> memref<10240x128xf32, #tpu.memory_space<vmem_shared>>
        tpu.enqueue_indirect_dma source(%arg11 : memref<128x128xf32, #tpu.memory_space<vmem>>) target(%dma_start3A_75 : memref<10240x128xf32, #tpu.memory_space<vmem_shared>>) offsets(%dma_start3A_72 : memref<128xi32, #tpu.memory_space<vmem>>) semaphore(%run_scoped3A : memref<!tpu.dma_semaphore, #tpu.memory_space<semaphore_mem>>) {add = true}
        %dma_wait3A_76 = arith.constant 0 : i32
        %dma_wait3A_77 = tpu.memref_slice %arg7[%scan3A_53, %dma_wait3A_76] : memref<79x128xi32, #tpu.memory_space<vmem>> -> memref<1x128xi32, #tpu.memory_space<vmem>>
        %dma_wait3A_78 = tpu.memref_squeeze %dma_wait3A_77 : memref<1x128xi32, #tpu.memory_space<vmem>> -> memref<128xi32, #tpu.memory_space<vmem>>
        %dma_wait3A_79 = arith.constant 0 : i32
        %dma_wait3A_80 = arith.constant 0 : i32
        %dma_wait3A_81 = tpu.memref_slice %arg12[%dma_wait3A_79, %dma_wait3A_80] : memref<10240x128xf32, #tpu.memory_space<vmem_shared>> -> memref<10240x128xf32, #tpu.memory_space<vmem_shared>>
        tpu.wait_indirect_dma semaphore(%run_scoped3A : memref<!tpu.dma_semaphore, #tpu.memory_space<semaphore_mem>>) src(%arg11 : memref<128x128xf32, #tpu.memory_space<vmem>>) dst(%dma_wait3A_81 : memref<10240x128xf32, #tpu.memory_space<vmem_shared>>)
        tpu.yield
      }) : () -> ()
    }
    %scan3A_31 = arith.constant 79 : i32
    %barrier3A_32 = arith.constant 0 : index
    tpu.barrier barrier_id(%barrier3A_32)
    %mul3A_33 = arith.constant 640 : i32
    %mul3A_34 = arith.muli %arg1, %mul3A_33 : i32
    %add3A_35 = arith.constant 0 : i32
    %add3A_36 = arith.addi %mul3A_34, %add3A_35 : i32
    "tpu.region"() ({
      %run_scoped3A = tpu.sem_alloc : memref<!tpu.dma_semaphore, #tpu.memory_space<semaphore_mem>>
      %dma_start3A = arith.constant 0 : i32
      %dma_start3A_53 = tpu.memref_slice %arg6[%arg0, %add3A_36, %dma_start3A] : memref<2x10240x128xf32, #tpu.memory_space<hbm>> -> memref<1x128x128xf32, #tpu.memory_space<hbm>>
      %dma_start3A_54 = tpu.memref_squeeze %dma_start3A_53 : memref<1x128x128xf32, #tpu.memory_space<hbm>> -> memref<128x128xf32, #tpu.memory_space<hbm>>
      %dma_start3A_55 = arith.constant 0 : i32
      %dma_start3A_56 = tpu.memref_slice %arg12[%add3A_36, %dma_start3A_55] : memref<10240x128xf32, #tpu.memory_space<vmem_shared>> -> memref<128x128xf32, #tpu.memory_space<vmem_shared>>
      tpu.enqueue_dma source(%dma_start3A_56 : memref<128x128xf32, #tpu.memory_space<vmem_shared>>) target(%dma_start3A_54 : memref<128x128xf32, #tpu.memory_space<hbm>>) target_semaphore(%run_scoped3A : memref<!tpu.dma_semaphore, #tpu.memory_space<semaphore_mem>>)
      %dma_wait3A = arith.constant 0 : i32
      %dma_wait3A_57 = tpu.memref_slice %arg6[%arg0, %add3A_36, %dma_wait3A] : memref<2x10240x128xf32, #tpu.memory_space<hbm>> -> memref<1x128x128xf32, #tpu.memory_space<hbm>>
      %dma_wait3A_58 = tpu.memref_squeeze %dma_wait3A_57 : memref<1x128x128xf32, #tpu.memory_space<hbm>> -> memref<128x128xf32, #tpu.memory_space<hbm>>
      %dma_wait3A_59 = arith.constant 0 : i32
      %dma_wait3A_60 = tpu.memref_slice %arg12[%add3A_36, %dma_wait3A_59] : memref<10240x128xf32, #tpu.memory_space<vmem_shared>> -> memref<128x128xf32, #tpu.memory_space<vmem_shared>>
      tpu.wait_dma2 semaphore(%run_scoped3A : memref<!tpu.dma_semaphore, #tpu.memory_space<semaphore_mem>>) src(%dma_wait3A_60 : memref<128x128xf32, #tpu.memory_space<vmem_shared>>) dst(%dma_wait3A_58 : memref<128x128xf32, #tpu.memory_space<hbm>>)
      tpu.yield
    }) : () -> ()
    %mul3A_37 = arith.constant 640 : i32
    %mul3A_38 = arith.muli %arg1, %mul3A_37 : i32
    %add3A_39 = arith.constant 128 : i32
    %add3A_40 = arith.addi %mul3A_38, %add3A_39 : i32
    "tpu.region"() ({
      %run_scoped3A = tpu.sem_alloc : memref<!tpu.dma_semaphore, #tpu.memory_space<semaphore_mem>>
      %dma_start3A = arith.constant 0 : i32
      %dma_start3A_53 = tpu.memref_slice %arg6[%arg0, %add3A_40, %dma_start3A] : memref<2x10240x128xf32, #tpu.memory_space<hbm>> -> memref<1x128x128xf32, #tpu.memory_space<hbm>>
      %dma_start3A_54 = tpu.memref_squeeze %dma_start3A_53 : memref<1x128x128xf32, #tpu.memory_space<hbm>> -> memref<128x128xf32, #tpu.memory_space<hbm>>
      %dma_start3A_55 = arith.constant 0 : i32
      %dma_start3A_56 = tpu.memref_slice %arg12[%add3A_40, %dma_start3A_55] : memref<10240x128xf32, #tpu.memory_space<vmem_shared>> -> memref<128x128xf32, #tpu.memory_space<vmem_shared>>
      tpu.enqueue_dma source(%dma_start3A_56 : memref<128x128xf32, #tpu.memory_space<vmem_shared>>) target(%dma_start3A_54 : memref<128x128xf32, #tpu.memory_space<hbm>>) target_semaphore(%run_scoped3A : memref<!tpu.dma_semaphore, #tpu.memory_space<semaphore_mem>>)
      %dma_wait3A = arith.constant 0 : i32
      %dma_wait3A_57 = tpu.memref_slice %arg6[%arg0, %add3A_40, %dma_wait3A] : memref<2x10240x128xf32, #tpu.memory_space<hbm>> -> memref<1x128x128xf32, #tpu.memory_space<hbm>>
      %dma_wait3A_58 = tpu.memref_squeeze %dma_wait3A_57 : memref<1x128x128xf32, #tpu.memory_space<hbm>> -> memref<128x128xf32, #tpu.memory_space<hbm>>
      %dma_wait3A_59 = arith.constant 0 : i32
      %dma_wait3A_60 = tpu.memref_slice %arg12[%add3A_40, %dma_wait3A_59] : memref<10240x128xf32, #tpu.memory_space<vmem_shared>> -> memref<128x128xf32, #tpu.memory_space<vmem_shared>>
      tpu.wait_dma2 semaphore(%run_scoped3A : memref<!tpu.dma_semaphore, #tpu.memory_space<semaphore_mem>>) src(%dma_wait3A_60 : memref<128x128xf32, #tpu.memory_space<vmem_shared>>) dst(%dma_wait3A_58 : memref<128x128xf32, #tpu.memory_space<hbm>>)
      tpu.yield
    }) : () -> ()
    %mul3A_41 = arith.constant 640 : i32
    %mul3A_42 = arith.muli %arg1, %mul3A_41 : i32
    %add3A_43 = arith.constant 256 : i32
    %add3A_44 = arith.addi %mul3A_42, %add3A_43 : i32
    "tpu.region"() ({
      %run_scoped3A = tpu.sem_alloc : memref<!tpu.dma_semaphore, #tpu.memory_space<semaphore_mem>>
      %dma_start3A = arith.constant 0 : i32
      %dma_start3A_53 = tpu.memref_slice %arg6[%arg0, %add3A_44, %dma_start3A] : memref<2x10240x128xf32, #tpu.memory_space<hbm>> -> memref<1x128x128xf32, #tpu.memory_space<hbm>>
      %dma_start3A_54 = tpu.memref_squeeze %dma_start3A_53 : memref<1x128x128xf32, #tpu.memory_space<hbm>> -> memref<128x128xf32, #tpu.memory_space<hbm>>
      %dma_start3A_55 = arith.constant 0 : i32
      %dma_start3A_56 = tpu.memref_slice %arg12[%add3A_44, %dma_start3A_55] : memref<10240x128xf32, #tpu.memory_space<vmem_shared>> -> memref<128x128xf32, #tpu.memory_space<vmem_shared>>
      tpu.enqueue_dma source(%dma_start3A_56 : memref<128x128xf32, #tpu.memory_space<vmem_shared>>) target(%dma_start3A_54 : memref<128x128xf32, #tpu.memory_space<hbm>>) target_semaphore(%run_scoped3A : memref<!tpu.dma_semaphore, #tpu.memory_space<semaphore_mem>>)
      %dma_wait3A = arith.constant 0 : i32
      %dma_wait3A_57 = tpu.memref_slice %arg6[%arg0, %add3A_44, %dma_wait3A] : memref<2x10240x128xf32, #tpu.memory_space<hbm>> -> memref<1x128x128xf32, #tpu.memory_space<hbm>>
      %dma_wait3A_58 = tpu.memref_squeeze %dma_wait3A_57 : memref<1x128x128xf32, #tpu.memory_space<hbm>> -> memref<128x128xf32, #tpu.memory_space<hbm>>
      %dma_wait3A_59 = arith.constant 0 : i32
      %dma_wait3A_60 = tpu.memref_slice %arg12[%add3A_44, %dma_wait3A_59] : memref<10240x128xf32, #tpu.memory_space<vmem_shared>> -> memref<128x128xf32, #tpu.memory_space<vmem_shared>>
      tpu.wait_dma2 semaphore(%run_scoped3A : memref<!tpu.dma_semaphore, #tpu.memory_space<semaphore_mem>>) src(%dma_wait3A_60 : memref<128x128xf32, #tpu.memory_space<vmem_shared>>) dst(%dma_wait3A_58 : memref<128x128xf32, #tpu.memory_space<hbm>>)
      tpu.yield
    }) : () -> ()
    %mul3A_45 = arith.constant 640 : i32
    %mul3A_46 = arith.muli %arg1, %mul3A_45 : i32
    %add3A_47 = arith.constant 384 : i32
    %add3A_48 = arith.addi %mul3A_46, %add3A_47 : i32
    "tpu.region"() ({
      %run_scoped3A = tpu.sem_alloc : memref<!tpu.dma_semaphore, #tpu.memory_space<semaphore_mem>>
      %dma_start3A = arith.constant 0 : i32
      %dma_start3A_53 = tpu.memref_slice %arg6[%arg0, %add3A_48, %dma_start3A] : memref<2x10240x128xf32, #tpu.memory_space<hbm>> -> memref<1x128x128xf32, #tpu.memory_space<hbm>>
      %dma_start3A_54 = tpu.memref_squeeze %dma_start3A_53 : memref<1x128x128xf32, #tpu.memory_space<hbm>> -> memref<128x128xf32, #tpu.memory_space<hbm>>
      %dma_start3A_55 = arith.constant 0 : i32
      %dma_start3A_56 = tpu.memref_slice %arg12[%add3A_48, %dma_start3A_55] : memref<10240x128xf32, #tpu.memory_space<vmem_shared>> -> memref<128x128xf32, #tpu.memory_space<vmem_shared>>
      tpu.enqueue_dma source(%dma_start3A_56 : memref<128x128xf32, #tpu.memory_space<vmem_shared>>) target(%dma_start3A_54 : memref<128x128xf32, #tpu.memory_space<hbm>>) target_semaphore(%run_scoped3A : memref<!tpu.dma_semaphore, #tpu.memory_space<semaphore_mem>>)
      %dma_wait3A = arith.constant 0 : i32
      %dma_wait3A_57 = tpu.memref_slice %arg6[%arg0, %add3A_48, %dma_wait3A] : memref<2x10240x128xf32, #tpu.memory_space<hbm>> -> memref<1x128x128xf32, #tpu.memory_space<hbm>>
      %dma_wait3A_58 = tpu.memref_squeeze %dma_wait3A_57 : memref<1x128x128xf32, #tpu.memory_space<hbm>> -> memref<128x128xf32, #tpu.memory_space<hbm>>
      %dma_wait3A_59 = arith.constant 0 : i32
      %dma_wait3A_60 = tpu.memref_slice %arg12[%add3A_48, %dma_wait3A_59] : memref<10240x128xf32, #tpu.memory_space<vmem_shared>> -> memref<128x128xf32, #tpu.memory_space<vmem_shared>>
      tpu.wait_dma2 semaphore(%run_scoped3A : memref<!tpu.dma_semaphore, #tpu.memory_space<semaphore_mem>>) src(%dma_wait3A_60 : memref<128x128xf32, #tpu.memory_space<vmem_shared>>) dst(%dma_wait3A_58 : memref<128x128xf32, #tpu.memory_space<hbm>>)
      tpu.yield
    }) : () -> ()
    %mul3A_49 = arith.constant 640 : i32
    %mul3A_50 = arith.muli %arg1, %mul3A_49 : i32
    %add3A_51 = arith.constant 512 : i32
    %add3A_52 = arith.addi %mul3A_50, %add3A_51 : i32
    "tpu.region"() ({
      %run_scoped3A = tpu.sem_alloc : memref<!tpu.dma_semaphore, #tpu.memory_space<semaphore_mem>>
      %dma_start3A = arith.constant 0 : i32
      %dma_start3A_53 = tpu.memref_slice %arg6[%arg0, %add3A_52, %dma_start3A] : memref<2x10240x128xf32, #tpu.memory_space<hbm>> -> memref<1x128x128xf32, #tpu.memory_space<hbm>>
      %dma_start3A_54 = tpu.memref_squeeze %dma_start3A_53 : memref<1x128x128xf32, #tpu.memory_space<hbm>> -> memref<128x128xf32, #tpu.memory_space<hbm>>
      %dma_start3A_55 = arith.constant 0 : i32
      %dma_start3A_56 = tpu.memref_slice %arg12[%add3A_52, %dma_start3A_55] : memref<10240x128xf32, #tpu.memory_space<vmem_shared>> -> memref<128x128xf32, #tpu.memory_space<vmem_shared>>
      tpu.enqueue_dma source(%dma_start3A_56 : memref<128x128xf32, #tpu.memory_space<vmem_shared>>) target(%dma_start3A_54 : memref<128x128xf32, #tpu.memory_space<hbm>>) target_semaphore(%run_scoped3A : memref<!tpu.dma_semaphore, #tpu.memory_space<semaphore_mem>>)
      %dma_wait3A = arith.constant 0 : i32
      %dma_wait3A_57 = tpu.memref_slice %arg6[%arg0, %add3A_52, %dma_wait3A] : memref<2x10240x128xf32, #tpu.memory_space<hbm>> -> memref<1x128x128xf32, #tpu.memory_space<hbm>>
      %dma_wait3A_58 = tpu.memref_squeeze %dma_wait3A_57 : memref<1x128x128xf32, #tpu.memory_space<hbm>> -> memref<128x128xf32, #tpu.memory_space<hbm>>
      %dma_wait3A_59 = arith.constant 0 : i32
      %dma_wait3A_60 = tpu.memref_slice %arg12[%add3A_52, %dma_wait3A_59] : memref<10240x128xf32, #tpu.memory_space<vmem_shared>> -> memref<128x128xf32, #tpu.memory_space<vmem_shared>>
      tpu.wait_dma2 semaphore(%run_scoped3A : memref<!tpu.dma_semaphore, #tpu.memory_space<semaphore_mem>>) src(%dma_wait3A_60 : memref<128x128xf32, #tpu.memory_space<vmem_shared>>) dst(%dma_wait3A_58 : memref<128x128xf32, #tpu.memory_space<hbm>>)
      tpu.yield
    }) : () -> ()
    return
  }
}

#map = affine_map<(d0, d1) -> (0, 0)>
#map1 = affine_map<(d0, d1) -> (0, 0, 0)>
module attributes {stable_mosaic.version = 14 : i64} {
  func.func @_matvec_body(%arg0: i32, %arg1: i32, %arg2: memref<10000x128xf32, #tpu.memory_space<hbm>>, %arg3: memref<32x10112xf32, #tpu.memory_space<hbm>>, %arg4: memref<32x79x128xi32, #tpu.memory_space<hbm>>, %arg5: memref<32x79x128xi32, #tpu.memory_space<hbm>>, %arg6: memref<2x10240x128xf32, #tpu.memory_space<hbm>>, %arg7: memref<79x128xi32, #tpu.memory_space<vmem>>, %arg8: memref<79x128xi32, #tpu.memory_space<vmem>>, %arg9: memref<10112xf32, #tpu.memory_space<vmem>>, %arg10: memref<8x128xf32, #tpu.memory_space<vmem>>, %arg11: memref<128x128xf32, #tpu.memory_space<vmem>>, %arg12: memref<10240x128xf32, #tpu.memory_space<vmem_shared>>, %arg13: memref<!tpu.dma_semaphore, #tpu.memory_space<semaphore_mem>>) attributes {dimension_semantics = [#tpu.dimension_semantics<core_parallel>, #tpu.dimension_semantics<subcore_parallel>], iteration_bounds = array<i64: 2, 16>, scalar_prefetch = 0 : i64, scratch_operands = 7 : i64, tpu.core_type = #tpu.core_type<sc_vector_subcore>, window_params = [{transform_indices = #map}, {transform_indices = #map}, {transform_indices = #map1}, {transform_indices = #map1}, {transform_indices = #map1}]} {
    %mul3A = arith.constant 2 : i32
    %mul3A_0 = arith.muli %arg1, %mul3A : i32
    %add3A = arith.addi %mul3A_0, %arg0 : i32
    %scan3A = arith.constant 0 : i32
    %scan3A_1 = arith.constant 0 : i32
    %scan3A_2 = arith.constant 128 : i32
    %scan3A_3 = arith.addi %scan3A_1, %scan3A_2 : i32
    %scan3A_4 = arith.constant 1 : i32
    scf.for %scan3A_53 = %scan3A_1 to %scan3A_3 step %scan3A_4  : i32 {
      %broadcast_in_dim3A = arith.constant 0.000000e+00 : f32
      %broadcast_in_dim3A_54 = vector.broadcast %broadcast_in_dim3A : f32 to vector<16xf32>
      %swap3A = arith.index_cast %scan3A_53 : i32 to index
      %swap3A_55 = arith.constant 0 : index
      %swap3A_56 = tpu.vector_load %arg11[%swap3A, %swap3A_55] {strides = array<i32>} : memref<128x128xf32, #tpu.memory_space<vmem>>, vector<16xf32>,
      tpu.vector_store %arg11[%swap3A, %swap3A_55], %broadcast_in_dim3A_54 {strides = array<i32>} : memref<128x128xf32, #tpu.memory_space<vmem>>, vector<16xf32>,
      %broadcast_in_dim3A_57 = arith.constant 0.000000e+00 : f32
      %broadcast_in_dim3A_58 = vector.broadcast %broadcast_in_dim3A_57 : f32 to vector<16xf32>
      %swap3A_59 = arith.index_cast %scan3A_53 : i32 to index
      %swap3A_60 = arith.constant 16 : index
      %swap3A_61 = tpu.vector_load %arg11[%swap3A_59, %swap3A_60] {strides = array<i32>} : memref<128x128xf32, #tpu.memory_space<vmem>>, vector<16xf32>,
      tpu.vector_store %arg11[%swap3A_59, %swap3A_60], %broadcast_in_dim3A_58 {strides = array<i32>} : memref<128x128xf32, #tpu.memory_space<vmem>>, vector<16xf32>,
      %broadcast_in_dim3A_62 = arith.constant 0.000000e+00 : f32
      %broadcast_in_dim3A_63 = vector.broadcast %broadcast_in_dim3A_62 : f32 to vector<16xf32>
      %swap3A_64 = arith.index_cast %scan3A_53 : i32 to index
      %swap3A_65 = arith.constant 32 : index
      %swap3A_66 = tpu.vector_load %arg11[%swap3A_64, %swap3A_65] {strides = array<i32>} : memref<128x128xf32, #tpu.memory_space<vmem>>, vector<16xf32>,
      tpu.vector_store %arg11[%swap3A_64, %swap3A_65], %broadcast_in_dim3A_63 {strides = array<i32>} : memref<128x128xf32, #tpu.memory_space<vmem>>, vector<16xf32>,
      %broadcast_in_dim3A_67 = arith.constant 0.000000e+00 : f32
      %broadcast_in_dim3A_68 = vector.broadcast %broadcast_in_dim3A_67 : f32 to vector<16xf32>
      %swap3A_69 = arith.index_cast %scan3A_53 : i32 to index
      %swap3A_70 = arith.constant 48 : index
      %swap3A_71 = tpu.vector_load %arg11[%swap3A_69, %swap3A_70] {strides = array<i32>} : memref<128x128xf32, #tpu.memory_space<vmem>>, vector<16xf32>,
      tpu.vector_store %arg11[%swap3A_69, %swap3A_70], %broadcast_in_dim3A_68 {strides = array<i32>} : memref<128x128xf32, #tpu.memory_space<vmem>>, vector<16xf32>,
      %broadcast_in_dim3A_72 = arith.constant 0.000000e+00 : f32
      %broadcast_in_dim3A_73 = vector.broadcast %broadcast_in_dim3A_72 : f32 to vector<16xf32>
      %swap3A_74 = arith.index_cast %scan3A_53 : i32 to index
      %swap3A_75 = arith.constant 64 : index
      %swap3A_76 = tpu.vector_load %arg11[%swap3A_74, %swap3A_75] {strides = array<i32>} : memref<128x128xf32, #tpu.memory_space<vmem>>, vector<16xf32>,
      tpu.vector_store %arg11[%swap3A_74, %swap3A_75], %broadcast_in_dim3A_73 {strides = array<i32>} : memref<128x128xf32, #tpu.memory_space<vmem>>, vector<16xf32>,
      %broadcast_in_dim3A_77 = arith.constant 0.000000e+00 : f32
      %broadcast_in_dim3A_78 = vector.broadcast %broadcast_in_dim3A_77 : f32 to vector<16xf32>
      %swap3A_79 = arith.index_cast %scan3A_53 : i32 to index
      %swap3A_80 = arith.constant 80 : index
      %swap3A_81 = tpu.vector_load %arg11[%swap3A_79, %swap3A_80] {strides = array<i32>} : memref<128x128xf32, #tpu.memory_space<vmem>>, vector<16xf32>,
      tpu.vector_store %arg11[%swap3A_79, %swap3A_80], %broadcast_in_dim3A_78 {strides = array<i32>} : memref<128x128xf32, #tpu.memory_space<vmem>>, vector<16xf32>,
      %broadcast_in_dim3A_82 = arith.constant 0.000000e+00 : f32
      %broadcast_in_dim3A_83 = vector.broadcast %broadcast_in_dim3A_82 : f32 to vector<16xf32>
      %swap3A_84 = arith.index_cast %scan3A_53 : i32 to index
      %swap3A_85 = arith.constant 96 : index
      %swap3A_86 = tpu.vector_load %arg11[%swap3A_84, %swap3A_85] {strides = array<i32>} : memref<128x128xf32, #tpu.memory_space<vmem>>, vector<16xf32>,
      tpu.vector_store %arg11[%swap3A_84, %swap3A_85], %broadcast_in_dim3A_83 {strides = array<i32>} : memref<128x128xf32, #tpu.memory_space<vmem>>, vector<16xf32>,
      %broadcast_in_dim3A_87 = arith.constant 0.000000e+00 : f32
      %broadcast_in_dim3A_88 = vector.broadcast %broadcast_in_dim3A_87 : f32 to vector<16xf32>
      %swap3A_89 = arith.index_cast %scan3A_53 : i32 to index
      %swap3A_90 = arith.constant 112 : index
      %swap3A_91 = tpu.vector_load %arg11[%swap3A_89, %swap3A_90] {strides = array<i32>} : memref<128x128xf32, #tpu.memory_space<vmem>>, vector<16xf32>,
      tpu.vector_store %arg11[%swap3A_89, %swap3A_90], %broadcast_in_dim3A_88 {strides = array<i32>} : memref<128x128xf32, #tpu.memory_space<vmem>>, vector<16xf32>,
    }
    %scan3A_5 = arith.constant 128 : i32
    %mul3A_6 = arith.constant 640 : i32
    %mul3A_7 = arith.muli %arg1, %mul3A_6 : i32
    %add3A_8 = arith.constant 0 : i32
    %add3A_9 = arith.addi %mul3A_7, %add3A_8 : i32
    "tpu.region"() ({
      %run_scoped3A = tpu.sem_alloc : memref<!tpu.dma_semaphore, #tpu.memory_space<semaphore_mem>>
      %dma_start3A = arith.constant 0 : i32
      %dma_start3A_53 = tpu.memref_slice %arg12[%add3A_9, %dma_start3A] : memref<10240x128xf32, #tpu.memory_space<vmem_shared>> -> memref<128x128xf32, #tpu.memory_space<vmem_shared>>
      %dma_start3A_54 = arith.constant 0 : i32
      %dma_start3A_55 = tpu.memref_slice %arg12[%add3A_9, %dma_start3A_54] : memref<10240x128xf32, #tpu.memory_space<vmem_shared>> -> memref<128x128xf32, #tpu.memory_space<vmem_shared>>
      tpu.enqueue_dma source(%arg11 : memref<128x128xf32, #tpu.memory_space<vmem>>) target(%dma_start3A_55 : memref<128x128xf32, #tpu.memory_space<vmem_shared>>) target_semaphore(%run_scoped3A : memref<!tpu.dma_semaphore, #tpu.memory_space<semaphore_mem>>)
      %dma_wait3A = arith.constant 0 : i32
      %dma_wait3A_56 = tpu.memref_slice %arg12[%add3A_9, %dma_wait3A] : memref<10240x128xf32, #tpu.memory_space<vmem_shared>> -> memref<128x128xf32, #tpu.memory_space<vmem_shared>>
      %dma_wait3A_57 = arith.constant 0 : i32
      %dma_wait3A_58 = tpu.memref_slice %arg12[%add3A_9, %dma_wait3A_57] : memref<10240x128xf32, #tpu.memory_space<vmem_shared>> -> memref<128x128xf32, #tpu.memory_space<vmem_shared>>
      tpu.wait_dma2 semaphore(%run_scoped3A : memref<!tpu.dma_semaphore, #tpu.memory_space<semaphore_mem>>) src(%arg11 : memref<128x128xf32, #tpu.memory_space<vmem>>) dst(%dma_wait3A_58 : memref<128x128xf32, #tpu.memory_space<vmem_shared>>)
      tpu.yield
    }) : () -> ()
    %mul3A_10 = arith.constant 640 : i32
    %mul3A_11 = arith.muli %arg1, %mul3A_10 : i32
    %add3A_12 = arith.constant 128 : i32
    %add3A_13 = arith.addi %mul3A_11, %add3A_12 : i32
    "tpu.region"() ({
      %run_scoped3A = tpu.sem_alloc : memref<!tpu.dma_semaphore, #tpu.memory_space<semaphore_mem>>
      %dma_start3A = arith.constant 0 : i32
      %dma_start3A_53 = tpu.memref_slice %arg12[%add3A_13, %dma_start3A] : memref<10240x128xf32, #tpu.memory_space<vmem_shared>> -> memref<128x128xf32, #tpu.memory_space<vmem_shared>>
      %dma_start3A_54 = arith.constant 0 : i32
      %dma_start3A_55 = tpu.memref_slice %arg12[%add3A_13, %dma_start3A_54] : memref<10240x128xf32, #tpu.memory_space<vmem_shared>> -> memref<128x128xf32, #tpu.memory_space<vmem_shared>>
      tpu.enqueue_dma source(%arg11 : memref<128x128xf32, #tpu.memory_space<vmem>>) target(%dma_start3A_55 : memref<128x128xf32, #tpu.memory_space<vmem_shared>>) target_semaphore(%run_scoped3A : memref<!tpu.dma_semaphore, #tpu.memory_space<semaphore_mem>>)
      %dma_wait3A = arith.constant 0 : i32
      %dma_wait3A_56 = tpu.memref_slice %arg12[%add3A_13, %dma_wait3A] : memref<10240x128xf32, #tpu.memory_space<vmem_shared>> -> memref<128x128xf32, #tpu.memory_space<vmem_shared>>
      %dma_wait3A_57 = arith.constant 0 : i32
      %dma_wait3A_58 = tpu.memref_slice %arg12[%add3A_13, %dma_wait3A_57] : memref<10240x128xf32, #tpu.memory_space<vmem_shared>> -> memref<128x128xf32, #tpu.memory_space<vmem_shared>>
      tpu.wait_dma2 semaphore(%run_scoped3A : memref<!tpu.dma_semaphore, #tpu.memory_space<semaphore_mem>>) src(%arg11 : memref<128x128xf32, #tpu.memory_space<vmem>>) dst(%dma_wait3A_58 : memref<128x128xf32, #tpu.memory_space<vmem_shared>>)
      tpu.yield
    }) : () -> ()
    %mul3A_14 = arith.constant 640 : i32
    %mul3A_15 = arith.muli %arg1, %mul3A_14 : i32
    %add3A_16 = arith.constant 256 : i32
    %add3A_17 = arith.addi %mul3A_15, %add3A_16 : i32
    "tpu.region"() ({
      %run_scoped3A = tpu.sem_alloc : memref<!tpu.dma_semaphore, #tpu.memory_space<semaphore_mem>>
      %dma_start3A = arith.constant 0 : i32
      %dma_start3A_53 = tpu.memref_slice %arg12[%add3A_17, %dma_start3A] : memref<10240x128xf32, #tpu.memory_space<vmem_shared>> -> memref<128x128xf32, #tpu.memory_space<vmem_shared>>
      %dma_start3A_54 = arith.constant 0 : i32
      %dma_start3A_55 = tpu.memref_slice %arg12[%add3A_17, %dma_start3A_54] : memref<10240x128xf32, #tpu.memory_space<vmem_shared>> -> memref<128x128xf32, #tpu.memory_space<vmem_shared>>
      tpu.enqueue_dma source(%arg11 : memref<128x128xf32, #tpu.memory_space<vmem>>) target(%dma_start3A_55 : memref<128x128xf32, #tpu.memory_space<vmem_shared>>) target_semaphore(%run_scoped3A : memref<!tpu.dma_semaphore, #tpu.memory_space<semaphore_mem>>)
      %dma_wait3A = arith.constant 0 : i32
      %dma_wait3A_56 = tpu.memref_slice %arg12[%add3A_17, %dma_wait3A] : memref<10240x128xf32, #tpu.memory_space<vmem_shared>> -> memref<128x128xf32, #tpu.memory_space<vmem_shared>>
      %dma_wait3A_57 = arith.constant 0 : i32
      %dma_wait3A_58 = tpu.memref_slice %arg12[%add3A_17, %dma_wait3A_57] : memref<10240x128xf32, #tpu.memory_space<vmem_shared>> -> memref<128x128xf32, #tpu.memory_space<vmem_shared>>
      tpu.wait_dma2 semaphore(%run_scoped3A : memref<!tpu.dma_semaphore, #tpu.memory_space<semaphore_mem>>) src(%arg11 : memref<128x128xf32, #tpu.memory_space<vmem>>) dst(%dma_wait3A_58 : memref<128x128xf32, #tpu.memory_space<vmem_shared>>)
      tpu.yield
    }) : () -> ()
    %mul3A_18 = arith.constant 640 : i32
    %mul3A_19 = arith.muli %arg1, %mul3A_18 : i32
    %add3A_20 = arith.constant 384 : i32
    %add3A_21 = arith.addi %mul3A_19, %add3A_20 : i32
    "tpu.region"() ({
      %run_scoped3A = tpu.sem_alloc : memref<!tpu.dma_semaphore, #tpu.memory_space<semaphore_mem>>
      %dma_start3A = arith.constant 0 : i32
      %dma_start3A_53 = tpu.memref_slice %arg12[%add3A_21, %dma_start3A] : memref<10240x128xf32, #tpu.memory_space<vmem_shared>> -> memref<128x128xf32, #tpu.memory_space<vmem_shared>>
      %dma_start3A_54 = arith.constant 0 : i32
      %dma_start3A_55 = tpu.memref_slice %arg12[%add3A_21, %dma_start3A_54] : memref<10240x128xf32, #tpu.memory_space<vmem_shared>> -> memref<128x128xf32, #tpu.memory_space<vmem_shared>>
      tpu.enqueue_dma source(%arg11 : memref<128x128xf32, #tpu.memory_space<vmem>>) target(%dma_start3A_55 : memref<128x128xf32, #tpu.memory_space<vmem_shared>>) target_semaphore(%run_scoped3A : memref<!tpu.dma_semaphore, #tpu.memory_space<semaphore_mem>>)
      %dma_wait3A = arith.constant 0 : i32
      %dma_wait3A_56 = tpu.memref_slice %arg12[%add3A_21, %dma_wait3A] : memref<10240x128xf32, #tpu.memory_space<vmem_shared>> -> memref<128x128xf32, #tpu.memory_space<vmem_shared>>
      %dma_wait3A_57 = arith.constant 0 : i32
      %dma_wait3A_58 = tpu.memref_slice %arg12[%add3A_21, %dma_wait3A_57] : memref<10240x128xf32, #tpu.memory_space<vmem_shared>> -> memref<128x128xf32, #tpu.memory_space<vmem_shared>>
      tpu.wait_dma2 semaphore(%run_scoped3A : memref<!tpu.dma_semaphore, #tpu.memory_space<semaphore_mem>>) src(%arg11 : memref<128x128xf32, #tpu.memory_space<vmem>>) dst(%dma_wait3A_58 : memref<128x128xf32, #tpu.memory_space<vmem_shared>>)
      tpu.yield
    }) : () -> ()
    %mul3A_22 = arith.constant 640 : i32
    %mul3A_23 = arith.muli %arg1, %mul3A_22 : i32
    %add3A_24 = arith.constant 512 : i32
    %add3A_25 = arith.addi %mul3A_23, %add3A_24 : i32
    "tpu.region"() ({
      %run_scoped3A = tpu.sem_alloc : memref<!tpu.dma_semaphore, #tpu.memory_space<semaphore_mem>>
      %dma_start3A = arith.constant 0 : i32
      %dma_start3A_53 = tpu.memref_slice %arg12[%add3A_25, %dma_start3A] : memref<10240x128xf32, #tpu.memory_space<vmem_shared>> -> memref<128x128xf32, #tpu.memory_space<vmem_shared>>
      %dma_start3A_54 = arith.constant 0 : i32
      %dma_start3A_55 = tpu.memref_slice %arg12[%add3A_25, %dma_start3A_54] : memref<10240x128xf32, #tpu.memory_space<vmem_shared>> -> memref<128x128xf32, #tpu.memory_space<vmem_shared>>
      tpu.enqueue_dma source(%arg11 : memref<128x128xf32, #tpu.memory_space<vmem>>) target(%dma_start3A_55 : memref<128x128xf32, #tpu.memory_space<vmem_shared>>) target_semaphore(%run_scoped3A : memref<!tpu.dma_semaphore, #tpu.memory_space<semaphore_mem>>)
      %dma_wait3A = arith.constant 0 : i32
      %dma_wait3A_56 = tpu.memref_slice %arg12[%add3A_25, %dma_wait3A] : memref<10240x128xf32, #tpu.memory_space<vmem_shared>> -> memref<128x128xf32, #tpu.memory_space<vmem_shared>>
      %dma_wait3A_57 = arith.constant 0 : i32
      %dma_wait3A_58 = tpu.memref_slice %arg12[%add3A_25, %dma_wait3A_57] : memref<10240x128xf32, #tpu.memory_space<vmem_shared>> -> memref<128x128xf32, #tpu.memory_space<vmem_shared>>
      tpu.wait_dma2 semaphore(%run_scoped3A : memref<!tpu.dma_semaphore, #tpu.memory_space<semaphore_mem>>) src(%arg11 : memref<128x128xf32, #tpu.memory_space<vmem>>) dst(%dma_wait3A_58 : memref<128x128xf32, #tpu.memory_space<vmem_shared>>)
      tpu.yield
    }) : () -> ()
    "tpu.region"() ({
      %run_scoped3A = tpu.sem_alloc : memref<!tpu.dma_semaphore, #tpu.memory_space<semaphore_mem>>
      %dma_start3A = arith.constant 0 : i32
      %dma_start3A_53 = arith.constant 0 : i32
      %dma_start3A_54 = tpu.memref_slice %arg4[%add3A, %dma_start3A, %dma_start3A_53] : memref<32x79x128xi32, #tpu.memory_space<hbm>> -> memref<1x79x128xi32, #tpu.memory_space<hbm>>
      %dma_start3A_55 = tpu.memref_squeeze %dma_start3A_54 : memref<1x79x128xi32, #tpu.memory_space<hbm>> -> memref<79x128xi32, #tpu.memory_space<hbm>>
      %dma_start3A_56 = arith.constant 0 : i32
      %dma_start3A_57 = arith.constant 0 : i32
      %dma_start3A_58 = tpu.memref_slice %arg4[%add3A, %dma_start3A_56, %dma_start3A_57] : memref<32x79x128xi32, #tpu.memory_space<hbm>> -> memref<1x79x128xi32, #tpu.memory_space<hbm>>
      %dma_start3A_59 = tpu.memref_squeeze %dma_start3A_58 : memref<1x79x128xi32, #tpu.memory_space<hbm>> -> memref<79x128xi32, #tpu.memory_space<hbm>>
      tpu.enqueue_dma source(%dma_start3A_59 : memref<79x128xi32, #tpu.memory_space<hbm>>) target(%arg7 : memref<79x128xi32, #tpu.memory_space<vmem>>) target_semaphore(%run_scoped3A : memref<!tpu.dma_semaphore, #tpu.memory_space<semaphore_mem>>)
      %dma_wait3A = arith.constant 0 : i32
      %dma_wait3A_60 = arith.constant 0 : i32
      %dma_wait3A_61 = tpu.memref_slice %arg4[%add3A, %dma_wait3A, %dma_wait3A_60] : memref<32x79x128xi32, #tpu.memory_space<hbm>> -> memref<1x79x128xi32, #tpu.memory_space<hbm>>
      %dma_wait3A_62 = tpu.memref_squeeze %dma_wait3A_61 : memref<1x79x128xi32, #tpu.memory_space<hbm>> -> memref<79x128xi32, #tpu.memory_space<hbm>>
      %dma_wait3A_63 = arith.constant 0 : i32
      %dma_wait3A_64 = arith.constant 0 : i32
      %dma_wait3A_65 = tpu.memref_slice %arg4[%add3A, %dma_wait3A_63, %dma_wait3A_64] : memref<32x79x128xi32, #tpu.memory_space<hbm>> -> memref<1x79x128xi32, #tpu.memory_space<hbm>>
      %dma_wait3A_66 = tpu.memref_squeeze %dma_wait3A_65 : memref<1x79x128xi32, #tpu.memory_space<hbm>> -> memref<79x128xi32, #tpu.memory_space<hbm>>
      tpu.wait_dma2 semaphore(%run_scoped3A : memref<!tpu.dma_semaphore, #tpu.memory_space<semaphore_mem>>) src(%dma_wait3A_66 : memref<79x128xi32, #tpu.memory_space<hbm>>) dst(%arg7 : memref<79x128xi32, #tpu.memory_space<vmem>>)
      tpu.yield
    }) : () -> ()
    "tpu.region"() ({
      %run_scoped3A = tpu.sem_alloc : memref<!tpu.dma_semaphore, #tpu.memory_space<semaphore_mem>>
      %dma_start3A = arith.constant 0 : i32
      %dma_start3A_53 = arith.constant 0 : i32
      %dma_start3A_54 = tpu.memref_slice %arg5[%add3A, %dma_start3A, %dma_start3A_53] : memref<32x79x128xi32, #tpu.memory_space<hbm>> -> memref<1x79x128xi32, #tpu.memory_space<hbm>>
      %dma_start3A_55 = tpu.memref_squeeze %dma_start3A_54 : memref<1x79x128xi32, #tpu.memory_space<hbm>> -> memref<79x128xi32, #tpu.memory_space<hbm>>
      %dma_start3A_56 = arith.constant 0 : i32
      %dma_start3A_57 = arith.constant 0 : i32
      %dma_start3A_58 = tpu.memref_slice %arg5[%add3A, %dma_start3A_56, %dma_start3A_57] : memref<32x79x128xi32, #tpu.memory_space<hbm>> -> memref<1x79x128xi32, #tpu.memory_space<hbm>>
      %dma_start3A_59 = tpu.memref_squeeze %dma_start3A_58 : memref<1x79x128xi32, #tpu.memory_space<hbm>> -> memref<79x128xi32, #tpu.memory_space<hbm>>
      tpu.enqueue_dma source(%dma_start3A_59 : memref<79x128xi32, #tpu.memory_space<hbm>>) target(%arg8 : memref<79x128xi32, #tpu.memory_space<vmem>>) target_semaphore(%run_scoped3A : memref<!tpu.dma_semaphore, #tpu.memory_space<semaphore_mem>>)
      %dma_wait3A = arith.constant 0 : i32
      %dma_wait3A_60 = arith.constant 0 : i32
      %dma_wait3A_61 = tpu.memref_slice %arg5[%add3A, %dma_wait3A, %dma_wait3A_60] : memref<32x79x128xi32, #tpu.memory_space<hbm>> -> memref<1x79x128xi32, #tpu.memory_space<hbm>>
      %dma_wait3A_62 = tpu.memref_squeeze %dma_wait3A_61 : memref<1x79x128xi32, #tpu.memory_space<hbm>> -> memref<79x128xi32, #tpu.memory_space<hbm>>
      %dma_wait3A_63 = arith.constant 0 : i32
      %dma_wait3A_64 = arith.constant 0 : i32
      %dma_wait3A_65 = tpu.memref_slice %arg5[%add3A, %dma_wait3A_63, %dma_wait3A_64] : memref<32x79x128xi32, #tpu.memory_space<hbm>> -> memref<1x79x128xi32, #tpu.memory_space<hbm>>
      %dma_wait3A_66 = tpu.memref_squeeze %dma_wait3A_65 : memref<1x79x128xi32, #tpu.memory_space<hbm>> -> memref<79x128xi32, #tpu.memory_space<hbm>>
      tpu.wait_dma2 semaphore(%run_scoped3A : memref<!tpu.dma_semaphore, #tpu.memory_space<semaphore_mem>>) src(%dma_wait3A_66 : memref<79x128xi32, #tpu.memory_space<hbm>>) dst(%arg8 : memref<79x128xi32, #tpu.memory_space<vmem>>)
      tpu.yield
    }) : () -> ()
    "tpu.region"() ({
      %run_scoped3A = tpu.sem_alloc : memref<!tpu.dma_semaphore, #tpu.memory_space<semaphore_mem>>
      %dma_start3A = arith.constant 0 : i32
      %dma_start3A_53 = tpu.memref_slice %arg3[%add3A, %dma_start3A] : memref<32x10112xf32, #tpu.memory_space<hbm>> -> memref<1x10112xf32, #tpu.memory_space<hbm>>
      %dma_start3A_54 = tpu.memref_squeeze %dma_start3A_53 : memref<1x10112xf32, #tpu.memory_space<hbm>> -> memref<10112xf32, #tpu.memory_space<hbm>>
      %dma_start3A_55 = arith.constant 0 : i32
      %dma_start3A_56 = tpu.memref_slice %arg3[%add3A, %dma_start3A_55] : memref<32x10112xf32, #tpu.memory_space<hbm>> -> memref<1x10112xf32, #tpu.memory_space<hbm>>
      %dma_start3A_57 = tpu.memref_squeeze %dma_start3A_56 : memref<1x10112xf32, #tpu.memory_space<hbm>> -> memref<10112xf32, #tpu.memory_space<hbm>>
      tpu.enqueue_dma source(%dma_start3A_57 : memref<10112xf32, #tpu.memory_space<hbm>>) target(%arg9 : memref<10112xf32, #tpu.memory_space<vmem>>) target_semaphore(%run_scoped3A : memref<!tpu.dma_semaphore, #tpu.memory_space<semaphore_mem>>)
      %dma_wait3A = arith.constant 0 : i32
      %dma_wait3A_58 = tpu.memref_slice %arg3[%add3A, %dma_wait3A] : memref<32x10112xf32, #tpu.memory_space<hbm>> -> memref<1x10112xf32, #tpu.memory_space<hbm>>
      %dma_wait3A_59 = tpu.memref_squeeze %dma_wait3A_58 : memref<1x10112xf32, #tpu.memory_space<hbm>> -> memref<10112xf32, #tpu.memory_space<hbm>>
      %dma_wait3A_60 = arith.constant 0 : i32
      %dma_wait3A_61 = tpu.memref_slice %arg3[%add3A, %dma_wait3A_60] : memref<32x10112xf32, #tpu.memory_space<hbm>> -> memref<1x10112xf32, #tpu.memory_space<hbm>>
      %dma_wait3A_62 = tpu.memref_squeeze %dma_wait3A_61 : memref<1x10112xf32, #tpu.memory_space<hbm>> -> memref<10112xf32, #tpu.memory_space<hbm>>
      tpu.wait_dma2 semaphore(%run_scoped3A : memref<!tpu.dma_semaphore, #tpu.memory_space<semaphore_mem>>) src(%dma_wait3A_62 : memref<10112xf32, #tpu.memory_space<hbm>>) dst(%arg9 : memref<10112xf32, #tpu.memory_space<vmem>>)
      tpu.yield
    }) : () -> ()
    %barrier3A = arith.constant 0 : index
    tpu.barrier barrier_id(%barrier3A)
    %scan3A_26 = arith.constant 0 : i32
    %scan3A_27 = arith.constant 0 : i32
    %scan3A_28 = arith.constant 79 : i32
    %scan3A_29 = arith.addi %scan3A_27, %scan3A_28 : i32
    %scan3A_30 = arith.constant 1 : i32
    scf.for %scan3A_53 = %scan3A_27 to %scan3A_29 step %scan3A_30  : i32 {
      %dma_start3A = arith.constant 0 : i32
      %dma_start3A_54 = tpu.memref_slice %arg8[%scan3A_53, %dma_start3A] : memref<79x128xi32, #tpu.memory_space<vmem>> -> memref<1x128xi32, #tpu.memory_space<vmem>>
      %dma_start3A_55 = tpu.memref_squeeze %dma_start3A_54 : memref<1x128xi32, #tpu.memory_space<vmem>> -> memref<128xi32, #tpu.memory_space<vmem>>
      %dma_start3A_56 = arith.constant 0 : i32
      %dma_start3A_57 = arith.constant 0 : i32
      %dma_start3A_58 = tpu.memref_slice %arg2[%dma_start3A_56, %dma_start3A_57] : memref<10000x128xf32, #tpu.memory_space<hbm>> -> memref<10000x128xf32, #tpu.memory_space<hbm>>
      tpu.enqueue_indirect_dma source(%dma_start3A_58 : memref<10000x128xf32, #tpu.memory_space<hbm>>) target(%arg11 : memref<128x128xf32, #tpu.memory_space<vmem>>) offsets(%dma_start3A_55 : memref<128xi32, #tpu.memory_space<vmem>>) semaphore(%arg13 : memref<!tpu.dma_semaphore, #tpu.memory_space<semaphore_mem>>)
      %dma_wait3A = arith.constant 0 : i32
      %dma_wait3A_59 = tpu.memref_slice %arg8[%scan3A_53, %dma_wait3A] : memref<79x128xi32, #tpu.memory_space<vmem>> -> memref<1x128xi32, #tpu.memory_space<vmem>>
      %dma_wait3A_60 = tpu.memref_squeeze %dma_wait3A_59 : memref<1x128xi32, #tpu.memory_space<vmem>> -> memref<128xi32, #tpu.memory_space<vmem>>
      %dma_wait3A_61 = arith.constant 0 : i32
      %dma_wait3A_62 = arith.constant 0 : i32
      %dma_wait3A_63 = tpu.memref_slice %arg2[%dma_wait3A_61, %dma_wait3A_62] : memref<10000x128xf32, #tpu.memory_space<hbm>> -> memref<10000x128xf32, #tpu.memory_space<hbm>>
      tpu.wait_indirect_dma semaphore(%arg13 : memref<!tpu.dma_semaphore, #tpu.memory_space<semaphore_mem>>) src(%dma_wait3A_63 : memref<10000x128xf32, #tpu.memory_space<hbm>>) dst(%arg11 : memref<128x128xf32, #tpu.memory_space<vmem>>)
      %scan3A_64 = arith.constant 0 : i32
      %scan3A_65 = arith.constant 0 : i32
      %scan3A_66 = arith.constant 128 : i32
      %scan3A_67 = arith.addi %scan3A_65, %scan3A_66 : i32
      %scan3A_68 = arith.constant 1 : i32
      scf.for %scan3A_70 = %scan3A_65 to %scan3A_67 step %scan3A_68  : i32 {
        %broadcast_in_dim3A = arith.constant 0 : i32
        %broadcast_in_dim3A_71 = vector.broadcast %broadcast_in_dim3A : i32 to vector<16xi32>
        %mul3A_72 = arith.constant 128 : i32
        %mul3A_73 = arith.muli %scan3A_53, %mul3A_72 : i32
        %add3A_74 = arith.addi %mul3A_73, %scan3A_70 : i32
        %add3A_75 = vector.broadcast %add3A_74 : i32 to vector<16xi32>
        %add3A_76 = arith.addi %broadcast_in_dim3A_71, %add3A_75 : vector<16xi32>
        %gather3A = tpu.vector_load_idx %arg9[%add3A_76] : memref<10112xf32, #tpu.memory_space<vmem>>[vector<16xi32>], vector<16xf32>,
        %get3A = arith.index_cast %scan3A_70 : i32 to index
        %get3A_77 = arith.constant 0 : index
        %get3A_78 = tpu.vector_load %arg11[%get3A, %get3A_77] {strides = array<i32>} : memref<128x128xf32, #tpu.memory_space<vmem>>, vector<16xf32>,
        %mul3A_79 = arith.mulf %get3A_78, %gather3A : vector<16xf32>
        %swap3A = arith.index_cast %scan3A_70 : i32 to index
        %swap3A_80 = arith.constant 0 : index
        %swap3A_81 = tpu.vector_load %arg11[%swap3A, %swap3A_80] {strides = array<i32>} : memref<128x128xf32, #tpu.memory_space<vmem>>, vector<16xf32>,
        tpu.vector_store %arg11[%swap3A, %swap3A_80], %mul3A_79 {strides = array<i32>} : memref<128x128xf32, #tpu.memory_space<vmem>>, vector<16xf32>,
        %get3A_82 = arith.index_cast %scan3A_70 : i32 to index
        %get3A_83 = arith.constant 16 : index
        %get3A_84 = tpu.vector_load %arg11[%get3A_82, %get3A_83] {strides = array<i32>} : memref<128x128xf32, #tpu.memory_space<vmem>>, vector<16xf32>,
        %mul3A_85 = arith.mulf %get3A_84, %gather3A : vector<16xf32>
        %swap3A_86 = arith.index_cast %scan3A_70 : i32 to index
        %swap3A_87 = arith.constant 16 : index
        %swap3A_88 = tpu.vector_load %arg11[%swap3A_86, %swap3A_87] {strides = array<i32>} : memref<128x128xf32, #tpu.memory_space<vmem>>, vector<16xf32>,
        tpu.vector_store %arg11[%swap3A_86, %swap3A_87], %mul3A_85 {strides = array<i32>} : memref<128x128xf32, #tpu.memory_space<vmem>>, vector<16xf32>,
        %get3A_89 = arith.index_cast %scan3A_70 : i32 to index
        %get3A_90 = arith.constant 32 : index
        %get3A_91 = tpu.vector_load %arg11[%get3A_89, %get3A_90] {strides = array<i32>} : memref<128x128xf32, #tpu.memory_space<vmem>>, vector<16xf32>,
        %mul3A_92 = arith.mulf %get3A_91, %gather3A : vector<16xf32>
        %swap3A_93 = arith.index_cast %scan3A_70 : i32 to index
        %swap3A_94 = arith.constant 32 : index
        %swap3A_95 = tpu.vector_load %arg11[%swap3A_93, %swap3A_94] {strides = array<i32>} : memref<128x128xf32, #tpu.memory_space<vmem>>, vector<16xf32>,
        tpu.vector_store %arg11[%swap3A_93, %swap3A_94], %mul3A_92 {strides = array<i32>} : memref<128x128xf32, #tpu.memory_space<vmem>>, vector<16xf32>,
        %get3A_96 = arith.index_cast %scan3A_70 : i32 to index
        %get3A_97 = arith.constant 48 : index
        %get3A_98 = tpu.vector_load %arg11[%get3A_96, %get3A_97] {strides = array<i32>} : memref<128x128xf32, #tpu.memory_space<vmem>>, vector<16xf32>,
        %mul3A_99 = arith.mulf %get3A_98, %gather3A : vector<16xf32>
        %swap3A_100 = arith.index_cast %scan3A_70 : i32 to index
        %swap3A_101 = arith.constant 48 : index
        %swap3A_102 = tpu.vector_load %arg11[%swap3A_100, %swap3A_101] {strides = array<i32>} : memref<128x128xf32, #tpu.memory_space<vmem>>, vector<16xf32>,
        tpu.vector_store %arg11[%swap3A_100, %swap3A_101], %mul3A_99 {strides = array<i32>} : memref<128x128xf32, #tpu.memory_space<vmem>>, vector<16xf32>,
        %get3A_103 = arith.index_cast %scan3A_70 : i32 to index
        %get3A_104 = arith.constant 64 : index
        %get3A_105 = tpu.vector_load %arg11[%get3A_103, %get3A_104] {strides = array<i32>} : memref<128x128xf32, #tpu.memory_space<vmem>>, vector<16xf32>,
        %mul3A_106 = arith.mulf %get3A_105, %gather3A : vector<16xf32>
        %swap3A_107 = arith.index_cast %scan3A_70 : i32 to index
        %swap3A_108 = arith.constant 64 : index
        %swap3A_109 = tpu.vector_load %arg11[%swap3A_107, %swap3A_108] {strides = array<i32>} : memref<128x128xf32, #tpu.memory_space<vmem>>, vector<16xf32>,
        tpu.vector_store %arg11[%swap3A_107, %swap3A_108], %mul3A_106 {strides = array<i32>} : memref<128x128xf32, #tpu.memory_space<vmem>>, vector<16xf32>,
        %get3A_110 = arith.index_cast %scan3A_70 : i32 to index
        %get3A_111 = arith.constant 80 : index
        %get3A_112 = tpu.vector_load %arg11[%get3A_110, %get3A_111] {strides = array<i32>} : memref<128x128xf32, #tpu.memory_space<vmem>>, vector<16xf32>,
        %mul3A_113 = arith.mulf %get3A_112, %gather3A : vector<16xf32>
        %swap3A_114 = arith.index_cast %scan3A_70 : i32 to index
        %swap3A_115 = arith.constant 80 : index
        %swap3A_116 = tpu.vector_load %arg11[%swap3A_114, %swap3A_115] {strides = array<i32>} : memref<128x128xf32, #tpu.memory_space<vmem>>, vector<16xf32>,
        tpu.vector_store %arg11[%swap3A_114, %swap3A_115], %mul3A_113 {strides = array<i32>} : memref<128x128xf32, #tpu.memory_space<vmem>>, vector<16xf32>,
        %get3A_117 = arith.index_cast %scan3A_70 : i32 to index
        %get3A_118 = arith.constant 96 : index
        %get3A_119 = tpu.vector_load %arg11[%get3A_117, %get3A_118] {strides = array<i32>} : memref<128x128xf32, #tpu.memory_space<vmem>>, vector<16xf32>,
        %mul3A_120 = arith.mulf %get3A_119, %gather3A : vector<16xf32>
        %swap3A_121 = arith.index_cast %scan3A_70 : i32 to index
        %swap3A_122 = arith.constant 96 : index
        %swap3A_123 = tpu.vector_load %arg11[%swap3A_121, %swap3A_122] {strides = array<i32>} : memref<128x128xf32, #tpu.memory_space<vmem>>, vector<16xf32>,
        tpu.vector_store %arg11[%swap3A_121, %swap3A_122], %mul3A_120 {strides = array<i32>} : memref<128x128xf32, #tpu.memory_space<vmem>>, vector<16xf32>,
        %get3A_124 = arith.index_cast %scan3A_70 : i32 to index
        %get3A_125 = arith.constant 112 : index
        %get3A_126 = tpu.vector_load %arg11[%get3A_124, %get3A_125] {strides = array<i32>} : memref<128x128xf32, #tpu.memory_space<vmem>>, vector<16xf32>,
        %mul3A_127 = arith.mulf %get3A_126, %gather3A : vector<16xf32>
        %swap3A_128 = arith.index_cast %scan3A_70 : i32 to index
        %swap3A_129 = arith.constant 112 : index
        %swap3A_130 = tpu.vector_load %arg11[%swap3A_128, %swap3A_129] {strides = array<i32>} : memref<128x128xf32, #tpu.memory_space<vmem>>, vector<16xf32>,
        tpu.vector_store %arg11[%swap3A_128, %swap3A_129], %mul3A_127 {strides = array<i32>} : memref<128x128xf32, #tpu.memory_space<vmem>>, vector<16xf32>,
      }
      %scan3A_69 = arith.constant 128 : i32
      "tpu.region"() ({
        %run_scoped3A = tpu.sem_alloc : memref<!tpu.dma_semaphore, #tpu.memory_space<semaphore_mem>>
        %dma_start3A_70 = arith.constant 0 : i32
        %dma_start3A_71 = tpu.memref_slice %arg7[%scan3A_53, %dma_start3A_70] : memref<79x128xi32, #tpu.memory_space<vmem>> -> memref<1x128xi32, #tpu.memory_space<vmem>>
        %dma_start3A_72 = tpu.memref_squeeze %dma_start3A_71 : memref<1x128xi32, #tpu.memory_space<vmem>> -> memref<128xi32, #tpu.memory_space<vmem>>
        %dma_start3A_73 = arith.constant 0 : i32
        %dma_start3A_74 = arith.constant 0 : i32
        %dma_start3A_75 = tpu.memref_slice %arg12[%dma_start3A_73, %dma_start3A_74] : memref<10240x128xf32, #tpu.memory_space<vmem_shared>> -> memref<10240x128xf32, #tpu.memory_space<vmem_shared>>
        tpu.enqueue_indirect_dma source(%arg11 : memref<128x128xf32, #tpu.memory_space<vmem>>) target(%dma_start3A_75 : memref<10240x128xf32, #tpu.memory_space<vmem_shared>>) offsets(%dma_start3A_72 : memref<128xi32, #tpu.memory_space<vmem>>) semaphore(%run_scoped3A : memref<!tpu.dma_semaphore, #tpu.memory_space<semaphore_mem>>) {add = true}
        %dma_wait3A_76 = arith.constant 0 : i32
        %dma_wait3A_77 = tpu.memref_slice %arg7[%scan3A_53, %dma_wait3A_76] : memref<79x128xi32, #tpu.memory_space<vmem>> -> memref<1x128xi32, #tpu.memory_space<vmem>>
        %dma_wait3A_78 = tpu.memref_squeeze %dma_wait3A_77 : memref<1x128xi32, #tpu.memory_space<vmem>> -> memref<128xi32, #tpu.memory_space<vmem>>
        %dma_wait3A_79 = arith.constant 0 : i32
        %dma_wait3A_80 = arith.constant 0 : i32
        %dma_wait3A_81 = tpu.memref_slice %arg12[%dma_wait3A_79, %dma_wait3A_80] : memref<10240x128xf32, #tpu.memory_space<vmem_shared>> -> memref<10240x128xf32, #tpu.memory_space<vmem_shared>>
        tpu.wait_indirect_dma semaphore(%run_scoped3A : memref<!tpu.dma_semaphore, #tpu.memory_space<semaphore_mem>>) src(%arg11 : memref<128x128xf32, #tpu.memory_space<vmem>>) dst(%dma_wait3A_81 : memref<10240x128xf32, #tpu.memory_space<vmem_shared>>)
        tpu.yield
      }) : () -> ()
    }
    %scan3A_31 = arith.constant 79 : i32
    %barrier3A_32 = arith.constant 0 : index
    tpu.barrier barrier_id(%barrier3A_32)
    %mul3A_33 = arith.constant 640 : i32
    %mul3A_34 = arith.muli %arg1, %mul3A_33 : i32
    %add3A_35 = arith.constant 0 : i32
    %add3A_36 = arith.addi %mul3A_34, %add3A_35 : i32
    "tpu.region"() ({
      %run_scoped3A = tpu.sem_alloc : memref<!tpu.dma_semaphore, #tpu.memory_space<semaphore_mem>>
      %dma_start3A = arith.constant 0 : i32
      %dma_start3A_53 = tpu.memref_slice %arg6[%arg0, %add3A_36, %dma_start3A] : memref<2x10240x128xf32, #tpu.memory_space<hbm>> -> memref<1x128x128xf32, #tpu.memory_space<hbm>>
      %dma_start3A_54 = tpu.memref_squeeze %dma_start3A_53 : memref<1x128x128xf32, #tpu.memory_space<hbm>> -> memref<128x128xf32, #tpu.memory_space<hbm>>
      %dma_start3A_55 = arith.constant 0 : i32
      %dma_start3A_56 = tpu.memref_slice %arg12[%add3A_36, %dma_start3A_55] : memref<10240x128xf32, #tpu.memory_space<vmem_shared>> -> memref<128x128xf32, #tpu.memory_space<vmem_shared>>
      tpu.enqueue_dma source(%dma_start3A_56 : memref<128x128xf32, #tpu.memory_space<vmem_shared>>) target(%dma_start3A_54 : memref<128x128xf32, #tpu.memory_space<hbm>>) target_semaphore(%run_scoped3A : memref<!tpu.dma_semaphore, #tpu.memory_space<semaphore_mem>>)
      %dma_wait3A = arith.constant 0 : i32
      %dma_wait3A_57 = tpu.memref_slice %arg6[%arg0, %add3A_36, %dma_wait3A] : memref<2x10240x128xf32, #tpu.memory_space<hbm>> -> memref<1x128x128xf32, #tpu.memory_space<hbm>>
      %dma_wait3A_58 = tpu.memref_squeeze %dma_wait3A_57 : memref<1x128x128xf32, #tpu.memory_space<hbm>> -> memref<128x128xf32, #tpu.memory_space<hbm>>
      %dma_wait3A_59 = arith.constant 0 : i32
      %dma_wait3A_60 = tpu.memref_slice %arg12[%add3A_36, %dma_wait3A_59] : memref<10240x128xf32, #tpu.memory_space<vmem_shared>> -> memref<128x128xf32, #tpu.memory_space<vmem_shared>>
      tpu.wait_dma2 semaphore(%run_scoped3A : memref<!tpu.dma_semaphore, #tpu.memory_space<semaphore_mem>>) src(%dma_wait3A_60 : memref<128x128xf32, #tpu.memory_space<vmem_shared>>) dst(%dma_wait3A_58 : memref<128x128xf32, #tpu.memory_space<hbm>>)
      tpu.yield
    }) : () -> ()
    %mul3A_37 = arith.constant 640 : i32
    %mul3A_38 = arith.muli %arg1, %mul3A_37 : i32
    %add3A_39 = arith.constant 128 : i32
    %add3A_40 = arith.addi %mul3A_38, %add3A_39 : i32
    "tpu.region"() ({
      %run_scoped3A = tpu.sem_alloc : memref<!tpu.dma_semaphore, #tpu.memory_space<semaphore_mem>>
      %dma_start3A = arith.constant 0 : i32
      %dma_start3A_53 = tpu.memref_slice %arg6[%arg0, %add3A_40, %dma_start3A] : memref<2x10240x128xf32, #tpu.memory_space<hbm>> -> memref<1x128x128xf32, #tpu.memory_space<hbm>>
      %dma_start3A_54 = tpu.memref_squeeze %dma_start3A_53 : memref<1x128x128xf32, #tpu.memory_space<hbm>> -> memref<128x128xf32, #tpu.memory_space<hbm>>
      %dma_start3A_55 = arith.constant 0 : i32
      %dma_start3A_56 = tpu.memref_slice %arg12[%add3A_40, %dma_start3A_55] : memref<10240x128xf32, #tpu.memory_space<vmem_shared>> -> memref<128x128xf32, #tpu.memory_space<vmem_shared>>
      tpu.enqueue_dma source(%dma_start3A_56 : memref<128x128xf32, #tpu.memory_space<vmem_shared>>) target(%dma_start3A_54 : memref<128x128xf32, #tpu.memory_space<hbm>>) target_semaphore(%run_scoped3A : memref<!tpu.dma_semaphore, #tpu.memory_space<semaphore_mem>>)
      %dma_wait3A = arith.constant 0 : i32
      %dma_wait3A_57 = tpu.memref_slice %arg6[%arg0, %add3A_40, %dma_wait3A] : memref<2x10240x128xf32, #tpu.memory_space<hbm>> -> memref<1x128x128xf32, #tpu.memory_space<hbm>>
      %dma_wait3A_58 = tpu.memref_squeeze %dma_wait3A_57 : memref<1x128x128xf32, #tpu.memory_space<hbm>> -> memref<128x128xf32, #tpu.memory_space<hbm>>
      %dma_wait3A_59 = arith.constant 0 : i32
      %dma_wait3A_60 = tpu.memref_slice %arg12[%add3A_40, %dma_wait3A_59] : memref<10240x128xf32, #tpu.memory_space<vmem_shared>> -> memref<128x128xf32, #tpu.memory_space<vmem_shared>>
      tpu.wait_dma2 semaphore(%run_scoped3A : memref<!tpu.dma_semaphore, #tpu.memory_space<semaphore_mem>>) src(%dma_wait3A_60 : memref<128x128xf32, #tpu.memory_space<vmem_shared>>) dst(%dma_wait3A_58 : memref<128x128xf32, #tpu.memory_space<hbm>>)
      tpu.yield
    }) : () -> ()
    %mul3A_41 = arith.constant 640 : i32
    %mul3A_42 = arith.muli %arg1, %mul3A_41 : i32
    %add3A_43 = arith.constant 256 : i32
    %add3A_44 = arith.addi %mul3A_42, %add3A_43 : i32
    "tpu.region"() ({
      %run_scoped3A = tpu.sem_alloc : memref<!tpu.dma_semaphore, #tpu.memory_space<semaphore_mem>>
      %dma_start3A = arith.constant 0 : i32
      %dma_start3A_53 = tpu.memref_slice %arg6[%arg0, %add3A_44, %dma_start3A] : memref<2x10240x128xf32, #tpu.memory_space<hbm>> -> memref<1x128x128xf32, #tpu.memory_space<hbm>>
      %dma_start3A_54 = tpu.memref_squeeze %dma_start3A_53 : memref<1x128x128xf32, #tpu.memory_space<hbm>> -> memref<128x128xf32, #tpu.memory_space<hbm>>
      %dma_start3A_55 = arith.constant 0 : i32
      %dma_start3A_56 = tpu.memref_slice %arg12[%add3A_44, %dma_start3A_55] : memref<10240x128xf32, #tpu.memory_space<vmem_shared>> -> memref<128x128xf32, #tpu.memory_space<vmem_shared>>
      tpu.enqueue_dma source(%dma_start3A_56 : memref<128x128xf32, #tpu.memory_space<vmem_shared>>) target(%dma_start3A_54 : memref<128x128xf32, #tpu.memory_space<hbm>>) target_semaphore(%run_scoped3A : memref<!tpu.dma_semaphore, #tpu.memory_space<semaphore_mem>>)
      %dma_wait3A = arith.constant 0 : i32
      %dma_wait3A_57 = tpu.memref_slice %arg6[%arg0, %add3A_44, %dma_wait3A] : memref<2x10240x128xf32, #tpu.memory_space<hbm>> -> memref<1x128x128xf32, #tpu.memory_space<hbm>>
      %dma_wait3A_58 = tpu.memref_squeeze %dma_wait3A_57 : memref<1x128x128xf32, #tpu.memory_space<hbm>> -> memref<128x128xf32, #tpu.memory_space<hbm>>
      %dma_wait3A_59 = arith.constant 0 : i32
      %dma_wait3A_60 = tpu.memref_slice %arg12[%add3A_44, %dma_wait3A_59] : memref<10240x128xf32, #tpu.memory_space<vmem_shared>> -> memref<128x128xf32, #tpu.memory_space<vmem_shared>>
      tpu.wait_dma2 semaphore(%run_scoped3A : memref<!tpu.dma_semaphore, #tpu.memory_space<semaphore_mem>>) src(%dma_wait3A_60 : memref<128x128xf32, #tpu.memory_space<vmem_shared>>) dst(%dma_wait3A_58 : memref<128x128xf32, #tpu.memory_space<hbm>>)
      tpu.yield
    }) : () -> ()
    %mul3A_45 = arith.constant 640 : i32
    %mul3A_46 = arith.muli %arg1, %mul3A_45 : i32
    %add3A_47 = arith.constant 384 : i32
    %add3A_48 = arith.addi %mul3A_46, %add3A_47 : i32
    "tpu.region"() ({
      %run_scoped3A = tpu.sem_alloc : memref<!tpu.dma_semaphore, #tpu.memory_space<semaphore_mem>>
      %dma_start3A = arith.constant 0 : i32
      %dma_start3A_53 = tpu.memref_slice %arg6[%arg0, %add3A_48, %dma_start3A] : memref<2x10240x128xf32, #tpu.memory_space<hbm>> -> memref<1x128x128xf32, #tpu.memory_space<hbm>>
      %dma_start3A_54 = tpu.memref_squeeze %dma_start3A_53 : memref<1x128x128xf32, #tpu.memory_space<hbm>> -> memref<128x128xf32, #tpu.memory_space<hbm>>
      %dma_start3A_55 = arith.constant 0 : i32
      %dma_start3A_56 = tpu.memref_slice %arg12[%add3A_48, %dma_start3A_55] : memref<10240x128xf32, #tpu.memory_space<vmem_shared>> -> memref<128x128xf32, #tpu.memory_space<vmem_shared>>
      tpu.enqueue_dma source(%dma_start3A_56 : memref<128x128xf32, #tpu.memory_space<vmem_shared>>) target(%dma_start3A_54 : memref<128x128xf32, #tpu.memory_space<hbm>>) target_semaphore(%run_scoped3A : memref<!tpu.dma_semaphore, #tpu.memory_space<semaphore_mem>>)
      %dma_wait3A = arith.constant 0 : i32
      %dma_wait3A_57 = tpu.memref_slice %arg6[%arg0, %add3A_48, %dma_wait3A] : memref<2x10240x128xf32, #tpu.memory_space<hbm>> -> memref<1x128x128xf32, #tpu.memory_space<hbm>>
      %dma_wait3A_58 = tpu.memref_squeeze %dma_wait3A_57 : memref<1x128x128xf32, #tpu.memory_space<hbm>> -> memref<128x128xf32, #tpu.memory_space<hbm>>
      %dma_wait3A_59 = arith.constant 0 : i32
      %dma_wait3A_60 = tpu.memref_slice %arg12[%add3A_48, %dma_wait3A_59] : memref<10240x128xf32, #tpu.memory_space<vmem_shared>> -> memref<128x128xf32, #tpu.memory_space<vmem_shared>>
      tpu.wait_dma2 semaphore(%run_scoped3A : memref<!tpu.dma_semaphore, #tpu.memory_space<semaphore_mem>>) src(%dma_wait3A_60 : memref<128x128xf32, #tpu.memory_space<vmem_shared>>) dst(%dma_wait3A_58 : memref<128x128xf32, #tpu.memory_space<hbm>>)
      tpu.yield
    }) : () -> ()
    %mul3A_49 = arith.constant 640 : i32
    %mul3A_50 = arith.muli %arg1, %mul3A_49 : i32
    %add3A_51 = arith.constant 512 : i32
    %add3A_52 = arith.addi %mul3A_50, %add3A_51 : i32
    "tpu.region"() ({
      %run_scoped3A = tpu.sem_alloc : memref<!tpu.dma_semaphore, #tpu.memory_space<semaphore_mem>>
      %dma_start3A = arith.constant 0 : i32
      %dma_start3A_53 = tpu.memref_slice %arg6[%arg0, %add3A_52, %dma_start3A] : memref<2x10240x128xf32, #tpu.memory_space<hbm>> -> memref<1x128x128xf32, #tpu.memory_space<hbm>>
      %dma_start3A_54 = tpu.memref_squeeze %dma_start3A_53 : memref<1x128x128xf32, #tpu.memory_space<hbm>> -> memref<128x128xf32, #tpu.memory_space<hbm>>
      %dma_start3A_55 = arith.constant 0 : i32
      %dma_start3A_56 = tpu.memref_slice %arg12[%add3A_52, %dma_start3A_55] : memref<10240x128xf32, #tpu.memory_space<vmem_shared>> -> memref<128x128xf32, #tpu.memory_space<vmem_shared>>
      tpu.enqueue_dma source(%dma_start3A_56 : memref<128x128xf32, #tpu.memory_space<vmem_shared>>) target(%dma_start3A_54 : memref<128x128xf32, #tpu.memory_space<hbm>>) target_semaphore(%run_scoped3A : memref<!tpu.dma_semaphore, #tpu.memory_space<semaphore_mem>>)
      %dma_wait3A = arith.constant 0 : i32
      %dma_wait3A_57 = tpu.memref_slice %arg6[%arg0, %add3A_52, %dma_wait3A] : memref<2x10240x128xf32, #tpu.memory_space<hbm>> -> memref<1x128x128xf32, #tpu.memory_space<hbm>>
      %dma_wait3A_58 = tpu.memref_squeeze %dma_wait3A_57 : memref<1x128x128xf32, #tpu.memory_space<hbm>> -> memref<128x128xf32, #tpu.memory_space<hbm>>
      %dma_wait3A_59 = arith.constant 0 : i32
      %dma_wait3A_60 = tpu.memref_slice %arg12[%add3A_52, %dma_wait3A_59] : memref<10240x128xf32, #tpu.memory_space<vmem_shared>> -> memref<128x128xf32, #tpu.memory_space<vmem_shared>>
      tpu.wait_dma2 semaphore(%run_scoped3A : memref<!tpu.dma_semaphore, #tpu.memory_space<semaphore_mem>>) src(%dma_wait3A_60 : memref<128x128xf32, #tpu.memory_space<vmem_shared>>) dst(%dma_wait3A_58 : memref<128x128xf32, #tpu.memory_space<hbm>>)
      tpu.yield
    }) : () -> ()
    return
  }
}

#map = affine_map<(d0, d1) -> (0, 0, 0)>
#map1 = affine_map<(d0, d1) -> (0, 0)>
module attributes {stable_mosaic.version = 14 : i64} {
  func.func @_deg_body(%arg0: i32, %arg1: i32, %arg2: memref<32x79x128xf32, #tpu.memory_space<hbm>>, %arg3: memref<32x79x128xi32, #tpu.memory_space<hbm>>, %arg4: memref<2x10240xf32, #tpu.memory_space<hbm>>, %arg5: memref<79x128xi32, #tpu.memory_space<vmem>>, %arg6: memref<79x128xf32, #tpu.memory_space<vmem>>, %arg7: memref<640xf32, #tpu.memory_space<vmem>>, %arg8: memref<10240xf32, #tpu.memory_space<vmem_shared>>) attributes {dimension_semantics = [#tpu.dimension_semantics<core_parallel>, #tpu.dimension_semantics<subcore_parallel>], iteration_bounds = array<i64: 2, 16>, scalar_prefetch = 0 : i64, scratch_operands = 4 : i64, tpu.core_type = #tpu.core_type<sc_vector_subcore>, window_params = [{transform_indices = #map}, {transform_indices = #map}, {transform_indices = #map1}]} {
    %mul3A = arith.constant 2 : i32
    %mul3A_0 = arith.muli %arg1, %mul3A : i32
    %add3A = arith.addi %mul3A_0, %arg0 : i32
    %scan3A = arith.constant 0 : i32
    %scan3A_1 = arith.constant 0 : i32
    %scan3A_2 = arith.constant 40 : i32
    %scan3A_3 = arith.addi %scan3A_1, %scan3A_2 : i32
    %scan3A_4 = arith.constant 1 : i32
    scf.for %scan3A_19 = %scan3A_1 to %scan3A_3 step %scan3A_4  : i32 {
      %broadcast_in_dim3A = arith.constant 0.000000e+00 : f32
      %broadcast_in_dim3A_20 = vector.broadcast %broadcast_in_dim3A : f32 to vector<16xf32>
      %mul3A_21 = arith.constant 16 : i32
      %mul3A_22 = arith.muli %scan3A_19, %mul3A_21 : i32
      %swap3A = arith.index_cast %mul3A_22 : i32 to index
      %swap3A_23 = tpu.vector_load %arg7[%swap3A] {strides = array<i32>} : memref<640xf32, #tpu.memory_space<vmem>>, vector<16xf32>,
      %swap3A_24 = vector.shape_cast %swap3A_23 : vector<16xf32> to vector<16xf32>
      %swap3A_25 = vector.shape_cast %broadcast_in_dim3A_20 : vector<16xf32> to vector<16xf32>
      tpu.vector_store %arg7[%swap3A], %swap3A_25 {strides = array<i32>} : memref<640xf32, #tpu.memory_space<vmem>>, vector<16xf32>,
    }
    %scan3A_5 = arith.constant 40 : i32
    %mul3A_6 = arith.constant 640 : i32
    %mul3A_7 = arith.muli %arg1, %mul3A_6 : i32
    "tpu.region"() ({
      %run_scoped3A = tpu.sem_alloc : memref<!tpu.dma_semaphore, #tpu.memory_space<semaphore_mem>>
      %dma_start3A = tpu.memref_slice %arg8[%mul3A_7] : memref<10240xf32, #tpu.memory_space<vmem_shared>> -> memref<640xf32, #tpu.memory_space<vmem_shared>>
      %dma_start3A_19 = tpu.memref_slice %arg8[%mul3A_7] : memref<10240xf32, #tpu.memory_space<vmem_shared>> -> memref<640xf32, #tpu.memory_space<vmem_shared>>
      tpu.enqueue_dma source(%arg7 : memref<640xf32, #tpu.memory_space<vmem>>) target(%dma_start3A_19 : memref<640xf32, #tpu.memory_space<vmem_shared>>) target_semaphore(%run_scoped3A : memref<!tpu.dma_semaphore, #tpu.memory_space<semaphore_mem>>)
      %dma_wait3A = tpu.memref_slice %arg8[%mul3A_7] : memref<10240xf32, #tpu.memory_space<vmem_shared>> -> memref<640xf32, #tpu.memory_space<vmem_shared>>
      %dma_wait3A_20 = tpu.memref_slice %arg8[%mul3A_7] : memref<10240xf32, #tpu.memory_space<vmem_shared>> -> memref<640xf32, #tpu.memory_space<vmem_shared>>
      tpu.wait_dma2 semaphore(%run_scoped3A : memref<!tpu.dma_semaphore, #tpu.memory_space<semaphore_mem>>) src(%arg7 : memref<640xf32, #tpu.memory_space<vmem>>) dst(%dma_wait3A_20 : memref<640xf32, #tpu.memory_space<vmem_shared>>)
      tpu.yield
    }) : () -> ()
    "tpu.region"() ({
      %run_scoped3A = tpu.sem_alloc : memref<!tpu.dma_semaphore, #tpu.memory_space<semaphore_mem>>
      %dma_start3A = arith.constant 0 : i32
      %dma_start3A_19 = arith.constant 0 : i32
      %dma_start3A_20 = tpu.memref_slice %arg3[%add3A, %dma_start3A, %dma_start3A_19] : memref<32x79x128xi32, #tpu.memory_space<hbm>> -> memref<1x79x128xi32, #tpu.memory_space<hbm>>
      %dma_start3A_21 = tpu.memref_squeeze %dma_start3A_20 : memref<1x79x128xi32, #tpu.memory_space<hbm>> -> memref<79x128xi32, #tpu.memory_space<hbm>>
      %dma_start3A_22 = arith.constant 0 : i32
      %dma_start3A_23 = arith.constant 0 : i32
      %dma_start3A_24 = tpu.memref_slice %arg3[%add3A, %dma_start3A_22, %dma_start3A_23] : memref<32x79x128xi32, #tpu.memory_space<hbm>> -> memref<1x79x128xi32, #tpu.memory_space<hbm>>
      %dma_start3A_25 = tpu.memref_squeeze %dma_start3A_24 : memref<1x79x128xi32, #tpu.memory_space<hbm>> -> memref<79x128xi32, #tpu.memory_space<hbm>>
      tpu.enqueue_dma source(%dma_start3A_25 : memref<79x128xi32, #tpu.memory_space<hbm>>) target(%arg5 : memref<79x128xi32, #tpu.memory_space<vmem>>) target_semaphore(%run_scoped3A : memref<!tpu.dma_semaphore, #tpu.memory_space<semaphore_mem>>)
      %dma_wait3A = arith.constant 0 : i32
      %dma_wait3A_26 = arith.constant 0 : i32
      %dma_wait3A_27 = tpu.memref_slice %arg3[%add3A, %dma_wait3A, %dma_wait3A_26] : memref<32x79x128xi32, #tpu.memory_space<hbm>> -> memref<1x79x128xi32, #tpu.memory_space<hbm>>
      %dma_wait3A_28 = tpu.memref_squeeze %dma_wait3A_27 : memref<1x79x128xi32, #tpu.memory_space<hbm>> -> memref<79x128xi32, #tpu.memory_space<hbm>>
      %dma_wait3A_29 = arith.constant 0 : i32
      %dma_wait3A_30 = arith.constant 0 : i32
      %dma_wait3A_31 = tpu.memref_slice %arg3[%add3A, %dma_wait3A_29, %dma_wait3A_30] : memref<32x79x128xi32, #tpu.memory_space<hbm>> -> memref<1x79x128xi32, #tpu.memory_space<hbm>>
      %dma_wait3A_32 = tpu.memref_squeeze %dma_wait3A_31 : memref<1x79x128xi32, #tpu.memory_space<hbm>> -> memref<79x128xi32, #tpu.memory_space<hbm>>
      tpu.wait_dma2 semaphore(%run_scoped3A : memref<!tpu.dma_semaphore, #tpu.memory_space<semaphore_mem>>) src(%dma_wait3A_32 : memref<79x128xi32, #tpu.memory_space<hbm>>) dst(%arg5 : memref<79x128xi32, #tpu.memory_space<vmem>>)
      tpu.yield
    }) : () -> ()
    "tpu.region"() ({
      %run_scoped3A = tpu.sem_alloc : memref<!tpu.dma_semaphore, #tpu.memory_space<semaphore_mem>>
      %dma_start3A = arith.constant 0 : i32
      %dma_start3A_19 = arith.constant 0 : i32
      %dma_start3A_20 = tpu.memref_slice %arg2[%add3A, %dma_start3A, %dma_start3A_19] : memref<32x79x128xf32, #tpu.memory_space<hbm>> -> memref<1x79x128xf32, #tpu.memory_space<hbm>>
      %dma_start3A_21 = tpu.memref_squeeze %dma_start3A_20 : memref<1x79x128xf32, #tpu.memory_space<hbm>> -> memref<79x128xf32, #tpu.memory_space<hbm>>
      %dma_start3A_22 = arith.constant 0 : i32
      %dma_start3A_23 = arith.constant 0 : i32
      %dma_start3A_24 = tpu.memref_slice %arg2[%add3A, %dma_start3A_22, %dma_start3A_23] : memref<32x79x128xf32, #tpu.memory_space<hbm>> -> memref<1x79x128xf32, #tpu.memory_space<hbm>>
      %dma_start3A_25 = tpu.memref_squeeze %dma_start3A_24 : memref<1x79x128xf32, #tpu.memory_space<hbm>> -> memref<79x128xf32, #tpu.memory_space<hbm>>
      tpu.enqueue_dma source(%dma_start3A_25 : memref<79x128xf32, #tpu.memory_space<hbm>>) target(%arg6 : memref<79x128xf32, #tpu.memory_space<vmem>>) target_semaphore(%run_scoped3A : memref<!tpu.dma_semaphore, #tpu.memory_space<semaphore_mem>>)
      %dma_wait3A = arith.constant 0 : i32
      %dma_wait3A_26 = arith.constant 0 : i32
      %dma_wait3A_27 = tpu.memref_slice %arg2[%add3A, %dma_wait3A, %dma_wait3A_26] : memref<32x79x128xf32, #tpu.memory_space<hbm>> -> memref<1x79x128xf32, #tpu.memory_space<hbm>>
      %dma_wait3A_28 = tpu.memref_squeeze %dma_wait3A_27 : memref<1x79x128xf32, #tpu.memory_space<hbm>> -> memref<79x128xf32, #tpu.memory_space<hbm>>
      %dma_wait3A_29 = arith.constant 0 : i32
      %dma_wait3A_30 = arith.constant 0 : i32
      %dma_wait3A_31 = tpu.memref_slice %arg2[%add3A, %dma_wait3A_29, %dma_wait3A_30] : memref<32x79x128xf32, #tpu.memory_space<hbm>> -> memref<1x79x128xf32, #tpu.memory_space<hbm>>
      %dma_wait3A_32 = tpu.memref_squeeze %dma_wait3A_31 : memref<1x79x128xf32, #tpu.memory_space<hbm>> -> memref<79x128xf32, #tpu.memory_space<hbm>>
      tpu.wait_dma2 semaphore(%run_scoped3A : memref<!tpu.dma_semaphore, #tpu.memory_space<semaphore_mem>>) src(%dma_wait3A_32 : memref<79x128xf32, #tpu.memory_space<hbm>>) dst(%arg6 : memref<79x128xf32, #tpu.memory_space<vmem>>)
      tpu.yield
    }) : () -> ()
    %barrier3A = arith.constant 0 : index
    tpu.barrier barrier_id(%barrier3A)
    %scan3A_8 = arith.constant 0 : i32
    %scan3A_9 = arith.constant 0 : i32
    %scan3A_10 = arith.constant 79 : i32
    %scan3A_11 = arith.addi %scan3A_9, %scan3A_10 : i32
    %scan3A_12 = arith.constant 1 : i32
    scf.for %scan3A_19 = %scan3A_9 to %scan3A_11 step %scan3A_12  : i32 {
      "tpu.region"() ({
        %run_scoped3A = tpu.sem_alloc : memref<!tpu.dma_semaphore, #tpu.memory_space<semaphore_mem>>
        %dma_start3A = arith.constant 0 : i32
        %dma_start3A_20 = tpu.memref_slice %arg6[%scan3A_19, %dma_start3A] : memref<79x128xf32, #tpu.memory_space<vmem>> -> memref<1x128xf32, #tpu.memory_space<vmem>>
        %dma_start3A_21 = tpu.memref_squeeze %dma_start3A_20 : memref<1x128xf32, #tpu.memory_space<vmem>> -> memref<128xf32, #tpu.memory_space<vmem>>
        %dma_start3A_22 = arith.constant 0 : i32
        %dma_start3A_23 = tpu.memref_slice %arg5[%scan3A_19, %dma_start3A_22] : memref<79x128xi32, #tpu.memory_space<vmem>> -> memref<1x128xi32, #tpu.memory_space<vmem>>
        %dma_start3A_24 = tpu.memref_squeeze %dma_start3A_23 : memref<1x128xi32, #tpu.memory_space<vmem>> -> memref<128xi32, #tpu.memory_space<vmem>>
        %dma_start3A_25 = arith.constant 0 : i32
        %dma_start3A_26 = tpu.memref_slice %arg8[%dma_start3A_25] : memref<10240xf32, #tpu.memory_space<vmem_shared>> -> memref<10240xf32, #tpu.memory_space<vmem_shared>>
        tpu.enqueue_indirect_dma source(%dma_start3A_21 : memref<128xf32, #tpu.memory_space<vmem>>) target(%dma_start3A_26 : memref<10240xf32, #tpu.memory_space<vmem_shared>>) offsets(%dma_start3A_24 : memref<128xi32, #tpu.memory_space<vmem>>) semaphore(%run_scoped3A : memref<!tpu.dma_semaphore, #tpu.memory_space<semaphore_mem>>) {add = true}
        %dma_wait3A = arith.constant 0 : i32
        %dma_wait3A_27 = tpu.memref_slice %arg6[%scan3A_19, %dma_wait3A] : memref<79x128xf32, #tpu.memory_space<vmem>> -> memref<1x128xf32, #tpu.memory_space<vmem>>
        %dma_wait3A_28 = tpu.memref_squeeze %dma_wait3A_27 : memref<1x128xf32, #tpu.memory_space<vmem>> -> memref<128xf32, #tpu.memory_space<vmem>>
        %dma_wait3A_29 = arith.constant 0 : i32
        %dma_wait3A_30 = tpu.memref_slice %arg5[%scan3A_19, %dma_wait3A_29] : memref<79x128xi32, #tpu.memory_space<vmem>> -> memref<1x128xi32, #tpu.memory_space<vmem>>
        %dma_wait3A_31 = tpu.memref_squeeze %dma_wait3A_30 : memref<1x128xi32, #tpu.memory_space<vmem>> -> memref<128xi32, #tpu.memory_space<vmem>>
        %dma_wait3A_32 = arith.constant 0 : i32
        %dma_wait3A_33 = tpu.memref_slice %arg8[%dma_wait3A_32] : memref<10240xf32, #tpu.memory_space<vmem_shared>> -> memref<10240xf32, #tpu.memory_space<vmem_shared>>
        tpu.wait_indirect_dma semaphore(%run_scoped3A : memref<!tpu.dma_semaphore, #tpu.memory_space<semaphore_mem>>) src(%dma_wait3A_28 : memref<128xf32, #tpu.memory_space<vmem>>) dst(%dma_wait3A_33 : memref<10240xf32, #tpu.memory_space<vmem_shared>>)
        tpu.yield
      }) : () -> ()
    }
    %scan3A_13 = arith.constant 79 : i32
    %barrier3A_14 = arith.constant 0 : index
    tpu.barrier barrier_id(%barrier3A_14)
    %mul3A_15 = arith.constant 640 : i32
    %mul3A_16 = arith.muli %arg1, %mul3A_15 : i32
    %mul3A_17 = arith.constant 640 : i32
    %mul3A_18 = arith.muli %arg1, %mul3A_17 : i32
    "tpu.region"() ({
      %run_scoped3A = tpu.sem_alloc : memref<!tpu.dma_semaphore, #tpu.memory_space<semaphore_mem>>
      %dma_start3A = tpu.memref_slice %arg4[%arg0, %mul3A_18] : memref<2x10240xf32, #tpu.memory_space<hbm>> -> memref<1x640xf32, #tpu.memory_space<hbm>>
      %dma_start3A_19 = tpu.memref_squeeze %dma_start3A : memref<1x640xf32, #tpu.memory_space<hbm>> -> memref<640xf32, #tpu.memory_space<hbm>>
      %dma_start3A_20 = tpu.memref_slice %arg8[%mul3A_16] : memref<10240xf32, #tpu.memory_space<vmem_shared>> -> memref<640xf32, #tpu.memory_space<vmem_shared>>
      tpu.enqueue_dma source(%dma_start3A_20 : memref<640xf32, #tpu.memory_space<vmem_shared>>) target(%dma_start3A_19 : memref<640xf32, #tpu.memory_space<hbm>>) target_semaphore(%run_scoped3A : memref<!tpu.dma_semaphore, #tpu.memory_space<semaphore_mem>>)
      %dma_wait3A = tpu.memref_slice %arg4[%arg0, %mul3A_18] : memref<2x10240xf32, #tpu.memory_space<hbm>> -> memref<1x640xf32, #tpu.memory_space<hbm>>
      %dma_wait3A_21 = tpu.memref_squeeze %dma_wait3A : memref<1x640xf32, #tpu.memory_space<hbm>> -> memref<640xf32, #tpu.memory_space<hbm>>
      %dma_wait3A_22 = tpu.memref_slice %arg8[%mul3A_16] : memref<10240xf32, #tpu.memory_space<vmem_shared>> -> memref<640xf32, #tpu.memory_space<vmem_shared>>
      tpu.wait_dma2 semaphore(%run_scoped3A : memref<!tpu.dma_semaphore, #tpu.memory_space<semaphore_mem>>) src(%dma_wait3A_22 : memref<640xf32, #tpu.memory_space<vmem_shared>>) dst(%dma_wait3A_21 : memref<640xf32, #tpu.memory_space<hbm>>)
      tpu.yield
    }) : () -> ()
    return
  }
}

#map = affine_map<(d0, d1) -> (0, 0)>
#map1 = affine_map<(d0, d1) -> (0, 0, 0)>
module attributes {stable_mosaic.version = 14 : i64} {
  func.func @_matvec_body(%arg0: i32, %arg1: i32, %arg2: memref<10000x128xf32, #tpu.memory_space<hbm>>, %arg3: memref<32x10112xf32, #tpu.memory_space<hbm>>, %arg4: memref<32x79x128xi32, #tpu.memory_space<hbm>>, %arg5: memref<32x79x128xi32, #tpu.memory_space<hbm>>, %arg6: memref<2x10240x128xf32, #tpu.memory_space<hbm>>, %arg7: memref<79x128xi32, #tpu.memory_space<vmem>>, %arg8: memref<79x128xi32, #tpu.memory_space<vmem>>, %arg9: memref<10112xf32, #tpu.memory_space<vmem>>, %arg10: memref<8x128xf32, #tpu.memory_space<vmem>>, %arg11: memref<128x128xf32, #tpu.memory_space<vmem>>, %arg12: memref<10240x128xf32, #tpu.memory_space<vmem_shared>>, %arg13: memref<!tpu.dma_semaphore, #tpu.memory_space<semaphore_mem>>) attributes {dimension_semantics = [#tpu.dimension_semantics<core_parallel>, #tpu.dimension_semantics<subcore_parallel>], iteration_bounds = array<i64: 2, 16>, scalar_prefetch = 0 : i64, scratch_operands = 7 : i64, tpu.core_type = #tpu.core_type<sc_vector_subcore>, window_params = [{transform_indices = #map}, {transform_indices = #map}, {transform_indices = #map1}, {transform_indices = #map1}, {transform_indices = #map1}]} {
    %mul3A = arith.constant 2 : i32
    %mul3A_0 = arith.muli %arg1, %mul3A : i32
    %add3A = arith.addi %mul3A_0, %arg0 : i32
    %scan3A = arith.constant 0 : i32
    %scan3A_1 = arith.constant 0 : i32
    %scan3A_2 = arith.constant 128 : i32
    %scan3A_3 = arith.addi %scan3A_1, %scan3A_2 : i32
    %scan3A_4 = arith.constant 1 : i32
    scf.for %scan3A_53 = %scan3A_1 to %scan3A_3 step %scan3A_4  : i32 {
      %broadcast_in_dim3A = arith.constant 0.000000e+00 : f32
      %broadcast_in_dim3A_54 = vector.broadcast %broadcast_in_dim3A : f32 to vector<16xf32>
      %swap3A = arith.index_cast %scan3A_53 : i32 to index
      %swap3A_55 = arith.constant 0 : index
      %swap3A_56 = tpu.vector_load %arg11[%swap3A, %swap3A_55] {strides = array<i32>} : memref<128x128xf32, #tpu.memory_space<vmem>>, vector<16xf32>,
      tpu.vector_store %arg11[%swap3A, %swap3A_55], %broadcast_in_dim3A_54 {strides = array<i32>} : memref<128x128xf32, #tpu.memory_space<vmem>>, vector<16xf32>,
      %broadcast_in_dim3A_57 = arith.constant 0.000000e+00 : f32
      %broadcast_in_dim3A_58 = vector.broadcast %broadcast_in_dim3A_57 : f32 to vector<16xf32>
      %swap3A_59 = arith.index_cast %scan3A_53 : i32 to index
      %swap3A_60 = arith.constant 16 : index
      %swap3A_61 = tpu.vector_load %arg11[%swap3A_59, %swap3A_60] {strides = array<i32>} : memref<128x128xf32, #tpu.memory_space<vmem>>, vector<16xf32>,
      tpu.vector_store %arg11[%swap3A_59, %swap3A_60], %broadcast_in_dim3A_58 {strides = array<i32>} : memref<128x128xf32, #tpu.memory_space<vmem>>, vector<16xf32>,
      %broadcast_in_dim3A_62 = arith.constant 0.000000e+00 : f32
      %broadcast_in_dim3A_63 = vector.broadcast %broadcast_in_dim3A_62 : f32 to vector<16xf32>
      %swap3A_64 = arith.index_cast %scan3A_53 : i32 to index
      %swap3A_65 = arith.constant 32 : index
      %swap3A_66 = tpu.vector_load %arg11[%swap3A_64, %swap3A_65] {strides = array<i32>} : memref<128x128xf32, #tpu.memory_space<vmem>>, vector<16xf32>,
      tpu.vector_store %arg11[%swap3A_64, %swap3A_65], %broadcast_in_dim3A_63 {strides = array<i32>} : memref<128x128xf32, #tpu.memory_space<vmem>>, vector<16xf32>,
      %broadcast_in_dim3A_67 = arith.constant 0.000000e+00 : f32
      %broadcast_in_dim3A_68 = vector.broadcast %broadcast_in_dim3A_67 : f32 to vector<16xf32>
      %swap3A_69 = arith.index_cast %scan3A_53 : i32 to index
      %swap3A_70 = arith.constant 48 : index
      %swap3A_71 = tpu.vector_load %arg11[%swap3A_69, %swap3A_70] {strides = array<i32>} : memref<128x128xf32, #tpu.memory_space<vmem>>, vector<16xf32>,
      tpu.vector_store %arg11[%swap3A_69, %swap3A_70], %broadcast_in_dim3A_68 {strides = array<i32>} : memref<128x128xf32, #tpu.memory_space<vmem>>, vector<16xf32>,
      %broadcast_in_dim3A_72 = arith.constant 0.000000e+00 : f32
      %broadcast_in_dim3A_73 = vector.broadcast %broadcast_in_dim3A_72 : f32 to vector<16xf32>
      %swap3A_74 = arith.index_cast %scan3A_53 : i32 to index
      %swap3A_75 = arith.constant 64 : index
      %swap3A_76 = tpu.vector_load %arg11[%swap3A_74, %swap3A_75] {strides = array<i32>} : memref<128x128xf32, #tpu.memory_space<vmem>>, vector<16xf32>,
      tpu.vector_store %arg11[%swap3A_74, %swap3A_75], %broadcast_in_dim3A_73 {strides = array<i32>} : memref<128x128xf32, #tpu.memory_space<vmem>>, vector<16xf32>,
      %broadcast_in_dim3A_77 = arith.constant 0.000000e+00 : f32
      %broadcast_in_dim3A_78 = vector.broadcast %broadcast_in_dim3A_77 : f32 to vector<16xf32>
      %swap3A_79 = arith.index_cast %scan3A_53 : i32 to index
      %swap3A_80 = arith.constant 80 : index
      %swap3A_81 = tpu.vector_load %arg11[%swap3A_79, %swap3A_80] {strides = array<i32>} : memref<128x128xf32, #tpu.memory_space<vmem>>, vector<16xf32>,
      tpu.vector_store %arg11[%swap3A_79, %swap3A_80], %broadcast_in_dim3A_78 {strides = array<i32>} : memref<128x128xf32, #tpu.memory_space<vmem>>, vector<16xf32>,
      %broadcast_in_dim3A_82 = arith.constant 0.000000e+00 : f32
      %broadcast_in_dim3A_83 = vector.broadcast %broadcast_in_dim3A_82 : f32 to vector<16xf32>
      %swap3A_84 = arith.index_cast %scan3A_53 : i32 to index
      %swap3A_85 = arith.constant 96 : index
      %swap3A_86 = tpu.vector_load %arg11[%swap3A_84, %swap3A_85] {strides = array<i32>} : memref<128x128xf32, #tpu.memory_space<vmem>>, vector<16xf32>,
      tpu.vector_store %arg11[%swap3A_84, %swap3A_85], %broadcast_in_dim3A_83 {strides = array<i32>} : memref<128x128xf32, #tpu.memory_space<vmem>>, vector<16xf32>,
      %broadcast_in_dim3A_87 = arith.constant 0.000000e+00 : f32
      %broadcast_in_dim3A_88 = vector.broadcast %broadcast_in_dim3A_87 : f32 to vector<16xf32>
      %swap3A_89 = arith.index_cast %scan3A_53 : i32 to index
      %swap3A_90 = arith.constant 112 : index
      %swap3A_91 = tpu.vector_load %arg11[%swap3A_89, %swap3A_90] {strides = array<i32>} : memref<128x128xf32, #tpu.memory_space<vmem>>, vector<16xf32>,
      tpu.vector_store %arg11[%swap3A_89, %swap3A_90], %broadcast_in_dim3A_88 {strides = array<i32>} : memref<128x128xf32, #tpu.memory_space<vmem>>, vector<16xf32>,
    }
    %scan3A_5 = arith.constant 128 : i32
    %mul3A_6 = arith.constant 640 : i32
    %mul3A_7 = arith.muli %arg1, %mul3A_6 : i32
    %add3A_8 = arith.constant 0 : i32
    %add3A_9 = arith.addi %mul3A_7, %add3A_8 : i32
    "tpu.region"() ({
      %run_scoped3A = tpu.sem_alloc : memref<!tpu.dma_semaphore, #tpu.memory_space<semaphore_mem>>
      %dma_start3A = arith.constant 0 : i32
      %dma_start3A_53 = tpu.memref_slice %arg12[%add3A_9, %dma_start3A] : memref<10240x128xf32, #tpu.memory_space<vmem_shared>> -> memref<128x128xf32, #tpu.memory_space<vmem_shared>>
      %dma_start3A_54 = arith.constant 0 : i32
      %dma_start3A_55 = tpu.memref_slice %arg12[%add3A_9, %dma_start3A_54] : memref<10240x128xf32, #tpu.memory_space<vmem_shared>> -> memref<128x128xf32, #tpu.memory_space<vmem_shared>>
      tpu.enqueue_dma source(%arg11 : memref<128x128xf32, #tpu.memory_space<vmem>>) target(%dma_start3A_55 : memref<128x128xf32, #tpu.memory_space<vmem_shared>>) target_semaphore(%run_scoped3A : memref<!tpu.dma_semaphore, #tpu.memory_space<semaphore_mem>>)
      %dma_wait3A = arith.constant 0 : i32
      %dma_wait3A_56 = tpu.memref_slice %arg12[%add3A_9, %dma_wait3A] : memref<10240x128xf32, #tpu.memory_space<vmem_shared>> -> memref<128x128xf32, #tpu.memory_space<vmem_shared>>
      %dma_wait3A_57 = arith.constant 0 : i32
      %dma_wait3A_58 = tpu.memref_slice %arg12[%add3A_9, %dma_wait3A_57] : memref<10240x128xf32, #tpu.memory_space<vmem_shared>> -> memref<128x128xf32, #tpu.memory_space<vmem_shared>>
      tpu.wait_dma2 semaphore(%run_scoped3A : memref<!tpu.dma_semaphore, #tpu.memory_space<semaphore_mem>>) src(%arg11 : memref<128x128xf32, #tpu.memory_space<vmem>>) dst(%dma_wait3A_58 : memref<128x128xf32, #tpu.memory_space<vmem_shared>>)
      tpu.yield
    }) : () -> ()
    %mul3A_10 = arith.constant 640 : i32
    %mul3A_11 = arith.muli %arg1, %mul3A_10 : i32
    %add3A_12 = arith.constant 128 : i32
    %add3A_13 = arith.addi %mul3A_11, %add3A_12 : i32
    "tpu.region"() ({
      %run_scoped3A = tpu.sem_alloc : memref<!tpu.dma_semaphore, #tpu.memory_space<semaphore_mem>>
      %dma_start3A = arith.constant 0 : i32
      %dma_start3A_53 = tpu.memref_slice %arg12[%add3A_13, %dma_start3A] : memref<10240x128xf32, #tpu.memory_space<vmem_shared>> -> memref<128x128xf32, #tpu.memory_space<vmem_shared>>
      %dma_start3A_54 = arith.constant 0 : i32
      %dma_start3A_55 = tpu.memref_slice %arg12[%add3A_13, %dma_start3A_54] : memref<10240x128xf32, #tpu.memory_space<vmem_shared>> -> memref<128x128xf32, #tpu.memory_space<vmem_shared>>
      tpu.enqueue_dma source(%arg11 : memref<128x128xf32, #tpu.memory_space<vmem>>) target(%dma_start3A_55 : memref<128x128xf32, #tpu.memory_space<vmem_shared>>) target_semaphore(%run_scoped3A : memref<!tpu.dma_semaphore, #tpu.memory_space<semaphore_mem>>)
      %dma_wait3A = arith.constant 0 : i32
      %dma_wait3A_56 = tpu.memref_slice %arg12[%add3A_13, %dma_wait3A] : memref<10240x128xf32, #tpu.memory_space<vmem_shared>> -> memref<128x128xf32, #tpu.memory_space<vmem_shared>>
      %dma_wait3A_57 = arith.constant 0 : i32
      %dma_wait3A_58 = tpu.memref_slice %arg12[%add3A_13, %dma_wait3A_57] : memref<10240x128xf32, #tpu.memory_space<vmem_shared>> -> memref<128x128xf32, #tpu.memory_space<vmem_shared>>
      tpu.wait_dma2 semaphore(%run_scoped3A : memref<!tpu.dma_semaphore, #tpu.memory_space<semaphore_mem>>) src(%arg11 : memref<128x128xf32, #tpu.memory_space<vmem>>) dst(%dma_wait3A_58 : memref<128x128xf32, #tpu.memory_space<vmem_shared>>)
      tpu.yield
    }) : () -> ()
    %mul3A_14 = arith.constant 640 : i32
    %mul3A_15 = arith.muli %arg1, %mul3A_14 : i32
    %add3A_16 = arith.constant 256 : i32
    %add3A_17 = arith.addi %mul3A_15, %add3A_16 : i32
    "tpu.region"() ({
      %run_scoped3A = tpu.sem_alloc : memref<!tpu.dma_semaphore, #tpu.memory_space<semaphore_mem>>
      %dma_start3A = arith.constant 0 : i32
      %dma_start3A_53 = tpu.memref_slice %arg12[%add3A_17, %dma_start3A] : memref<10240x128xf32, #tpu.memory_space<vmem_shared>> -> memref<128x128xf32, #tpu.memory_space<vmem_shared>>
      %dma_start3A_54 = arith.constant 0 : i32
      %dma_start3A_55 = tpu.memref_slice %arg12[%add3A_17, %dma_start3A_54] : memref<10240x128xf32, #tpu.memory_space<vmem_shared>> -> memref<128x128xf32, #tpu.memory_space<vmem_shared>>
      tpu.enqueue_dma source(%arg11 : memref<128x128xf32, #tpu.memory_space<vmem>>) target(%dma_start3A_55 : memref<128x128xf32, #tpu.memory_space<vmem_shared>>) target_semaphore(%run_scoped3A : memref<!tpu.dma_semaphore, #tpu.memory_space<semaphore_mem>>)
      %dma_wait3A = arith.constant 0 : i32
      %dma_wait3A_56 = tpu.memref_slice %arg12[%add3A_17, %dma_wait3A] : memref<10240x128xf32, #tpu.memory_space<vmem_shared>> -> memref<128x128xf32, #tpu.memory_space<vmem_shared>>
      %dma_wait3A_57 = arith.constant 0 : i32
      %dma_wait3A_58 = tpu.memref_slice %arg12[%add3A_17, %dma_wait3A_57] : memref<10240x128xf32, #tpu.memory_space<vmem_shared>> -> memref<128x128xf32, #tpu.memory_space<vmem_shared>>
      tpu.wait_dma2 semaphore(%run_scoped3A : memref<!tpu.dma_semaphore, #tpu.memory_space<semaphore_mem>>) src(%arg11 : memref<128x128xf32, #tpu.memory_space<vmem>>) dst(%dma_wait3A_58 : memref<128x128xf32, #tpu.memory_space<vmem_shared>>)
      tpu.yield
    }) : () -> ()
    %mul3A_18 = arith.constant 640 : i32
    %mul3A_19 = arith.muli %arg1, %mul3A_18 : i32
    %add3A_20 = arith.constant 384 : i32
    %add3A_21 = arith.addi %mul3A_19, %add3A_20 : i32
    "tpu.region"() ({
      %run_scoped3A = tpu.sem_alloc : memref<!tpu.dma_semaphore, #tpu.memory_space<semaphore_mem>>
      %dma_start3A = arith.constant 0 : i32
      %dma_start3A_53 = tpu.memref_slice %arg12[%add3A_21, %dma_start3A] : memref<10240x128xf32, #tpu.memory_space<vmem_shared>> -> memref<128x128xf32, #tpu.memory_space<vmem_shared>>
      %dma_start3A_54 = arith.constant 0 : i32
      %dma_start3A_55 = tpu.memref_slice %arg12[%add3A_21, %dma_start3A_54] : memref<10240x128xf32, #tpu.memory_space<vmem_shared>> -> memref<128x128xf32, #tpu.memory_space<vmem_shared>>
      tpu.enqueue_dma source(%arg11 : memref<128x128xf32, #tpu.memory_space<vmem>>) target(%dma_start3A_55 : memref<128x128xf32, #tpu.memory_space<vmem_shared>>) target_semaphore(%run_scoped3A : memref<!tpu.dma_semaphore, #tpu.memory_space<semaphore_mem>>)
      %dma_wait3A = arith.constant 0 : i32
      %dma_wait3A_56 = tpu.memref_slice %arg12[%add3A_21, %dma_wait3A] : memref<10240x128xf32, #tpu.memory_space<vmem_shared>> -> memref<128x128xf32, #tpu.memory_space<vmem_shared>>
      %dma_wait3A_57 = arith.constant 0 : i32
      %dma_wait3A_58 = tpu.memref_slice %arg12[%add3A_21, %dma_wait3A_57] : memref<10240x128xf32, #tpu.memory_space<vmem_shared>> -> memref<128x128xf32, #tpu.memory_space<vmem_shared>>
      tpu.wait_dma2 semaphore(%run_scoped3A : memref<!tpu.dma_semaphore, #tpu.memory_space<semaphore_mem>>) src(%arg11 : memref<128x128xf32, #tpu.memory_space<vmem>>) dst(%dma_wait3A_58 : memref<128x128xf32, #tpu.memory_space<vmem_shared>>)
      tpu.yield
    }) : () -> ()
    %mul3A_22 = arith.constant 640 : i32
    %mul3A_23 = arith.muli %arg1, %mul3A_22 : i32
    %add3A_24 = arith.constant 512 : i32
    %add3A_25 = arith.addi %mul3A_23, %add3A_24 : i32
    "tpu.region"() ({
      %run_scoped3A = tpu.sem_alloc : memref<!tpu.dma_semaphore, #tpu.memory_space<semaphore_mem>>
      %dma_start3A = arith.constant 0 : i32
      %dma_start3A_53 = tpu.memref_slice %arg12[%add3A_25, %dma_start3A] : memref<10240x128xf32, #tpu.memory_space<vmem_shared>> -> memref<128x128xf32, #tpu.memory_space<vmem_shared>>
      %dma_start3A_54 = arith.constant 0 : i32
      %dma_start3A_55 = tpu.memref_slice %arg12[%add3A_25, %dma_start3A_54] : memref<10240x128xf32, #tpu.memory_space<vmem_shared>> -> memref<128x128xf32, #tpu.memory_space<vmem_shared>>
      tpu.enqueue_dma source(%arg11 : memref<128x128xf32, #tpu.memory_space<vmem>>) target(%dma_start3A_55 : memref<128x128xf32, #tpu.memory_space<vmem_shared>>) target_semaphore(%run_scoped3A : memref<!tpu.dma_semaphore, #tpu.memory_space<semaphore_mem>>)
      %dma_wait3A = arith.constant 0 : i32
      %dma_wait3A_56 = tpu.memref_slice %arg12[%add3A_25, %dma_wait3A] : memref<10240x128xf32, #tpu.memory_space<vmem_shared>> -> memref<128x128xf32, #tpu.memory_space<vmem_shared>>
      %dma_wait3A_57 = arith.constant 0 : i32
      %dma_wait3A_58 = tpu.memref_slice %arg12[%add3A_25, %dma_wait3A_57] : memref<10240x128xf32, #tpu.memory_space<vmem_shared>> -> memref<128x128xf32, #tpu.memory_space<vmem_shared>>
      tpu.wait_dma2 semaphore(%run_scoped3A : memref<!tpu.dma_semaphore, #tpu.memory_space<semaphore_mem>>) src(%arg11 : memref<128x128xf32, #tpu.memory_space<vmem>>) dst(%dma_wait3A_58 : memref<128x128xf32, #tpu.memory_space<vmem_shared>>)
      tpu.yield
    }) : () -> ()
    "tpu.region"() ({
      %run_scoped3A = tpu.sem_alloc : memref<!tpu.dma_semaphore, #tpu.memory_space<semaphore_mem>>
      %dma_start3A = arith.constant 0 : i32
      %dma_start3A_53 = arith.constant 0 : i32
      %dma_start3A_54 = tpu.memref_slice %arg4[%add3A, %dma_start3A, %dma_start3A_53] : memref<32x79x128xi32, #tpu.memory_space<hbm>> -> memref<1x79x128xi32, #tpu.memory_space<hbm>>
      %dma_start3A_55 = tpu.memref_squeeze %dma_start3A_54 : memref<1x79x128xi32, #tpu.memory_space<hbm>> -> memref<79x128xi32, #tpu.memory_space<hbm>>
      %dma_start3A_56 = arith.constant 0 : i32
      %dma_start3A_57 = arith.constant 0 : i32
      %dma_start3A_58 = tpu.memref_slice %arg4[%add3A, %dma_start3A_56, %dma_start3A_57] : memref<32x79x128xi32, #tpu.memory_space<hbm>> -> memref<1x79x128xi32, #tpu.memory_space<hbm>>
      %dma_start3A_59 = tpu.memref_squeeze %dma_start3A_58 : memref<1x79x128xi32, #tpu.memory_space<hbm>> -> memref<79x128xi32, #tpu.memory_space<hbm>>
      tpu.enqueue_dma source(%dma_start3A_59 : memref<79x128xi32, #tpu.memory_space<hbm>>) target(%arg7 : memref<79x128xi32, #tpu.memory_space<vmem>>) target_semaphore(%run_scoped3A : memref<!tpu.dma_semaphore, #tpu.memory_space<semaphore_mem>>)
      %dma_wait3A = arith.constant 0 : i32
      %dma_wait3A_60 = arith.constant 0 : i32
      %dma_wait3A_61 = tpu.memref_slice %arg4[%add3A, %dma_wait3A, %dma_wait3A_60] : memref<32x79x128xi32, #tpu.memory_space<hbm>> -> memref<1x79x128xi32, #tpu.memory_space<hbm>>
      %dma_wait3A_62 = tpu.memref_squeeze %dma_wait3A_61 : memref<1x79x128xi32, #tpu.memory_space<hbm>> -> memref<79x128xi32, #tpu.memory_space<hbm>>
      %dma_wait3A_63 = arith.constant 0 : i32
      %dma_wait3A_64 = arith.constant 0 : i32
      %dma_wait3A_65 = tpu.memref_slice %arg4[%add3A, %dma_wait3A_63, %dma_wait3A_64] : memref<32x79x128xi32, #tpu.memory_space<hbm>> -> memref<1x79x128xi32, #tpu.memory_space<hbm>>
      %dma_wait3A_66 = tpu.memref_squeeze %dma_wait3A_65 : memref<1x79x128xi32, #tpu.memory_space<hbm>> -> memref<79x128xi32, #tpu.memory_space<hbm>>
      tpu.wait_dma2 semaphore(%run_scoped3A : memref<!tpu.dma_semaphore, #tpu.memory_space<semaphore_mem>>) src(%dma_wait3A_66 : memref<79x128xi32, #tpu.memory_space<hbm>>) dst(%arg7 : memref<79x128xi32, #tpu.memory_space<vmem>>)
      tpu.yield
    }) : () -> ()
    "tpu.region"() ({
      %run_scoped3A = tpu.sem_alloc : memref<!tpu.dma_semaphore, #tpu.memory_space<semaphore_mem>>
      %dma_start3A = arith.constant 0 : i32
      %dma_start3A_53 = arith.constant 0 : i32
      %dma_start3A_54 = tpu.memref_slice %arg5[%add3A, %dma_start3A, %dma_start3A_53] : memref<32x79x128xi32, #tpu.memory_space<hbm>> -> memref<1x79x128xi32, #tpu.memory_space<hbm>>
      %dma_start3A_55 = tpu.memref_squeeze %dma_start3A_54 : memref<1x79x128xi32, #tpu.memory_space<hbm>> -> memref<79x128xi32, #tpu.memory_space<hbm>>
      %dma_start3A_56 = arith.constant 0 : i32
      %dma_start3A_57 = arith.constant 0 : i32
      %dma_start3A_58 = tpu.memref_slice %arg5[%add3A, %dma_start3A_56, %dma_start3A_57] : memref<32x79x128xi32, #tpu.memory_space<hbm>> -> memref<1x79x128xi32, #tpu.memory_space<hbm>>
      %dma_start3A_59 = tpu.memref_squeeze %dma_start3A_58 : memref<1x79x128xi32, #tpu.memory_space<hbm>> -> memref<79x128xi32, #tpu.memory_space<hbm>>
      tpu.enqueue_dma source(%dma_start3A_59 : memref<79x128xi32, #tpu.memory_space<hbm>>) target(%arg8 : memref<79x128xi32, #tpu.memory_space<vmem>>) target_semaphore(%run_scoped3A : memref<!tpu.dma_semaphore, #tpu.memory_space<semaphore_mem>>)
      %dma_wait3A = arith.constant 0 : i32
      %dma_wait3A_60 = arith.constant 0 : i32
      %dma_wait3A_61 = tpu.memref_slice %arg5[%add3A, %dma_wait3A, %dma_wait3A_60] : memref<32x79x128xi32, #tpu.memory_space<hbm>> -> memref<1x79x128xi32, #tpu.memory_space<hbm>>
      %dma_wait3A_62 = tpu.memref_squeeze %dma_wait3A_61 : memref<1x79x128xi32, #tpu.memory_space<hbm>> -> memref<79x128xi32, #tpu.memory_space<hbm>>
      %dma_wait3A_63 = arith.constant 0 : i32
      %dma_wait3A_64 = arith.constant 0 : i32
      %dma_wait3A_65 = tpu.memref_slice %arg5[%add3A, %dma_wait3A_63, %dma_wait3A_64] : memref<32x79x128xi32, #tpu.memory_space<hbm>> -> memref<1x79x128xi32, #tpu.memory_space<hbm>>
      %dma_wait3A_66 = tpu.memref_squeeze %dma_wait3A_65 : memref<1x79x128xi32, #tpu.memory_space<hbm>> -> memref<79x128xi32, #tpu.memory_space<hbm>>
      tpu.wait_dma2 semaphore(%run_scoped3A : memref<!tpu.dma_semaphore, #tpu.memory_space<semaphore_mem>>) src(%dma_wait3A_66 : memref<79x128xi32, #tpu.memory_space<hbm>>) dst(%arg8 : memref<79x128xi32, #tpu.memory_space<vmem>>)
      tpu.yield
    }) : () -> ()
    "tpu.region"() ({
      %run_scoped3A = tpu.sem_alloc : memref<!tpu.dma_semaphore, #tpu.memory_space<semaphore_mem>>
      %dma_start3A = arith.constant 0 : i32
      %dma_start3A_53 = tpu.memref_slice %arg3[%add3A, %dma_start3A] : memref<32x10112xf32, #tpu.memory_space<hbm>> -> memref<1x10112xf32, #tpu.memory_space<hbm>>
      %dma_start3A_54 = tpu.memref_squeeze %dma_start3A_53 : memref<1x10112xf32, #tpu.memory_space<hbm>> -> memref<10112xf32, #tpu.memory_space<hbm>>
      %dma_start3A_55 = arith.constant 0 : i32
      %dma_start3A_56 = tpu.memref_slice %arg3[%add3A, %dma_start3A_55] : memref<32x10112xf32, #tpu.memory_space<hbm>> -> memref<1x10112xf32, #tpu.memory_space<hbm>>
      %dma_start3A_57 = tpu.memref_squeeze %dma_start3A_56 : memref<1x10112xf32, #tpu.memory_space<hbm>> -> memref<10112xf32, #tpu.memory_space<hbm>>
      tpu.enqueue_dma source(%dma_start3A_57 : memref<10112xf32, #tpu.memory_space<hbm>>) target(%arg9 : memref<10112xf32, #tpu.memory_space<vmem>>) target_semaphore(%run_scoped3A : memref<!tpu.dma_semaphore, #tpu.memory_space<semaphore_mem>>)
      %dma_wait3A = arith.constant 0 : i32
      %dma_wait3A_58 = tpu.memref_slice %arg3[%add3A, %dma_wait3A] : memref<32x10112xf32, #tpu.memory_space<hbm>> -> memref<1x10112xf32, #tpu.memory_space<hbm>>
      %dma_wait3A_59 = tpu.memref_squeeze %dma_wait3A_58 : memref<1x10112xf32, #tpu.memory_space<hbm>> -> memref<10112xf32, #tpu.memory_space<hbm>>
      %dma_wait3A_60 = arith.constant 0 : i32
      %dma_wait3A_61 = tpu.memref_slice %arg3[%add3A, %dma_wait3A_60] : memref<32x10112xf32, #tpu.memory_space<hbm>> -> memref<1x10112xf32, #tpu.memory_space<hbm>>
      %dma_wait3A_62 = tpu.memref_squeeze %dma_wait3A_61 : memref<1x10112xf32, #tpu.memory_space<hbm>> -> memref<10112xf32, #tpu.memory_space<hbm>>
      tpu.wait_dma2 semaphore(%run_scoped3A : memref<!tpu.dma_semaphore, #tpu.memory_space<semaphore_mem>>) src(%dma_wait3A_62 : memref<10112xf32, #tpu.memory_space<hbm>>) dst(%arg9 : memref<10112xf32, #tpu.memory_space<vmem>>)
      tpu.yield
    }) : () -> ()
    %barrier3A = arith.constant 0 : index
    tpu.barrier barrier_id(%barrier3A)
    %scan3A_26 = arith.constant 0 : i32
    %scan3A_27 = arith.constant 0 : i32
    %scan3A_28 = arith.constant 79 : i32
    %scan3A_29 = arith.addi %scan3A_27, %scan3A_28 : i32
    %scan3A_30 = arith.constant 1 : i32
    scf.for %scan3A_53 = %scan3A_27 to %scan3A_29 step %scan3A_30  : i32 {
      %dma_start3A = arith.constant 0 : i32
      %dma_start3A_54 = tpu.memref_slice %arg8[%scan3A_53, %dma_start3A] : memref<79x128xi32, #tpu.memory_space<vmem>> -> memref<1x128xi32, #tpu.memory_space<vmem>>
      %dma_start3A_55 = tpu.memref_squeeze %dma_start3A_54 : memref<1x128xi32, #tpu.memory_space<vmem>> -> memref<128xi32, #tpu.memory_space<vmem>>
      %dma_start3A_56 = arith.constant 0 : i32
      %dma_start3A_57 = arith.constant 0 : i32
      %dma_start3A_58 = tpu.memref_slice %arg2[%dma_start3A_56, %dma_start3A_57] : memref<10000x128xf32, #tpu.memory_space<hbm>> -> memref<10000x128xf32, #tpu.memory_space<hbm>>
      tpu.enqueue_indirect_dma source(%dma_start3A_58 : memref<10000x128xf32, #tpu.memory_space<hbm>>) target(%arg11 : memref<128x128xf32, #tpu.memory_space<vmem>>) offsets(%dma_start3A_55 : memref<128xi32, #tpu.memory_space<vmem>>) semaphore(%arg13 : memref<!tpu.dma_semaphore, #tpu.memory_space<semaphore_mem>>)
      %dma_wait3A = arith.constant 0 : i32
      %dma_wait3A_59 = tpu.memref_slice %arg8[%scan3A_53, %dma_wait3A] : memref<79x128xi32, #tpu.memory_space<vmem>> -> memref<1x128xi32, #tpu.memory_space<vmem>>
      %dma_wait3A_60 = tpu.memref_squeeze %dma_wait3A_59 : memref<1x128xi32, #tpu.memory_space<vmem>> -> memref<128xi32, #tpu.memory_space<vmem>>
      %dma_wait3A_61 = arith.constant 0 : i32
      %dma_wait3A_62 = arith.constant 0 : i32
      %dma_wait3A_63 = tpu.memref_slice %arg2[%dma_wait3A_61, %dma_wait3A_62] : memref<10000x128xf32, #tpu.memory_space<hbm>> -> memref<10000x128xf32, #tpu.memory_space<hbm>>
      tpu.wait_indirect_dma semaphore(%arg13 : memref<!tpu.dma_semaphore, #tpu.memory_space<semaphore_mem>>) src(%dma_wait3A_63 : memref<10000x128xf32, #tpu.memory_space<hbm>>) dst(%arg11 : memref<128x128xf32, #tpu.memory_space<vmem>>)
      %scan3A_64 = arith.constant 0 : i32
      %scan3A_65 = arith.constant 0 : i32
      %scan3A_66 = arith.constant 128 : i32
      %scan3A_67 = arith.addi %scan3A_65, %scan3A_66 : i32
      %scan3A_68 = arith.constant 1 : i32
      scf.for %scan3A_70 = %scan3A_65 to %scan3A_67 step %scan3A_68  : i32 {
        %broadcast_in_dim3A = arith.constant 0 : i32
        %broadcast_in_dim3A_71 = vector.broadcast %broadcast_in_dim3A : i32 to vector<16xi32>
        %mul3A_72 = arith.constant 128 : i32
        %mul3A_73 = arith.muli %scan3A_53, %mul3A_72 : i32
        %add3A_74 = arith.addi %mul3A_73, %scan3A_70 : i32
        %add3A_75 = vector.broadcast %add3A_74 : i32 to vector<16xi32>
        %add3A_76 = arith.addi %broadcast_in_dim3A_71, %add3A_75 : vector<16xi32>
        %gather3A = tpu.vector_load_idx %arg9[%add3A_76] : memref<10112xf32, #tpu.memory_space<vmem>>[vector<16xi32>], vector<16xf32>,
        %get3A = arith.index_cast %scan3A_70 : i32 to index
        %get3A_77 = arith.constant 0 : index
        %get3A_78 = tpu.vector_load %arg11[%get3A, %get3A_77] {strides = array<i32>} : memref<128x128xf32, #tpu.memory_space<vmem>>, vector<16xf32>,
        %mul3A_79 = arith.mulf %get3A_78, %gather3A : vector<16xf32>
        %swap3A = arith.index_cast %scan3A_70 : i32 to index
        %swap3A_80 = arith.constant 0 : index
        %swap3A_81 = tpu.vector_load %arg11[%swap3A, %swap3A_80] {strides = array<i32>} : memref<128x128xf32, #tpu.memory_space<vmem>>, vector<16xf32>,
        tpu.vector_store %arg11[%swap3A, %swap3A_80], %mul3A_79 {strides = array<i32>} : memref<128x128xf32, #tpu.memory_space<vmem>>, vector<16xf32>,
        %get3A_82 = arith.index_cast %scan3A_70 : i32 to index
        %get3A_83 = arith.constant 16 : index
        %get3A_84 = tpu.vector_load %arg11[%get3A_82, %get3A_83] {strides = array<i32>} : memref<128x128xf32, #tpu.memory_space<vmem>>, vector<16xf32>,
        %mul3A_85 = arith.mulf %get3A_84, %gather3A : vector<16xf32>
        %swap3A_86 = arith.index_cast %scan3A_70 : i32 to index
        %swap3A_87 = arith.constant 16 : index
        %swap3A_88 = tpu.vector_load %arg11[%swap3A_86, %swap3A_87] {strides = array<i32>} : memref<128x128xf32, #tpu.memory_space<vmem>>, vector<16xf32>,
        tpu.vector_store %arg11[%swap3A_86, %swap3A_87], %mul3A_85 {strides = array<i32>} : memref<128x128xf32, #tpu.memory_space<vmem>>, vector<16xf32>,
        %get3A_89 = arith.index_cast %scan3A_70 : i32 to index
        %get3A_90 = arith.constant 32 : index
        %get3A_91 = tpu.vector_load %arg11[%get3A_89, %get3A_90] {strides = array<i32>} : memref<128x128xf32, #tpu.memory_space<vmem>>, vector<16xf32>,
        %mul3A_92 = arith.mulf %get3A_91, %gather3A : vector<16xf32>
        %swap3A_93 = arith.index_cast %scan3A_70 : i32 to index
        %swap3A_94 = arith.constant 32 : index
        %swap3A_95 = tpu.vector_load %arg11[%swap3A_93, %swap3A_94] {strides = array<i32>} : memref<128x128xf32, #tpu.memory_space<vmem>>, vector<16xf32>,
        tpu.vector_store %arg11[%swap3A_93, %swap3A_94], %mul3A_92 {strides = array<i32>} : memref<128x128xf32, #tpu.memory_space<vmem>>, vector<16xf32>,
        %get3A_96 = arith.index_cast %scan3A_70 : i32 to index
        %get3A_97 = arith.constant 48 : index
        %get3A_98 = tpu.vector_load %arg11[%get3A_96, %get3A_97] {strides = array<i32>} : memref<128x128xf32, #tpu.memory_space<vmem>>, vector<16xf32>,
        %mul3A_99 = arith.mulf %get3A_98, %gather3A : vector<16xf32>
        %swap3A_100 = arith.index_cast %scan3A_70 : i32 to index
        %swap3A_101 = arith.constant 48 : index
        %swap3A_102 = tpu.vector_load %arg11[%swap3A_100, %swap3A_101] {strides = array<i32>} : memref<128x128xf32, #tpu.memory_space<vmem>>, vector<16xf32>,
        tpu.vector_store %arg11[%swap3A_100, %swap3A_101], %mul3A_99 {strides = array<i32>} : memref<128x128xf32, #tpu.memory_space<vmem>>, vector<16xf32>,
        %get3A_103 = arith.index_cast %scan3A_70 : i32 to index
        %get3A_104 = arith.constant 64 : index
        %get3A_105 = tpu.vector_load %arg11[%get3A_103, %get3A_104] {strides = array<i32>} : memref<128x128xf32, #tpu.memory_space<vmem>>, vector<16xf32>,
        %mul3A_106 = arith.mulf %get3A_105, %gather3A : vector<16xf32>
        %swap3A_107 = arith.index_cast %scan3A_70 : i32 to index
        %swap3A_108 = arith.constant 64 : index
        %swap3A_109 = tpu.vector_load %arg11[%swap3A_107, %swap3A_108] {strides = array<i32>} : memref<128x128xf32, #tpu.memory_space<vmem>>, vector<16xf32>,
        tpu.vector_store %arg11[%swap3A_107, %swap3A_108], %mul3A_106 {strides = array<i32>} : memref<128x128xf32, #tpu.memory_space<vmem>>, vector<16xf32>,
        %get3A_110 = arith.index_cast %scan3A_70 : i32 to index
        %get3A_111 = arith.constant 80 : index
        %get3A_112 = tpu.vector_load %arg11[%get3A_110, %get3A_111] {strides = array<i32>} : memref<128x128xf32, #tpu.memory_space<vmem>>, vector<16xf32>,
        %mul3A_113 = arith.mulf %get3A_112, %gather3A : vector<16xf32>
        %swap3A_114 = arith.index_cast %scan3A_70 : i32 to index
        %swap3A_115 = arith.constant 80 : index
        %swap3A_116 = tpu.vector_load %arg11[%swap3A_114, %swap3A_115] {strides = array<i32>} : memref<128x128xf32, #tpu.memory_space<vmem>>, vector<16xf32>,
        tpu.vector_store %arg11[%swap3A_114, %swap3A_115], %mul3A_113 {strides = array<i32>} : memref<128x128xf32, #tpu.memory_space<vmem>>, vector<16xf32>,
        %get3A_117 = arith.index_cast %scan3A_70 : i32 to index
        %get3A_118 = arith.constant 96 : index
        %get3A_119 = tpu.vector_load %arg11[%get3A_117, %get3A_118] {strides = array<i32>} : memref<128x128xf32, #tpu.memory_space<vmem>>, vector<16xf32>,
        %mul3A_120 = arith.mulf %get3A_119, %gather3A : vector<16xf32>
        %swap3A_121 = arith.index_cast %scan3A_70 : i32 to index
        %swap3A_122 = arith.constant 96 : index
        %swap3A_123 = tpu.vector_load %arg11[%swap3A_121, %swap3A_122] {strides = array<i32>} : memref<128x128xf32, #tpu.memory_space<vmem>>, vector<16xf32>,
        tpu.vector_store %arg11[%swap3A_121, %swap3A_122], %mul3A_120 {strides = array<i32>} : memref<128x128xf32, #tpu.memory_space<vmem>>, vector<16xf32>,
        %get3A_124 = arith.index_cast %scan3A_70 : i32 to index
        %get3A_125 = arith.constant 112 : index
        %get3A_126 = tpu.vector_load %arg11[%get3A_124, %get3A_125] {strides = array<i32>} : memref<128x128xf32, #tpu.memory_space<vmem>>, vector<16xf32>,
        %mul3A_127 = arith.mulf %get3A_126, %gather3A : vector<16xf32>
        %swap3A_128 = arith.index_cast %scan3A_70 : i32 to index
        %swap3A_129 = arith.constant 112 : index
        %swap3A_130 = tpu.vector_load %arg11[%swap3A_128, %swap3A_129] {strides = array<i32>} : memref<128x128xf32, #tpu.memory_space<vmem>>, vector<16xf32>,
        tpu.vector_store %arg11[%swap3A_128, %swap3A_129], %mul3A_127 {strides = array<i32>} : memref<128x128xf32, #tpu.memory_space<vmem>>, vector<16xf32>,
      }
      %scan3A_69 = arith.constant 128 : i32
      "tpu.region"() ({
        %run_scoped3A = tpu.sem_alloc : memref<!tpu.dma_semaphore, #tpu.memory_space<semaphore_mem>>
        %dma_start3A_70 = arith.constant 0 : i32
        %dma_start3A_71 = tpu.memref_slice %arg7[%scan3A_53, %dma_start3A_70] : memref<79x128xi32, #tpu.memory_space<vmem>> -> memref<1x128xi32, #tpu.memory_space<vmem>>
        %dma_start3A_72 = tpu.memref_squeeze %dma_start3A_71 : memref<1x128xi32, #tpu.memory_space<vmem>> -> memref<128xi32, #tpu.memory_space<vmem>>
        %dma_start3A_73 = arith.constant 0 : i32
        %dma_start3A_74 = arith.constant 0 : i32
        %dma_start3A_75 = tpu.memref_slice %arg12[%dma_start3A_73, %dma_start3A_74] : memref<10240x128xf32, #tpu.memory_space<vmem_shared>> -> memref<10240x128xf32, #tpu.memory_space<vmem_shared>>
        tpu.enqueue_indirect_dma source(%arg11 : memref<128x128xf32, #tpu.memory_space<vmem>>) target(%dma_start3A_75 : memref<10240x128xf32, #tpu.memory_space<vmem_shared>>) offsets(%dma_start3A_72 : memref<128xi32, #tpu.memory_space<vmem>>) semaphore(%run_scoped3A : memref<!tpu.dma_semaphore, #tpu.memory_space<semaphore_mem>>) {add = true}
        %dma_wait3A_76 = arith.constant 0 : i32
        %dma_wait3A_77 = tpu.memref_slice %arg7[%scan3A_53, %dma_wait3A_76] : memref<79x128xi32, #tpu.memory_space<vmem>> -> memref<1x128xi32, #tpu.memory_space<vmem>>
        %dma_wait3A_78 = tpu.memref_squeeze %dma_wait3A_77 : memref<1x128xi32, #tpu.memory_space<vmem>> -> memref<128xi32, #tpu.memory_space<vmem>>
        %dma_wait3A_79 = arith.constant 0 : i32
        %dma_wait3A_80 = arith.constant 0 : i32
        %dma_wait3A_81 = tpu.memref_slice %arg12[%dma_wait3A_79, %dma_wait3A_80] : memref<10240x128xf32, #tpu.memory_space<vmem_shared>> -> memref<10240x128xf32, #tpu.memory_space<vmem_shared>>
        tpu.wait_indirect_dma semaphore(%run_scoped3A : memref<!tpu.dma_semaphore, #tpu.memory_space<semaphore_mem>>) src(%arg11 : memref<128x128xf32, #tpu.memory_space<vmem>>) dst(%dma_wait3A_81 : memref<10240x128xf32, #tpu.memory_space<vmem_shared>>)
        tpu.yield
      }) : () -> ()
    }
    %scan3A_31 = arith.constant 79 : i32
    %barrier3A_32 = arith.constant 0 : index
    tpu.barrier barrier_id(%barrier3A_32)
    %mul3A_33 = arith.constant 640 : i32
    %mul3A_34 = arith.muli %arg1, %mul3A_33 : i32
    %add3A_35 = arith.constant 0 : i32
    %add3A_36 = arith.addi %mul3A_34, %add3A_35 : i32
    "tpu.region"() ({
      %run_scoped3A = tpu.sem_alloc : memref<!tpu.dma_semaphore, #tpu.memory_space<semaphore_mem>>
      %dma_start3A = arith.constant 0 : i32
      %dma_start3A_53 = tpu.memref_slice %arg6[%arg0, %add3A_36, %dma_start3A] : memref<2x10240x128xf32, #tpu.memory_space<hbm>> -> memref<1x128x128xf32, #tpu.memory_space<hbm>>
      %dma_start3A_54 = tpu.memref_squeeze %dma_start3A_53 : memref<1x128x128xf32, #tpu.memory_space<hbm>> -> memref<128x128xf32, #tpu.memory_space<hbm>>
      %dma_start3A_55 = arith.constant 0 : i32
      %dma_start3A_56 = tpu.memref_slice %arg12[%add3A_36, %dma_start3A_55] : memref<10240x128xf32, #tpu.memory_space<vmem_shared>> -> memref<128x128xf32, #tpu.memory_space<vmem_shared>>
      tpu.enqueue_dma source(%dma_start3A_56 : memref<128x128xf32, #tpu.memory_space<vmem_shared>>) target(%dma_start3A_54 : memref<128x128xf32, #tpu.memory_space<hbm>>) target_semaphore(%run_scoped3A : memref<!tpu.dma_semaphore, #tpu.memory_space<semaphore_mem>>)
      %dma_wait3A = arith.constant 0 : i32
      %dma_wait3A_57 = tpu.memref_slice %arg6[%arg0, %add3A_36, %dma_wait3A] : memref<2x10240x128xf32, #tpu.memory_space<hbm>> -> memref<1x128x128xf32, #tpu.memory_space<hbm>>
      %dma_wait3A_58 = tpu.memref_squeeze %dma_wait3A_57 : memref<1x128x128xf32, #tpu.memory_space<hbm>> -> memref<128x128xf32, #tpu.memory_space<hbm>>
      %dma_wait3A_59 = arith.constant 0 : i32
      %dma_wait3A_60 = tpu.memref_slice %arg12[%add3A_36, %dma_wait3A_59] : memref<10240x128xf32, #tpu.memory_space<vmem_shared>> -> memref<128x128xf32, #tpu.memory_space<vmem_shared>>
      tpu.wait_dma2 semaphore(%run_scoped3A : memref<!tpu.dma_semaphore, #tpu.memory_space<semaphore_mem>>) src(%dma_wait3A_60 : memref<128x128xf32, #tpu.memory_space<vmem_shared>>) dst(%dma_wait3A_58 : memref<128x128xf32, #tpu.memory_space<hbm>>)
      tpu.yield
    }) : () -> ()
    %mul3A_37 = arith.constant 640 : i32
    %mul3A_38 = arith.muli %arg1, %mul3A_37 : i32
    %add3A_39 = arith.constant 128 : i32
    %add3A_40 = arith.addi %mul3A_38, %add3A_39 : i32
    "tpu.region"() ({
      %run_scoped3A = tpu.sem_alloc : memref<!tpu.dma_semaphore, #tpu.memory_space<semaphore_mem>>
      %dma_start3A = arith.constant 0 : i32
      %dma_start3A_53 = tpu.memref_slice %arg6[%arg0, %add3A_40, %dma_start3A] : memref<2x10240x128xf32, #tpu.memory_space<hbm>> -> memref<1x128x128xf32, #tpu.memory_space<hbm>>
      %dma_start3A_54 = tpu.memref_squeeze %dma_start3A_53 : memref<1x128x128xf32, #tpu.memory_space<hbm>> -> memref<128x128xf32, #tpu.memory_space<hbm>>
      %dma_start3A_55 = arith.constant 0 : i32
      %dma_start3A_56 = tpu.memref_slice %arg12[%add3A_40, %dma_start3A_55] : memref<10240x128xf32, #tpu.memory_space<vmem_shared>> -> memref<128x128xf32, #tpu.memory_space<vmem_shared>>
      tpu.enqueue_dma source(%dma_start3A_56 : memref<128x128xf32, #tpu.memory_space<vmem_shared>>) target(%dma_start3A_54 : memref<128x128xf32, #tpu.memory_space<hbm>>) target_semaphore(%run_scoped3A : memref<!tpu.dma_semaphore, #tpu.memory_space<semaphore_mem>>)
      %dma_wait3A = arith.constant 0 : i32
      %dma_wait3A_57 = tpu.memref_slice %arg6[%arg0, %add3A_40, %dma_wait3A] : memref<2x10240x128xf32, #tpu.memory_space<hbm>> -> memref<1x128x128xf32, #tpu.memory_space<hbm>>
      %dma_wait3A_58 = tpu.memref_squeeze %dma_wait3A_57 : memref<1x128x128xf32, #tpu.memory_space<hbm>> -> memref<128x128xf32, #tpu.memory_space<hbm>>
      %dma_wait3A_59 = arith.constant 0 : i32
      %dma_wait3A_60 = tpu.memref_slice %arg12[%add3A_40, %dma_wait3A_59] : memref<10240x128xf32, #tpu.memory_space<vmem_shared>> -> memref<128x128xf32, #tpu.memory_space<vmem_shared>>
      tpu.wait_dma2 semaphore(%run_scoped3A : memref<!tpu.dma_semaphore, #tpu.memory_space<semaphore_mem>>) src(%dma_wait3A_60 : memref<128x128xf32, #tpu.memory_space<vmem_shared>>) dst(%dma_wait3A_58 : memref<128x128xf32, #tpu.memory_space<hbm>>)
      tpu.yield
    }) : () -> ()
    %mul3A_41 = arith.constant 640 : i32
    %mul3A_42 = arith.muli %arg1, %mul3A_41 : i32
    %add3A_43 = arith.constant 256 : i32
    %add3A_44 = arith.addi %mul3A_42, %add3A_43 : i32
    "tpu.region"() ({
      %run_scoped3A = tpu.sem_alloc : memref<!tpu.dma_semaphore, #tpu.memory_space<semaphore_mem>>
      %dma_start3A = arith.constant 0 : i32
      %dma_start3A_53 = tpu.memref_slice %arg6[%arg0, %add3A_44, %dma_start3A] : memref<2x10240x128xf32, #tpu.memory_space<hbm>> -> memref<1x128x128xf32, #tpu.memory_space<hbm>>
      %dma_start3A_54 = tpu.memref_squeeze %dma_start3A_53 : memref<1x128x128xf32, #tpu.memory_space<hbm>> -> memref<128x128xf32, #tpu.memory_space<hbm>>
      %dma_start3A_55 = arith.constant 0 : i32
      %dma_start3A_56 = tpu.memref_slice %arg12[%add3A_44, %dma_start3A_55] : memref<10240x128xf32, #tpu.memory_space<vmem_shared>> -> memref<128x128xf32, #tpu.memory_space<vmem_shared>>
      tpu.enqueue_dma source(%dma_start3A_56 : memref<128x128xf32, #tpu.memory_space<vmem_shared>>) target(%dma_start3A_54 : memref<128x128xf32, #tpu.memory_space<hbm>>) target_semaphore(%run_scoped3A : memref<!tpu.dma_semaphore, #tpu.memory_space<semaphore_mem>>)
      %dma_wait3A = arith.constant 0 : i32
      %dma_wait3A_57 = tpu.memref_slice %arg6[%arg0, %add3A_44, %dma_wait3A] : memref<2x10240x128xf32, #tpu.memory_space<hbm>> -> memref<1x128x128xf32, #tpu.memory_space<hbm>>
      %dma_wait3A_58 = tpu.memref_squeeze %dma_wait3A_57 : memref<1x128x128xf32, #tpu.memory_space<hbm>> -> memref<128x128xf32, #tpu.memory_space<hbm>>
      %dma_wait3A_59 = arith.constant 0 : i32
      %dma_wait3A_60 = tpu.memref_slice %arg12[%add3A_44, %dma_wait3A_59] : memref<10240x128xf32, #tpu.memory_space<vmem_shared>> -> memref<128x128xf32, #tpu.memory_space<vmem_shared>>
      tpu.wait_dma2 semaphore(%run_scoped3A : memref<!tpu.dma_semaphore, #tpu.memory_space<semaphore_mem>>) src(%dma_wait3A_60 : memref<128x128xf32, #tpu.memory_space<vmem_shared>>) dst(%dma_wait3A_58 : memref<128x128xf32, #tpu.memory_space<hbm>>)
      tpu.yield
    }) : () -> ()
    %mul3A_45 = arith.constant 640 : i32
    %mul3A_46 = arith.muli %arg1, %mul3A_45 : i32
    %add3A_47 = arith.constant 384 : i32
    %add3A_48 = arith.addi %mul3A_46, %add3A_47 : i32
    "tpu.region"() ({
      %run_scoped3A = tpu.sem_alloc : memref<!tpu.dma_semaphore, #tpu.memory_space<semaphore_mem>>
      %dma_start3A = arith.constant 0 : i32
      %dma_start3A_53 = tpu.memref_slice %arg6[%arg0, %add3A_48, %dma_start3A] : memref<2x10240x128xf32, #tpu.memory_space<hbm>> -> memref<1x128x128xf32, #tpu.memory_space<hbm>>
      %dma_start3A_54 = tpu.memref_squeeze %dma_start3A_53 : memref<1x128x128xf32, #tpu.memory_space<hbm>> -> memref<128x128xf32, #tpu.memory_space<hbm>>
      %dma_start3A_55 = arith.constant 0 : i32
      %dma_start3A_56 = tpu.memref_slice %arg12[%add3A_48, %dma_start3A_55] : memref<10240x128xf32, #tpu.memory_space<vmem_shared>> -> memref<128x128xf32, #tpu.memory_space<vmem_shared>>
      tpu.enqueue_dma source(%dma_start3A_56 : memref<128x128xf32, #tpu.memory_space<vmem_shared>>) target(%dma_start3A_54 : memref<128x128xf32, #tpu.memory_space<hbm>>) target_semaphore(%run_scoped3A : memref<!tpu.dma_semaphore, #tpu.memory_space<semaphore_mem>>)
      %dma_wait3A = arith.constant 0 : i32
      %dma_wait3A_57 = tpu.memref_slice %arg6[%arg0, %add3A_48, %dma_wait3A] : memref<2x10240x128xf32, #tpu.memory_space<hbm>> -> memref<1x128x128xf32, #tpu.memory_space<hbm>>
      %dma_wait3A_58 = tpu.memref_squeeze %dma_wait3A_57 : memref<1x128x128xf32, #tpu.memory_space<hbm>> -> memref<128x128xf32, #tpu.memory_space<hbm>>
      %dma_wait3A_59 = arith.constant 0 : i32
      %dma_wait3A_60 = tpu.memref_slice %arg12[%add3A_48, %dma_wait3A_59] : memref<10240x128xf32, #tpu.memory_space<vmem_shared>> -> memref<128x128xf32, #tpu.memory_space<vmem_shared>>
      tpu.wait_dma2 semaphore(%run_scoped3A : memref<!tpu.dma_semaphore, #tpu.memory_space<semaphore_mem>>) src(%dma_wait3A_60 : memref<128x128xf32, #tpu.memory_space<vmem_shared>>) dst(%dma_wait3A_58 : memref<128x128xf32, #tpu.memory_space<hbm>>)
      tpu.yield
    }) : () -> ()
    %mul3A_49 = arith.constant 640 : i32
    %mul3A_50 = arith.muli %arg1, %mul3A_49 : i32
    %add3A_51 = arith.constant 512 : i32
    %add3A_52 = arith.addi %mul3A_50, %add3A_51 : i32
    "tpu.region"() ({
      %run_scoped3A = tpu.sem_alloc : memref<!tpu.dma_semaphore, #tpu.memory_space<semaphore_mem>>
      %dma_start3A = arith.constant 0 : i32
      %dma_start3A_53 = tpu.memref_slice %arg6[%arg0, %add3A_52, %dma_start3A] : memref<2x10240x128xf32, #tpu.memory_space<hbm>> -> memref<1x128x128xf32, #tpu.memory_space<hbm>>
      %dma_start3A_54 = tpu.memref_squeeze %dma_start3A_53 : memref<1x128x128xf32, #tpu.memory_space<hbm>> -> memref<128x128xf32, #tpu.memory_space<hbm>>
      %dma_start3A_55 = arith.constant 0 : i32
      %dma_start3A_56 = tpu.memref_slice %arg12[%add3A_52, %dma_start3A_55] : memref<10240x128xf32, #tpu.memory_space<vmem_shared>> -> memref<128x128xf32, #tpu.memory_space<vmem_shared>>
      tpu.enqueue_dma source(%dma_start3A_56 : memref<128x128xf32, #tpu.memory_space<vmem_shared>>) target(%dma_start3A_54 : memref<128x128xf32, #tpu.memory_space<hbm>>) target_semaphore(%run_scoped3A : memref<!tpu.dma_semaphore, #tpu.memory_space<semaphore_mem>>)
      %dma_wait3A = arith.constant 0 : i32
      %dma_wait3A_57 = tpu.memref_slice %arg6[%arg0, %add3A_52, %dma_wait3A] : memref<2x10240x128xf32, #tpu.memory_space<hbm>> -> memref<1x128x128xf32, #tpu.memory_space<hbm>>
      %dma_wait3A_58 = tpu.memref_squeeze %dma_wait3A_57 : memref<1x128x128xf32, #tpu.memory_space<hbm>> -> memref<128x128xf32, #tpu.memory_space<hbm>>
      %dma_wait3A_59 = arith.constant 0 : i32
      %dma_wait3A_60 = tpu.memref_slice %arg12[%add3A_52, %dma_wait3A_59] : memref<10240x128xf32, #tpu.memory_space<vmem_shared>> -> memref<128x128xf32, #tpu.memory_space<vmem_shared>>
      tpu.wait_dma2 semaphore(%run_scoped3A : memref<!tpu.dma_semaphore, #tpu.memory_space<semaphore_mem>>) src(%dma_wait3A_60 : memref<128x128xf32, #tpu.memory_space<vmem_shared>>) dst(%dma_wait3A_58 : memref<128x128xf32, #tpu.memory_space<hbm>>)
      tpu.yield
    }) : () -> ()
    return
  }
}

#map = affine_map<(d0, d1) -> (0, 0)>
#map1 = affine_map<(d0, d1) -> (0, 0, 0)>
module attributes {stable_mosaic.version = 14 : i64} {
  func.func @_matvec_body(%arg0: i32, %arg1: i32, %arg2: memref<10000x128xf32, #tpu.memory_space<hbm>>, %arg3: memref<32x10112xf32, #tpu.memory_space<hbm>>, %arg4: memref<32x79x128xi32, #tpu.memory_space<hbm>>, %arg5: memref<32x79x128xi32, #tpu.memory_space<hbm>>, %arg6: memref<2x10240x128xf32, #tpu.memory_space<hbm>>, %arg7: memref<79x128xi32, #tpu.memory_space<vmem>>, %arg8: memref<79x128xi32, #tpu.memory_space<vmem>>, %arg9: memref<10112xf32, #tpu.memory_space<vmem>>, %arg10: memref<8x128xf32, #tpu.memory_space<vmem>>, %arg11: memref<128x128xf32, #tpu.memory_space<vmem>>, %arg12: memref<10240x128xf32, #tpu.memory_space<vmem_shared>>, %arg13: memref<!tpu.dma_semaphore, #tpu.memory_space<semaphore_mem>>) attributes {dimension_semantics = [#tpu.dimension_semantics<core_parallel>, #tpu.dimension_semantics<subcore_parallel>], iteration_bounds = array<i64: 2, 16>, scalar_prefetch = 0 : i64, scratch_operands = 7 : i64, tpu.core_type = #tpu.core_type<sc_vector_subcore>, window_params = [{transform_indices = #map}, {transform_indices = #map}, {transform_indices = #map1}, {transform_indices = #map1}, {transform_indices = #map1}]} {
    %mul3A = arith.constant 2 : i32
    %mul3A_0 = arith.muli %arg1, %mul3A : i32
    %add3A = arith.addi %mul3A_0, %arg0 : i32
    %scan3A = arith.constant 0 : i32
    %scan3A_1 = arith.constant 0 : i32
    %scan3A_2 = arith.constant 128 : i32
    %scan3A_3 = arith.addi %scan3A_1, %scan3A_2 : i32
    %scan3A_4 = arith.constant 1 : i32
    scf.for %scan3A_53 = %scan3A_1 to %scan3A_3 step %scan3A_4  : i32 {
      %broadcast_in_dim3A = arith.constant 0.000000e+00 : f32
      %broadcast_in_dim3A_54 = vector.broadcast %broadcast_in_dim3A : f32 to vector<16xf32>
      %swap3A = arith.index_cast %scan3A_53 : i32 to index
      %swap3A_55 = arith.constant 0 : index
      %swap3A_56 = tpu.vector_load %arg11[%swap3A, %swap3A_55] {strides = array<i32>} : memref<128x128xf32, #tpu.memory_space<vmem>>, vector<16xf32>,
      tpu.vector_store %arg11[%swap3A, %swap3A_55], %broadcast_in_dim3A_54 {strides = array<i32>} : memref<128x128xf32, #tpu.memory_space<vmem>>, vector<16xf32>,
      %broadcast_in_dim3A_57 = arith.constant 0.000000e+00 : f32
      %broadcast_in_dim3A_58 = vector.broadcast %broadcast_in_dim3A_57 : f32 to vector<16xf32>
      %swap3A_59 = arith.index_cast %scan3A_53 : i32 to index
      %swap3A_60 = arith.constant 16 : index
      %swap3A_61 = tpu.vector_load %arg11[%swap3A_59, %swap3A_60] {strides = array<i32>} : memref<128x128xf32, #tpu.memory_space<vmem>>, vector<16xf32>,
      tpu.vector_store %arg11[%swap3A_59, %swap3A_60], %broadcast_in_dim3A_58 {strides = array<i32>} : memref<128x128xf32, #tpu.memory_space<vmem>>, vector<16xf32>,
      %broadcast_in_dim3A_62 = arith.constant 0.000000e+00 : f32
      %broadcast_in_dim3A_63 = vector.broadcast %broadcast_in_dim3A_62 : f32 to vector<16xf32>
      %swap3A_64 = arith.index_cast %scan3A_53 : i32 to index
      %swap3A_65 = arith.constant 32 : index
      %swap3A_66 = tpu.vector_load %arg11[%swap3A_64, %swap3A_65] {strides = array<i32>} : memref<128x128xf32, #tpu.memory_space<vmem>>, vector<16xf32>,
      tpu.vector_store %arg11[%swap3A_64, %swap3A_65], %broadcast_in_dim3A_63 {strides = array<i32>} : memref<128x128xf32, #tpu.memory_space<vmem>>, vector<16xf32>,
      %broadcast_in_dim3A_67 = arith.constant 0.000000e+00 : f32
      %broadcast_in_dim3A_68 = vector.broadcast %broadcast_in_dim3A_67 : f32 to vector<16xf32>
      %swap3A_69 = arith.index_cast %scan3A_53 : i32 to index
      %swap3A_70 = arith.constant 48 : index
      %swap3A_71 = tpu.vector_load %arg11[%swap3A_69, %swap3A_70] {strides = array<i32>} : memref<128x128xf32, #tpu.memory_space<vmem>>, vector<16xf32>,
      tpu.vector_store %arg11[%swap3A_69, %swap3A_70], %broadcast_in_dim3A_68 {strides = array<i32>} : memref<128x128xf32, #tpu.memory_space<vmem>>, vector<16xf32>,
      %broadcast_in_dim3A_72 = arith.constant 0.000000e+00 : f32
      %broadcast_in_dim3A_73 = vector.broadcast %broadcast_in_dim3A_72 : f32 to vector<16xf32>
      %swap3A_74 = arith.index_cast %scan3A_53 : i32 to index
      %swap3A_75 = arith.constant 64 : index
      %swap3A_76 = tpu.vector_load %arg11[%swap3A_74, %swap3A_75] {strides = array<i32>} : memref<128x128xf32, #tpu.memory_space<vmem>>, vector<16xf32>,
      tpu.vector_store %arg11[%swap3A_74, %swap3A_75], %broadcast_in_dim3A_73 {strides = array<i32>} : memref<128x128xf32, #tpu.memory_space<vmem>>, vector<16xf32>,
      %broadcast_in_dim3A_77 = arith.constant 0.000000e+00 : f32
      %broadcast_in_dim3A_78 = vector.broadcast %broadcast_in_dim3A_77 : f32 to vector<16xf32>
      %swap3A_79 = arith.index_cast %scan3A_53 : i32 to index
      %swap3A_80 = arith.constant 80 : index
      %swap3A_81 = tpu.vector_load %arg11[%swap3A_79, %swap3A_80] {strides = array<i32>} : memref<128x128xf32, #tpu.memory_space<vmem>>, vector<16xf32>,
      tpu.vector_store %arg11[%swap3A_79, %swap3A_80], %broadcast_in_dim3A_78 {strides = array<i32>} : memref<128x128xf32, #tpu.memory_space<vmem>>, vector<16xf32>,
      %broadcast_in_dim3A_82 = arith.constant 0.000000e+00 : f32
      %broadcast_in_dim3A_83 = vector.broadcast %broadcast_in_dim3A_82 : f32 to vector<16xf32>
      %swap3A_84 = arith.index_cast %scan3A_53 : i32 to index
      %swap3A_85 = arith.constant 96 : index
      %swap3A_86 = tpu.vector_load %arg11[%swap3A_84, %swap3A_85] {strides = array<i32>} : memref<128x128xf32, #tpu.memory_space<vmem>>, vector<16xf32>,
      tpu.vector_store %arg11[%swap3A_84, %swap3A_85], %broadcast_in_dim3A_83 {strides = array<i32>} : memref<128x128xf32, #tpu.memory_space<vmem>>, vector<16xf32>,
      %broadcast_in_dim3A_87 = arith.constant 0.000000e+00 : f32
      %broadcast_in_dim3A_88 = vector.broadcast %broadcast_in_dim3A_87 : f32 to vector<16xf32>
      %swap3A_89 = arith.index_cast %scan3A_53 : i32 to index
      %swap3A_90 = arith.constant 112 : index
      %swap3A_91 = tpu.vector_load %arg11[%swap3A_89, %swap3A_90] {strides = array<i32>} : memref<128x128xf32, #tpu.memory_space<vmem>>, vector<16xf32>,
      tpu.vector_store %arg11[%swap3A_89, %swap3A_90], %broadcast_in_dim3A_88 {strides = array<i32>} : memref<128x128xf32, #tpu.memory_space<vmem>>, vector<16xf32>,
    }
    %scan3A_5 = arith.constant 128 : i32
    %mul3A_6 = arith.constant 640 : i32
    %mul3A_7 = arith.muli %arg1, %mul3A_6 : i32
    %add3A_8 = arith.constant 0 : i32
    %add3A_9 = arith.addi %mul3A_7, %add3A_8 : i32
    "tpu.region"() ({
      %run_scoped3A = tpu.sem_alloc : memref<!tpu.dma_semaphore, #tpu.memory_space<semaphore_mem>>
      %dma_start3A = arith.constant 0 : i32
      %dma_start3A_53 = tpu.memref_slice %arg12[%add3A_9, %dma_start3A] : memref<10240x128xf32, #tpu.memory_space<vmem_shared>> -> memref<128x128xf32, #tpu.memory_space<vmem_shared>>
      %dma_start3A_54 = arith.constant 0 : i32
      %dma_start3A_55 = tpu.memref_slice %arg12[%add3A_9, %dma_start3A_54] : memref<10240x128xf32, #tpu.memory_space<vmem_shared>> -> memref<128x128xf32, #tpu.memory_space<vmem_shared>>
      tpu.enqueue_dma source(%arg11 : memref<128x128xf32, #tpu.memory_space<vmem>>) target(%dma_start3A_55 : memref<128x128xf32, #tpu.memory_space<vmem_shared>>) target_semaphore(%run_scoped3A : memref<!tpu.dma_semaphore, #tpu.memory_space<semaphore_mem>>)
      %dma_wait3A = arith.constant 0 : i32
      %dma_wait3A_56 = tpu.memref_slice %arg12[%add3A_9, %dma_wait3A] : memref<10240x128xf32, #tpu.memory_space<vmem_shared>> -> memref<128x128xf32, #tpu.memory_space<vmem_shared>>
      %dma_wait3A_57 = arith.constant 0 : i32
      %dma_wait3A_58 = tpu.memref_slice %arg12[%add3A_9, %dma_wait3A_57] : memref<10240x128xf32, #tpu.memory_space<vmem_shared>> -> memref<128x128xf32, #tpu.memory_space<vmem_shared>>
      tpu.wait_dma2 semaphore(%run_scoped3A : memref<!tpu.dma_semaphore, #tpu.memory_space<semaphore_mem>>) src(%arg11 : memref<128x128xf32, #tpu.memory_space<vmem>>) dst(%dma_wait3A_58 : memref<128x128xf32, #tpu.memory_space<vmem_shared>>)
      tpu.yield
    }) : () -> ()
    %mul3A_10 = arith.constant 640 : i32
    %mul3A_11 = arith.muli %arg1, %mul3A_10 : i32
    %add3A_12 = arith.constant 128 : i32
    %add3A_13 = arith.addi %mul3A_11, %add3A_12 : i32
    "tpu.region"() ({
      %run_scoped3A = tpu.sem_alloc : memref<!tpu.dma_semaphore, #tpu.memory_space<semaphore_mem>>
      %dma_start3A = arith.constant 0 : i32
      %dma_start3A_53 = tpu.memref_slice %arg12[%add3A_13, %dma_start3A] : memref<10240x128xf32, #tpu.memory_space<vmem_shared>> -> memref<128x128xf32, #tpu.memory_space<vmem_shared>>
      %dma_start3A_54 = arith.constant 0 : i32
      %dma_start3A_55 = tpu.memref_slice %arg12[%add3A_13, %dma_start3A_54] : memref<10240x128xf32, #tpu.memory_space<vmem_shared>> -> memref<128x128xf32, #tpu.memory_space<vmem_shared>>
      tpu.enqueue_dma source(%arg11 : memref<128x128xf32, #tpu.memory_space<vmem>>) target(%dma_start3A_55 : memref<128x128xf32, #tpu.memory_space<vmem_shared>>) target_semaphore(%run_scoped3A : memref<!tpu.dma_semaphore, #tpu.memory_space<semaphore_mem>>)
      %dma_wait3A = arith.constant 0 : i32
      %dma_wait3A_56 = tpu.memref_slice %arg12[%add3A_13, %dma_wait3A] : memref<10240x128xf32, #tpu.memory_space<vmem_shared>> -> memref<128x128xf32, #tpu.memory_space<vmem_shared>>
      %dma_wait3A_57 = arith.constant 0 : i32
      %dma_wait3A_58 = tpu.memref_slice %arg12[%add3A_13, %dma_wait3A_57] : memref<10240x128xf32, #tpu.memory_space<vmem_shared>> -> memref<128x128xf32, #tpu.memory_space<vmem_shared>>
      tpu.wait_dma2 semaphore(%run_scoped3A : memref<!tpu.dma_semaphore, #tpu.memory_space<semaphore_mem>>) src(%arg11 : memref<128x128xf32, #tpu.memory_space<vmem>>) dst(%dma_wait3A_58 : memref<128x128xf32, #tpu.memory_space<vmem_shared>>)
      tpu.yield
    }) : () -> ()
    %mul3A_14 = arith.constant 640 : i32
    %mul3A_15 = arith.muli %arg1, %mul3A_14 : i32
    %add3A_16 = arith.constant 256 : i32
    %add3A_17 = arith.addi %mul3A_15, %add3A_16 : i32
    "tpu.region"() ({
      %run_scoped3A = tpu.sem_alloc : memref<!tpu.dma_semaphore, #tpu.memory_space<semaphore_mem>>
      %dma_start3A = arith.constant 0 : i32
      %dma_start3A_53 = tpu.memref_slice %arg12[%add3A_17, %dma_start3A] : memref<10240x128xf32, #tpu.memory_space<vmem_shared>> -> memref<128x128xf32, #tpu.memory_space<vmem_shared>>
      %dma_start3A_54 = arith.constant 0 : i32
      %dma_start3A_55 = tpu.memref_slice %arg12[%add3A_17, %dma_start3A_54] : memref<10240x128xf32, #tpu.memory_space<vmem_shared>> -> memref<128x128xf32, #tpu.memory_space<vmem_shared>>
      tpu.enqueue_dma source(%arg11 : memref<128x128xf32, #tpu.memory_space<vmem>>) target(%dma_start3A_55 : memref<128x128xf32, #tpu.memory_space<vmem_shared>>) target_semaphore(%run_scoped3A : memref<!tpu.dma_semaphore, #tpu.memory_space<semaphore_mem>>)
      %dma_wait3A = arith.constant 0 : i32
      %dma_wait3A_56 = tpu.memref_slice %arg12[%add3A_17, %dma_wait3A] : memref<10240x128xf32, #tpu.memory_space<vmem_shared>> -> memref<128x128xf32, #tpu.memory_space<vmem_shared>>
      %dma_wait3A_57 = arith.constant 0 : i32
      %dma_wait3A_58 = tpu.memref_slice %arg12[%add3A_17, %dma_wait3A_57] : memref<10240x128xf32, #tpu.memory_space<vmem_shared>> -> memref<128x128xf32, #tpu.memory_space<vmem_shared>>
      tpu.wait_dma2 semaphore(%run_scoped3A : memref<!tpu.dma_semaphore, #tpu.memory_space<semaphore_mem>>) src(%arg11 : memref<128x128xf32, #tpu.memory_space<vmem>>) dst(%dma_wait3A_58 : memref<128x128xf32, #tpu.memory_space<vmem_shared>>)
      tpu.yield
    }) : () -> ()
    %mul3A_18 = arith.constant 640 : i32
    %mul3A_19 = arith.muli %arg1, %mul3A_18 : i32
    %add3A_20 = arith.constant 384 : i32
    %add3A_21 = arith.addi %mul3A_19, %add3A_20 : i32
    "tpu.region"() ({
      %run_scoped3A = tpu.sem_alloc : memref<!tpu.dma_semaphore, #tpu.memory_space<semaphore_mem>>
      %dma_start3A = arith.constant 0 : i32
      %dma_start3A_53 = tpu.memref_slice %arg12[%add3A_21, %dma_start3A] : memref<10240x128xf32, #tpu.memory_space<vmem_shared>> -> memref<128x128xf32, #tpu.memory_space<vmem_shared>>
      %dma_start3A_54 = arith.constant 0 : i32
      %dma_start3A_55 = tpu.memref_slice %arg12[%add3A_21, %dma_start3A_54] : memref<10240x128xf32, #tpu.memory_space<vmem_shared>> -> memref<128x128xf32, #tpu.memory_space<vmem_shared>>
      tpu.enqueue_dma source(%arg11 : memref<128x128xf32, #tpu.memory_space<vmem>>) target(%dma_start3A_55 : memref<128x128xf32, #tpu.memory_space<vmem_shared>>) target_semaphore(%run_scoped3A : memref<!tpu.dma_semaphore, #tpu.memory_space<semaphore_mem>>)
      %dma_wait3A = arith.constant 0 : i32
      %dma_wait3A_56 = tpu.memref_slice %arg12[%add3A_21, %dma_wait3A] : memref<10240x128xf32, #tpu.memory_space<vmem_shared>> -> memref<128x128xf32, #tpu.memory_space<vmem_shared>>
      %dma_wait3A_57 = arith.constant 0 : i32
      %dma_wait3A_58 = tpu.memref_slice %arg12[%add3A_21, %dma_wait3A_57] : memref<10240x128xf32, #tpu.memory_space<vmem_shared>> -> memref<128x128xf32, #tpu.memory_space<vmem_shared>>
      tpu.wait_dma2 semaphore(%run_scoped3A : memref<!tpu.dma_semaphore, #tpu.memory_space<semaphore_mem>>) src(%arg11 : memref<128x128xf32, #tpu.memory_space<vmem>>) dst(%dma_wait3A_58 : memref<128x128xf32, #tpu.memory_space<vmem_shared>>)
      tpu.yield
    }) : () -> ()
    %mul3A_22 = arith.constant 640 : i32
    %mul3A_23 = arith.muli %arg1, %mul3A_22 : i32
    %add3A_24 = arith.constant 512 : i32
    %add3A_25 = arith.addi %mul3A_23, %add3A_24 : i32
    "tpu.region"() ({
      %run_scoped3A = tpu.sem_alloc : memref<!tpu.dma_semaphore, #tpu.memory_space<semaphore_mem>>
      %dma_start3A = arith.constant 0 : i32
      %dma_start3A_53 = tpu.memref_slice %arg12[%add3A_25, %dma_start3A] : memref<10240x128xf32, #tpu.memory_space<vmem_shared>> -> memref<128x128xf32, #tpu.memory_space<vmem_shared>>
      %dma_start3A_54 = arith.constant 0 : i32
      %dma_start3A_55 = tpu.memref_slice %arg12[%add3A_25, %dma_start3A_54] : memref<10240x128xf32, #tpu.memory_space<vmem_shared>> -> memref<128x128xf32, #tpu.memory_space<vmem_shared>>
      tpu.enqueue_dma source(%arg11 : memref<128x128xf32, #tpu.memory_space<vmem>>) target(%dma_start3A_55 : memref<128x128xf32, #tpu.memory_space<vmem_shared>>) target_semaphore(%run_scoped3A : memref<!tpu.dma_semaphore, #tpu.memory_space<semaphore_mem>>)
      %dma_wait3A = arith.constant 0 : i32
      %dma_wait3A_56 = tpu.memref_slice %arg12[%add3A_25, %dma_wait3A] : memref<10240x128xf32, #tpu.memory_space<vmem_shared>> -> memref<128x128xf32, #tpu.memory_space<vmem_shared>>
      %dma_wait3A_57 = arith.constant 0 : i32
      %dma_wait3A_58 = tpu.memref_slice %arg12[%add3A_25, %dma_wait3A_57] : memref<10240x128xf32, #tpu.memory_space<vmem_shared>> -> memref<128x128xf32, #tpu.memory_space<vmem_shared>>
      tpu.wait_dma2 semaphore(%run_scoped3A : memref<!tpu.dma_semaphore, #tpu.memory_space<semaphore_mem>>) src(%arg11 : memref<128x128xf32, #tpu.memory_space<vmem>>) dst(%dma_wait3A_58 : memref<128x128xf32, #tpu.memory_space<vmem_shared>>)
      tpu.yield
    }) : () -> ()
    "tpu.region"() ({
      %run_scoped3A = tpu.sem_alloc : memref<!tpu.dma_semaphore, #tpu.memory_space<semaphore_mem>>
      %dma_start3A = arith.constant 0 : i32
      %dma_start3A_53 = arith.constant 0 : i32
      %dma_start3A_54 = tpu.memref_slice %arg4[%add3A, %dma_start3A, %dma_start3A_53] : memref<32x79x128xi32, #tpu.memory_space<hbm>> -> memref<1x79x128xi32, #tpu.memory_space<hbm>>
      %dma_start3A_55 = tpu.memref_squeeze %dma_start3A_54 : memref<1x79x128xi32, #tpu.memory_space<hbm>> -> memref<79x128xi32, #tpu.memory_space<hbm>>
      %dma_start3A_56 = arith.constant 0 : i32
      %dma_start3A_57 = arith.constant 0 : i32
      %dma_start3A_58 = tpu.memref_slice %arg4[%add3A, %dma_start3A_56, %dma_start3A_57] : memref<32x79x128xi32, #tpu.memory_space<hbm>> -> memref<1x79x128xi32, #tpu.memory_space<hbm>>
      %dma_start3A_59 = tpu.memref_squeeze %dma_start3A_58 : memref<1x79x128xi32, #tpu.memory_space<hbm>> -> memref<79x128xi32, #tpu.memory_space<hbm>>
      tpu.enqueue_dma source(%dma_start3A_59 : memref<79x128xi32, #tpu.memory_space<hbm>>) target(%arg7 : memref<79x128xi32, #tpu.memory_space<vmem>>) target_semaphore(%run_scoped3A : memref<!tpu.dma_semaphore, #tpu.memory_space<semaphore_mem>>)
      %dma_wait3A = arith.constant 0 : i32
      %dma_wait3A_60 = arith.constant 0 : i32
      %dma_wait3A_61 = tpu.memref_slice %arg4[%add3A, %dma_wait3A, %dma_wait3A_60] : memref<32x79x128xi32, #tpu.memory_space<hbm>> -> memref<1x79x128xi32, #tpu.memory_space<hbm>>
      %dma_wait3A_62 = tpu.memref_squeeze %dma_wait3A_61 : memref<1x79x128xi32, #tpu.memory_space<hbm>> -> memref<79x128xi32, #tpu.memory_space<hbm>>
      %dma_wait3A_63 = arith.constant 0 : i32
      %dma_wait3A_64 = arith.constant 0 : i32
      %dma_wait3A_65 = tpu.memref_slice %arg4[%add3A, %dma_wait3A_63, %dma_wait3A_64] : memref<32x79x128xi32, #tpu.memory_space<hbm>> -> memref<1x79x128xi32, #tpu.memory_space<hbm>>
      %dma_wait3A_66 = tpu.memref_squeeze %dma_wait3A_65 : memref<1x79x128xi32, #tpu.memory_space<hbm>> -> memref<79x128xi32, #tpu.memory_space<hbm>>
      tpu.wait_dma2 semaphore(%run_scoped3A : memref<!tpu.dma_semaphore, #tpu.memory_space<semaphore_mem>>) src(%dma_wait3A_66 : memref<79x128xi32, #tpu.memory_space<hbm>>) dst(%arg7 : memref<79x128xi32, #tpu.memory_space<vmem>>)
      tpu.yield
    }) : () -> ()
    "tpu.region"() ({
      %run_scoped3A = tpu.sem_alloc : memref<!tpu.dma_semaphore, #tpu.memory_space<semaphore_mem>>
      %dma_start3A = arith.constant 0 : i32
      %dma_start3A_53 = arith.constant 0 : i32
      %dma_start3A_54 = tpu.memref_slice %arg5[%add3A, %dma_start3A, %dma_start3A_53] : memref<32x79x128xi32, #tpu.memory_space<hbm>> -> memref<1x79x128xi32, #tpu.memory_space<hbm>>
      %dma_start3A_55 = tpu.memref_squeeze %dma_start3A_54 : memref<1x79x128xi32, #tpu.memory_space<hbm>> -> memref<79x128xi32, #tpu.memory_space<hbm>>
      %dma_start3A_56 = arith.constant 0 : i32
      %dma_start3A_57 = arith.constant 0 : i32
      %dma_start3A_58 = tpu.memref_slice %arg5[%add3A, %dma_start3A_56, %dma_start3A_57] : memref<32x79x128xi32, #tpu.memory_space<hbm>> -> memref<1x79x128xi32, #tpu.memory_space<hbm>>
      %dma_start3A_59 = tpu.memref_squeeze %dma_start3A_58 : memref<1x79x128xi32, #tpu.memory_space<hbm>> -> memref<79x128xi32, #tpu.memory_space<hbm>>
      tpu.enqueue_dma source(%dma_start3A_59 : memref<79x128xi32, #tpu.memory_space<hbm>>) target(%arg8 : memref<79x128xi32, #tpu.memory_space<vmem>>) target_semaphore(%run_scoped3A : memref<!tpu.dma_semaphore, #tpu.memory_space<semaphore_mem>>)
      %dma_wait3A = arith.constant 0 : i32
      %dma_wait3A_60 = arith.constant 0 : i32
      %dma_wait3A_61 = tpu.memref_slice %arg5[%add3A, %dma_wait3A, %dma_wait3A_60] : memref<32x79x128xi32, #tpu.memory_space<hbm>> -> memref<1x79x128xi32, #tpu.memory_space<hbm>>
      %dma_wait3A_62 = tpu.memref_squeeze %dma_wait3A_61 : memref<1x79x128xi32, #tpu.memory_space<hbm>> -> memref<79x128xi32, #tpu.memory_space<hbm>>
      %dma_wait3A_63 = arith.constant 0 : i32
      %dma_wait3A_64 = arith.constant 0 : i32
      %dma_wait3A_65 = tpu.memref_slice %arg5[%add3A, %dma_wait3A_63, %dma_wait3A_64] : memref<32x79x128xi32, #tpu.memory_space<hbm>> -> memref<1x79x128xi32, #tpu.memory_space<hbm>>
      %dma_wait3A_66 = tpu.memref_squeeze %dma_wait3A_65 : memref<1x79x128xi32, #tpu.memory_space<hbm>> -> memref<79x128xi32, #tpu.memory_space<hbm>>
      tpu.wait_dma2 semaphore(%run_scoped3A : memref<!tpu.dma_semaphore, #tpu.memory_space<semaphore_mem>>) src(%dma_wait3A_66 : memref<79x128xi32, #tpu.memory_space<hbm>>) dst(%arg8 : memref<79x128xi32, #tpu.memory_space<vmem>>)
      tpu.yield
    }) : () -> ()
    "tpu.region"() ({
      %run_scoped3A = tpu.sem_alloc : memref<!tpu.dma_semaphore, #tpu.memory_space<semaphore_mem>>
      %dma_start3A = arith.constant 0 : i32
      %dma_start3A_53 = tpu.memref_slice %arg3[%add3A, %dma_start3A] : memref<32x10112xf32, #tpu.memory_space<hbm>> -> memref<1x10112xf32, #tpu.memory_space<hbm>>
      %dma_start3A_54 = tpu.memref_squeeze %dma_start3A_53 : memref<1x10112xf32, #tpu.memory_space<hbm>> -> memref<10112xf32, #tpu.memory_space<hbm>>
      %dma_start3A_55 = arith.constant 0 : i32
      %dma_start3A_56 = tpu.memref_slice %arg3[%add3A, %dma_start3A_55] : memref<32x10112xf32, #tpu.memory_space<hbm>> -> memref<1x10112xf32, #tpu.memory_space<hbm>>
      %dma_start3A_57 = tpu.memref_squeeze %dma_start3A_56 : memref<1x10112xf32, #tpu.memory_space<hbm>> -> memref<10112xf32, #tpu.memory_space<hbm>>
      tpu.enqueue_dma source(%dma_start3A_57 : memref<10112xf32, #tpu.memory_space<hbm>>) target(%arg9 : memref<10112xf32, #tpu.memory_space<vmem>>) target_semaphore(%run_scoped3A : memref<!tpu.dma_semaphore, #tpu.memory_space<semaphore_mem>>)
      %dma_wait3A = arith.constant 0 : i32
      %dma_wait3A_58 = tpu.memref_slice %arg3[%add3A, %dma_wait3A] : memref<32x10112xf32, #tpu.memory_space<hbm>> -> memref<1x10112xf32, #tpu.memory_space<hbm>>
      %dma_wait3A_59 = tpu.memref_squeeze %dma_wait3A_58 : memref<1x10112xf32, #tpu.memory_space<hbm>> -> memref<10112xf32, #tpu.memory_space<hbm>>
      %dma_wait3A_60 = arith.constant 0 : i32
      %dma_wait3A_61 = tpu.memref_slice %arg3[%add3A, %dma_wait3A_60] : memref<32x10112xf32, #tpu.memory_space<hbm>> -> memref<1x10112xf32, #tpu.memory_space<hbm>>
      %dma_wait3A_62 = tpu.memref_squeeze %dma_wait3A_61 : memref<1x10112xf32, #tpu.memory_space<hbm>> -> memref<10112xf32, #tpu.memory_space<hbm>>
      tpu.wait_dma2 semaphore(%run_scoped3A : memref<!tpu.dma_semaphore, #tpu.memory_space<semaphore_mem>>) src(%dma_wait3A_62 : memref<10112xf32, #tpu.memory_space<hbm>>) dst(%arg9 : memref<10112xf32, #tpu.memory_space<vmem>>)
      tpu.yield
    }) : () -> ()
    %barrier3A = arith.constant 0 : index
    tpu.barrier barrier_id(%barrier3A)
    %scan3A_26 = arith.constant 0 : i32
    %scan3A_27 = arith.constant 0 : i32
    %scan3A_28 = arith.constant 79 : i32
    %scan3A_29 = arith.addi %scan3A_27, %scan3A_28 : i32
    %scan3A_30 = arith.constant 1 : i32
    scf.for %scan3A_53 = %scan3A_27 to %scan3A_29 step %scan3A_30  : i32 {
      %dma_start3A = arith.constant 0 : i32
      %dma_start3A_54 = tpu.memref_slice %arg8[%scan3A_53, %dma_start3A] : memref<79x128xi32, #tpu.memory_space<vmem>> -> memref<1x128xi32, #tpu.memory_space<vmem>>
      %dma_start3A_55 = tpu.memref_squeeze %dma_start3A_54 : memref<1x128xi32, #tpu.memory_space<vmem>> -> memref<128xi32, #tpu.memory_space<vmem>>
      %dma_start3A_56 = arith.constant 0 : i32
      %dma_start3A_57 = arith.constant 0 : i32
      %dma_start3A_58 = tpu.memref_slice %arg2[%dma_start3A_56, %dma_start3A_57] : memref<10000x128xf32, #tpu.memory_space<hbm>> -> memref<10000x128xf32, #tpu.memory_space<hbm>>
      tpu.enqueue_indirect_dma source(%dma_start3A_58 : memref<10000x128xf32, #tpu.memory_space<hbm>>) target(%arg11 : memref<128x128xf32, #tpu.memory_space<vmem>>) offsets(%dma_start3A_55 : memref<128xi32, #tpu.memory_space<vmem>>) semaphore(%arg13 : memref<!tpu.dma_semaphore, #tpu.memory_space<semaphore_mem>>)
      %dma_wait3A = arith.constant 0 : i32
      %dma_wait3A_59 = tpu.memref_slice %arg8[%scan3A_53, %dma_wait3A] : memref<79x128xi32, #tpu.memory_space<vmem>> -> memref<1x128xi32, #tpu.memory_space<vmem>>
      %dma_wait3A_60 = tpu.memref_squeeze %dma_wait3A_59 : memref<1x128xi32, #tpu.memory_space<vmem>> -> memref<128xi32, #tpu.memory_space<vmem>>
      %dma_wait3A_61 = arith.constant 0 : i32
      %dma_wait3A_62 = arith.constant 0 : i32
      %dma_wait3A_63 = tpu.memref_slice %arg2[%dma_wait3A_61, %dma_wait3A_62] : memref<10000x128xf32, #tpu.memory_space<hbm>> -> memref<10000x128xf32, #tpu.memory_space<hbm>>
      tpu.wait_indirect_dma semaphore(%arg13 : memref<!tpu.dma_semaphore, #tpu.memory_space<semaphore_mem>>) src(%dma_wait3A_63 : memref<10000x128xf32, #tpu.memory_space<hbm>>) dst(%arg11 : memref<128x128xf32, #tpu.memory_space<vmem>>)
      %scan3A_64 = arith.constant 0 : i32
      %scan3A_65 = arith.constant 0 : i32
      %scan3A_66 = arith.constant 128 : i32
      %scan3A_67 = arith.addi %scan3A_65, %scan3A_66 : i32
      %scan3A_68 = arith.constant 1 : i32
      scf.for %scan3A_70 = %scan3A_65 to %scan3A_67 step %scan3A_68  : i32 {
        %broadcast_in_dim3A = arith.constant 0 : i32
        %broadcast_in_dim3A_71 = vector.broadcast %broadcast_in_dim3A : i32 to vector<16xi32>
        %mul3A_72 = arith.constant 128 : i32
        %mul3A_73 = arith.muli %scan3A_53, %mul3A_72 : i32
        %add3A_74 = arith.addi %mul3A_73, %scan3A_70 : i32
        %add3A_75 = vector.broadcast %add3A_74 : i32 to vector<16xi32>
        %add3A_76 = arith.addi %broadcast_in_dim3A_71, %add3A_75 : vector<16xi32>
        %gather3A = tpu.vector_load_idx %arg9[%add3A_76] : memref<10112xf32, #tpu.memory_space<vmem>>[vector<16xi32>], vector<16xf32>,
        %get3A = arith.index_cast %scan3A_70 : i32 to index
        %get3A_77 = arith.constant 0 : index
        %get3A_78 = tpu.vector_load %arg11[%get3A, %get3A_77] {strides = array<i32>} : memref<128x128xf32, #tpu.memory_space<vmem>>, vector<16xf32>,
        %mul3A_79 = arith.mulf %get3A_78, %gather3A : vector<16xf32>
        %swap3A = arith.index_cast %scan3A_70 : i32 to index
        %swap3A_80 = arith.constant 0 : index
        %swap3A_81 = tpu.vector_load %arg11[%swap3A, %swap3A_80] {strides = array<i32>} : memref<128x128xf32, #tpu.memory_space<vmem>>, vector<16xf32>,
        tpu.vector_store %arg11[%swap3A, %swap3A_80], %mul3A_79 {strides = array<i32>} : memref<128x128xf32, #tpu.memory_space<vmem>>, vector<16xf32>,
        %get3A_82 = arith.index_cast %scan3A_70 : i32 to index
        %get3A_83 = arith.constant 16 : index
        %get3A_84 = tpu.vector_load %arg11[%get3A_82, %get3A_83] {strides = array<i32>} : memref<128x128xf32, #tpu.memory_space<vmem>>, vector<16xf32>,
        %mul3A_85 = arith.mulf %get3A_84, %gather3A : vector<16xf32>
        %swap3A_86 = arith.index_cast %scan3A_70 : i32 to index
        %swap3A_87 = arith.constant 16 : index
        %swap3A_88 = tpu.vector_load %arg11[%swap3A_86, %swap3A_87] {strides = array<i32>} : memref<128x128xf32, #tpu.memory_space<vmem>>, vector<16xf32>,
        tpu.vector_store %arg11[%swap3A_86, %swap3A_87], %mul3A_85 {strides = array<i32>} : memref<128x128xf32, #tpu.memory_space<vmem>>, vector<16xf32>,
        %get3A_89 = arith.index_cast %scan3A_70 : i32 to index
        %get3A_90 = arith.constant 32 : index
        %get3A_91 = tpu.vector_load %arg11[%get3A_89, %get3A_90] {strides = array<i32>} : memref<128x128xf32, #tpu.memory_space<vmem>>, vector<16xf32>,
        %mul3A_92 = arith.mulf %get3A_91, %gather3A : vector<16xf32>
        %swap3A_93 = arith.index_cast %scan3A_70 : i32 to index
        %swap3A_94 = arith.constant 32 : index
        %swap3A_95 = tpu.vector_load %arg11[%swap3A_93, %swap3A_94] {strides = array<i32>} : memref<128x128xf32, #tpu.memory_space<vmem>>, vector<16xf32>,
        tpu.vector_store %arg11[%swap3A_93, %swap3A_94], %mul3A_92 {strides = array<i32>} : memref<128x128xf32, #tpu.memory_space<vmem>>, vector<16xf32>,
        %get3A_96 = arith.index_cast %scan3A_70 : i32 to index
        %get3A_97 = arith.constant 48 : index
        %get3A_98 = tpu.vector_load %arg11[%get3A_96, %get3A_97] {strides = array<i32>} : memref<128x128xf32, #tpu.memory_space<vmem>>, vector<16xf32>,
        %mul3A_99 = arith.mulf %get3A_98, %gather3A : vector<16xf32>
        %swap3A_100 = arith.index_cast %scan3A_70 : i32 to index
        %swap3A_101 = arith.constant 48 : index
        %swap3A_102 = tpu.vector_load %arg11[%swap3A_100, %swap3A_101] {strides = array<i32>} : memref<128x128xf32, #tpu.memory_space<vmem>>, vector<16xf32>,
        tpu.vector_store %arg11[%swap3A_100, %swap3A_101], %mul3A_99 {strides = array<i32>} : memref<128x128xf32, #tpu.memory_space<vmem>>, vector<16xf32>,
        %get3A_103 = arith.index_cast %scan3A_70 : i32 to index
        %get3A_104 = arith.constant 64 : index
        %get3A_105 = tpu.vector_load %arg11[%get3A_103, %get3A_104] {strides = array<i32>} : memref<128x128xf32, #tpu.memory_space<vmem>>, vector<16xf32>,
        %mul3A_106 = arith.mulf %get3A_105, %gather3A : vector<16xf32>
        %swap3A_107 = arith.index_cast %scan3A_70 : i32 to index
        %swap3A_108 = arith.constant 64 : index
        %swap3A_109 = tpu.vector_load %arg11[%swap3A_107, %swap3A_108] {strides = array<i32>} : memref<128x128xf32, #tpu.memory_space<vmem>>, vector<16xf32>,
        tpu.vector_store %arg11[%swap3A_107, %swap3A_108], %mul3A_106 {strides = array<i32>} : memref<128x128xf32, #tpu.memory_space<vmem>>, vector<16xf32>,
        %get3A_110 = arith.index_cast %scan3A_70 : i32 to index
        %get3A_111 = arith.constant 80 : index
        %get3A_112 = tpu.vector_load %arg11[%get3A_110, %get3A_111] {strides = array<i32>} : memref<128x128xf32, #tpu.memory_space<vmem>>, vector<16xf32>,
        %mul3A_113 = arith.mulf %get3A_112, %gather3A : vector<16xf32>
        %swap3A_114 = arith.index_cast %scan3A_70 : i32 to index
        %swap3A_115 = arith.constant 80 : index
        %swap3A_116 = tpu.vector_load %arg11[%swap3A_114, %swap3A_115] {strides = array<i32>} : memref<128x128xf32, #tpu.memory_space<vmem>>, vector<16xf32>,
        tpu.vector_store %arg11[%swap3A_114, %swap3A_115], %mul3A_113 {strides = array<i32>} : memref<128x128xf32, #tpu.memory_space<vmem>>, vector<16xf32>,
        %get3A_117 = arith.index_cast %scan3A_70 : i32 to index
        %get3A_118 = arith.constant 96 : index
        %get3A_119 = tpu.vector_load %arg11[%get3A_117, %get3A_118] {strides = array<i32>} : memref<128x128xf32, #tpu.memory_space<vmem>>, vector<16xf32>,
        %mul3A_120 = arith.mulf %get3A_119, %gather3A : vector<16xf32>
        %swap3A_121 = arith.index_cast %scan3A_70 : i32 to index
        %swap3A_122 = arith.constant 96 : index
        %swap3A_123 = tpu.vector_load %arg11[%swap3A_121, %swap3A_122] {strides = array<i32>} : memref<128x128xf32, #tpu.memory_space<vmem>>, vector<16xf32>,
        tpu.vector_store %arg11[%swap3A_121, %swap3A_122], %mul3A_120 {strides = array<i32>} : memref<128x128xf32, #tpu.memory_space<vmem>>, vector<16xf32>,
        %get3A_124 = arith.index_cast %scan3A_70 : i32 to index
        %get3A_125 = arith.constant 112 : index
        %get3A_126 = tpu.vector_load %arg11[%get3A_124, %get3A_125] {strides = array<i32>} : memref<128x128xf32, #tpu.memory_space<vmem>>, vector<16xf32>,
        %mul3A_127 = arith.mulf %get3A_126, %gather3A : vector<16xf32>
        %swap3A_128 = arith.index_cast %scan3A_70 : i32 to index
        %swap3A_129 = arith.constant 112 : index
        %swap3A_130 = tpu.vector_load %arg11[%swap3A_128, %swap3A_129] {strides = array<i32>} : memref<128x128xf32, #tpu.memory_space<vmem>>, vector<16xf32>,
        tpu.vector_store %arg11[%swap3A_128, %swap3A_129], %mul3A_127 {strides = array<i32>} : memref<128x128xf32, #tpu.memory_space<vmem>>, vector<16xf32>,
      }
      %scan3A_69 = arith.constant 128 : i32
      "tpu.region"() ({
        %run_scoped3A = tpu.sem_alloc : memref<!tpu.dma_semaphore, #tpu.memory_space<semaphore_mem>>
        %dma_start3A_70 = arith.constant 0 : i32
        %dma_start3A_71 = tpu.memref_slice %arg7[%scan3A_53, %dma_start3A_70] : memref<79x128xi32, #tpu.memory_space<vmem>> -> memref<1x128xi32, #tpu.memory_space<vmem>>
        %dma_start3A_72 = tpu.memref_squeeze %dma_start3A_71 : memref<1x128xi32, #tpu.memory_space<vmem>> -> memref<128xi32, #tpu.memory_space<vmem>>
        %dma_start3A_73 = arith.constant 0 : i32
        %dma_start3A_74 = arith.constant 0 : i32
        %dma_start3A_75 = tpu.memref_slice %arg12[%dma_start3A_73, %dma_start3A_74] : memref<10240x128xf32, #tpu.memory_space<vmem_shared>> -> memref<10240x128xf32, #tpu.memory_space<vmem_shared>>
        tpu.enqueue_indirect_dma source(%arg11 : memref<128x128xf32, #tpu.memory_space<vmem>>) target(%dma_start3A_75 : memref<10240x128xf32, #tpu.memory_space<vmem_shared>>) offsets(%dma_start3A_72 : memref<128xi32, #tpu.memory_space<vmem>>) semaphore(%run_scoped3A : memref<!tpu.dma_semaphore, #tpu.memory_space<semaphore_mem>>) {add = true}
        %dma_wait3A_76 = arith.constant 0 : i32
        %dma_wait3A_77 = tpu.memref_slice %arg7[%scan3A_53, %dma_wait3A_76] : memref<79x128xi32, #tpu.memory_space<vmem>> -> memref<1x128xi32, #tpu.memory_space<vmem>>
        %dma_wait3A_78 = tpu.memref_squeeze %dma_wait3A_77 : memref<1x128xi32, #tpu.memory_space<vmem>> -> memref<128xi32, #tpu.memory_space<vmem>>
        %dma_wait3A_79 = arith.constant 0 : i32
        %dma_wait3A_80 = arith.constant 0 : i32
        %dma_wait3A_81 = tpu.memref_slice %arg12[%dma_wait3A_79, %dma_wait3A_80] : memref<10240x128xf32, #tpu.memory_space<vmem_shared>> -> memref<10240x128xf32, #tpu.memory_space<vmem_shared>>
        tpu.wait_indirect_dma semaphore(%run_scoped3A : memref<!tpu.dma_semaphore, #tpu.memory_space<semaphore_mem>>) src(%arg11 : memref<128x128xf32, #tpu.memory_space<vmem>>) dst(%dma_wait3A_81 : memref<10240x128xf32, #tpu.memory_space<vmem_shared>>)
        tpu.yield
      }) : () -> ()
    }
    %scan3A_31 = arith.constant 79 : i32
    %barrier3A_32 = arith.constant 0 : index
    tpu.barrier barrier_id(%barrier3A_32)
    %mul3A_33 = arith.constant 640 : i32
    %mul3A_34 = arith.muli %arg1, %mul3A_33 : i32
    %add3A_35 = arith.constant 0 : i32
    %add3A_36 = arith.addi %mul3A_34, %add3A_35 : i32
    "tpu.region"() ({
      %run_scoped3A = tpu.sem_alloc : memref<!tpu.dma_semaphore, #tpu.memory_space<semaphore_mem>>
      %dma_start3A = arith.constant 0 : i32
      %dma_start3A_53 = tpu.memref_slice %arg6[%arg0, %add3A_36, %dma_start3A] : memref<2x10240x128xf32, #tpu.memory_space<hbm>> -> memref<1x128x128xf32, #tpu.memory_space<hbm>>
      %dma_start3A_54 = tpu.memref_squeeze %dma_start3A_53 : memref<1x128x128xf32, #tpu.memory_space<hbm>> -> memref<128x128xf32, #tpu.memory_space<hbm>>
      %dma_start3A_55 = arith.constant 0 : i32
      %dma_start3A_56 = tpu.memref_slice %arg12[%add3A_36, %dma_start3A_55] : memref<10240x128xf32, #tpu.memory_space<vmem_shared>> -> memref<128x128xf32, #tpu.memory_space<vmem_shared>>
      tpu.enqueue_dma source(%dma_start3A_56 : memref<128x128xf32, #tpu.memory_space<vmem_shared>>) target(%dma_start3A_54 : memref<128x128xf32, #tpu.memory_space<hbm>>) target_semaphore(%run_scoped3A : memref<!tpu.dma_semaphore, #tpu.memory_space<semaphore_mem>>)
      %dma_wait3A = arith.constant 0 : i32
      %dma_wait3A_57 = tpu.memref_slice %arg6[%arg0, %add3A_36, %dma_wait3A] : memref<2x10240x128xf32, #tpu.memory_space<hbm>> -> memref<1x128x128xf32, #tpu.memory_space<hbm>>
      %dma_wait3A_58 = tpu.memref_squeeze %dma_wait3A_57 : memref<1x128x128xf32, #tpu.memory_space<hbm>> -> memref<128x128xf32, #tpu.memory_space<hbm>>
      %dma_wait3A_59 = arith.constant 0 : i32
      %dma_wait3A_60 = tpu.memref_slice %arg12[%add3A_36, %dma_wait3A_59] : memref<10240x128xf32, #tpu.memory_space<vmem_shared>> -> memref<128x128xf32, #tpu.memory_space<vmem_shared>>
      tpu.wait_dma2 semaphore(%run_scoped3A : memref<!tpu.dma_semaphore, #tpu.memory_space<semaphore_mem>>) src(%dma_wait3A_60 : memref<128x128xf32, #tpu.memory_space<vmem_shared>>) dst(%dma_wait3A_58 : memref<128x128xf32, #tpu.memory_space<hbm>>)
      tpu.yield
    }) : () -> ()
    %mul3A_37 = arith.constant 640 : i32
    %mul3A_38 = arith.muli %arg1, %mul3A_37 : i32
    %add3A_39 = arith.constant 128 : i32
    %add3A_40 = arith.addi %mul3A_38, %add3A_39 : i32
    "tpu.region"() ({
      %run_scoped3A = tpu.sem_alloc : memref<!tpu.dma_semaphore, #tpu.memory_space<semaphore_mem>>
      %dma_start3A = arith.constant 0 : i32
      %dma_start3A_53 = tpu.memref_slice %arg6[%arg0, %add3A_40, %dma_start3A] : memref<2x10240x128xf32, #tpu.memory_space<hbm>> -> memref<1x128x128xf32, #tpu.memory_space<hbm>>
      %dma_start3A_54 = tpu.memref_squeeze %dma_start3A_53 : memref<1x128x128xf32, #tpu.memory_space<hbm>> -> memref<128x128xf32, #tpu.memory_space<hbm>>
      %dma_start3A_55 = arith.constant 0 : i32
      %dma_start3A_56 = tpu.memref_slice %arg12[%add3A_40, %dma_start3A_55] : memref<10240x128xf32, #tpu.memory_space<vmem_shared>> -> memref<128x128xf32, #tpu.memory_space<vmem_shared>>
      tpu.enqueue_dma source(%dma_start3A_56 : memref<128x128xf32, #tpu.memory_space<vmem_shared>>) target(%dma_start3A_54 : memref<128x128xf32, #tpu.memory_space<hbm>>) target_semaphore(%run_scoped3A : memref<!tpu.dma_semaphore, #tpu.memory_space<semaphore_mem>>)
      %dma_wait3A = arith.constant 0 : i32
      %dma_wait3A_57 = tpu.memref_slice %arg6[%arg0, %add3A_40, %dma_wait3A] : memref<2x10240x128xf32, #tpu.memory_space<hbm>> -> memref<1x128x128xf32, #tpu.memory_space<hbm>>
      %dma_wait3A_58 = tpu.memref_squeeze %dma_wait3A_57 : memref<1x128x128xf32, #tpu.memory_space<hbm>> -> memref<128x128xf32, #tpu.memory_space<hbm>>
      %dma_wait3A_59 = arith.constant 0 : i32
      %dma_wait3A_60 = tpu.memref_slice %arg12[%add3A_40, %dma_wait3A_59] : memref<10240x128xf32, #tpu.memory_space<vmem_shared>> -> memref<128x128xf32, #tpu.memory_space<vmem_shared>>
      tpu.wait_dma2 semaphore(%run_scoped3A : memref<!tpu.dma_semaphore, #tpu.memory_space<semaphore_mem>>) src(%dma_wait3A_60 : memref<128x128xf32, #tpu.memory_space<vmem_shared>>) dst(%dma_wait3A_58 : memref<128x128xf32, #tpu.memory_space<hbm>>)
      tpu.yield
    }) : () -> ()
    %mul3A_41 = arith.constant 640 : i32
    %mul3A_42 = arith.muli %arg1, %mul3A_41 : i32
    %add3A_43 = arith.constant 256 : i32
    %add3A_44 = arith.addi %mul3A_42, %add3A_43 : i32
    "tpu.region"() ({
      %run_scoped3A = tpu.sem_alloc : memref<!tpu.dma_semaphore, #tpu.memory_space<semaphore_mem>>
      %dma_start3A = arith.constant 0 : i32
      %dma_start3A_53 = tpu.memref_slice %arg6[%arg0, %add3A_44, %dma_start3A] : memref<2x10240x128xf32, #tpu.memory_space<hbm>> -> memref<1x128x128xf32, #tpu.memory_space<hbm>>
      %dma_start3A_54 = tpu.memref_squeeze %dma_start3A_53 : memref<1x128x128xf32, #tpu.memory_space<hbm>> -> memref<128x128xf32, #tpu.memory_space<hbm>>
      %dma_start3A_55 = arith.constant 0 : i32
      %dma_start3A_56 = tpu.memref_slice %arg12[%add3A_44, %dma_start3A_55] : memref<10240x128xf32, #tpu.memory_space<vmem_shared>> -> memref<128x128xf32, #tpu.memory_space<vmem_shared>>
      tpu.enqueue_dma source(%dma_start3A_56 : memref<128x128xf32, #tpu.memory_space<vmem_shared>>) target(%dma_start3A_54 : memref<128x128xf32, #tpu.memory_space<hbm>>) target_semaphore(%run_scoped3A : memref<!tpu.dma_semaphore, #tpu.memory_space<semaphore_mem>>)
      %dma_wait3A = arith.constant 0 : i32
      %dma_wait3A_57 = tpu.memref_slice %arg6[%arg0, %add3A_44, %dma_wait3A] : memref<2x10240x128xf32, #tpu.memory_space<hbm>> -> memref<1x128x128xf32, #tpu.memory_space<hbm>>
      %dma_wait3A_58 = tpu.memref_squeeze %dma_wait3A_57 : memref<1x128x128xf32, #tpu.memory_space<hbm>> -> memref<128x128xf32, #tpu.memory_space<hbm>>
      %dma_wait3A_59 = arith.constant 0 : i32
      %dma_wait3A_60 = tpu.memref_slice %arg12[%add3A_44, %dma_wait3A_59] : memref<10240x128xf32, #tpu.memory_space<vmem_shared>> -> memref<128x128xf32, #tpu.memory_space<vmem_shared>>
      tpu.wait_dma2 semaphore(%run_scoped3A : memref<!tpu.dma_semaphore, #tpu.memory_space<semaphore_mem>>) src(%dma_wait3A_60 : memref<128x128xf32, #tpu.memory_space<vmem_shared>>) dst(%dma_wait3A_58 : memref<128x128xf32, #tpu.memory_space<hbm>>)
      tpu.yield
    }) : () -> ()
    %mul3A_45 = arith.constant 640 : i32
    %mul3A_46 = arith.muli %arg1, %mul3A_45 : i32
    %add3A_47 = arith.constant 384 : i32
    %add3A_48 = arith.addi %mul3A_46, %add3A_47 : i32
    "tpu.region"() ({
      %run_scoped3A = tpu.sem_alloc : memref<!tpu.dma_semaphore, #tpu.memory_space<semaphore_mem>>
      %dma_start3A = arith.constant 0 : i32
      %dma_start3A_53 = tpu.memref_slice %arg6[%arg0, %add3A_48, %dma_start3A] : memref<2x10240x128xf32, #tpu.memory_space<hbm>> -> memref<1x128x128xf32, #tpu.memory_space<hbm>>
      %dma_start3A_54 = tpu.memref_squeeze %dma_start3A_53 : memref<1x128x128xf32, #tpu.memory_space<hbm>> -> memref<128x128xf32, #tpu.memory_space<hbm>>
      %dma_start3A_55 = arith.constant 0 : i32
      %dma_start3A_56 = tpu.memref_slice %arg12[%add3A_48, %dma_start3A_55] : memref<10240x128xf32, #tpu.memory_space<vmem_shared>> -> memref<128x128xf32, #tpu.memory_space<vmem_shared>>
      tpu.enqueue_dma source(%dma_start3A_56 : memref<128x128xf32, #tpu.memory_space<vmem_shared>>) target(%dma_start3A_54 : memref<128x128xf32, #tpu.memory_space<hbm>>) target_semaphore(%run_scoped3A : memref<!tpu.dma_semaphore, #tpu.memory_space<semaphore_mem>>)
      %dma_wait3A = arith.constant 0 : i32
      %dma_wait3A_57 = tpu.memref_slice %arg6[%arg0, %add3A_48, %dma_wait3A] : memref<2x10240x128xf32, #tpu.memory_space<hbm>> -> memref<1x128x128xf32, #tpu.memory_space<hbm>>
      %dma_wait3A_58 = tpu.memref_squeeze %dma_wait3A_57 : memref<1x128x128xf32, #tpu.memory_space<hbm>> -> memref<128x128xf32, #tpu.memory_space<hbm>>
      %dma_wait3A_59 = arith.constant 0 : i32
      %dma_wait3A_60 = tpu.memref_slice %arg12[%add3A_48, %dma_wait3A_59] : memref<10240x128xf32, #tpu.memory_space<vmem_shared>> -> memref<128x128xf32, #tpu.memory_space<vmem_shared>>
      tpu.wait_dma2 semaphore(%run_scoped3A : memref<!tpu.dma_semaphore, #tpu.memory_space<semaphore_mem>>) src(%dma_wait3A_60 : memref<128x128xf32, #tpu.memory_space<vmem_shared>>) dst(%dma_wait3A_58 : memref<128x128xf32, #tpu.memory_space<hbm>>)
      tpu.yield
    }) : () -> ()
    %mul3A_49 = arith.constant 640 : i32
    %mul3A_50 = arith.muli %arg1, %mul3A_49 : i32
    %add3A_51 = arith.constant 512 : i32
    %add3A_52 = arith.addi %mul3A_50, %add3A_51 : i32
    "tpu.region"() ({
      %run_scoped3A = tpu.sem_alloc : memref<!tpu.dma_semaphore, #tpu.memory_space<semaphore_mem>>
      %dma_start3A = arith.constant 0 : i32
      %dma_start3A_53 = tpu.memref_slice %arg6[%arg0, %add3A_52, %dma_start3A] : memref<2x10240x128xf32, #tpu.memory_space<hbm>> -> memref<1x128x128xf32, #tpu.memory_space<hbm>>
      %dma_start3A_54 = tpu.memref_squeeze %dma_start3A_53 : memref<1x128x128xf32, #tpu.memory_space<hbm>> -> memref<128x128xf32, #tpu.memory_space<hbm>>
      %dma_start3A_55 = arith.constant 0 : i32
      %dma_start3A_56 = tpu.memref_slice %arg12[%add3A_52, %dma_start3A_55] : memref<10240x128xf32, #tpu.memory_space<vmem_shared>> -> memref<128x128xf32, #tpu.memory_space<vmem_shared>>
      tpu.enqueue_dma source(%dma_start3A_56 : memref<128x128xf32, #tpu.memory_space<vmem_shared>>) target(%dma_start3A_54 : memref<128x128xf32, #tpu.memory_space<hbm>>) target_semaphore(%run_scoped3A : memref<!tpu.dma_semaphore, #tpu.memory_space<semaphore_mem>>)
      %dma_wait3A = arith.constant 0 : i32
      %dma_wait3A_57 = tpu.memref_slice %arg6[%arg0, %add3A_52, %dma_wait3A] : memref<2x10240x128xf32, #tpu.memory_space<hbm>> -> memref<1x128x128xf32, #tpu.memory_space<hbm>>
      %dma_wait3A_58 = tpu.memref_squeeze %dma_wait3A_57 : memref<1x128x128xf32, #tpu.memory_space<hbm>> -> memref<128x128xf32, #tpu.memory_space<hbm>>
      %dma_wait3A_59 = arith.constant 0 : i32
      %dma_wait3A_60 = tpu.memref_slice %arg12[%add3A_52, %dma_wait3A_59] : memref<10240x128xf32, #tpu.memory_space<vmem_shared>> -> memref<128x128xf32, #tpu.memory_space<vmem_shared>>
      tpu.wait_dma2 semaphore(%run_scoped3A : memref<!tpu.dma_semaphore, #tpu.memory_space<semaphore_mem>>) src(%dma_wait3A_60 : memref<128x128xf32, #tpu.memory_space<vmem_shared>>) dst(%dma_wait3A_58 : memref<128x128xf32, #tpu.memory_space<hbm>>)
      tpu.yield
    }) : () -> ()
    return
  }
}

module attributes {stable_mosaic.version = 14 : i64} {
  func.func @_scale_body(%arg0: memref<2x10240xf32, #tpu.memory_space<vmem>>, %arg1: memref<320000xf32, #tpu.memory_space<vmem>>, %arg2: memref<10240xf32, #tpu.memory_space<vmem>>, %arg3: memref<1x1xf32, #tpu.memory_space<smem>>) attributes {dimension_semantics = [], scalar_prefetch = 0 : i64, scratch_operands = 0 : i64, tpu.core_type = #tpu.core_type<tc>} {
    %get3A = arith.constant 0 : index
    %get3A_0 = arith.constant 0 : index
    %get3A_1 = vector.load %arg0[%get3A, %get3A_0] : memref<2x10240xf32, #tpu.memory_space<vmem>>, vector<1x10240xf32>
    %get3A_2 = vector.shape_cast %get3A_1 : vector<1x10240xf32> to vector<10240xf32>
    %get3A_3 = arith.constant 1 : index
    %get3A_4 = arith.constant 0 : index
    %get3A_5 = vector.load %arg0[%get3A_3, %get3A_4] : memref<2x10240xf32, #tpu.memory_space<vmem>>, vector<1x10240xf32>
    %get3A_6 = vector.shape_cast %get3A_5 : vector<1x10240xf32> to vector<10240xf32>
    %add3A = arith.addf %get3A_2, %get3A_6 : vector<10240xf32>
    %reduce_max3A = vector.shape_cast %add3A : vector<10240xf32> to vector<1x10240xf32>
    %reduce_max3A_7 = arith.constant dense<0xFF800000> : vector<1xf32>
    %reduce_max3A_8 = vector.multi_reduction <maximumf>, %reduce_max3A, %reduce_max3A_7 [1] : vector<1x10240xf32> to vector<1xf32>
    %reduce_max3A_9 = vector.shape_cast %reduce_max3A_8 : vector<1xf32> to vector<1x1xf32>
    %reduce_max3A_10 = vector.extract %reduce_max3A_9[0, 0] : f32 from vector<1x1xf32>
    %get3A_11 = arith.constant 0 : index
    %get3A_12 = vector.load %arg1[%get3A_11] : memref<320000xf32, #tpu.memory_space<vmem>>, vector<320000xf32>
    %neg3A = arith.constant 0.000000e+00 : f32
    %neg3A_13 = vector.broadcast %neg3A : f32 to vector<320000xf32>
    %neg3A_14 = arith.subf %neg3A_13, %get3A_12 : vector<320000xf32>
    %reduce_max3A_15 = vector.shape_cast %neg3A_14 : vector<320000xf32> to vector<1x320000xf32>
    %reduce_max3A_16 = arith.constant dense<0xFF800000> : vector<1xf32>
    %reduce_max3A_17 = vector.multi_reduction <maximumf>, %reduce_max3A_15, %reduce_max3A_16 [1] : vector<1x320000xf32> to vector<1xf32>
    %reduce_max3A_18 = vector.shape_cast %reduce_max3A_17 : vector<1xf32> to vector<1x1xf32>
    %reduce_max3A_19 = vector.extract %reduce_max3A_18[0, 0] : f32 from vector<1x1xf32>
    %max3A = arith.maximumf %reduce_max3A_10, %reduce_max3A_19 : f32
    %div3A = arith.constant 1.000000e+00 : f32
    %div3A_20 = arith.divf %div3A, %max3A : f32
    %swap3A = arith.constant 0 : index
    %swap3A_21 = arith.constant 0 : index
    %swap3A_22 = memref.load %arg3[%swap3A, %swap3A_21] : memref<1x1xf32, #tpu.memory_space<smem>>
    memref.store %div3A_20, %arg3[%swap3A, %swap3A_21] : memref<1x1xf32, #tpu.memory_space<smem>>
    %mul3A = vector.broadcast %div3A_20 : f32 to vector<10240xf32>
    %mul3A_23 = arith.mulf %add3A, %mul3A : vector<10240xf32>
    %swap3A_24 = arith.constant 0 : index
    %swap3A_25 = vector.load %arg2[%swap3A_24] : memref<10240xf32, #tpu.memory_space<vmem>>, vector<10240xf32>
    tpu.vector_store %arg2[%swap3A_24], %mul3A_23 {strides = array<i32>} : memref<10240xf32, #tpu.memory_space<vmem>>, vector<10240xf32>,
    return
  }
}

module attributes {stable_mosaic.version = 14 : i64} {
  func.func @_combine1_body(%arg0: i32, %arg1: memref<1x1xf32, #tpu.memory_space<smem>>, %arg2: memref<1000x1xf32, #tpu.memory_space<vmem>>, %arg3: memref<1000x128xf32, #tpu.memory_space<vmem>>, %arg4: memref<2x1000x128xf32, #tpu.memory_space<vmem>>, %arg5: memref<1000x128xf32, #tpu.memory_space<vmem>>) attributes {dimension_semantics = [#tpu.dimension_semantics<arbitrary>], iteration_bounds = array<i64: 10>, scalar_prefetch = 0 : i64, scratch_operands = 0 : i64, tpu.core_type = #tpu.core_type<tc>, window_params = [{transform_indices = @transform_0, window_bounds = array<i64: 1, 1>}, {transform_indices = @transform_1, window_bounds = array<i64: 1000, 1>}, {transform_indices = @transform_2, window_bounds = array<i64: 1000, 128>}, {transform_indices = @transform_3, window_bounds = array<i64: 2, 1000, 128>}, {transform_indices = @transform_4, window_bounds = array<i64: 1000, 128>}]} {
    %get3A = arith.constant 0 : index
    %get3A_0 = arith.constant 0 : index
    %get3A_1 = memref.load %arg1[%get3A, %get3A_0] : memref<1x1xf32, #tpu.memory_space<smem>>
    %get3A_2 = arith.constant 0 : index
    %get3A_3 = arith.constant 0 : index
    %get3A_4 = arith.constant 0 : index
    %get3A_5 = vector.load %arg4[%get3A_2, %get3A_3, %get3A_4] : memref<2x1000x128xf32, #tpu.memory_space<vmem>>, vector<1x1000x128xf32>
    %get3A_6 = vector.shape_cast %get3A_5 : vector<1x1000x128xf32> to vector<1000x128xf32>
    %get3A_7 = arith.constant 1 : index
    %get3A_8 = arith.constant 0 : index
    %get3A_9 = arith.constant 0 : index
    %get3A_10 = vector.load %arg4[%get3A_7, %get3A_8, %get3A_9] : memref<2x1000x128xf32, #tpu.memory_space<vmem>>, vector<1x1000x128xf32>
    %get3A_11 = vector.shape_cast %get3A_10 : vector<1x1000x128xf32> to vector<1000x128xf32>
    %add3A = arith.addf %get3A_6, %get3A_11 : vector<1000x128xf32>
    %get3A_12 = arith.constant 0 : index
    %get3A_13 = arith.constant 0 : index
    %get3A_14 = vector.load %arg2[%get3A_12, %get3A_13] : memref<1000x1xf32, #tpu.memory_space<vmem>>, vector<1000x1xf32>
    %get3A_15 = arith.constant 0 : index
    %get3A_16 = arith.constant 0 : index
    %get3A_17 = vector.load %arg3[%get3A_15, %get3A_16] : memref<1000x128xf32, #tpu.memory_space<vmem>>, vector<1000x128xf32>
    %mul3A = vector.broadcast %get3A_14 : vector<1000x1xf32> to vector<1000x128xf32>
    %mul3A_18 = arith.mulf %mul3A, %get3A_17 : vector<1000x128xf32>
    %mul3A_19 = vector.broadcast %get3A_1 : f32 to vector<1000x128xf32>
    %mul3A_20 = arith.mulf %mul3A_19, %add3A : vector<1000x128xf32>
    %sub3A = arith.subf %mul3A_18, %mul3A_20 : vector<1000x128xf32>
    %swap3A = arith.constant 0 : index
    %swap3A_21 = arith.constant 0 : index
    %swap3A_22 = vector.load %arg5[%swap3A, %swap3A_21] : memref<1000x128xf32, #tpu.memory_space<vmem>>, vector<1000x128xf32>
    tpu.vector_store %arg5[%swap3A, %swap3A_21], %sub3A {strides = array<i32>} : memref<1000x128xf32, #tpu.memory_space<vmem>>, vector<1000x128xf32>,
    return
  }
  func.func @transform_0(%arg0: i32) -> (i32, i32) {
    %c0_i32 = arith.constant 0 : i32
    %c0_i32_0 = arith.constant 0 : i32
    %c0_i32_1 = arith.constant 0 : i32
    return %c0_i32, %c0_i32_0 : i32, i32
  }
  func.func @transform_1(%arg0: i32) -> (i32, i32) {
    %c0_i32 = arith.constant 0 : i32
    %c0_i32_0 = arith.constant 0 : i32
    return %arg0, %c0_i32 : i32, i32
  }
  func.func @transform_2(%arg0: i32) -> (i32, i32) {
    %c0_i32 = arith.constant 0 : i32
    %c0_i32_0 = arith.constant 0 : i32
    return %arg0, %c0_i32 : i32, i32
  }
  func.func @transform_3(%arg0: i32) -> (i32, i32, i32) {
    %c0_i32 = arith.constant 0 : i32
    %c0_i32_0 = arith.constant 0 : i32
    %c0_i32_1 = arith.constant 0 : i32
    return %c0_i32, %arg0, %c0_i32_0 : i32, i32, i32
  }
  func.func @transform_4(%arg0: i32) -> (i32, i32) {
    %c0_i32 = arith.constant 0 : i32
    %c0_i32_0 = arith.constant 0 : i32
    return %arg0, %c0_i32 : i32, i32
  }
}

module attributes {stable_mosaic.version = 14 : i64} {
  func.func @_combine2_body(%arg0: i32, %arg1: memref<1x1xf32, #tpu.memory_space<smem>>, %arg2: memref<1000x1xf32, #tpu.memory_space<vmem>>, %arg3: memref<1000x128xf32, #tpu.memory_space<vmem>>, %arg4: memref<2x1000x128xf32, #tpu.memory_space<vmem>>, %arg5: memref<1000x128xf32, #tpu.memory_space<vmem>>, %arg6: memref<1000x128xf32, #tpu.memory_space<vmem>>) attributes {dimension_semantics = [#tpu.dimension_semantics<arbitrary>], iteration_bounds = array<i64: 10>, scalar_prefetch = 0 : i64, scratch_operands = 0 : i64, tpu.core_type = #tpu.core_type<tc>, window_params = [{transform_indices = @transform_0, window_bounds = array<i64: 1, 1>}, {transform_indices = @transform_1, window_bounds = array<i64: 1000, 1>}, {transform_indices = @transform_2, window_bounds = array<i64: 1000, 128>}, {transform_indices = @transform_3, window_bounds = array<i64: 2, 1000, 128>}, {transform_indices = @transform_4, window_bounds = array<i64: 1000, 128>}, {transform_indices = @transform_5, window_bounds = array<i64: 1000, 128>}]} {
    %get3A = arith.constant 0 : index
    %get3A_0 = arith.constant 0 : index
    %get3A_1 = memref.load %arg1[%get3A, %get3A_0] : memref<1x1xf32, #tpu.memory_space<smem>>
    %get3A_2 = arith.constant 0 : index
    %get3A_3 = arith.constant 0 : index
    %get3A_4 = arith.constant 0 : index
    %get3A_5 = vector.load %arg4[%get3A_2, %get3A_3, %get3A_4] : memref<2x1000x128xf32, #tpu.memory_space<vmem>>, vector<1x1000x128xf32>
    %get3A_6 = vector.shape_cast %get3A_5 : vector<1x1000x128xf32> to vector<1000x128xf32>
    %get3A_7 = arith.constant 1 : index
    %get3A_8 = arith.constant 0 : index
    %get3A_9 = arith.constant 0 : index
    %get3A_10 = vector.load %arg4[%get3A_7, %get3A_8, %get3A_9] : memref<2x1000x128xf32, #tpu.memory_space<vmem>>, vector<1x1000x128xf32>
    %get3A_11 = vector.shape_cast %get3A_10 : vector<1x1000x128xf32> to vector<1000x128xf32>
    %add3A = arith.addf %get3A_6, %get3A_11 : vector<1000x128xf32>
    %get3A_12 = arith.constant 0 : index
    %get3A_13 = arith.constant 0 : index
    %get3A_14 = vector.load %arg2[%get3A_12, %get3A_13] : memref<1000x1xf32, #tpu.memory_space<vmem>>, vector<1000x1xf32>
    %get3A_15 = arith.constant 0 : index
    %get3A_16 = arith.constant 0 : index
    %get3A_17 = vector.load %arg3[%get3A_15, %get3A_16] : memref<1000x128xf32, #tpu.memory_space<vmem>>, vector<1000x128xf32>
    %mul3A = vector.broadcast %get3A_14 : vector<1000x1xf32> to vector<1000x128xf32>
    %mul3A_18 = arith.mulf %mul3A, %get3A_17 : vector<1000x128xf32>
    %mul3A_19 = vector.broadcast %get3A_1 : f32 to vector<1000x128xf32>
    %mul3A_20 = arith.mulf %mul3A_19, %add3A : vector<1000x128xf32>
    %sub3A = arith.subf %mul3A_18, %mul3A_20 : vector<1000x128xf32>
    %mul3A_21 = arith.constant 2.000000e+00 : f32
    %mul3A_22 = vector.broadcast %mul3A_21 : f32 to vector<1000x128xf32>
    %mul3A_23 = arith.mulf %mul3A_22, %sub3A : vector<1000x128xf32>
    %get3A_24 = arith.constant 0 : index
    %get3A_25 = arith.constant 0 : index
    %get3A_26 = vector.load %arg5[%get3A_24, %get3A_25] : memref<1000x128xf32, #tpu.memory_space<vmem>>, vector<1000x128xf32>
    %sub3A_27 = arith.subf %mul3A_23, %get3A_26 : vector<1000x128xf32>
    %swap3A = arith.constant 0 : index
    %swap3A_28 = arith.constant 0 : index
    %swap3A_29 = vector.load %arg6[%swap3A, %swap3A_28] : memref<1000x128xf32, #tpu.memory_space<vmem>>, vector<1000x128xf32>
    tpu.vector_store %arg6[%swap3A, %swap3A_28], %sub3A_27 {strides = array<i32>} : memref<1000x128xf32, #tpu.memory_space<vmem>>, vector<1000x128xf32>,
    return
  }
  func.func @transform_0(%arg0: i32) -> (i32, i32) {
    %c0_i32 = arith.constant 0 : i32
    %c0_i32_0 = arith.constant 0 : i32
    %c0_i32_1 = arith.constant 0 : i32
    return %c0_i32, %c0_i32_0 : i32, i32
  }
  func.func @transform_1(%arg0: i32) -> (i32, i32) {
    %c0_i32 = arith.constant 0 : i32
    %c0_i32_0 = arith.constant 0 : i32
    return %arg0, %c0_i32 : i32, i32
  }
  func.func @transform_2(%arg0: i32) -> (i32, i32) {
    %c0_i32 = arith.constant 0 : i32
    %c0_i32_0 = arith.constant 0 : i32
    return %arg0, %c0_i32 : i32, i32
  }
  func.func @transform_3(%arg0: i32) -> (i32, i32, i32) {
    %c0_i32 = arith.constant 0 : i32
    %c0_i32_0 = arith.constant 0 : i32
    %c0_i32_1 = arith.constant 0 : i32
    return %c0_i32, %arg0, %c0_i32_0 : i32, i32, i32
  }
  func.func @transform_4(%arg0: i32) -> (i32, i32) {
    %c0_i32 = arith.constant 0 : i32
    %c0_i32_0 = arith.constant 0 : i32
    return %arg0, %c0_i32 : i32, i32
  }
  func.func @transform_5(%arg0: i32) -> (i32, i32) {
    %c0_i32 = arith.constant 0 : i32
    %c0_i32_0 = arith.constant 0 : i32
    return %arg0, %c0_i32 : i32, i32
  }
}

module attributes {stable_mosaic.version = 14 : i64} {
  func.func @_combine2_body(%arg0: i32, %arg1: memref<1x1xf32, #tpu.memory_space<smem>>, %arg2: memref<1000x1xf32, #tpu.memory_space<vmem>>, %arg3: memref<1000x128xf32, #tpu.memory_space<vmem>>, %arg4: memref<2x1000x128xf32, #tpu.memory_space<vmem>>, %arg5: memref<1000x128xf32, #tpu.memory_space<vmem>>, %arg6: memref<1000x128xf32, #tpu.memory_space<vmem>>) attributes {dimension_semantics = [#tpu.dimension_semantics<arbitrary>], iteration_bounds = array<i64: 10>, scalar_prefetch = 0 : i64, scratch_operands = 0 : i64, tpu.core_type = #tpu.core_type<tc>, window_params = [{transform_indices = @transform_0, window_bounds = array<i64: 1, 1>}, {transform_indices = @transform_1, window_bounds = array<i64: 1000, 1>}, {transform_indices = @transform_2, window_bounds = array<i64: 1000, 128>}, {transform_indices = @transform_3, window_bounds = array<i64: 2, 1000, 128>}, {transform_indices = @transform_4, window_bounds = array<i64: 1000, 128>}, {transform_indices = @transform_5, window_bounds = array<i64: 1000, 128>}]} {
    %get3A = arith.constant 0 : index
    %get3A_0 = arith.constant 0 : index
    %get3A_1 = memref.load %arg1[%get3A, %get3A_0] : memref<1x1xf32, #tpu.memory_space<smem>>
    %get3A_2 = arith.constant 0 : index
    %get3A_3 = arith.constant 0 : index
    %get3A_4 = arith.constant 0 : index
    %get3A_5 = vector.load %arg4[%get3A_2, %get3A_3, %get3A_4] : memref<2x1000x128xf32, #tpu.memory_space<vmem>>, vector<1x1000x128xf32>
    %get3A_6 = vector.shape_cast %get3A_5 : vector<1x1000x128xf32> to vector<1000x128xf32>
    %get3A_7 = arith.constant 1 : index
    %get3A_8 = arith.constant 0 : index
    %get3A_9 = arith.constant 0 : index
    %get3A_10 = vector.load %arg4[%get3A_7, %get3A_8, %get3A_9] : memref<2x1000x128xf32, #tpu.memory_space<vmem>>, vector<1x1000x128xf32>
    %get3A_11 = vector.shape_cast %get3A_10 : vector<1x1000x128xf32> to vector<1000x128xf32>
    %add3A = arith.addf %get3A_6, %get3A_11 : vector<1000x128xf32>
    %get3A_12 = arith.constant 0 : index
    %get3A_13 = arith.constant 0 : index
    %get3A_14 = vector.load %arg2[%get3A_12, %get3A_13] : memref<1000x1xf32, #tpu.memory_space<vmem>>, vector<1000x1xf32>
    %get3A_15 = arith.constant 0 : index
    %get3A_16 = arith.constant 0 : index
    %get3A_17 = vector.load %arg3[%get3A_15, %get3A_16] : memref<1000x128xf32, #tpu.memory_space<vmem>>, vector<1000x128xf32>
    %mul3A = vector.broadcast %get3A_14 : vector<1000x1xf32> to vector<1000x128xf32>
    %mul3A_18 = arith.mulf %mul3A, %get3A_17 : vector<1000x128xf32>
    %mul3A_19 = vector.broadcast %get3A_1 : f32 to vector<1000x128xf32>
    %mul3A_20 = arith.mulf %mul3A_19, %add3A : vector<1000x128xf32>
    %sub3A = arith.subf %mul3A_18, %mul3A_20 : vector<1000x128xf32>
    %mul3A_21 = arith.constant 2.000000e+00 : f32
    %mul3A_22 = vector.broadcast %mul3A_21 : f32 to vector<1000x128xf32>
    %mul3A_23 = arith.mulf %mul3A_22, %sub3A : vector<1000x128xf32>
    %get3A_24 = arith.constant 0 : index
    %get3A_25 = arith.constant 0 : index
    %get3A_26 = vector.load %arg5[%get3A_24, %get3A_25] : memref<1000x128xf32, #tpu.memory_space<vmem>>, vector<1000x128xf32>
    %sub3A_27 = arith.subf %mul3A_23, %get3A_26 : vector<1000x128xf32>
    %swap3A = arith.constant 0 : index
    %swap3A_28 = arith.constant 0 : index
    %swap3A_29 = vector.load %arg6[%swap3A, %swap3A_28] : memref<1000x128xf32, #tpu.memory_space<vmem>>, vector<1000x128xf32>
    tpu.vector_store %arg6[%swap3A, %swap3A_28], %sub3A_27 {strides = array<i32>} : memref<1000x128xf32, #tpu.memory_space<vmem>>, vector<1000x128xf32>,
    return
  }
  func.func @transform_0(%arg0: i32) -> (i32, i32) {
    %c0_i32 = arith.constant 0 : i32
    %c0_i32_0 = arith.constant 0 : i32
    %c0_i32_1 = arith.constant 0 : i32
    return %c0_i32, %c0_i32_0 : i32, i32
  }
  func.func @transform_1(%arg0: i32) -> (i32, i32) {
    %c0_i32 = arith.constant 0 : i32
    %c0_i32_0 = arith.constant 0 : i32
    return %arg0, %c0_i32 : i32, i32
  }
  func.func @transform_2(%arg0: i32) -> (i32, i32) {
    %c0_i32 = arith.constant 0 : i32
    %c0_i32_0 = arith.constant 0 : i32
    return %arg0, %c0_i32 : i32, i32
  }
  func.func @transform_3(%arg0: i32) -> (i32, i32, i32) {
    %c0_i32 = arith.constant 0 : i32
    %c0_i32_0 = arith.constant 0 : i32
    %c0_i32_1 = arith.constant 0 : i32
    return %c0_i32, %arg0, %c0_i32_0 : i32, i32, i32
  }
  func.func @transform_4(%arg0: i32) -> (i32, i32) {
    %c0_i32 = arith.constant 0 : i32
    %c0_i32_0 = arith.constant 0 : i32
    return %arg0, %c0_i32 : i32, i32
  }
  func.func @transform_5(%arg0: i32) -> (i32, i32) {
    %c0_i32 = arith.constant 0 : i32
    %c0_i32_0 = arith.constant 0 : i32
    return %arg0, %c0_i32 : i32, i32
  }
}

module attributes {stable_mosaic.version = 14 : i64} {
  func.func @_matmul_body(%arg0: i32, %arg1: memref<1000x768xf32, #tpu.memory_space<vmem>>, %arg2: memref<768x128xf32, #tpu.memory_space<vmem>>, %arg3: memref<6x128xf32, #tpu.memory_space<vmem>>, %arg4: memref<1x128xf32, #tpu.memory_space<vmem>>, %arg5: memref<1000x128xf32, #tpu.memory_space<vmem>>) attributes {dimension_semantics = [#tpu.dimension_semantics<arbitrary>], iteration_bounds = array<i64: 10>, scalar_prefetch = 0 : i64, scratch_operands = 0 : i64, tpu.core_type = #tpu.core_type<tc>, window_params = [{transform_indices = @transform_0, window_bounds = array<i64: 1000, 768>}, {pipeline_mode = #tpu.pipeline_mode<synchronous>, transform_indices = @transform_1, window_bounds = array<i64: 768, 128>}, {pipeline_mode = #tpu.pipeline_mode<synchronous>, transform_indices = @transform_2, window_bounds = array<i64: 6, 128>}, {pipeline_mode = #tpu.pipeline_mode<synchronous>, transform_indices = @transform_3, window_bounds = array<i64: 1, 128>}, {transform_indices = @transform_4, window_bounds = array<i64: 1000, 128>}]} {
    %get3A = arith.constant 0 : index
    %get3A_0 = arith.constant 0 : index
    %get3A_1 = vector.load %arg1[%get3A, %get3A_0] : memref<1000x768xf32, #tpu.memory_space<vmem>>, vector<1000x768xf32>
    %get3A_2 = arith.constant 0 : index
    %get3A_3 = arith.constant 0 : index
    %get3A_4 = vector.load %arg2[%get3A_2, %get3A_3] : memref<768x128xf32, #tpu.memory_space<vmem>>, vector<768x128xf32>
    %dot_general3A = arith.constant dense<0.000000e+00> : vector<1000x128xf32>
    %dot_general3A_5 = tpu.matmul %get3A_1, %get3A_4, %dot_general3A {dimension_numbers = #tpu.dot_dimension_numbers<[1], [0], [0], [1], [0, 0, 1, 1], [], []>, transpose_lhs_hint = false} : vector<1000x768xf32>, vector<768x128xf32>, vector<1000x128xf32> -> vector<1000x128xf32>
    %get3A_6 = arith.constant 0 : index
    %get3A_7 = arith.constant 0 : index
    %get3A_8 = vector.load %arg3[%get3A_6, %get3A_7] : memref<6x128xf32, #tpu.memory_space<vmem>>, vector<6x128xf32>
    %reduce_sum3A = arith.constant dense<0.000000e+00> : vector<128xf32>
    %reduce_sum3A_9 = vector.multi_reduction <add>, %get3A_8, %reduce_sum3A [0] : vector<6x128xf32> to vector<128xf32>
    %broadcast_in_dim3A = vector.shape_cast %reduce_sum3A_9 : vector<128xf32> to vector<1x128xf32>
    %add3A = vector.broadcast %broadcast_in_dim3A : vector<1x128xf32> to vector<1000x128xf32>
    %add3A_10 = arith.addf %dot_general3A_5, %add3A : vector<1000x128xf32>
    %get3A_11 = arith.constant 0 : index
    %get3A_12 = arith.constant 0 : index
    %get3A_13 = vector.load %arg4[%get3A_11, %get3A_12] : memref<1x128xf32, #tpu.memory_space<vmem>>, vector<1x128xf32>
    %add3A_14 = vector.broadcast %get3A_13 : vector<1x128xf32> to vector<1000x128xf32>
    %add3A_15 = arith.addf %add3A_10, %add3A_14 : vector<1000x128xf32>
    %swap3A = arith.constant 0 : index
    %swap3A_16 = arith.constant 0 : index
    %swap3A_17 = vector.load %arg5[%swap3A, %swap3A_16] : memref<1000x128xf32, #tpu.memory_space<vmem>>, vector<1000x128xf32>
    tpu.vector_store %arg5[%swap3A, %swap3A_16], %add3A_15 {strides = array<i32>} : memref<1000x128xf32, #tpu.memory_space<vmem>>, vector<1000x128xf32>,
    return
  }
  func.func @transform_0(%arg0: i32) -> (i32, i32) {
    %c0_i32 = arith.constant 0 : i32
    %c0_i32_0 = arith.constant 0 : i32
    return %arg0, %c0_i32 : i32, i32
  }
  func.func @transform_1(%arg0: i32) -> (i32, i32) {
    %c0_i32 = arith.constant 0 : i32
    %c0_i32_0 = arith.constant 0 : i32
    %c0_i32_1 = arith.constant 0 : i32
    return %c0_i32, %c0_i32_0 : i32, i32
  }
  func.func @transform_2(%arg0: i32) -> (i32, i32) {
    %c0_i32 = arith.constant 0 : i32
    %c0_i32_0 = arith.constant 0 : i32
    %c0_i32_1 = arith.constant 0 : i32
    return %c0_i32, %c0_i32_0 : i32, i32
  }
  func.func @transform_3(%arg0: i32) -> (i32, i32) {
    %c0_i32 = arith.constant 0 : i32
    %c0_i32_0 = arith.constant 0 : i32
    %c0_i32_1 = arith.constant 0 : i32
    return %c0_i32, %c0_i32_0 : i32, i32
  }
  func.func @transform_4(%arg0: i32) -> (i32, i32) {
    %c0_i32 = arith.constant 0 : i32
    %c0_i32_0 = arith.constant 0 : i32
    return %arg0, %c0_i32 : i32, i32
  }
}

</mosaic_0001>

<sc_bundles>
// kernel: kernel.16.cloned.1.call-start
scs
__scs_entry_jumppad:
0x0: {  	(pc) =	sbr.rel $0x88, $3  }
0x1: {  	(tag) =	ssettag $0x0;
	lr =	simm.s32 $0x1  }
0x2: {  	[smem:$0x3F9A] =	sst lr;
	_ =	strace $0xD0000000  }
0x3: {  	_ = 	snop  }
0x4: {  	_ = 	snop  }
0x5: {  	_ = 	snop  }
0x6: {  	_ = 	snop  }
0x7: {  	_ = 	snop  }
__scs_overlays_trampoline_lowered:
0x8: {  	[smem:$0x3FA9] =	sst s0  }
0x9: {  	[smem:$0x3FAA] =	sst s1  }
0xa: {  	[smem:$0x3FAB] =	sst s2  }
0xb: {  	[smem:$0x3FAC] =	sst s3  }
0xc: {  	[smem:$0x3FAD] =	sst s4  }
0xd: {  	[smem:$0x3FAE] =	sst s5  }
0xe: {  	[smem:$0x3FAF] =	sst s6  }
0xf: {  	[smem:$0x3FB0] =	sst s7  }
0x10: {  	[smem:$0x3FB1] =	sst s8  }
0x11: {  	[smem:$0x3FB2] =	sst s9;
	s0 =	simm.s32 @!p0 $0x0  }
0x12: {  	s1 =	sld [smem:$0x3F98];
	s0 =	simm.s32 @p0 $0x1  }
0x13: {  	[smem:$0x3FB3] =	sst s0;
	s0 =	simm.s32 @!p1 $0x0  }
0x14: {  	s2 =	sld [smem:$0x3F97];
	s0 =	simm.s32 @p1 $0x1  }
0x15: {  	[smem:$0x3FB4] =	sst s0;
	s0 =	simm.s32 @!p2 $0x0  }
0x16: {  	s3 =	sld [smem:$0x3FDB];
	s0 =	simm.s32 @p2 $0x1  }
0x17: {  	s4 =	simm.s32 $0x1BF5;
	[smem:$0x3FB6] =	sst s0  }
0x18: {  	s0 =	sld [smem:$0x3F99];
	_ =	swait.ge [sflag:s4], $0x0  }
0x19: {  	s7 =	sld [smem:$0x3F9A]  }
0x1a: {  	s8 =	sadd.s32 $0xFFFFE003, lr  }
0x1b: {  	s9 =	sadd.s32 $0xFFFFFEF7, lr;
	s5 =	simm.s32 $0xFFFFFFFF;
	p2 =	slt.u32 s8, $0xFFFFF086  }
0x1c: {  	p1 =	slt.u32 s9, $0xF7A;
	s5 =	simm.s32 @!p2 $0x0  }
0x1d: {  	s5 =	simm.s32 @p1 $0x1;
	p0 =	seq.s32 s7, s2  }
0x1e: {  	s7 =	smul.u32 @!p0 $0xF7A, s2;
	p2 =	seq.s32 @!p0 s5, $0x0  }
0x1f: {  	s9 =	smul.u32 $0xF7A, s1;
	s8 =	simm.s32 @!p0 $0x1BF5;
	p2 =	por !p2, p0  }
0x20: {  	[sflag:s8] =	ssyncset.s32 @!p0 $0xFFFFF086;
	s6 =	sadd.s32 @!p0 s3, s7;
	s7 =	simm.s32 @!p0 $0x108  }
0x21: {  	s3 =	sadd.s32 s3, s9;
	s6 =	sadd.s32 @!p0 $0x88, s6;
	s7 =	simm.s32 @p2 $0x1082  }
0x22: {  	[simem:s7], [sflag:s8] =	dma.local @!p0 [hbm:s6], $0xF7A  }
0x23: {  	s9 =	sor.u32 $0xD0000000, s2;
	s6 =	simm.s32 $0x108;
	_ =	swait.ge @!p0 [sflag:s8], $0x0  }
0x24: {  	s3 =	sadd.s32 $0x88, s3;
	s6 =	simm.s32 @!p1 $0x1082;
	[sflag:s4] =	ssyncset.s32 $0xFFFFF086  }
0x25: {  	[simem:s6], [sflag:s4] =	dma.local [hbm:s3], $0xF7A  }
0x26: {  	[smem:$0x3F9A] =	sst s1;
	(tag) =	ssettag s2;
	_ =	strace s9  }
0x27: {  	s1 =	sld [smem:$0x3FAA]  }
0x28: {  	s2 =	sld [smem:$0x3FAB]  }
0x29: {  	s4 =	sld [smem:$0x3FAD]  }
0x2a: {  	p0 =	seq.s32 s5, $0x0;
	s5 =	sld [smem:$0x3FAE]  }
0x2b: {  	s6 =	sld [smem:$0x3FAF]  }
0x2c: {  	s7 =	sld [smem:$0x3FB0]  }
0x2d: {  	s3 =	simm.s32 $0x108;
	s8 =	sld [smem:$0x3FB1]  }
0x2e: {  	s3 =	simm.s32 @!p0 $0x1082;
	s9 =	sld [smem:$0x3FB2]  }
0x2f: {  	lr =	sadd.s32 s0, s3;
	s0 =	sld [smem:$0x3FA9]  }
0x30: {  	s3 =	sld [smem:$0x3FAC]  }
0x31: {  	[smem:$0x3FB5] =	sst s10  }
0x32: {  	s10 =	sld [smem:$0x3FB3];
	_ =	sdelay $0x3  }
0x33: {  	p0 =	seq.s32 s10, $0x1;
	s10 =	sld [smem:$0x3FB5];
	_ =	sdelay $0x3  }
0x34: {  	[smem:$0x3FB5] =	sst s10  }
0x35: {  	s10 =	sld [smem:$0x3FB4];
	_ =	sdelay $0x3  }
0x36: {  	p1 =	seq.s32 s10, $0x1;
	s10 =	sld [smem:$0x3FB5];
	_ =	sdelay $0x3  }
0x37: {  	[smem:$0x3FB5] =	sst s10  }
0x38: {  	s10 =	sld [smem:$0x3FB6]  }
0x39: {  	_ = 	snop;
	(pc) =	sbr.ind lr, $3  }
0x3a: {  	_ = 	snop  }
0x3b: {  	_ = 	snop  }
0x3c: {  	p2 =	seq.s32 s10, $0x1;
	s10 =	sld [smem:$0x3FB5]  }
0x3d: {  	_ =	shalt  }
0x3e: {  	_ =	shalt  }
0x3f: {  	_ =	shalt  }
0x40: {  	_ =	shalt  }
0x41: {  	_ =	shalt  }
0x42: {  	_ =	shalt  }
0x43: {  	_ =	shalt  }
0x44: {  	_ =	shalt  }
0x45: {  	_ =	shalt  }
0x46: {  	_ =	shalt  }
0x47: {  	_ =	shalt  }
0x48: {  	_ =	shalt  }
0x49: {  	_ =	shalt  }
0x4a: {  	_ =	shalt  }
0x4b: {  	_ =	shalt  }
0x4c: {  	_ =	shalt  }
0x4d: {  	_ =	shalt  }
0x4e: {  	_ =	shalt  }
0x4f: {  	_ =	shalt  }
0x50: {  	_ =	shalt  }
0x51: {  	_ =	shalt  }
0x52: {  	_ =	shalt  }
0x53: {  	_ =	shalt  }
0x54: {  	_ =	shalt  }
0x55: {  	_ =	shalt  }
0x56: {  	_ =	shalt  }
0x57: {  	_ =	shalt  }
0x58: {  	_ =	shalt  }
0x59: {  	_ =	shalt  }
0x5a: {  	_ =	shalt  }
0x5b: {  	_ =	shalt  }
0x5c: {  	_ =	shalt  }
0x5d: {  	_ =	shalt  }
0x5e: {  	_ =	shalt  }
0x5f: {  	_ =	shalt  }
0x60: {  	_ =	shalt  }
0x61: {  	_ =	shalt  }
0x62: {  	_ =	shalt  }
0x63: {  	_ =	shalt  }
0x64: {  	_ =	shalt  }
0x65: {  	_ =	shalt  }
0x66: {  	_ =	shalt  }
0x67: {  	_ =	shalt  }
0x68: {  	_ =	shalt  }
0x69: {  	_ =	shalt  }
0x6a: {  	_ =	shalt  }
0x6b: {  	_ =	shalt  }
0x6c: {  	_ =	shalt  }
0x6d: {  	_ =	shalt  }
0x6e: {  	_ =	shalt  }
0x6f: {  	_ =	shalt  }
0x70: {  	_ =	shalt  }
0x71: {  	_ =	shalt  }
0x72: {  	_ =	shalt  }
0x73: {  	_ =	shalt  }
0x74: {  	_ =	shalt  }
0x75: {  	_ =	shalt  }
0x76: {  	_ =	shalt  }
0x77: {  	_ =	shalt  }
0x78: {  	_ =	shalt  }
0x79: {  	_ =	shalt  }
0x7a: {  	_ =	shalt  }
0x7b: {  	_ =	shalt  }
0x7c: {  	_ =	shalt  }
0x7d: {  	_ =	shalt  }
0x7e: {  	_ =	shalt  }
0x7f: {  	_ =	shalt  }
0x80: {  	_ =	shalt  }
0x81: {  	_ =	shalt  }
0x82: {  	_ =	shalt  }
0x83: {  	_ =	shalt  }
0x84: {  	_ =	shalt  }
0x85: {  	_ =	shalt  }
0x86: {  	_ =	shalt  }
0x87: {  	_ =	shalt  }
.Lfunc_end0:
.L_simem_size_0:
called_computation_lowered:
.L_overlay_start_0:
0x88: {  	s2 =	sld [smem:$0x3FD9]  }
0x89: {  	s3 =	sld [smem:$0x3FFE];
	_ =	sdelay $0x1  }
0x8a: {  	s1 =	srdreg.scid  }
0x8b: {  	s0 =	sand.u32 $0x1, s1  }
0x8c: {  	s17 =	sshll.u32 s0, $0xA;
	s2 =	sadd.s32 s3, s2  }
0x8d: {  	s2 =	sadd.s32 s2, s17  }
0x8e: {  	[smem:$0x3FC1] =	sst s2  }
0x8f: {  	_ = 	snop  }
0x90: {  	s2 =	sld [smem:$0x3FD0];
	(tm) =	ssettm $0x1  }
0x91: {  	s18 =	sld [smem:$0x3FFB];
	_ =	sdelay $0x3  }
0x92: {  	_ =	strace s18  }
0x93: {  	s3 =	sld [smem:$0x3FFC];
	_ =	sdelay $0x3  }
0x94: {  	_ =	strace s3  }
0x95: {  	s3 =	sld [smem:$0x3FFD];
	_ =	sdelay $0x3  }
0x96: {  	_ =	strace s3  }
0x97: {  	_ =	strace $0x8FFFFFFF  }
0x98: {  	s19 =	sld [smem:$0x3FDB];
	_ =	sdelay $0x1  }
0x99: {  	s4 =	simm.s32 $_scs_section_size  }
0x9a: {  	s5 =	simm.s32 $_size__tile_overlayer_lowered;
	s6 =	simm.s32 $_tile_overlayer_lowered  }
0x9b: {  	s22 =	simm.s32 $0x1BFF;
	s21 =	sshll.u32 s6, $0x1;
	s3 =	sadd.s32 s4, s19  }
0x9c: {  	s7 =	simm.s32 $0x0;
	s20 =	sshll.u32 s5, $0x1;
	s5 =	sadd.s32 s21, s3  }
0x9d: {  	[timem:s7], [sflag:s22] =	dma.local [hbm:s5], s20  }
0x9e: {  	_ =	swait.ge [sflag:s22], s20  }
0x9f: {  	s4 =	ssub.s32 $0x0, s20;
	[sflag:s22] =	ssyncset.done $0x0  }
0xa0: {  	[sflag:s22] =	ssyncadd.s32 s4;
	_ =	sdelay $0x1  }
0xa1: {  	s23 =	simm.s32 $0x1B8B  }
0xa2: {  	_ =	swait.ge [sflag:s23], $0x1  }
0xa3: {  	[sflag:s23] =	ssyncset.done $0x0  }
0xa4: {  	s25 =	simm.s32 $0x1B8E;
	s24 =	sld [smem:$0x3FFE];
	[sflag:s23] =	ssyncadd.s32 $0xFFFFFFFF  }
0xa5: {  	s26 =	simm.s32 $execute0_lowered;
	[smem:$0x3FD2] =	sst s25  }
0xa6: {  	s5 =	sshll.u32 s26, $0x1;
	_ =	strace $0x80000046;
	[dreg:$0x1] =	wrdreg $0xFFFFFFFF  }
0xa7: {  	s28 =	simm.s32 $_size_execute0_lowered;
	s3 =	sadd.s32 s3, s5;
	[dreg:$0x0] =	wrdreg $0x0  }
0xa8: {  	s5 =	sshll.u32 s28, $0x1;
	[dreg:$0x2] =	wrdreg s3  }
0xa9: {  	[dreg:$0x3] =	wrdreg s5  }
0xaa: {  	[dreg:$0x4] =	wrdreg $0xC0  }
0xab: {  	_ =	task [dreg:s7], $0x5FFFF  }
0xac: {  	[dreg:$0x1] =	wrdreg $0xFFFFFFFF  }
0xad: {  	[dreg:$0x0] =	wrdreg $0x60  }
0xae: {  	[dreg:$0x2] =	wrdreg s2  }
0xaf: {  	[dreg:$0x3] =	wrdreg s24  }
0xb0: {  	[dreg:$0x4] =	wrdreg $0x52800  }
0xb1: {  	[dreg:$0x5] =	wrdreg $0x9  }
0xb2: {  	_ =	task.clear_ibuf [dreg:s7], $0x6FFFF;
	_ =	strace $0x90000046  }
0xb3: {  	s29 =	simm.s32 $0x9;
	_ =	strace $0x80000048  }
0xb4: {  	_ =	swait.ge [sflag:s29], $0x1  }
0xb5: {  	[sflag:s29] =	ssyncadd.s32 $0xFFFFFFFF  }
0xb6: {  	_ =	strace $0x90000048  }
0xb7: {  	_ =	sfence  }
0xb8: {  	s30 =	sld [smem:$0x0];
	_ =	sdelay $0x2  }
0xb9: {  	s31 =	sshll.u32 s1, $0xD;
	s1 =	sshrl.u32 s1, $0x2  }
0xba: {  	s3 =	sand.u32 $0x4000, s31;
	s1 =	sadd.s32 s1, s30  }
0xbb: {  	s0 =	sor.u32 s3, s0;
	s1 =	sshll.u32 s1, $0x11  }
0xbc: {  	s0 =	sor.u32 s1, s0  }
0xbd: {  	s0 =	sadd.s32 $0x8F2B, s0  }
0xbe: {  	[sflag:s0] =	ssyncadd.remote.s32 $0x1  }
0xbf: {  	_ =	sfence.sel $0xFFFF  }
0xc0: {  	[dreg:$0x0] =	wrdreg $0xFFFFFFFF;
	(pc) =	sbr.abs _section_cstart, $3  }
0xc1: {  	[dreg:$0x1] =	wrdreg $0xFFFFFFFF  }
0xc2: {  	_ =	task.clear_ibuf [dreg:s7], $0x2FFFF;
	_ =	strace $0x9FFFFFFF  }
0xc3: {  	(tm) =	ssettm $0x7FFFFFFF  }
tec
execute0_lowered:
.L_overlay_start_1:
0x0: {  	(tag) =	ssettag $0x1  }
0x1: {  	s6 =	rddreg [dreg:$0x0]  }
0x2: {  	s4 =	rddreg [dreg:$0x1]  }
0x3: {  	s2 =	rddreg [dreg:$0x2]  }
0x4: {  	s0 =	rddreg [dreg:$0x3]  }
0x5: {  	s5 =	srdreg.scid;
	s1 =	stileid.u32  }
0x6: {  	s3 =	simm.s32 $0x0;
	s12 =	simm.s32 $0x80;
	s15 =	simm.s32 $0x20  }
0x7: {  	s16 =	simm.s32 $0x10;
	s17 =	simm.s32 $0x0;
	s5 =	sand.u32 $0x1, s5  }
0x8: {  	s7 =	sshll.u32 s1, $0x1;
	[smem:$0x7FF] =	sst s3;
	s8 =	smul.u32 $0x500, s1  }
0x9: {  	s30 =	smul.u32 $0xA00, s1;
	s13 =	sshll.u32 s1, $0x6;
	s7 =	sor.u32 s5, s7  }
0xa: {  	_ =	strace $0x80000047;
	s9 =	sshll.u32 s5, $0x7;
	s5 =	ssub.s32 $0x2, s5  }
0xb: {  	s13 =	sor.u32 $0x1C01, s13;
	s7 =	smul.u32 $0x500, s7;
	s8 =	sor.u32 s9, s8  }
0xc: {  	s11 =	sshrl.u32 s5, $0x1;
	s31 =	sshrl.u32 s30, $0x2;
	s9 =	simm.s32 $0x5000  }
0xd: {  	s8 =	sshrl.u32 s8, $0x3;
	s11 =	ssub.s32 s5, s11;
	s10 =	sadd.s32 s7, s4  }
0xe: {  	s8 =	sadd.s32 s8, s4;
	s4 =	sadd.s32 s31, s2;
	s6 =	sadd.s32 s6, s7  }
0xf: {  	s5 =	sadd.s32 $0x5000, s10;
	s7 =	sadd.s32 $0xF000, s8;
	s8 =	smax.u32 s11, $0x1  }
0x10: {  	v0 =	vimm.f32 $0.0e+00;
	s10 =	simm.s32 $0x1;
	s11 =	simm.s32 $0x2800;
	s14 =	sshrl.u32 s4, $0x3  }
.LBB2_1:
0x11: {  	[tilespmem:$0x5000] =	vst v0  }
0x12: {  	[tilespmem:$0x5010] =	vst v0  }
0x13: {  	[tilespmem:$0x5020] =	vst v0  }
0x14: {  	[tilespmem:$0x5030] =	vst v0  }
0x15: {  	[tilespmem:$0x5040] =	vst v0  }
0x16: {  	[tilespmem:$0x5050] =	vst v0  }
0x17: {  	[tilespmem:$0x5060] =	vst v0  }
0x18: {  	[tilespmem:$0x5070] =	vst v0  }
0x19: {  	[tilespmem:$0x5080] =	vst v0  }
0x1a: {  	[tilespmem:$0x5090] =	vst v0  }
0x1b: {  	[tilespmem:$0x50A0] =	vst v0  }
0x1c: {  	[tilespmem:$0x50B0] =	vst v0  }
0x1d: {  	[tilespmem:$0x50C0] =	vst v0  }
0x1e: {  	[tilespmem:$0x50D0] =	vst v0  }
0x1f: {  	[tilespmem:$0x50E0] =	vst v0  }
0x20: {  	[tilespmem:$0x50F0] =	vst v0  }
0x21: {  	[tilespmem:$0x5100] =	vst v0  }
0x22: {  	[tilespmem:$0x5110] =	vst v0  }
0x23: {  	[tilespmem:$0x5120] =	vst v0  }
0x24: {  	[tilespmem:$0x5130] =	vst v0  }
0x25: {  	[tilespmem:$0x5140] =	vst v0  }
0x26: {  	[tilespmem:$0x5150] =	vst v0  }
0x27: {  	[tilespmem:$0x5160] =	vst v0  }
0x28: {  	[tilespmem:$0x5170] =	vst v0  }
0x29: {  	[tilespmem:$0x5180] =	vst v0  }
0x2a: {  	[tilespmem:$0x5190] =	vst v0  }
0x2b: {  	[tilespmem:$0x51A0] =	vst v0  }
0x2c: {  	[tilespmem:$0x51B0] =	vst v0  }
0x2d: {  	[tilespmem:$0x51C0] =	vst v0  }
0x2e: {  	[tilespmem:$0x51D0] =	vst v0  }
0x2f: {  	[tilespmem:$0x51E0] =	vst v0  }
0x30: {  	[tilespmem:$0x51F0] =	vst v0  }
0x31: {  	[tilespmem:$0x5200] =	vst v0  }
0x32: {  	[tilespmem:$0x5210] =	vst v0  }
0x33: {  	[tilespmem:$0x5220] =	vst v0  }
0x34: {  	[tilespmem:$0x5230] =	vst v0  }
0x35: {  	[tilespmem:$0x5240] =	vst v0  }
0x36: {  	[tilespmem:$0x5250] =	vst v0  }
0x37: {  	[tilespmem:$0x5260] =	vst v0  }
0x38: {  	[tilespmem:$0x5270] =	vst v0  }
0x39: {  	[spmem:s4] =	stream.linear.scatter [tilespmem:s9], [sflag:$0x1], $0x280, $0x38;
	[tilespmem:$0x5500] =	vst v63  }
0x3a: {  	_ =	swait.ge [sflag:s10], $0x280  }
0x3b: {  	[sflag:s10] =	ssyncset.done $0x0  }
0x3c: {  	[sflag:s10] =	ssyncadd.s32 $0xFFFFFD80  }
0x3d: {  	[tilespmem:s3], [sflag:$0x1] =	stream.linear.gather [hbm4b:s5+s3], $0x2780, $0x38;
	[tilespmem:$0x5500] =	vst v63  }
0x3e: {  	_ =	swait.ge [sflag:s10], $0x2780  }
0x3f: {  	[sflag:s10] =	ssyncset.done $0x0  }
0x40: {  	[sflag:s10] =	ssyncadd.s32 $0xFFFFD880  }
0x41: {  	[tilespmem:s11], [sflag:$0x1] =	stream.linear.gather [hbm4b:s6+s3], $0x2780, $0x38;
	[tilespmem:$0x5500] =	vst v63  }
0x42: {  	_ =	swait.ge [sflag:s10], $0x2780  }
0x43: {  	[sflag:s10] =	ssyncset.done $0x0  }
0x44: {  	[sflag:s10] =	ssyncadd.s32 $0xFFFFD880  }
0x45: {  	s18 =	simm.s32 $0x0;
	s19 =	simm.s32 $0x2800;
	[bflag:$0x0] =	sbarrier.arrive $0xFFFF  }
0x46: {  	[spmem:s2] =	stream.indirect.scatter.add.f32 [tilespmem:s19], [sflag:$0x1], $0x1, s18, s12, $0xb8;
	[tilespmem:$0x5500] =	vst v63  }
0x47: {  	s18 =	simm.s32 $0x200;
	_ =	swait.ge [sflag:s10], $0x80  }
.LBB2_2:
0x48: {  	s19 =	sshra.s32 s18, $0x2;
	[sflag:s10] =	ssyncset.done $0x0;
	p0 =	sne.s32 s18, $0x9C00  }
.Ltmp0:
0x49: {  	s20 =	sadd.s32 $0x2800, s19;
	[sflag:s10] =	ssyncadd.s32 $0xFFFFFF80;
	(pc) =	sbr.rel @p0 .LBB2_2-.Ltmp0, $3  }
0x4a: {  	[spmem:s2] =	stream.indirect.scatter.add.f32 [tilespmem:s20], [sflag:$0x1], $0x1, s19, s12, $0xb8;
	[tilespmem:$0x5500] =	vst v63  }
0x4b: {  	s18 =	sadd.s32 $0x200, s18;
	_ =	sdelay $0x1  }
0x4c: {  	_ =	swait.ge [sflag:s10], $0x80  }
0x4d: {  	[sflag:s10] =	ssyncset.done $0x0;
	s17 =	sadd.s32 $0x1, s17  }
0x4e: {  	[sflag:s10] =	ssyncadd.s32 $0xFFFFFF80;
	p0 =	sne.s32 s17, s8  }
.Ltmp1:
0x4f: {  	[bflag:$0x0] =	sbarrier.arrive $0xFFFF;
	(pc) =	sbr.rel @p0 .LBB2_1-.Ltmp1, $4  }
0x50: {  	[hbm:s7@s15], [sflag:s13] =	dma.strided [spmem:s14@s16], $0x50, s10, $0x10   }
0x51: {  	_ =	swait.ge [sflag:s10], $0x50  }
0x52: {  	[sflag:s10] =	ssyncset.done $0x0  }
0x53: {  	[sflag:s10] =	ssyncadd.s32 $0xFFFFFFB0  }
0x54: {  	_ =	sfence.sel $0x180000  }
0x55: {  	[bflag:$0x0] =	sbarrier.arrive $0xFFFF  }
0x56: {  	p0 =	sne.s32 s1, $0x0;
	_ =	strace $0x90000047  }
0x57: {  	s0 =	sadd.s32 @!p0 $0x100000, s0;
	[bflag:$0x2] =	sbarrier.arrive $0xFFFF  }
0x58: {  	[sflag:s0] =	ssyncadd.tile.s32 @!p0 $0x1;
	_ =	shalt  }
.Lfunc_end2:
_tile_overlayer_lowered:
.L_overlay_start_2:
0x59: {  	(tag) =	ssettag $0x2  }
0x5a: {  	s0 =	rddreg [dreg:$0x0];
	s2 =	stileid.u32  }
0x5b: {  	s1 =	rddreg [dreg:$0x1];
	p0 =	sne.s32 s2, $0x0  }
0x5c: {  	s3 =	rddreg [dreg:$0x2];
	[bflag:$0x3] =	sbarrier.arrive $0xFFFF;
	s2 =	simm.s32 @!p0 $0x1C01  }
0x5d: {  	[timem:s3], [sflag:s2] =	dma.local @!p0 [hbm:s0], s1  }
0x5e: {  	s0 =	simm.s32 @!p0 $0x1  }
0x5f: {  	_ =	swait.ge @!p0 [sflag:s0], s1  }
0x60: {  	s1 =	ssub.s32 @!p0 $0x0, s1;
	[sflag:s0] =	ssyncset.done @!p0 $0x0  }
0x61: {  	[sflag:s0] =	ssyncadd.s32 @!p0 s1  }
0x62: {  	[bflag:$0x3] =	sbarrier.arrive $0xFFFF  }
0x63: {  	_ =	shalt  }

// kernel: kernel.19.cloned.1.call-start
scs
__scs_entry_jumppad:
0x0: {  	(pc) =	sbr.rel $0x88, $3  }
0x1: {  	(tag) =	ssettag $0x0;
	lr =	simm.s32 $0x1  }
0x2: {  	[smem:$0x3F9A] =	sst lr;
	_ =	strace $0xD0000000  }
0x3: {  	_ = 	snop  }
0x4: {  	_ = 	snop  }
0x5: {  	_ = 	snop  }
0x6: {  	_ = 	snop  }
0x7: {  	_ = 	snop  }
__scs_overlays_trampoline_lowered:
0x8: {  	[smem:$0x3FA9] =	sst s0  }
0x9: {  	[smem:$0x3FAA] =	sst s1  }
0xa: {  	[smem:$0x3FAB] =	sst s2  }
0xb: {  	[smem:$0x3FAC] =	sst s3  }
0xc: {  	[smem:$0x3FAD] =	sst s4  }
0xd: {  	[smem:$0x3FAE] =	sst s5  }
0xe: {  	[smem:$0x3FAF] =	sst s6  }
0xf: {  	[smem:$0x3FB0] =	sst s7  }
0x10: {  	[smem:$0x3FB1] =	sst s8  }
0x11: {  	[smem:$0x3FB2] =	sst s9;
	s0 =	simm.s32 @!p0 $0x0  }
0x12: {  	s1 =	sld [smem:$0x3F98];
	s0 =	simm.s32 @p0 $0x1  }
0x13: {  	[smem:$0x3FB3] =	sst s0;
	s0 =	simm.s32 @!p1 $0x0  }
0x14: {  	s2 =	sld [smem:$0x3F97];
	s0 =	simm.s32 @p1 $0x1  }
0x15: {  	[smem:$0x3FB4] =	sst s0;
	s0 =	simm.s32 @!p2 $0x0  }
0x16: {  	s3 =	sld [smem:$0x3FDB];
	s0 =	simm.s32 @p2 $0x1  }
0x17: {  	s4 =	simm.s32 $0x1BF5;
	[smem:$0x3FB6] =	sst s0  }
0x18: {  	s0 =	sld [smem:$0x3F99];
	_ =	swait.ge [sflag:s4], $0x0  }
0x19: {  	s7 =	sld [smem:$0x3F9A]  }
0x1a: {  	s8 =	sadd.s32 $0xFFFFE003, lr  }
0x1b: {  	s9 =	sadd.s32 $0xFFFFFEF7, lr;
	s5 =	simm.s32 $0xFFFFFFFF;
	p2 =	slt.u32 s8, $0xFFFFF086  }
0x1c: {  	p1 =	slt.u32 s9, $0xF7A;
	s5 =	simm.s32 @!p2 $0x0  }
0x1d: {  	s5 =	simm.s32 @p1 $0x1;
	p0 =	seq.s32 s7, s2  }
0x1e: {  	s7 =	smul.u32 @!p0 $0xF7A, s2;
	p2 =	seq.s32 @!p0 s5, $0x0  }
0x1f: {  	s9 =	smul.u32 $0xF7A, s1;
	s8 =	simm.s32 @!p0 $0x1BF5;
	p2 =	por !p2, p0  }
0x20: {  	[sflag:s8] =	ssyncset.s32 @!p0 $0xFFFFF086;
	s6 =	sadd.s32 @!p0 s3, s7;
	s7 =	simm.s32 @!p0 $0x108  }
0x21: {  	s3 =	sadd.s32 s3, s9;
	s6 =	sadd.s32 @!p0 $0x88, s6;
	s7 =	simm.s32 @p2 $0x1082  }
0x22: {  	[simem:s7], [sflag:s8] =	dma.local @!p0 [hbm:s6], $0xF7A  }
0x23: {  	s9 =	sor.u32 $0xD0000000, s2;
	s6 =	simm.s32 $0x108;
	_ =	swait.ge @!p0 [sflag:s8], $0x0  }
0x24: {  	s3 =	sadd.s32 $0x88, s3;
	s6 =	simm.s32 @!p1 $0x1082;
	[sflag:s4] =	ssyncset.s32 $0xFFFFF086  }
0x25: {  	[simem:s6], [sflag:s4] =	dma.local [hbm:s3], $0xF7A  }
0x26: {  	[smem:$0x3F9A] =	sst s1;
	(tag) =	ssettag s2;
	_ =	strace s9  }
0x27: {  	s1 =	sld [smem:$0x3FAA]  }
0x28: {  	s2 =	sld [smem:$0x3FAB]  }
0x29: {  	s4 =	sld [smem:$0x3FAD]  }
0x2a: {  	p0 =	seq.s32 s5, $0x0;
	s5 =	sld [smem:$0x3FAE]  }
0x2b: {  	s6 =	sld [smem:$0x3FAF]  }
0x2c: {  	s7 =	sld [smem:$0x3FB0]  }
0x2d: {  	s3 =	simm.s32 $0x108;
	s8 =	sld [smem:$0x3FB1]  }
0x2e: {  	s3 =	simm.s32 @!p0 $0x1082;
	s9 =	sld [smem:$0x3FB2]  }
0x2f: {  	lr =	sadd.s32 s0, s3;
	s0 =	sld [smem:$0x3FA9]  }
0x30: {  	s3 =	sld [smem:$0x3FAC]  }
0x31: {  	[smem:$0x3FB5] =	sst s10  }
0x32: {  	s10 =	sld [smem:$0x3FB3];
	_ =	sdelay $0x3  }
0x33: {  	p0 =	seq.s32 s10, $0x1;
	s10 =	sld [smem:$0x3FB5];
	_ =	sdelay $0x3  }
0x34: {  	[smem:$0x3FB5] =	sst s10  }
0x35: {  	s10 =	sld [smem:$0x3FB4];
	_ =	sdelay $0x3  }
0x36: {  	p1 =	seq.s32 s10, $0x1;
	s10 =	sld [smem:$0x3FB5];
	_ =	sdelay $0x3  }
0x37: {  	[smem:$0x3FB5] =	sst s10  }
0x38: {  	s10 =	sld [smem:$0x3FB6]  }
0x39: {  	_ = 	snop;
	(pc) =	sbr.ind lr, $3  }
0x3a: {  	_ = 	snop  }
0x3b: {  	_ = 	snop  }
0x3c: {  	p2 =	seq.s32 s10, $0x1;
	s10 =	sld [smem:$0x3FB5]  }
0x3d: {  	_ =	shalt  }
0x3e: {  	_ =	shalt  }
0x3f: {  	_ =	shalt  }
0x40: {  	_ =	shalt  }
0x41: {  	_ =	shalt  }
0x42: {  	_ =	shalt  }
0x43: {  	_ =	shalt  }
0x44: {  	_ =	shalt  }
0x45: {  	_ =	shalt  }
0x46: {  	_ =	shalt  }
0x47: {  	_ =	shalt  }
0x48: {  	_ =	shalt  }
0x49: {  	_ =	shalt  }
0x4a: {  	_ =	shalt  }
0x4b: {  	_ =	shalt  }
0x4c: {  	_ =	shalt  }
0x4d: {  	_ =	shalt  }
0x4e: {  	_ =	shalt  }
0x4f: {  	_ =	shalt  }
0x50: {  	_ =	shalt  }
0x51: {  	_ =	shalt  }
0x52: {  	_ =	shalt  }
0x53: {  	_ =	shalt  }
0x54: {  	_ =	shalt  }
0x55: {  	_ =	shalt  }
0x56: {  	_ =	shalt  }
0x57: {  	_ =	shalt  }
0x58: {  	_ =	shalt  }
0x59: {  	_ =	shalt  }
0x5a: {  	_ =	shalt  }
0x5b: {  	_ =	shalt  }
0x5c: {  	_ =	shalt  }
0x5d: {  	_ =	shalt  }
0x5e: {  	_ =	shalt  }
0x5f: {  	_ =	shalt  }
0x60: {  	_ =	shalt  }
0x61: {  	_ =	shalt  }
0x62: {  	_ =	shalt  }
0x63: {  	_ =	shalt  }
0x64: {  	_ =	shalt  }
0x65: {  	_ =	shalt  }
0x66: {  	_ =	shalt  }
0x67: {  	_ =	shalt  }
0x68: {  	_ =	shalt  }
0x69: {  	_ =	shalt  }
0x6a: {  	_ =	shalt  }
0x6b: {  	_ =	shalt  }
0x6c: {  	_ =	shalt  }
0x6d: {  	_ =	shalt  }
0x6e: {  	_ =	shalt  }
0x6f: {  	_ =	shalt  }
0x70: {  	_ =	shalt  }
0x71: {  	_ =	shalt  }
0x72: {  	_ =	shalt  }
0x73: {  	_ =	shalt  }
0x74: {  	_ =	shalt  }
0x75: {  	_ =	shalt  }
0x76: {  	_ =	shalt  }
0x77: {  	_ =	shalt  }
0x78: {  	_ =	shalt  }
0x79: {  	_ =	shalt  }
0x7a: {  	_ =	shalt  }
0x7b: {  	_ =	shalt  }
0x7c: {  	_ =	shalt  }
0x7d: {  	_ =	shalt  }
0x7e: {  	_ =	shalt  }
0x7f: {  	_ =	shalt  }
0x80: {  	_ =	shalt  }
0x81: {  	_ =	shalt  }
0x82: {  	_ =	shalt  }
0x83: {  	_ =	shalt  }
0x84: {  	_ =	shalt  }
0x85: {  	_ =	shalt  }
0x86: {  	_ =	shalt  }
0x87: {  	_ =	shalt  }
.Lfunc_end0:
.L_simem_size_0:
called_computation.1_lowered:
.L_overlay_start_0:
0x88: {  	s2 =	sld [smem:$0x3FD9]  }
0x89: {  	s3 =	sld [smem:$0x3FFE];
	_ =	sdelay $0x1  }
0x8a: {  	s1 =	srdreg.scid  }
0x8b: {  	s0 =	sand.u32 $0x1, s1  }
0x8c: {  	s17 =	sshll.u32 s0, $0xA;
	s2 =	sadd.s32 s3, s2  }
0x8d: {  	s2 =	sadd.s32 s2, s17  }
0x8e: {  	[smem:$0x3FC1] =	sst s2  }
0x8f: {  	_ = 	snop  }
0x90: {  	s18 =	sld [smem:$0x3FC9];
	(tm) =	ssettm $0x1  }
0x91: {  	s19 =	sld [smem:$0x3FFB];
	_ =	sdelay $0x3  }
0x92: {  	_ =	strace s19  }
0x93: {  	s2 =	sld [smem:$0x3FFC];
	_ =	sdelay $0x3  }
0x94: {  	_ =	strace s2  }
0x95: {  	s2 =	sld [smem:$0x3FFD];
	_ =	sdelay $0x3  }
0x96: {  	_ =	strace s2  }
0x97: {  	_ =	strace $0x8FFFFFFF  }
0x98: {  	s20 =	sld [smem:$0x3FDB];
	_ =	sdelay $0x1  }
0x99: {  	s4 =	simm.s32 $_scs_section_size  }
0x9a: {  	s5 =	simm.s32 $_size__tile_overlayer_lowered;
	s6 =	simm.s32 $_tile_overlayer_lowered  }
0x9b: {  	s7 =	simm.s32 $0x1BFF;
	s21 =	sshll.u32 s6, $0x1;
	s4 =	sadd.s32 s4, s20  }
0x9c: {  	s22 =	simm.s32 $0x0;
	s5 =	sshll.u32 s5, $0x1;
	s6 =	sadd.s32 s21, s4  }
0x9d: {  	[timem:s22], [sflag:s7] =	dma.local [hbm:s6], s5  }
0x9e: {  	_ =	swait.ge [sflag:s7], s5  }
0x9f: {  	s5 =	ssub.s32 $0x0, s5;
	[sflag:s7] =	ssyncset.done $0x0  }
0xa0: {  	[sflag:s7] =	ssyncadd.s32 s5;
	_ =	sdelay $0x1  }
0xa1: {  	s23 =	simm.s32 $0x1B8B  }
0xa2: {  	_ =	swait.ge [sflag:s23], $0x1  }
0xa3: {  	[sflag:s23] =	ssyncset.done $0x0  }
0xa4: {  	[sflag:s23] =	ssyncadd.s32 $0xFFFFFFFF  }
0xa5: {  	s5 =	sld [smem:$0x0]  }
0xa6: {  	s6 =	sand.u32 $0xFFFFFFFE, s1  }
0xa7: {  	p0 =	sne.s32 s1, s6  }
0xa8: {  	s6 =	sshll.u32 @p0 s6, $0xE  }
0xa9: {  	s6 =	sadd.s32 @p0 $0x11B8D, s6;
	s7 =	sshll.u32 @p0 s5, $0x11  }
0xaa: {  	s6 =	sor.u32 @p0 s7, s6  }
0xab: {  	[sflag:s6] =	ssyncadd.remote.s32 @p0 $0x1;
	_ =	sdelay $0x1  }
0xac: {  	s6 =	simm.s32 @p0 $0x1B8D  }
0xad: {  	_ =	swait.eq @p0 [sflag:s6], $0x1  }
0xae: {  	[sflag:s6] =	ssyncadd.s32 @p0 $0xFFFFFFFF  }
0xaf: {  	s7 =	sshll.u32 @!p0 s1, $0xE  }
0xb0: {  	s7 =	sor.u32 @!p0 $0x4000, s7;
	s6 =	simm.s32 @!p0 $0x1B8D  }
0xb1: {  	s5 =	sshll.u32 @!p0 s5, $0x11;
	s7 =	sadd.s32 @!p0 $0x11B8D, s7;
	_ =	swait.eq @!p0 [sflag:s6], $0x1  }
0xb2: {  	s5 =	sor.u32 @!p0 s5, s7;
	[sflag:s6] =	ssyncadd.s32 @!p0 $0xFFFFFFFF  }
0xb3: {  	s25 =	simm.s32 $0x1B8E;
	s24 =	sld [smem:$0x3FFE];
	[sflag:s5] =	ssyncadd.remote.s32 @!p0 $0x1  }
0xb4: {  	s26 =	simm.s32 $execute0_lowered;
	[smem:$0x3FD2] =	sst s25  }
0xb5: {  	s6 =	sshll.u32 s26, $0x1;
	_ =	strace $0x80000049;
	[dreg:$0x1] =	wrdreg $0xFFFFFFFF  }
0xb6: {  	s28 =	simm.s32 $_size_execute0_lowered;
	s4 =	sadd.s32 s4, s6;
	[dreg:$0x0] =	wrdreg $0x0  }
0xb7: {  	s6 =	sshll.u32 s28, $0x1;
	[dreg:$0x2] =	wrdreg s4  }
0xb8: {  	[dreg:$0x3] =	wrdreg s6  }
0xb9: {  	[dreg:$0x4] =	wrdreg $0xC0  }
0xba: {  	_ =	task [dreg:s22], $0x5FFFF  }
0xbb: {  	[dreg:$0x1] =	wrdreg $0xFFFFFFFF  }
0xbc: {  	[dreg:$0x0] =	wrdreg $0x60  }
0xbd: {  	[dreg:$0x2] =	wrdreg s18  }
0xbe: {  	[dreg:$0x3] =	wrdreg s24  }
0xbf: {  	[dreg:$0x4] =	wrdreg $0xB7800  }
0xc0: {  	[dreg:$0x5] =	wrdreg $0xA  }
0xc1: {  	_ =	task.clear_ibuf [dreg:s22], $0x6FFFF;
	_ =	strace $0x90000049  }
0xc2: {  	s29 =	simm.s32 $0xA;
	_ =	strace $0x8000004B  }
0xc3: {  	_ =	swait.ge [sflag:s29], $0x1  }
0xc4: {  	[sflag:s29] =	ssyncadd.s32 $0xFFFFFFFF  }
0xc5: {  	_ =	strace $0x9000004B  }
0xc6: {  	_ =	sfence  }
0xc7: {  	s30 =	sld [smem:$0x0];
	_ =	sdelay $0x2  }
0xc8: {  	s31 =	sshll.u32 s1, $0xD;
	s1 =	sshrl.u32 s1, $0x2  }
0xc9: {  	s4 =	sand.u32 $0x4000, s31;
	s1 =	sadd.s32 s1, s30  }
0xca: {  	s0 =	sor.u32 s4, s0;
	s1 =	sshll.u32 s1, $0x11  }
0xcb: {  	s0 =	sor.u32 s1, s0  }
0xcc: {  	s0 =	sadd.s32 $0x8F2B, s0  }
0xcd: {  	[sflag:s0] =	ssyncadd.remote.s32 $0x1  }
0xce: {  	_ =	sfence.sel $0xFFFF  }
0xcf: {  	[dreg:$0x0] =	wrdreg $0xFFFFFFFF;
	(pc) =	sbr.abs _section_cstart, $3  }
0xd0: {  	[dreg:$0x1] =	wrdreg $0xFFFFFFFF  }
0xd1: {  	_ =	task.clear_ibuf [dreg:s22], $0x2FFFF;
	_ =	strace $0x9FFFFFFF  }
0xd2: {  	(tm) =	ssettm $0x7FFFFFFF  }
0xd3: {  	_ =	shalt  }
tec
execute0_lowered:
.L_overlay_start_1:
0x0: {  	(tag) =	ssettag $0x1  }
0x1: {  	s2 =	srdreg.scid  }
0x2: {  	s0 =	stileid.u32;
	s1 =	rddreg [dreg:$0x0]  }
0x3: {  	s5 =	rddreg [dreg:$0x1];
	s21 =	simm.s32 $0x2800;
	s22 =	simm.s32 $0x80  }
0x4: {  	s23 =	simm.s32 $0x400;
	s24 =	simm.s32 $0x5000;
	s2 =	sand.u32 $0x1, s2  }
0x5: {  	s3 =	sshll.u32 s0, $0x1;
	s4 =	sshrl.u32 s0, $0x2;
	s26 =	smul.u32 $0x50000, s0  }
0x6: {  	s11 =	smul.u32 $0x14000, s0;
	s17 =	sadd.s32 $0x23800, s5;
	s6 =	sor.u32 s2, s3  }
0x7: {  	s3 =	rddreg [dreg:$0x2];
	s7 =	smul.u32 $0x13C00, s4;
	s4 =	simm.s32 $0x0  }
0x8: {  	s28 =	ssub.s32 $0x2, s2;
	s2 =	smul.u32 $0x140000, s2;
	s25 =	sshll.u32 s6, $0x7  }
0x9: {  	s6 =	smul.u32 $0x500, s6;
	[smem:$0x7FF] =	sst s4;
	s29 =	sshrl.u32 s28, $0x1  }
0xa: {  	s30 =	sshrl.u32 s26, $0x2;
	s14 =	sadd.s32 $0x4000, s11;
	s15 =	sadd.s32 $0x8000, s11  }
0xb: {  	s16 =	sadd.s32 $0xC000, s11;
	s19 =	sadd.s32 $0x10000, s11;
	s8 =	sand.u32 $0x380, s25  }
0xc: {  	_ =	strace $0x8000004A;
	s18 =	ssub.s32 s28, s29;
	s9 =	sadd.s32 s19, s3  }
0xd: {  	s20 =	sadd.s32 s11, s2;
	s25 =	simm.s32 $0x1;
	s7 =	sor.u32 s7, s8  }
0xe: {  	s13 =	sadd.s32 s6, s5;
	s6 =	sadd.s32 s14, s3;
	s8 =	sadd.s32 s16, s3  }
0xf: {  	s31 =	sshrl.u32 s20, $0x3;
	s14 =	sadd.s32 s2, s14;
	s16 =	sadd.s32 s2, s16  }
0x10: {  	s18 =	smax.u32 s18, $0x1;
	s20 =	simm.s32 $0x2;
	s7 =	sshrl.u32 s7, $0x3  }
0x11: {  	s10 =	sadd.s32 $0x5000, s13;
	s11 =	sadd.s32 $0x19800, s13;
	s13 =	sadd.s32 s17, s31  }
0x12: {  	s14 =	sshrl.u32 s14, $0x3;
	s16 =	sshrl.u32 s16, $0x3;
	s12 =	sadd.s32 s7, s5  }
0x13: {  	s5 =	sadd.s32 s30, s3;
	s7 =	sadd.s32 s15, s3;
	s14 =	sadd.s32 s17, s14  }
0x14: {  	s15 =	sadd.s32 s2, s15;
	s2 =	sadd.s32 s2, s19;
	s16 =	sadd.s32 s17, s16  }
0x15: {  	s19 =	simm.s32 $0x7780;
	s15 =	sshrl.u32 s15, $0x3;
	s2 =	sshrl.u32 s2, $0x3  }
0x16: {  	v0 =	vimm.f32 $0.0e+00;
	s12 =	sadd.s32 $0xFA00, s12;
	s15 =	sadd.s32 s17, s15;
	s17 =	sadd.s32 s17, s2  }
.LBB2_1:
0x17: {  	s2 =	simm.s32 $0x0;
	s26 =	simm.s32 $0x200  }
.LBB2_2:
0x18: {  	p0 =	sne.s32 s26, $0xFE00;
	[tilespmem:s2+$0x77F0] =	vst v0  }
0x19: {  	[tilespmem:s2+$0x7780] =	vst v0  }
0x1a: {  	[tilespmem:s2+$0x7790] =	vst v0  }
.Ltmp0:
0x1b: {  	[tilespmem:s2+$0x77A0] =	vst v0;
	(pc) =	sbr.rel @p0 .LBB2_2-.Ltmp0, $4  }
0x1c: {  	[tilespmem:s2+$0x77B0] =	vst v0  }
0x1d: {  	[tilespmem:s2+$0x77C0] =	vst v0  }
0x1e: {  	[tilespmem:s2+$0x77D0] =	vst v0  }
0x1f: {  	[tilespmem:s2+$0x77E0] =	vst v0;
	s2 =	sshra.s32 s26, $0x2;
	s26 =	sadd.s32 $0x200, s26  }
0x20: {  	[tilespmem:s2+$0x77F0] =	vst v0  }
0x21: {  	[tilespmem:s2+$0x7780] =	vst v0  }
0x22: {  	[tilespmem:s2+$0x7790] =	vst v0  }
0x23: {  	[tilespmem:s2+$0x77A0] =	vst v0  }
0x24: {  	[tilespmem:s2+$0x77B0] =	vst v0  }
0x25: {  	[tilespmem:s2+$0x77C0] =	vst v0  }
0x26: {  	[tilespmem:s2+$0x77D0] =	vst v0  }
0x27: {  	[tilespmem:s2+$0x77E0] =	vst v0  }
0x28: {  	[spmem:s5] =	stream.linear.scatter [tilespmem:s19], [sflag:$0x2], $0x4000, $0x38;
	[tilespmem:$0x1F780] =	vst v63  }
0x29: {  	_ =	swait.ge [sflag:s20], $0x4000  }
0x2a: {  	[sflag:s20] =	ssyncset.done $0x0  }
0x2b: {  	[sflag:s20] =	ssyncadd.s32 $0xFFFFC000  }
0x2c: {  	[spmem:s6] =	stream.linear.scatter [tilespmem:s19], [sflag:$0x2], $0x4000, $0x38;
	[tilespmem:$0x1F780] =	vst v63  }
0x2d: {  	_ =	swait.ge [sflag:s20], $0x4000  }
0x2e: {  	[sflag:s20] =	ssyncset.done $0x0  }
0x2f: {  	[sflag:s20] =	ssyncadd.s32 $0xFFFFC000  }
0x30: {  	[spmem:s7] =	stream.linear.scatter [tilespmem:s19], [sflag:$0x2], $0x4000, $0x38;
	[tilespmem:$0x1F780] =	vst v63  }
0x31: {  	_ =	swait.ge [sflag:s20], $0x4000  }
0x32: {  	[sflag:s20] =	ssyncset.done $0x0  }
0x33: {  	[sflag:s20] =	ssyncadd.s32 $0xFFFFC000  }
0x34: {  	[spmem:s8] =	stream.linear.scatter [tilespmem:s19], [sflag:$0x2], $0x4000, $0x38;
	[tilespmem:$0x1F780] =	vst v63  }
0x35: {  	_ =	swait.ge [sflag:s20], $0x4000  }
0x36: {  	[sflag:s20] =	ssyncset.done $0x0  }
0x37: {  	[sflag:s20] =	ssyncadd.s32 $0xFFFFC000  }
0x38: {  	[spmem:s9] =	stream.linear.scatter [tilespmem:s19], [sflag:$0x2], $0x4000, $0x38;
	[tilespmem:$0x1F780] =	vst v63  }
0x39: {  	_ =	swait.ge [sflag:s20], $0x4000  }
0x3a: {  	[sflag:s20] =	ssyncset.done $0x0  }
0x3b: {  	s26 =	simm.s32 $0x0;
	[sflag:s20] =	ssyncadd.s32 $0xFFFFC000  }
0x3c: {  	[tilespmem:s26], [sflag:$0x2] =	stream.linear.gather [hbm4b:s10+s26], $0x2780, $0x38;
	[tilespmem:$0x1F780] =	vst v63  }
0x3d: {  	_ =	swait.ge [sflag:s20], $0x2780  }
0x3e: {  	[sflag:s20] =	ssyncset.done $0x0  }
0x3f: {  	[sflag:s20] =	ssyncadd.s32 $0xFFFFD880  }
0x40: {  	[tilespmem:s21], [sflag:$0x2] =	stream.linear.gather [hbm4b:s11+s26], $0x2780, $0x38;
	[tilespmem:$0x1F780] =	vst v63  }
0x41: {  	_ =	swait.ge [sflag:s20], $0x2780  }
0x42: {  	[sflag:s20] =	ssyncset.done $0x0  }
0x43: {  	[sflag:s20] =	ssyncadd.s32 $0xFFFFD880  }
0x44: {  	[tilespmem:s24], [sflag:$0x2] =	stream.strided.gather [hbm4b:s12+s22], $0x2780, s23, s22, $0x38;
	[tilespmem:$0x1F780] =	vst v63  }
0x45: {  	_ =	swait.ge [sflag:s20], $0x2780  }
0x46: {  	[sflag:s20] =	ssyncset.done $0x0  }
0x47: {  	[sflag:s20] =	ssyncadd.s32 $0xFFFFD880  }
0x48: {  	s28 =	simm.s32 $0x0;
	[bflag:$0x0] =	sbarrier.arrive $0xFFFF  }
.LBB2_4:
0x49: {  	s29 =	sshll.u32 s28, $0x7  }
0x4a: {  	s2 =	sadd.s32 $0x2800, s29  }
0x4b: {  	[tilespmem:s19], [sflag:$0x1] =	stream.indirect.gather [hbm4b:s1+s22], $0x80, s2, s22, $0xb8;
	[tilespmem:$0x1F780] =	vst v63  }
0x4c: {  	s0 =	sadd.s32 $0x0, s26;
	_ =	swait.ge [sflag:s25], $0x4000  }
0x4d: {  	v1 =	vmov s0;
	[sflag:s25] =	ssyncset.done $0x0  }
0x4e: {  	s30 =	simm.s32 $0x77C0;
	[sflag:s25] =	ssyncadd.s32 $0xFFFFC000  }
0x4f: {  	v5 =	vld [tilespmem:s30+$0x30]  }
0x50: {  	v8 =	vld [tilespmem:s30+$0x10]  }
0x51: {  	v6 =	vld [tilespmem:s30+$0xFFFFFFC0]  }
0x52: {  	v2 =	vld.idx.msk [tilespmem:v1+s24+$0x0], $0xffff  }
0x53: {  	v10 =	vld [tilespmem:s30+$0xFFFFFFE0]  }
0x54: {  	v1 =	vld [tilespmem:s30+$0xFFFFFFF0]  }
0x55: {  	v3 =	vld [tilespmem:s30+$0x20]  }
0x56: {  	v4 =	vld [tilespmem:s30+$0xFFFFFFD0]  }
0x57: {  	v9 =	vmul.f32 v5, v2;
	v5 =	vld [tilespmem:s30+$0x0]  }
0x58: {  	v7 =	vmul.f32 v6, v2  }
0x59: {  	s31 =	simm.s32 $0x1;
	s2 =	simm.s32 $0x77C0;
	v6 =	vmul.f32 v10, v2;
	v8 =	vmul.f32 v8, v2  }
.LBB2_5:
0x5a: {  	p0 =	sne.s32 s31, $0x7F  }
0x5b: {  	v4 =	vmul.f32 v4, v2;
	v3 =	vmul.f32 v3, v2;
	[tilespmem:s30+$0x30] =	vst v9;
	s2 =	sadd.s32 $0x80, s2;
	s0 =	smov.u32 s31;
	s31 =	sadd.s32 $0x1, s31  }
0x5c: {  	[tilespmem:s30+$0xFFFFFFC0] =	vst v7;
	v7 =	vmul.f32 v1, v2;
	v2 =	vmul.f32 v5, v2  }
0x5d: {  	s0 =	sadd.s32 s0, s26;
	[tilespmem:s30+$0x10] =	vst v8  }
0x5e: {  	v5 =	vmov s0;
	[tilespmem:s30+$0xFFFFFFE0] =	vst v6  }
0x5f: {  	v1 =	vld [tilespmem:s2+$0xFFFFFFF0];
	[tilespmem:s30+$0xFFFFFFF0] =	vst v7  }
0x60: {  	v6 =	vld [tilespmem:s2+$0x30];
	[tilespmem:s30+$0x0] =	vst v2  }
0x61: {  	v8 =	vld [tilespmem:s2+$0x10];
	[tilespmem:s30+$0x20] =	vst v3  }
0x62: {  	v7 =	vld [tilespmem:s2+$0xFFFFFFC0];
	[tilespmem:s30+$0xFFFFFFD0] =	vst v4;
	s30 =	smov.u32 s2  }
0x63: {  	v2 =	vld.idx.msk [tilespmem:v5+s24+$0x0], $0xffff  }
0x64: {  	v10 =	vld [tilespmem:s2+$0xFFFFFFE0]  }
0x65: {  	v3 =	vld [tilespmem:s2+$0x20]  }
.Ltmp1:
0x66: {  	v4 =	vld [tilespmem:s2+$0xFFFFFFD0];
	(pc) =	sbr.rel @p0 .LBB2_5-.Ltmp1, $3  }
0x67: {  	v5 =	vld [tilespmem:s2+$0x0];
	_ =	sdelay $0x1  }
0x68: {  	v7 =	vmul.f32 v7, v2;
	v9 =	vmul.f32 v6, v2  }
0x69: {  	v8 =	vmul.f32 v8, v2;
	v6 =	vmul.f32 v10, v2  }
0x6a: {  	[tilespmem:s30+$0x30] =	vst v9  }
0x6b: {  	[tilespmem:s30+$0xFFFFFFC0] =	vst v7  }
0x6c: {  	v1 =	vmul.f32 v1, v2;
	[tilespmem:s30+$0x10] =	vst v8  }
0x6d: {  	v3 =	vmul.f32 v3, v2;
	[tilespmem:s30+$0xFFFFFFE0] =	vst v6  }
0x6e: {  	v5 =	vmul.f32 v5, v2;
	[tilespmem:s30+$0xFFFFFFF0] =	vst v1  }
0x6f: {  	s28 =	sadd.s32 $0x1, s28;
	v1 =	vmul.f32 v4, v2;
	[tilespmem:s30+$0x20] =	vst v3  }
0x70: {  	p0 =	sne.s32 s28, $0x4F;
	[tilespmem:s30+$0x0] =	vst v5  }
.Ltmp2:
0x71: {  	[tilespmem:s30+$0xFFFFFFD0] =	vst v1;
	(pc) =	sbr.rel @p0 .LBB2_4-.Ltmp2, $4  }
0x72: {  	[spmem:s3] =	stream.indirect.scatter.add.f32 [tilespmem:s19], [sflag:$0x2], $0x80, s29, s22, $0xb8;
	[tilespmem:$0x1F780] =	vst v63  }
0x73: {  	_ =	swait.ge [sflag:s20], $0x4000  }
0x74: {  	[sflag:s20] =	ssyncset.done $0x0  }
0x75: {  	s26 =	sadd.s32 $0x80, s26;
	[sflag:s20] =	ssyncadd.s32 $0xFFFFC000  }
0x76: {  	s0 =	stileid.u32  }
0x77: {  	s0 =	sshll.u32 s0, $0x6  }
0x78: {  	[bflag:$0x0] =	sbarrier.arrive $0xFFFF;
	s2 =	sshrl.u32 s5, $0x3;
	s0 =	sor.u32 $0x1C02, s0  }
0x79: {  	[hbm:s13], [sflag:s0] =	dma.local [spmem:s2], $0x800  }
0x7a: {  	_ =	swait.ge [sflag:s20], $0x800  }
0x7b: {  	[sflag:s20] =	ssyncset.done $0x0  }
0x7c: {  	s28 =	sshrl.u32 s6, $0x3;
	[sflag:s20] =	ssyncadd.s32 $0xFFFFF800  }
0x7d: {  	[hbm:s14], [sflag:s0] =	dma.local [spmem:s28], $0x800  }
0x7e: {  	_ =	swait.ge [sflag:s20], $0x800  }
0x7f: {  	[sflag:s20] =	ssyncset.done $0x0  }
0x80: {  	s29 =	sshrl.u32 s7, $0x3;
	[sflag:s20] =	ssyncadd.s32 $0xFFFFF800  }
0x81: {  	[hbm:s15], [sflag:s0] =	dma.local [spmem:s29], $0x800  }
0x82: {  	_ =	swait.ge [sflag:s20], $0x800  }
0x83: {  	[sflag:s20] =	ssyncset.done $0x0  }
0x84: {  	s30 =	sshrl.u32 s8, $0x3;
	[sflag:s20] =	ssyncadd.s32 $0xFFFFF800  }
0x85: {  	[hbm:s16], [sflag:s0] =	dma.local [spmem:s30], $0x800  }
0x86: {  	s4 =	sadd.s32 $0x1, s4;
	_ =	swait.ge [sflag:s20], $0x800  }
0x87: {  	p0 =	sne.s32 s4, s18;
	[sflag:s20] =	ssyncset.done $0x0  }
.Ltmp3:
0x88: {  	s31 =	sshrl.u32 s9, $0x3;
	[sflag:s20] =	ssyncadd.s32 $0xFFFFF800;
	(pc) =	sbr.rel @p0 .LBB2_1-.Ltmp3, $4  }
0x89: {  	[hbm:s17], [sflag:s0] =	dma.local [spmem:s31], $0x800  }
0x8a: {  	_ =	swait.ge [sflag:s20], $0x800  }
0x8b: {  	[sflag:s20] =	ssyncset.done $0x0  }
0x8c: {  	[sflag:s20] =	ssyncadd.s32 $0xFFFFF800  }
0x8d: {  	_ =	sfence.sel $0x180000  }
0x8e: {  	[bflag:$0x0] =	sbarrier.arrive $0xFFFF  }
0x8f: {  	_ =	strace $0x9000004A  }
0x90: {  	s0 =	stileid.u32;
	[bflag:$0x2] =	sbarrier.arrive $0xFFFF  }
0x91: {  	p0 =	sne.s32 s0, $0x0;
	s0 =	rddreg [dreg:$0x3]  }
0x92: {  	s0 =	sadd.s32 @!p0 $0x100000, s0  }
0x93: {  	[sflag:s0] =	ssyncadd.tile.s32 @!p0 $0x1;
	_ =	shalt  }
.Lfunc_end2:
_tile_overlayer_lowered:
.L_overlay_start_2:
0x94: {  	(tag) =	ssettag $0x2  }
0x95: {  	s0 =	rddreg [dreg:$0x0];
	s2 =	stileid.u32  }
0x96: {  	s1 =	rddreg [dreg:$0x1];
	p0 =	sne.s32 s2, $0x0  }
0x97: {  	s3 =	rddreg [dreg:$0x2];
	[bflag:$0x3] =	sbarrier.arrive $0xFFFF;
	s2 =	simm.s32 @!p0 $0x1C02  }
0x98: {  	[timem:s3], [sflag:s2] =	dma.local @!p0 [hbm:s0], s1  }
0x99: {  	s0 =	simm.s32 @!p0 $0x2  }
0x9a: {  	_ =	swait.ge @!p0 [sflag:s0], s1  }
0x9b: {  	s1 =	ssub.s32 @!p0 $0x0, s1;
	[sflag:s0] =	ssyncset.done @!p0 $0x0  }
0x9c: {  	[sflag:s0] =	ssyncadd.s32 @!p0 s1  }
0x9d: {  	[bflag:$0x3] =	sbarrier.arrive $0xFFFF  }
0x9e: {  	_ =	shalt  }

// kernel: kernel.22.cloned.1.call-start
scs
__scs_entry_jumppad:
0x0: {  	(pc) =	sbr.rel $0x88, $3  }
0x1: {  	(tag) =	ssettag $0x0;
	lr =	simm.s32 $0x1  }
0x2: {  	[smem:$0x3F9A] =	sst lr;
	_ =	strace $0xD0000000  }
0x3: {  	_ = 	snop  }
0x4: {  	_ = 	snop  }
0x5: {  	_ = 	snop  }
0x6: {  	_ = 	snop  }
0x7: {  	_ = 	snop  }
__scs_overlays_trampoline_lowered:
0x8: {  	[smem:$0x3FA9] =	sst s0  }
0x9: {  	[smem:$0x3FAA] =	sst s1  }
0xa: {  	[smem:$0x3FAB] =	sst s2  }
0xb: {  	[smem:$0x3FAC] =	sst s3  }
0xc: {  	[smem:$0x3FAD] =	sst s4  }
0xd: {  	[smem:$0x3FAE] =	sst s5  }
0xe: {  	[smem:$0x3FAF] =	sst s6  }
0xf: {  	[smem:$0x3FB0] =	sst s7  }
0x10: {  	[smem:$0x3FB1] =	sst s8  }
0x11: {  	[smem:$0x3FB2] =	sst s9;
	s0 =	simm.s32 @!p0 $0x0  }
0x12: {  	s1 =	sld [smem:$0x3F98];
	s0 =	simm.s32 @p0 $0x1  }
0x13: {  	[smem:$0x3FB3] =	sst s0;
	s0 =	simm.s32 @!p1 $0x0  }
0x14: {  	s2 =	sld [smem:$0x3F97];
	s0 =	simm.s32 @p1 $0x1  }
0x15: {  	[smem:$0x3FB4] =	sst s0;
	s0 =	simm.s32 @!p2 $0x0  }
0x16: {  	s3 =	sld [smem:$0x3FDB];
	s0 =	simm.s32 @p2 $0x1  }
0x17: {  	s4 =	simm.s32 $0x1BF5;
	[smem:$0x3FB6] =	sst s0  }
0x18: {  	s0 =	sld [smem:$0x3F99];
	_ =	swait.ge [sflag:s4], $0x0  }
0x19: {  	s7 =	sld [smem:$0x3F9A]  }
0x1a: {  	s8 =	sadd.s32 $0xFFFFE003, lr  }
0x1b: {  	s9 =	sadd.s32 $0xFFFFFEF7, lr;
	s5 =	simm.s32 $0xFFFFFFFF;
	p2 =	slt.u32 s8, $0xFFFFF086  }
0x1c: {  	p1 =	slt.u32 s9, $0xF7A;
	s5 =	simm.s32 @!p2 $0x0  }
0x1d: {  	s5 =	simm.s32 @p1 $0x1;
	p0 =	seq.s32 s7, s2  }
0x1e: {  	s7 =	smul.u32 @!p0 $0xF7A, s2;
	p2 =	seq.s32 @!p0 s5, $0x0  }
0x1f: {  	s9 =	smul.u32 $0xF7A, s1;
	s8 =	simm.s32 @!p0 $0x1BF5;
	p2 =	por !p2, p0  }
0x20: {  	[sflag:s8] =	ssyncset.s32 @!p0 $0xFFFFF086;
	s6 =	sadd.s32 @!p0 s3, s7;
	s7 =	simm.s32 @!p0 $0x108  }
0x21: {  	s3 =	sadd.s32 s3, s9;
	s6 =	sadd.s32 @!p0 $0x88, s6;
	s7 =	simm.s32 @p2 $0x1082  }
0x22: {  	[simem:s7], [sflag:s8] =	dma.local @!p0 [hbm:s6], $0xF7A  }
0x23: {  	s9 =	sor.u32 $0xD0000000, s2;
	s6 =	simm.s32 $0x108;
	_ =	swait.ge @!p0 [sflag:s8], $0x0  }
0x24: {  	s3 =	sadd.s32 $0x88, s3;
	s6 =	simm.s32 @!p1 $0x1082;
	[sflag:s4] =	ssyncset.s32 $0xFFFFF086  }
0x25: {  	[simem:s6], [sflag:s4] =	dma.local [hbm:s3], $0xF7A  }
0x26: {  	[smem:$0x3F9A] =	sst s1;
	(tag) =	ssettag s2;
	_ =	strace s9  }
0x27: {  	s1 =	sld [smem:$0x3FAA]  }
0x28: {  	s2 =	sld [smem:$0x3FAB]  }
0x29: {  	s4 =	sld [smem:$0x3FAD]  }
0x2a: {  	p0 =	seq.s32 s5, $0x0;
	s5 =	sld [smem:$0x3FAE]  }
0x2b: {  	s6 =	sld [smem:$0x3FAF]  }
0x2c: {  	s7 =	sld [smem:$0x3FB0]  }
0x2d: {  	s3 =	simm.s32 $0x108;
	s8 =	sld [smem:$0x3FB1]  }
0x2e: {  	s3 =	simm.s32 @!p0 $0x1082;
	s9 =	sld [smem:$0x3FB2]  }
0x2f: {  	lr =	sadd.s32 s0, s3;
	s0 =	sld [smem:$0x3FA9]  }
0x30: {  	s3 =	sld [smem:$0x3FAC]  }
0x31: {  	[smem:$0x3FB5] =	sst s10  }
0x32: {  	s10 =	sld [smem:$0x3FB3];
	_ =	sdelay $0x3  }
0x33: {  	p0 =	seq.s32 s10, $0x1;
	s10 =	sld [smem:$0x3FB5];
	_ =	sdelay $0x3  }
0x34: {  	[smem:$0x3FB5] =	sst s10  }
0x35: {  	s10 =	sld [smem:$0x3FB4];
	_ =	sdelay $0x3  }
0x36: {  	p1 =	seq.s32 s10, $0x1;
	s10 =	sld [smem:$0x3FB5];
	_ =	sdelay $0x3  }
0x37: {  	[smem:$0x3FB5] =	sst s10  }
0x38: {  	s10 =	sld [smem:$0x3FB6]  }
0x39: {  	_ = 	snop;
	(pc) =	sbr.ind lr, $3  }
0x3a: {  	_ = 	snop  }
0x3b: {  	_ = 	snop  }
0x3c: {  	p2 =	seq.s32 s10, $0x1;
	s10 =	sld [smem:$0x3FB5]  }
0x3d: {  	_ =	shalt  }
0x3e: {  	_ =	shalt  }
0x3f: {  	_ =	shalt  }
0x40: {  	_ =	shalt  }
0x41: {  	_ =	shalt  }
0x42: {  	_ =	shalt  }
0x43: {  	_ =	shalt  }
0x44: {  	_ =	shalt  }
0x45: {  	_ =	shalt  }
0x46: {  	_ =	shalt  }
0x47: {  	_ =	shalt  }
0x48: {  	_ =	shalt  }
0x49: {  	_ =	shalt  }
0x4a: {  	_ =	shalt  }
0x4b: {  	_ =	shalt  }
0x4c: {  	_ =	shalt  }
0x4d: {  	_ =	shalt  }
0x4e: {  	_ =	shalt  }
0x4f: {  	_ =	shalt  }
0x50: {  	_ =	shalt  }
0x51: {  	_ =	shalt  }
0x52: {  	_ =	shalt  }
0x53: {  	_ =	shalt  }
0x54: {  	_ =	shalt  }
0x55: {  	_ =	shalt  }
0x56: {  	_ =	shalt  }
0x57: {  	_ =	shalt  }
0x58: {  	_ =	shalt  }
0x59: {  	_ =	shalt  }
0x5a: {  	_ =	shalt  }
0x5b: {  	_ =	shalt  }
0x5c: {  	_ =	shalt  }
0x5d: {  	_ =	shalt  }
0x5e: {  	_ =	shalt  }
0x5f: {  	_ =	shalt  }
0x60: {  	_ =	shalt  }
0x61: {  	_ =	shalt  }
0x62: {  	_ =	shalt  }
0x63: {  	_ =	shalt  }
0x64: {  	_ =	shalt  }
0x65: {  	_ =	shalt  }
0x66: {  	_ =	shalt  }
0x67: {  	_ =	shalt  }
0x68: {  	_ =	shalt  }
0x69: {  	_ =	shalt  }
0x6a: {  	_ =	shalt  }
0x6b: {  	_ =	shalt  }
0x6c: {  	_ =	shalt  }
0x6d: {  	_ =	shalt  }
0x6e: {  	_ =	shalt  }
0x6f: {  	_ =	shalt  }
0x70: {  	_ =	shalt  }
0x71: {  	_ =	shalt  }
0x72: {  	_ =	shalt  }
0x73: {  	_ =	shalt  }
0x74: {  	_ =	shalt  }
0x75: {  	_ =	shalt  }
0x76: {  	_ =	shalt  }
0x77: {  	_ =	shalt  }
0x78: {  	_ =	shalt  }
0x79: {  	_ =	shalt  }
0x7a: {  	_ =	shalt  }
0x7b: {  	_ =	shalt  }
0x7c: {  	_ =	shalt  }
0x7d: {  	_ =	shalt  }
0x7e: {  	_ =	shalt  }
0x7f: {  	_ =	shalt  }
0x80: {  	_ =	shalt  }
0x81: {  	_ =	shalt  }
0x82: {  	_ =	shalt  }
0x83: {  	_ =	shalt  }
0x84: {  	_ =	shalt  }
0x85: {  	_ =	shalt  }
0x86: {  	_ =	shalt  }
0x87: {  	_ =	shalt  }
.Lfunc_end0:
.L_simem_size_0:
called_computation.2_lowered:
.L_overlay_start_0:
0x88: {  	s2 =	sld [smem:$0x3FD9]  }
0x89: {  	s3 =	sld [smem:$0x3FFE];
	_ =	sdelay $0x1  }
0x8a: {  	s1 =	srdreg.scid  }
0x8b: {  	s0 =	sand.u32 $0x1, s1  }
0x8c: {  	s17 =	sshll.u32 s0, $0xA;
	s2 =	sadd.s32 s3, s2  }
0x8d: {  	s2 =	sadd.s32 s2, s17  }
0x8e: {  	[smem:$0x3FC1] =	sst s2  }
0x8f: {  	_ = 	snop  }
0x90: {  	s2 =	sld [smem:$0x3FD0];
	(tm) =	ssettm $0x1  }
0x91: {  	s18 =	sld [smem:$0x3FFB];
	_ =	sdelay $0x3  }
0x92: {  	_ =	strace s18  }
0x93: {  	s3 =	sld [smem:$0x3FFC];
	_ =	sdelay $0x3  }
0x94: {  	_ =	strace s3  }
0x95: {  	s3 =	sld [smem:$0x3FFD];
	_ =	sdelay $0x3  }
0x96: {  	_ =	strace s3  }
0x97: {  	_ =	strace $0x8FFFFFFF  }
0x98: {  	s19 =	sld [smem:$0x3FDB];
	_ =	sdelay $0x1  }
0x99: {  	s4 =	simm.s32 $_scs_section_size  }
0x9a: {  	s5 =	simm.s32 $_size__tile_overlayer_lowered;
	s6 =	simm.s32 $_tile_overlayer_lowered  }
0x9b: {  	s22 =	simm.s32 $0x1BFF;
	s21 =	sshll.u32 s6, $0x1;
	s3 =	sadd.s32 s4, s19  }
0x9c: {  	s7 =	simm.s32 $0x0;
	s20 =	sshll.u32 s5, $0x1;
	s5 =	sadd.s32 s21, s3  }
0x9d: {  	[timem:s7], [sflag:s22] =	dma.local [hbm:s5], s20  }
0x9e: {  	_ =	swait.ge [sflag:s22], s20  }
0x9f: {  	s4 =	ssub.s32 $0x0, s20;
	[sflag:s22] =	ssyncset.done $0x0  }
0xa0: {  	[sflag:s22] =	ssyncadd.s32 s4;
	_ =	sdelay $0x1  }
0xa1: {  	s23 =	simm.s32 $0x1B8B  }
0xa2: {  	_ =	swait.ge [sflag:s23], $0x1  }
0xa3: {  	[sflag:s23] =	ssyncset.done $0x0  }
0xa4: {  	s25 =	simm.s32 $0x1B8E;
	s24 =	sld [smem:$0x3FFE];
	[sflag:s23] =	ssyncadd.s32 $0xFFFFFFFF  }
0xa5: {  	s26 =	simm.s32 $execute0_lowered;
	[smem:$0x3FD2] =	sst s25  }
0xa6: {  	s5 =	sshll.u32 s26, $0x1;
	_ =	strace $0x8000004C;
	[dreg:$0x1] =	wrdreg $0xFFFFFFFF  }
0xa7: {  	s28 =	simm.s32 $_size_execute0_lowered;
	s3 =	sadd.s32 s3, s5;
	[dreg:$0x0] =	wrdreg $0x0  }
0xa8: {  	s5 =	sshll.u32 s28, $0x1;
	[dreg:$0x2] =	wrdreg s3  }
0xa9: {  	[dreg:$0x3] =	wrdreg s5  }
0xaa: {  	[dreg:$0x4] =	wrdreg $0xC0  }
0xab: {  	_ =	task [dreg:s7], $0x5FFFF  }
0xac: {  	[dreg:$0x1] =	wrdreg $0xFFFFFFFF  }
0xad: {  	[dreg:$0x0] =	wrdreg $0x60  }
0xae: {  	[dreg:$0x2] =	wrdreg s2  }
0xaf: {  	[dreg:$0x3] =	wrdreg s24  }
0xb0: {  	[dreg:$0x4] =	wrdreg $0xB7800  }
0xb1: {  	[dreg:$0x5] =	wrdreg $0x9  }
0xb2: {  	_ =	task.clear_ibuf [dreg:s7], $0x6FFFF;
	_ =	strace $0x9000004C  }
0xb3: {  	s29 =	simm.s32 $0x9;
	_ =	strace $0x8000004E  }
0xb4: {  	_ =	swait.ge [sflag:s29], $0x1  }
0xb5: {  	[sflag:s29] =	ssyncadd.s32 $0xFFFFFFFF  }
0xb6: {  	_ =	strace $0x9000004E  }
0xb7: {  	_ =	sfence  }
0xb8: {  	s30 =	sld [smem:$0x0];
	_ =	sdelay $0x2  }
0xb9: {  	s31 =	sshll.u32 s1, $0xD;
	s1 =	sshrl.u32 s1, $0x2  }
0xba: {  	s3 =	sand.u32 $0x4000, s31;
	s1 =	sadd.s32 s1, s30  }
0xbb: {  	s0 =	sor.u32 s3, s0;
	s1 =	sshll.u32 s1, $0x11  }
0xbc: {  	s0 =	sor.u32 s1, s0  }
0xbd: {  	s0 =	sadd.s32 $0x8F2B, s0  }
0xbe: {  	[sflag:s0] =	ssyncadd.remote.s32 $0x1  }
0xbf: {  	_ =	sfence.sel $0xFFFF  }
0xc0: {  	[dreg:$0x0] =	wrdreg $0xFFFFFFFF;
	(pc) =	sbr.abs _section_cstart, $3  }
0xc1: {  	[dreg:$0x1] =	wrdreg $0xFFFFFFFF  }
0xc2: {  	_ =	task.clear_ibuf [dreg:s7], $0x2FFFF;
	_ =	strace $0x9FFFFFFF  }
0xc3: {  	(tm) =	ssettm $0x7FFFFFFF  }
tec
execute0_lowered:
.L_overlay_start_1:
0x0: {  	(tag) =	ssettag $0x1  }
0x1: {  	s2 =	srdreg.scid  }
0x2: {  	s0 =	stileid.u32;
	s1 =	rddreg [dreg:$0x0]  }
0x3: {  	s5 =	rddreg [dreg:$0x1];
	s21 =	simm.s32 $0x2800;
	s22 =	simm.s32 $0x80  }
0x4: {  	s23 =	simm.s32 $0x400;
	s24 =	simm.s32 $0x5000;
	s2 =	sand.u32 $0x1, s2  }
0x5: {  	s3 =	sshll.u32 s0, $0x1;
	s4 =	sshrl.u32 s0, $0x2;
	s26 =	smul.u32 $0x50000, s0  }
0x6: {  	s11 =	smul.u32 $0x14000, s0;
	s17 =	sadd.s32 $0x23800, s5;
	s6 =	sor.u32 s2, s3  }
0x7: {  	s3 =	rddreg [dreg:$0x2];
	s7 =	smul.u32 $0x13C00, s4;
	s4 =	simm.s32 $0x0  }
0x8: {  	s28 =	ssub.s32 $0x2, s2;
	s2 =	smul.u32 $0x140000, s2;
	s25 =	sshll.u32 s6, $0x7  }
0x9: {  	s6 =	smul.u32 $0x500, s6;
	[smem:$0x7FF] =	sst s4;
	s29 =	sshrl.u32 s28, $0x1  }
0xa: {  	s30 =	sshrl.u32 s26, $0x2;
	s14 =	sadd.s32 $0x4000, s11;
	s15 =	sadd.s32 $0x8000, s11  }
0xb: {  	s16 =	sadd.s32 $0xC000, s11;
	s19 =	sadd.s32 $0x10000, s11;
	s8 =	sand.u32 $0x380, s25  }
0xc: {  	_ =	strace $0x8000004D;
	s18 =	ssub.s32 s28, s29;
	s9 =	sadd.s32 s19, s3  }
0xd: {  	s20 =	sadd.s32 s11, s2;
	s25 =	simm.s32 $0x1;
	s7 =	sor.u32 s7, s8  }
0xe: {  	s13 =	sadd.s32 s6, s5;
	s6 =	sadd.s32 s14, s3;
	s8 =	sadd.s32 s16, s3  }
0xf: {  	s31 =	sshrl.u32 s20, $0x3;
	s14 =	sadd.s32 s2, s14;
	s16 =	sadd.s32 s2, s16  }
0x10: {  	s18 =	smax.u32 s18, $0x1;
	s20 =	simm.s32 $0x2;
	s7 =	sshrl.u32 s7, $0x3  }
0x11: {  	s10 =	sadd.s32 $0x5000, s13;
	s11 =	sadd.s32 $0x19800, s13;
	s13 =	sadd.s32 s17, s31  }
0x12: {  	s14 =	sshrl.u32 s14, $0x3;
	s16 =	sshrl.u32 s16, $0x3;
	s12 =	sadd.s32 s7, s5  }
0x13: {  	s5 =	sadd.s32 s30, s3;
	s7 =	sadd.s32 s15, s3;
	s14 =	sadd.s32 s17, s14  }
0x14: {  	s15 =	sadd.s32 s2, s15;
	s2 =	sadd.s32 s2, s19;
	s16 =	sadd.s32 s17, s16  }
0x15: {  	s19 =	simm.s32 $0x7780;
	s15 =	sshrl.u32 s15, $0x3;
	s2 =	sshrl.u32 s2, $0x3  }
0x16: {  	v0 =	vimm.f32 $0.0e+00;
	s12 =	sadd.s32 $0xFA00, s12;
	s15 =	sadd.s32 s17, s15;
	s17 =	sadd.s32 s17, s2  }
.LBB2_1:
0x17: {  	s2 =	simm.s32 $0x0;
	s26 =	simm.s32 $0x200  }
.LBB2_2:
0x18: {  	p0 =	sne.s32 s26, $0xFE00;
	[tilespmem:s2+$0x77F0] =	vst v0  }
0x19: {  	[tilespmem:s2+$0x7780] =	vst v0  }
0x1a: {  	[tilespmem:s2+$0x7790] =	vst v0  }
.Ltmp0:
0x1b: {  	[tilespmem:s2+$0x77A0] =	vst v0;
	(pc) =	sbr.rel @p0 .LBB2_2-.Ltmp0, $4  }
0x1c: {  	[tilespmem:s2+$0x77B0] =	vst v0  }
0x1d: {  	[tilespmem:s2+$0x77C0] =	vst v0  }
0x1e: {  	[tilespmem:s2+$0x77D0] =	vst v0  }
0x1f: {  	[tilespmem:s2+$0x77E0] =	vst v0;
	s2 =	sshra.s32 s26, $0x2;
	s26 =	sadd.s32 $0x200, s26  }
0x20: {  	[tilespmem:s2+$0x77F0] =	vst v0  }
0x21: {  	[tilespmem:s2+$0x7780] =	vst v0  }
0x22: {  	[tilespmem:s2+$0x7790] =	vst v0  }
0x23: {  	[tilespmem:s2+$0x77A0] =	vst v0  }
0x24: {  	[tilespmem:s2+$0x77B0] =	vst v0  }
0x25: {  	[tilespmem:s2+$0x77C0] =	vst v0  }
0x26: {  	[tilespmem:s2+$0x77D0] =	vst v0  }
0x27: {  	[tilespmem:s2+$0x77E0] =	vst v0  }
0x28: {  	[spmem:s5] =	stream.linear.scatter [tilespmem:s19], [sflag:$0x2], $0x4000, $0x38;
	[tilespmem:$0x1F780] =	vst v63  }
0x29: {  	_ =	swait.ge [sflag:s20], $0x4000  }
0x2a: {  	[sflag:s20] =	ssyncset.done $0x0  }
0x2b: {  	[sflag:s20] =	ssyncadd.s32 $0xFFFFC000  }
0x2c: {  	[spmem:s6] =	stream.linear.scatter [tilespmem:s19], [sflag:$0x2], $0x4000, $0x38;
	[tilespmem:$0x1F780] =	vst v63  }
0x2d: {  	_ =	swait.ge [sflag:s20], $0x4000  }
0x2e: {  	[sflag:s20] =	ssyncset.done $0x0  }
0x2f: {  	[sflag:s20] =	ssyncadd.s32 $0xFFFFC000  }
0x30: {  	[spmem:s7] =	stream.linear.scatter [tilespmem:s19], [sflag:$0x2], $0x4000, $0x38;
	[tilespmem:$0x1F780] =	vst v63  }
0x31: {  	_ =	swait.ge [sflag:s20], $0x4000  }
0x32: {  	[sflag:s20] =	ssyncset.done $0x0  }
0x33: {  	[sflag:s20] =	ssyncadd.s32 $0xFFFFC000  }
0x34: {  	[spmem:s8] =	stream.linear.scatter [tilespmem:s19], [sflag:$0x2], $0x4000, $0x38;
	[tilespmem:$0x1F780] =	vst v63  }
0x35: {  	_ =	swait.ge [sflag:s20], $0x4000  }
0x36: {  	[sflag:s20] =	ssyncset.done $0x0  }
0x37: {  	[sflag:s20] =	ssyncadd.s32 $0xFFFFC000  }
0x38: {  	[spmem:s9] =	stream.linear.scatter [tilespmem:s19], [sflag:$0x2], $0x4000, $0x38;
	[tilespmem:$0x1F780] =	vst v63  }
0x39: {  	_ =	swait.ge [sflag:s20], $0x4000  }
0x3a: {  	[sflag:s20] =	ssyncset.done $0x0  }
0x3b: {  	s26 =	simm.s32 $0x0;
	[sflag:s20] =	ssyncadd.s32 $0xFFFFC000  }
0x3c: {  	[tilespmem:s26], [sflag:$0x2] =	stream.linear.gather [hbm4b:s10+s26], $0x2780, $0x38;
	[tilespmem:$0x1F780] =	vst v63  }
0x3d: {  	_ =	swait.ge [sflag:s20], $0x2780  }
0x3e: {  	[sflag:s20] =	ssyncset.done $0x0  }
0x3f: {  	[sflag:s20] =	ssyncadd.s32 $0xFFFFD880  }
0x40: {  	[tilespmem:s21], [sflag:$0x2] =	stream.linear.gather [hbm4b:s11+s26], $0x2780, $0x38;
	[tilespmem:$0x1F780] =	vst v63  }
0x41: {  	_ =	swait.ge [sflag:s20], $0x2780  }
0x42: {  	[sflag:s20] =	ssyncset.done $0x0  }
0x43: {  	[sflag:s20] =	ssyncadd.s32 $0xFFFFD880  }
0x44: {  	[tilespmem:s24], [sflag:$0x2] =	stream.strided.gather [hbm4b:s12+s22], $0x2780, s23, s22, $0x38;
	[tilespmem:$0x1F780] =	vst v63  }
0x45: {  	_ =	swait.ge [sflag:s20], $0x2780  }
0x46: {  	[sflag:s20] =	ssyncset.done $0x0  }
0x47: {  	[sflag:s20] =	ssyncadd.s32 $0xFFFFD880  }
0x48: {  	s28 =	simm.s32 $0x0;
	[bflag:$0x0] =	sbarrier.arrive $0xFFFF  }
.LBB2_4:
0x49: {  	s29 =	sshll.u32 s28, $0x7  }
0x4a: {  	s2 =	sadd.s32 $0x2800, s29  }
0x4b: {  	[tilespmem:s19], [sflag:$0x1] =	stream.indirect.gather [hbm4b:s1+s22], $0x80, s2, s22, $0xb8;
	[tilespmem:$0x1F780] =	vst v63  }
0x4c: {  	s0 =	sadd.s32 $0x0, s26;
	_ =	swait.ge [sflag:s25], $0x4000  }
0x4d: {  	v1 =	vmov s0;
	[sflag:s25] =	ssyncset.done $0x0  }
0x4e: {  	s30 =	simm.s32 $0x77C0;
	[sflag:s25] =	ssyncadd.s32 $0xFFFFC000  }
0x4f: {  	v5 =	vld [tilespmem:s30+$0x30]  }
0x50: {  	v8 =	vld [tilespmem:s30+$0x10]  }
0x51: {  	v6 =	vld [tilespmem:s30+$0xFFFFFFC0]  }
0x52: {  	v2 =	vld.idx.msk [tilespmem:v1+s24+$0x0], $0xffff  }
0x53: {  	v10 =	vld [tilespmem:s30+$0xFFFFFFE0]  }
0x54: {  	v1 =	vld [tilespmem:s30+$0xFFFFFFF0]  }
0x55: {  	v3 =	vld [tilespmem:s30+$0x20]  }
0x56: {  	v4 =	vld [tilespmem:s30+$0xFFFFFFD0]  }
0x57: {  	v9 =	vmul.f32 v5, v2;
	v5 =	vld [tilespmem:s30+$0x0]  }
0x58: {  	v7 =	vmul.f32 v6, v2  }
0x59: {  	s31 =	simm.s32 $0x1;
	s2 =	simm.s32 $0x77C0;
	v6 =	vmul.f32 v10, v2;
	v8 =	vmul.f32 v8, v2  }
.LBB2_5:
0x5a: {  	p0 =	sne.s32 s31, $0x7F  }
0x5b: {  	v4 =	vmul.f32 v4, v2;
	v3 =	vmul.f32 v3, v2;
	[tilespmem:s30+$0x30] =	vst v9;
	s2 =	sadd.s32 $0x80, s2;
	s0 =	smov.u32 s31;
	s31 =	sadd.s32 $0x1, s31  }
0x5c: {  	[tilespmem:s30+$0xFFFFFFC0] =	vst v7;
	v7 =	vmul.f32 v1, v2;
	v2 =	vmul.f32 v5, v2  }
0x5d: {  	s0 =	sadd.s32 s0, s26;
	[tilespmem:s30+$0x10] =	vst v8  }
0x5e: {  	v5 =	vmov s0;
	[tilespmem:s30+$0xFFFFFFE0] =	vst v6  }
0x5f: {  	v1 =	vld [tilespmem:s2+$0xFFFFFFF0];
	[tilespmem:s30+$0xFFFFFFF0] =	vst v7  }
0x60: {  	v6 =	vld [tilespmem:s2+$0x30];
	[tilespmem:s30+$0x0] =	vst v2  }
0x61: {  	v8 =	vld [tilespmem:s2+$0x10];
	[tilespmem:s30+$0x20] =	vst v3  }
0x62: {  	v7 =	vld [tilespmem:s2+$0xFFFFFFC0];
	[tilespmem:s30+$0xFFFFFFD0] =	vst v4;
	s30 =	smov.u32 s2  }
0x63: {  	v2 =	vld.idx.msk [tilespmem:v5+s24+$0x0], $0xffff  }
0x64: {  	v10 =	vld [tilespmem:s2+$0xFFFFFFE0]  }
0x65: {  	v3 =	vld [tilespmem:s2+$0x20]  }
.Ltmp1:
0x66: {  	v4 =	vld [tilespmem:s2+$0xFFFFFFD0];
	(pc) =	sbr.rel @p0 .LBB2_5-.Ltmp1, $3  }
0x67: {  	v5 =	vld [tilespmem:s2+$0x0];
	_ =	sdelay $0x1  }
0x68: {  	v7 =	vmul.f32 v7, v2;
	v9 =	vmul.f32 v6, v2  }
0x69: {  	v8 =	vmul.f32 v8, v2;
	v6 =	vmul.f32 v10, v2  }
0x6a: {  	[tilespmem:s30+$0x30] =	vst v9  }
0x6b: {  	[tilespmem:s30+$0xFFFFFFC0] =	vst v7  }
0x6c: {  	v1 =	vmul.f32 v1, v2;
	[tilespmem:s30+$0x10] =	vst v8  }
0x6d: {  	v3 =	vmul.f32 v3, v2;
	[tilespmem:s30+$0xFFFFFFE0] =	vst v6  }
0x6e: {  	v5 =	vmul.f32 v5, v2;
	[tilespmem:s30+$0xFFFFFFF0] =	vst v1  }
0x6f: {  	s28 =	sadd.s32 $0x1, s28;
	v1 =	vmul.f32 v4, v2;
	[tilespmem:s30+$0x20] =	vst v3  }
0x70: {  	p0 =	sne.s32 s28, $0x4F;
	[tilespmem:s30+$0x0] =	vst v5  }
.Ltmp2:
0x71: {  	[tilespmem:s30+$0xFFFFFFD0] =	vst v1;
	(pc) =	sbr.rel @p0 .LBB2_4-.Ltmp2, $4  }
0x72: {  	[spmem:s3] =	stream.indirect.scatter.add.f32 [tilespmem:s19], [sflag:$0x2], $0x80, s29, s22, $0xb8;
	[tilespmem:$0x1F780] =	vst v63  }
0x73: {  	_ =	swait.ge [sflag:s20], $0x4000  }
0x74: {  	[sflag:s20] =	ssyncset.done $0x0  }
0x75: {  	s26 =	sadd.s32 $0x80, s26;
	[sflag:s20] =	ssyncadd.s32 $0xFFFFC000  }
0x76: {  	s0 =	stileid.u32  }
0x77: {  	s0 =	sshll.u32 s0, $0x6  }
0x78: {  	[bflag:$0x0] =	sbarrier.arrive $0xFFFF;
	s2 =	sshrl.u32 s5, $0x3;
	s0 =	sor.u32 $0x1C02, s0  }
0x79: {  	[hbm:s13], [sflag:s0] =	dma.local [spmem:s2], $0x800  }
0x7a: {  	_ =	swait.ge [sflag:s20], $0x800  }
0x7b: {  	[sflag:s20] =	ssyncset.done $0x0  }
0x7c: {  	s28 =	sshrl.u32 s6, $0x3;
	[sflag:s20] =	ssyncadd.s32 $0xFFFFF800  }
0x7d: {  	[hbm:s14], [sflag:s0] =	dma.local [spmem:s28], $0x800  }
0x7e: {  	_ =	swait.ge [sflag:s20], $0x800  }
0x7f: {  	[sflag:s20] =	ssyncset.done $0x0  }
0x80: {  	s29 =	sshrl.u32 s7, $0x3;
	[sflag:s20] =	ssyncadd.s32 $0xFFFFF800  }
0x81: {  	[hbm:s15], [sflag:s0] =	dma.local [spmem:s29], $0x800  }
0x82: {  	_ =	swait.ge [sflag:s20], $0x800  }
0x83: {  	[sflag:s20] =	ssyncset.done $0x0  }
0x84: {  	s30 =	sshrl.u32 s8, $0x3;
	[sflag:s20] =	ssyncadd.s32 $0xFFFFF800  }
0x85: {  	[hbm:s16], [sflag:s0] =	dma.local [spmem:s30], $0x800  }
0x86: {  	s4 =	sadd.s32 $0x1, s4;
	_ =	swait.ge [sflag:s20], $0x800  }
0x87: {  	p0 =	sne.s32 s4, s18;
	[sflag:s20] =	ssyncset.done $0x0  }
.Ltmp3:
0x88: {  	s31 =	sshrl.u32 s9, $0x3;
	[sflag:s20] =	ssyncadd.s32 $0xFFFFF800;
	(pc) =	sbr.rel @p0 .LBB2_1-.Ltmp3, $4  }
0x89: {  	[hbm:s17], [sflag:s0] =	dma.local [spmem:s31], $0x800  }
0x8a: {  	_ =	swait.ge [sflag:s20], $0x800  }
0x8b: {  	[sflag:s20] =	ssyncset.done $0x0  }
0x8c: {  	[sflag:s20] =	ssyncadd.s32 $0xFFFFF800  }
0x8d: {  	_ =	sfence.sel $0x180000  }
0x8e: {  	[bflag:$0x0] =	sbarrier.arrive $0xFFFF  }
0x8f: {  	_ =	strace $0x9000004D  }
0x90: {  	s0 =	stileid.u32;
	[bflag:$0x2] =	sbarrier.arrive $0xFFFF  }
0x91: {  	p0 =	sne.s32 s0, $0x0;
	s0 =	rddreg [dreg:$0x3]  }
0x92: {  	s0 =	sadd.s32 @!p0 $0x100000, s0  }
0x93: {  	[sflag:s0] =	ssyncadd.tile.s32 @!p0 $0x1;
	_ =	shalt  }
.Lfunc_end2:
_tile_overlayer_lowered:
.L_overlay_start_2:
0x94: {  	(tag) =	ssettag $0x2  }
0x95: {  	s0 =	rddreg [dreg:$0x0];
	s2 =	stileid.u32  }
0x96: {  	s1 =	rddreg [dreg:$0x1];
	p0 =	sne.s32 s2, $0x0  }
0x97: {  	s3 =	rddreg [dreg:$0x2];
	[bflag:$0x3] =	sbarrier.arrive $0xFFFF;
	s2 =	simm.s32 @!p0 $0x1C02  }
0x98: {  	[timem:s3], [sflag:s2] =	dma.local @!p0 [hbm:s0], s1  }
0x99: {  	s0 =	simm.s32 @!p0 $0x2  }
0x9a: {  	_ =	swait.ge @!p0 [sflag:s0], s1  }
0x9b: {  	s1 =	ssub.s32 @!p0 $0x0, s1;
	[sflag:s0] =	ssyncset.done @!p0 $0x0  }
0x9c: {  	[sflag:s0] =	ssyncadd.s32 @!p0 s1  }
0x9d: {  	[bflag:$0x3] =	sbarrier.arrive $0xFFFF  }
0x9e: {  	_ =	shalt  }

// kernel: kernel.25.cloned.1.call-start
scs
__scs_entry_jumppad:
0x0: {  	(pc) =	sbr.rel $0x88, $3  }
0x1: {  	(tag) =	ssettag $0x0;
	lr =	simm.s32 $0x1  }
0x2: {  	[smem:$0x3F9A] =	sst lr;
	_ =	strace $0xD0000000  }
0x3: {  	_ = 	snop  }
0x4: {  	_ = 	snop  }
0x5: {  	_ = 	snop  }
0x6: {  	_ = 	snop  }
0x7: {  	_ = 	snop  }
__scs_overlays_trampoline_lowered:
0x8: {  	[smem:$0x3FA9] =	sst s0  }
0x9: {  	[smem:$0x3FAA] =	sst s1  }
0xa: {  	[smem:$0x3FAB] =	sst s2  }
0xb: {  	[smem:$0x3FAC] =	sst s3  }
0xc: {  	[smem:$0x3FAD] =	sst s4  }
0xd: {  	[smem:$0x3FAE] =	sst s5  }
0xe: {  	[smem:$0x3FAF] =	sst s6  }
0xf: {  	[smem:$0x3FB0] =	sst s7  }
0x10: {  	[smem:$0x3FB1] =	sst s8  }
0x11: {  	[smem:$0x3FB2] =	sst s9;
	s0 =	simm.s32 @!p0 $0x0  }
0x12: {  	s1 =	sld [smem:$0x3F98];
	s0 =	simm.s32 @p0 $0x1  }
0x13: {  	[smem:$0x3FB3] =	sst s0;
	s0 =	simm.s32 @!p1 $0x0  }
0x14: {  	s2 =	sld [smem:$0x3F97];
	s0 =	simm.s32 @p1 $0x1  }
0x15: {  	[smem:$0x3FB4] =	sst s0;
	s0 =	simm.s32 @!p2 $0x0  }
0x16: {  	s3 =	sld [smem:$0x3FDB];
	s0 =	simm.s32 @p2 $0x1  }
0x17: {  	s4 =	simm.s32 $0x1BF5;
	[smem:$0x3FB6] =	sst s0  }
0x18: {  	s0 =	sld [smem:$0x3F99];
	_ =	swait.ge [sflag:s4], $0x0  }
0x19: {  	s7 =	sld [smem:$0x3F9A]  }
0x1a: {  	s8 =	sadd.s32 $0xFFFFE003, lr  }
0x1b: {  	s9 =	sadd.s32 $0xFFFFFEF7, lr;
	s5 =	simm.s32 $0xFFFFFFFF;
	p2 =	slt.u32 s8, $0xFFFFF086  }
0x1c: {  	p1 =	slt.u32 s9, $0xF7A;
	s5 =	simm.s32 @!p2 $0x0  }
0x1d: {  	s5 =	simm.s32 @p1 $0x1;
	p0 =	seq.s32 s7, s2  }
0x1e: {  	s7 =	smul.u32 @!p0 $0xF7A, s2;
	p2 =	seq.s32 @!p0 s5, $0x0  }
0x1f: {  	s9 =	smul.u32 $0xF7A, s1;
	s8 =	simm.s32 @!p0 $0x1BF5;
	p2 =	por !p2, p0  }
0x20: {  	[sflag:s8] =	ssyncset.s32 @!p0 $0xFFFFF086;
	s6 =	sadd.s32 @!p0 s3, s7;
	s7 =	simm.s32 @!p0 $0x108  }
0x21: {  	s3 =	sadd.s32 s3, s9;
	s6 =	sadd.s32 @!p0 $0x88, s6;
	s7 =	simm.s32 @p2 $0x1082  }
0x22: {  	[simem:s7], [sflag:s8] =	dma.local @!p0 [hbm:s6], $0xF7A  }
0x23: {  	s9 =	sor.u32 $0xD0000000, s2;
	s6 =	simm.s32 $0x108;
	_ =	swait.ge @!p0 [sflag:s8], $0x0  }
0x24: {  	s3 =	sadd.s32 $0x88, s3;
	s6 =	simm.s32 @!p1 $0x1082;
	[sflag:s4] =	ssyncset.s32 $0xFFFFF086  }
0x25: {  	[simem:s6], [sflag:s4] =	dma.local [hbm:s3], $0xF7A  }
0x26: {  	[smem:$0x3F9A] =	sst s1;
	(tag) =	ssettag s2;
	_ =	strace s9  }
0x27: {  	s1 =	sld [smem:$0x3FAA]  }
0x28: {  	s2 =	sld [smem:$0x3FAB]  }
0x29: {  	s4 =	sld [smem:$0x3FAD]  }
0x2a: {  	p0 =	seq.s32 s5, $0x0;
	s5 =	sld [smem:$0x3FAE]  }
0x2b: {  	s6 =	sld [smem:$0x3FAF]  }
0x2c: {  	s7 =	sld [smem:$0x3FB0]  }
0x2d: {  	s3 =	simm.s32 $0x108;
	s8 =	sld [smem:$0x3FB1]  }
0x2e: {  	s3 =	simm.s32 @!p0 $0x1082;
	s9 =	sld [smem:$0x3FB2]  }
0x2f: {  	lr =	sadd.s32 s0, s3;
	s0 =	sld [smem:$0x3FA9]  }
0x30: {  	s3 =	sld [smem:$0x3FAC]  }
0x31: {  	[smem:$0x3FB5] =	sst s10  }
0x32: {  	s10 =	sld [smem:$0x3FB3];
	_ =	sdelay $0x3  }
0x33: {  	p0 =	seq.s32 s10, $0x1;
	s10 =	sld [smem:$0x3FB5];
	_ =	sdelay $0x3  }
0x34: {  	[smem:$0x3FB5] =	sst s10  }
0x35: {  	s10 =	sld [smem:$0x3FB4];
	_ =	sdelay $0x3  }
0x36: {  	p1 =	seq.s32 s10, $0x1;
	s10 =	sld [smem:$0x3FB5];
	_ =	sdelay $0x3  }
0x37: {  	[smem:$0x3FB5] =	sst s10  }
0x38: {  	s10 =	sld [smem:$0x3FB6]  }
0x39: {  	_ = 	snop;
	(pc) =	sbr.ind lr, $3  }
0x3a: {  	_ = 	snop  }
0x3b: {  	_ = 	snop  }
0x3c: {  	p2 =	seq.s32 s10, $0x1;
	s10 =	sld [smem:$0x3FB5]  }
0x3d: {  	_ =	shalt  }
0x3e: {  	_ =	shalt  }
0x3f: {  	_ =	shalt  }
0x40: {  	_ =	shalt  }
0x41: {  	_ =	shalt  }
0x42: {  	_ =	shalt  }
0x43: {  	_ =	shalt  }
0x44: {  	_ =	shalt  }
0x45: {  	_ =	shalt  }
0x46: {  	_ =	shalt  }
0x47: {  	_ =	shalt  }
0x48: {  	_ =	shalt  }
0x49: {  	_ =	shalt  }
0x4a: {  	_ =	shalt  }
0x4b: {  	_ =	shalt  }
0x4c: {  	_ =	shalt  }
0x4d: {  	_ =	shalt  }
0x4e: {  	_ =	shalt  }
0x4f: {  	_ =	shalt  }
0x50: {  	_ =	shalt  }
0x51: {  	_ =	shalt  }
0x52: {  	_ =	shalt  }
0x53: {  	_ =	shalt  }
0x54: {  	_ =	shalt  }
0x55: {  	_ =	shalt  }
0x56: {  	_ =	shalt  }
0x57: {  	_ =	shalt  }
0x58: {  	_ =	shalt  }
0x59: {  	_ =	shalt  }
0x5a: {  	_ =	shalt  }
0x5b: {  	_ =	shalt  }
0x5c: {  	_ =	shalt  }
0x5d: {  	_ =	shalt  }
0x5e: {  	_ =	shalt  }
0x5f: {  	_ =	shalt  }
0x60: {  	_ =	shalt  }
0x61: {  	_ =	shalt  }
0x62: {  	_ =	shalt  }
0x63: {  	_ =	shalt  }
0x64: {  	_ =	shalt  }
0x65: {  	_ =	shalt  }
0x66: {  	_ =	shalt  }
0x67: {  	_ =	shalt  }
0x68: {  	_ =	shalt  }
0x69: {  	_ =	shalt  }
0x6a: {  	_ =	shalt  }
0x6b: {  	_ =	shalt  }
0x6c: {  	_ =	shalt  }
0x6d: {  	_ =	shalt  }
0x6e: {  	_ =	shalt  }
0x6f: {  	_ =	shalt  }
0x70: {  	_ =	shalt  }
0x71: {  	_ =	shalt  }
0x72: {  	_ =	shalt  }
0x73: {  	_ =	shalt  }
0x74: {  	_ =	shalt  }
0x75: {  	_ =	shalt  }
0x76: {  	_ =	shalt  }
0x77: {  	_ =	shalt  }
0x78: {  	_ =	shalt  }
0x79: {  	_ =	shalt  }
0x7a: {  	_ =	shalt  }
0x7b: {  	_ =	shalt  }
0x7c: {  	_ =	shalt  }
0x7d: {  	_ =	shalt  }
0x7e: {  	_ =	shalt  }
0x7f: {  	_ =	shalt  }
0x80: {  	_ =	shalt  }
0x81: {  	_ =	shalt  }
0x82: {  	_ =	shalt  }
0x83: {  	_ =	shalt  }
0x84: {  	_ =	shalt  }
0x85: {  	_ =	shalt  }
0x86: {  	_ =	shalt  }
0x87: {  	_ =	shalt  }
.Lfunc_end0:
.L_simem_size_0:
called_computation.3_lowered:
.L_overlay_start_0:
0x88: {  	s2 =	sld [smem:$0x3FD9]  }
0x89: {  	s3 =	sld [smem:$0x3FFE];
	_ =	sdelay $0x1  }
0x8a: {  	s1 =	srdreg.scid  }
0x8b: {  	s0 =	sand.u32 $0x1, s1  }
0x8c: {  	s17 =	sshll.u32 s0, $0xA;
	s2 =	sadd.s32 s3, s2  }
0x8d: {  	s2 =	sadd.s32 s2, s17  }
0x8e: {  	[smem:$0x3FC1] =	sst s2  }
0x8f: {  	_ = 	snop  }
0x90: {  	s2 =	sld [smem:$0x3FD0];
	(tm) =	ssettm $0x1  }
0x91: {  	s18 =	sld [smem:$0x3FFB];
	_ =	sdelay $0x3  }
0x92: {  	_ =	strace s18  }
0x93: {  	s3 =	sld [smem:$0x3FFC];
	_ =	sdelay $0x3  }
0x94: {  	_ =	strace s3  }
0x95: {  	s3 =	sld [smem:$0x3FFD];
	_ =	sdelay $0x3  }
0x96: {  	_ =	strace s3  }
0x97: {  	_ =	strace $0x8FFFFFFF  }
0x98: {  	s19 =	sld [smem:$0x3FDB];
	_ =	sdelay $0x1  }
0x99: {  	s4 =	simm.s32 $_scs_section_size  }
0x9a: {  	s5 =	simm.s32 $_size__tile_overlayer_lowered;
	s6 =	simm.s32 $_tile_overlayer_lowered  }
0x9b: {  	s22 =	simm.s32 $0x1BFF;
	s21 =	sshll.u32 s6, $0x1;
	s3 =	sadd.s32 s4, s19  }
0x9c: {  	s7 =	simm.s32 $0x0;
	s20 =	sshll.u32 s5, $0x1;
	s5 =	sadd.s32 s21, s3  }
0x9d: {  	[timem:s7], [sflag:s22] =	dma.local [hbm:s5], s20  }
0x9e: {  	_ =	swait.ge [sflag:s22], s20  }
0x9f: {  	s4 =	ssub.s32 $0x0, s20;
	[sflag:s22] =	ssyncset.done $0x0  }
0xa0: {  	[sflag:s22] =	ssyncadd.s32 s4;
	_ =	sdelay $0x1  }
0xa1: {  	s23 =	simm.s32 $0x1B8B  }
0xa2: {  	_ =	swait.ge [sflag:s23], $0x1  }
0xa3: {  	[sflag:s23] =	ssyncset.done $0x0  }
0xa4: {  	s25 =	simm.s32 $0x1B8E;
	s24 =	sld [smem:$0x3FFE];
	[sflag:s23] =	ssyncadd.s32 $0xFFFFFFFF  }
0xa5: {  	s26 =	simm.s32 $execute0_lowered;
	[smem:$0x3FD2] =	sst s25  }
0xa6: {  	s5 =	sshll.u32 s26, $0x1;
	_ =	strace $0x8000004F;
	[dreg:$0x1] =	wrdreg $0xFFFFFFFF  }
0xa7: {  	s28 =	simm.s32 $_size_execute0_lowered;
	s3 =	sadd.s32 s3, s5;
	[dreg:$0x0] =	wrdreg $0x0  }
0xa8: {  	s5 =	sshll.u32 s28, $0x1;
	[dreg:$0x2] =	wrdreg s3  }
0xa9: {  	[dreg:$0x3] =	wrdreg s5  }
0xaa: {  	[dreg:$0x4] =	wrdreg $0xC0  }
0xab: {  	_ =	task [dreg:s7], $0x5FFFF  }
0xac: {  	[dreg:$0x1] =	wrdreg $0xFFFFFFFF  }
0xad: {  	[dreg:$0x0] =	wrdreg $0x60  }
0xae: {  	[dreg:$0x2] =	wrdreg s2  }
0xaf: {  	[dreg:$0x3] =	wrdreg s24  }
0xb0: {  	[dreg:$0x4] =	wrdreg $0xB7800  }
0xb1: {  	[dreg:$0x5] =	wrdreg $0x9  }
0xb2: {  	_ =	task.clear_ibuf [dreg:s7], $0x6FFFF;
	_ =	strace $0x9000004F  }
0xb3: {  	s29 =	simm.s32 $0x9;
	_ =	strace $0x80000051  }
0xb4: {  	_ =	swait.ge [sflag:s29], $0x1  }
0xb5: {  	[sflag:s29] =	ssyncadd.s32 $0xFFFFFFFF  }
0xb6: {  	_ =	strace $0x90000051  }
0xb7: {  	_ =	sfence  }
0xb8: {  	s30 =	sld [smem:$0x0];
	_ =	sdelay $0x2  }
0xb9: {  	s31 =	sshll.u32 s1, $0xD;
	s1 =	sshrl.u32 s1, $0x2  }
0xba: {  	s3 =	sand.u32 $0x4000, s31;
	s1 =	sadd.s32 s1, s30  }
0xbb: {  	s0 =	sor.u32 s3, s0;
	s1 =	sshll.u32 s1, $0x11  }
0xbc: {  	s0 =	sor.u32 s1, s0  }
0xbd: {  	s0 =	sadd.s32 $0x8F2B, s0  }
0xbe: {  	[sflag:s0] =	ssyncadd.remote.s32 $0x1  }
0xbf: {  	_ =	sfence.sel $0xFFFF  }
0xc0: {  	[dreg:$0x0] =	wrdreg $0xFFFFFFFF;
	(pc) =	sbr.abs _section_cstart, $3  }
0xc1: {  	[dreg:$0x1] =	wrdreg $0xFFFFFFFF  }
0xc2: {  	_ =	task.clear_ibuf [dreg:s7], $0x2FFFF;
	_ =	strace $0x9FFFFFFF  }
0xc3: {  	(tm) =	ssettm $0x7FFFFFFF  }
tec
execute0_lowered:
.L_overlay_start_1:
0x0: {  	(tag) =	ssettag $0x1  }
0x1: {  	s2 =	srdreg.scid  }
0x2: {  	s0 =	stileid.u32;
	s1 =	rddreg [dreg:$0x0]  }
0x3: {  	s5 =	rddreg [dreg:$0x1];
	s21 =	simm.s32 $0x2800;
	s22 =	simm.s32 $0x80  }
0x4: {  	s23 =	simm.s32 $0x400;
	s24 =	simm.s32 $0x5000;
	s2 =	sand.u32 $0x1, s2  }
0x5: {  	s3 =	sshll.u32 s0, $0x1;
	s4 =	sshrl.u32 s0, $0x2;
	s26 =	smul.u32 $0x50000, s0  }
0x6: {  	s11 =	smul.u32 $0x14000, s0;
	s17 =	sadd.s32 $0x23800, s5;
	s6 =	sor.u32 s2, s3  }
0x7: {  	s3 =	rddreg [dreg:$0x2];
	s7 =	smul.u32 $0x13C00, s4;
	s4 =	simm.s32 $0x0  }
0x8: {  	s28 =	ssub.s32 $0x2, s2;
	s2 =	smul.u32 $0x140000, s2;
	s25 =	sshll.u32 s6, $0x7  }
0x9: {  	s6 =	smul.u32 $0x500, s6;
	[smem:$0x7FF] =	sst s4;
	s29 =	sshrl.u32 s28, $0x1  }
0xa: {  	s30 =	sshrl.u32 s26, $0x2;
	s14 =	sadd.s32 $0x4000, s11;
	s15 =	sadd.s32 $0x8000, s11  }
0xb: {  	s16 =	sadd.s32 $0xC000, s11;
	s19 =	sadd.s32 $0x10000, s11;
	s8 =	sand.u32 $0x380, s25  }
0xc: {  	_ =	strace $0x80000050;
	s18 =	ssub.s32 s28, s29;
	s9 =	sadd.s32 s19, s3  }
0xd: {  	s20 =	sadd.s32 s11, s2;
	s25 =	simm.s32 $0x1;
	s7 =	sor.u32 s7, s8  }
0xe: {  	s13 =	sadd.s32 s6, s5;
	s6 =	sadd.s32 s14, s3;
	s8 =	sadd.s32 s16, s3  }
0xf: {  	s31 =	sshrl.u32 s20, $0x3;
	s14 =	sadd.s32 s2, s14;
	s16 =	sadd.s32 s2, s16  }
0x10: {  	s18 =	smax.u32 s18, $0x1;
	s20 =	simm.s32 $0x2;
	s7 =	sshrl.u32 s7, $0x3  }
0x11: {  	s10 =	sadd.s32 $0x5000, s13;
	s11 =	sadd.s32 $0x19800, s13;
	s13 =	sadd.s32 s17, s31  }
0x12: {  	s14 =	sshrl.u32 s14, $0x3;
	s16 =	sshrl.u32 s16, $0x3;
	s12 =	sadd.s32 s7, s5  }
0x13: {  	s5 =	sadd.s32 s30, s3;
	s7 =	sadd.s32 s15, s3;
	s14 =	sadd.s32 s17, s14  }
0x14: {  	s15 =	sadd.s32 s2, s15;
	s2 =	sadd.s32 s2, s19;
	s16 =	sadd.s32 s17, s16  }
0x15: {  	s19 =	simm.s32 $0x7780;
	s15 =	sshrl.u32 s15, $0x3;
	s2 =	sshrl.u32 s2, $0x3  }
0x16: {  	v0 =	vimm.f32 $0.0e+00;
	s12 =	sadd.s32 $0xFA00, s12;
	s15 =	sadd.s32 s17, s15;
	s17 =	sadd.s32 s17, s2  }
.LBB2_1:
0x17: {  	s2 =	simm.s32 $0x0;
	s26 =	simm.s32 $0x200  }
.LBB2_2:
0x18: {  	p0 =	sne.s32 s26, $0xFE00;
	[tilespmem:s2+$0x77F0] =	vst v0  }
0x19: {  	[tilespmem:s2+$0x7780] =	vst v0  }
0x1a: {  	[tilespmem:s2+$0x7790] =	vst v0  }
.Ltmp0:
0x1b: {  	[tilespmem:s2+$0x77A0] =	vst v0;
	(pc) =	sbr.rel @p0 .LBB2_2-.Ltmp0, $4  }
0x1c: {  	[tilespmem:s2+$0x77B0] =	vst v0  }
0x1d: {  	[tilespmem:s2+$0x77C0] =	vst v0  }
0x1e: {  	[tilespmem:s2+$0x77D0] =	vst v0  }
0x1f: {  	[tilespmem:s2+$0x77E0] =	vst v0;
	s2 =	sshra.s32 s26, $0x2;
	s26 =	sadd.s32 $0x200, s26  }
0x20: {  	[tilespmem:s2+$0x77F0] =	vst v0  }
0x21: {  	[tilespmem:s2+$0x7780] =	vst v0  }
0x22: {  	[tilespmem:s2+$0x7790] =	vst v0  }
0x23: {  	[tilespmem:s2+$0x77A0] =	vst v0  }
0x24: {  	[tilespmem:s2+$0x77B0] =	vst v0  }
0x25: {  	[tilespmem:s2+$0x77C0] =	vst v0  }
0x26: {  	[tilespmem:s2+$0x77D0] =	vst v0  }
0x27: {  	[tilespmem:s2+$0x77E0] =	vst v0  }
0x28: {  	[spmem:s5] =	stream.linear.scatter [tilespmem:s19], [sflag:$0x2], $0x4000, $0x38;
	[tilespmem:$0x1F780] =	vst v63  }
0x29: {  	_ =	swait.ge [sflag:s20], $0x4000  }
0x2a: {  	[sflag:s20] =	ssyncset.done $0x0  }
0x2b: {  	[sflag:s20] =	ssyncadd.s32 $0xFFFFC000  }
0x2c: {  	[spmem:s6] =	stream.linear.scatter [tilespmem:s19], [sflag:$0x2], $0x4000, $0x38;
	[tilespmem:$0x1F780] =	vst v63  }
0x2d: {  	_ =	swait.ge [sflag:s20], $0x4000  }
0x2e: {  	[sflag:s20] =	ssyncset.done $0x0  }
0x2f: {  	[sflag:s20] =	ssyncadd.s32 $0xFFFFC000  }
0x30: {  	[spmem:s7] =	stream.linear.scatter [tilespmem:s19], [sflag:$0x2], $0x4000, $0x38;
	[tilespmem:$0x1F780] =	vst v63  }
0x31: {  	_ =	swait.ge [sflag:s20], $0x4000  }
0x32: {  	[sflag:s20] =	ssyncset.done $0x0  }
0x33: {  	[sflag:s20] =	ssyncadd.s32 $0xFFFFC000  }
0x34: {  	[spmem:s8] =	stream.linear.scatter [tilespmem:s19], [sflag:$0x2], $0x4000, $0x38;
	[tilespmem:$0x1F780] =	vst v63  }
0x35: {  	_ =	swait.ge [sflag:s20], $0x4000  }
0x36: {  	[sflag:s20] =	ssyncset.done $0x0  }
0x37: {  	[sflag:s20] =	ssyncadd.s32 $0xFFFFC000  }
0x38: {  	[spmem:s9] =	stream.linear.scatter [tilespmem:s19], [sflag:$0x2], $0x4000, $0x38;
	[tilespmem:$0x1F780] =	vst v63  }
0x39: {  	_ =	swait.ge [sflag:s20], $0x4000  }
0x3a: {  	[sflag:s20] =	ssyncset.done $0x0  }
0x3b: {  	s26 =	simm.s32 $0x0;
	[sflag:s20] =	ssyncadd.s32 $0xFFFFC000  }
0x3c: {  	[tilespmem:s26], [sflag:$0x2] =	stream.linear.gather [hbm4b:s10+s26], $0x2780, $0x38;
	[tilespmem:$0x1F780] =	vst v63  }
0x3d: {  	_ =	swait.ge [sflag:s20], $0x2780  }
0x3e: {  	[sflag:s20] =	ssyncset.done $0x0  }
0x3f: {  	[sflag:s20] =	ssyncadd.s32 $0xFFFFD880  }
0x40: {  	[tilespmem:s21], [sflag:$0x2] =	stream.linear.gather [hbm4b:s11+s26], $0x2780, $0x38;
	[tilespmem:$0x1F780] =	vst v63  }
0x41: {  	_ =	swait.ge [sflag:s20], $0x2780  }
0x42: {  	[sflag:s20] =	ssyncset.done $0x0  }
0x43: {  	[sflag:s20] =	ssyncadd.s32 $0xFFFFD880  }
0x44: {  	[tilespmem:s24], [sflag:$0x2] =	stream.strided.gather [hbm4b:s12+s22], $0x2780, s23, s22, $0x38;
	[tilespmem:$0x1F780] =	vst v63  }
0x45: {  	_ =	swait.ge [sflag:s20], $0x2780  }
0x46: {  	[sflag:s20] =	ssyncset.done $0x0  }
0x47: {  	[sflag:s20] =	ssyncadd.s32 $0xFFFFD880  }
0x48: {  	s28 =	simm.s32 $0x0;
	[bflag:$0x0] =	sbarrier.arrive $0xFFFF  }
.LBB2_4:
0x49: {  	s29 =	sshll.u32 s28, $0x7  }
0x4a: {  	s2 =	sadd.s32 $0x2800, s29  }
0x4b: {  	[tilespmem:s19], [sflag:$0x1] =	stream.indirect.gather [hbm4b:s1+s22], $0x80, s2, s22, $0xb8;
	[tilespmem:$0x1F780] =	vst v63  }
0x4c: {  	s0 =	sadd.s32 $0x0, s26;
	_ =	swait.ge [sflag:s25], $0x4000  }
0x4d: {  	v1 =	vmov s0;
	[sflag:s25] =	ssyncset.done $0x0  }
0x4e: {  	s30 =	simm.s32 $0x77C0;
	[sflag:s25] =	ssyncadd.s32 $0xFFFFC000  }
0x4f: {  	v5 =	vld [tilespmem:s30+$0x30]  }
0x50: {  	v8 =	vld [tilespmem:s30+$0x10]  }
0x51: {  	v6 =	vld [tilespmem:s30+$0xFFFFFFC0]  }
0x52: {  	v2 =	vld.idx.msk [tilespmem:v1+s24+$0x0], $0xffff  }
0x53: {  	v10 =	vld [tilespmem:s30+$0xFFFFFFE0]  }
0x54: {  	v1 =	vld [tilespmem:s30+$0xFFFFFFF0]  }
0x55: {  	v3 =	vld [tilespmem:s30+$0x20]  }
0x56: {  	v4 =	vld [tilespmem:s30+$0xFFFFFFD0]  }
0x57: {  	v9 =	vmul.f32 v5, v2;
	v5 =	vld [tilespmem:s30+$0x0]  }
0x58: {  	v7 =	vmul.f32 v6, v2  }
0x59: {  	s31 =	simm.s32 $0x1;
	s2 =	simm.s32 $0x77C0;
	v6 =	vmul.f32 v10, v2;
	v8 =	vmul.f32 v8, v2  }
.LBB2_5:
0x5a: {  	p0 =	sne.s32 s31, $0x7F  }
0x5b: {  	v4 =	vmul.f32 v4, v2;
	v3 =	vmul.f32 v3, v2;
	[tilespmem:s30+$0x30] =	vst v9;
	s2 =	sadd.s32 $0x80, s2;
	s0 =	smov.u32 s31;
	s31 =	sadd.s32 $0x1, s31  }
0x5c: {  	[tilespmem:s30+$0xFFFFFFC0] =	vst v7;
	v7 =	vmul.f32 v1, v2;
	v2 =	vmul.f32 v5, v2  }
0x5d: {  	s0 =	sadd.s32 s0, s26;
	[tilespmem:s30+$0x10] =	vst v8  }
0x5e: {  	v5 =	vmov s0;
	[tilespmem:s30+$0xFFFFFFE0] =	vst v6  }
0x5f: {  	v1 =	vld [tilespmem:s2+$0xFFFFFFF0];
	[tilespmem:s30+$0xFFFFFFF0] =	vst v7  }
0x60: {  	v6 =	vld [tilespmem:s2+$0x30];
	[tilespmem:s30+$0x0] =	vst v2  }
0x61: {  	v8 =	vld [tilespmem:s2+$0x10];
	[tilespmem:s30+$0x20] =	vst v3  }
0x62: {  	v7 =	vld [tilespmem:s2+$0xFFFFFFC0];
	[tilespmem:s30+$0xFFFFFFD0] =	vst v4;
	s30 =	smov.u32 s2  }
0x63: {  	v2 =	vld.idx.msk [tilespmem:v5+s24+$0x0], $0xffff  }
0x64: {  	v10 =	vld [tilespmem:s2+$0xFFFFFFE0]  }
0x65: {  	v3 =	vld [tilespmem:s2+$0x20]  }
.Ltmp1:
0x66: {  	v4 =	vld [tilespmem:s2+$0xFFFFFFD0];
	(pc) =	sbr.rel @p0 .LBB2_5-.Ltmp1, $3  }
0x67: {  	v5 =	vld [tilespmem:s2+$0x0];
	_ =	sdelay $0x1  }
0x68: {  	v7 =	vmul.f32 v7, v2;
	v9 =	vmul.f32 v6, v2  }
0x69: {  	v8 =	vmul.f32 v8, v2;
	v6 =	vmul.f32 v10, v2  }
0x6a: {  	[tilespmem:s30+$0x30] =	vst v9  }
0x6b: {  	[tilespmem:s30+$0xFFFFFFC0] =	vst v7  }
0x6c: {  	v1 =	vmul.f32 v1, v2;
	[tilespmem:s30+$0x10] =	vst v8  }
0x6d: {  	v3 =	vmul.f32 v3, v2;
	[tilespmem:s30+$0xFFFFFFE0] =	vst v6  }
0x6e: {  	v5 =	vmul.f32 v5, v2;
	[tilespmem:s30+$0xFFFFFFF0] =	vst v1  }
0x6f: {  	s28 =	sadd.s32 $0x1, s28;
	v1 =	vmul.f32 v4, v2;
	[tilespmem:s30+$0x20] =	vst v3  }
0x70: {  	p0 =	sne.s32 s28, $0x4F;
	[tilespmem:s30+$0x0] =	vst v5  }
.Ltmp2:
0x71: {  	[tilespmem:s30+$0xFFFFFFD0] =	vst v1;
	(pc) =	sbr.rel @p0 .LBB2_4-.Ltmp2, $4  }
0x72: {  	[spmem:s3] =	stream.indirect.scatter.add.f32 [tilespmem:s19], [sflag:$0x2], $0x80, s29, s22, $0xb8;
	[tilespmem:$0x1F780] =	vst v63  }
0x73: {  	_ =	swait.ge [sflag:s20], $0x4000  }
0x74: {  	[sflag:s20] =	ssyncset.done $0x0  }
0x75: {  	s26 =	sadd.s32 $0x80, s26;
	[sflag:s20] =	ssyncadd.s32 $0xFFFFC000  }
0x76: {  	s0 =	stileid.u32  }
0x77: {  	s0 =	sshll.u32 s0, $0x6  }
0x78: {  	[bflag:$0x0] =	sbarrier.arrive $0xFFFF;
	s2 =	sshrl.u32 s5, $0x3;
	s0 =	sor.u32 $0x1C02, s0  }
0x79: {  	[hbm:s13], [sflag:s0] =	dma.local [spmem:s2], $0x800  }
0x7a: {  	_ =	swait.ge [sflag:s20], $0x800  }
0x7b: {  	[sflag:s20] =	ssyncset.done $0x0  }
0x7c: {  	s28 =	sshrl.u32 s6, $0x3;
	[sflag:s20] =	ssyncadd.s32 $0xFFFFF800  }
0x7d: {  	[hbm:s14], [sflag:s0] =	dma.local [spmem:s28], $0x800  }
0x7e: {  	_ =	swait.ge [sflag:s20], $0x800  }
0x7f: {  	[sflag:s20] =	ssyncset.done $0x0  }
0x80: {  	s29 =	sshrl.u32 s7, $0x3;
	[sflag:s20] =	ssyncadd.s32 $0xFFFFF800  }
0x81: {  	[hbm:s15], [sflag:s0] =	dma.local [spmem:s29], $0x800  }
0x82: {  	_ =	swait.ge [sflag:s20], $0x800  }
0x83: {  	[sflag:s20] =	ssyncset.done $0x0  }
0x84: {  	s30 =	sshrl.u32 s8, $0x3;
	[sflag:s20] =	ssyncadd.s32 $0xFFFFF800  }
0x85: {  	[hbm:s16], [sflag:s0] =	dma.local [spmem:s30], $0x800  }
0x86: {  	s4 =	sadd.s32 $0x1, s4;
	_ =	swait.ge [sflag:s20], $0x800  }
0x87: {  	p0 =	sne.s32 s4, s18;
	[sflag:s20] =	ssyncset.done $0x0  }
.Ltmp3:
0x88: {  	s31 =	sshrl.u32 s9, $0x3;
	[sflag:s20] =	ssyncadd.s32 $0xFFFFF800;
	(pc) =	sbr.rel @p0 .LBB2_1-.Ltmp3, $4  }
0x89: {  	[hbm:s17], [sflag:s0] =	dma.local [spmem:s31], $0x800  }
0x8a: {  	_ =	swait.ge [sflag:s20], $0x800  }
0x8b: {  	[sflag:s20] =	ssyncset.done $0x0  }
0x8c: {  	[sflag:s20] =	ssyncadd.s32 $0xFFFFF800  }
0x8d: {  	_ =	sfence.sel $0x180000  }
0x8e: {  	[bflag:$0x0] =	sbarrier.arrive $0xFFFF  }
0x8f: {  	_ =	strace $0x90000050  }
0x90: {  	s0 =	stileid.u32;
	[bflag:$0x2] =	sbarrier.arrive $0xFFFF  }
0x91: {  	p0 =	sne.s32 s0, $0x0;
	s0 =	rddreg [dreg:$0x3]  }
0x92: {  	s0 =	sadd.s32 @!p0 $0x100000, s0  }
0x93: {  	[sflag:s0] =	ssyncadd.tile.s32 @!p0 $0x1;
	_ =	shalt  }
.Lfunc_end2:
_tile_overlayer_lowered:
.L_overlay_start_2:
0x94: {  	(tag) =	ssettag $0x2  }
0x95: {  	s0 =	rddreg [dreg:$0x0];
	s2 =	stileid.u32  }
0x96: {  	s1 =	rddreg [dreg:$0x1];
	p0 =	sne.s32 s2, $0x0  }
0x97: {  	s3 =	rddreg [dreg:$0x2];
	[bflag:$0x3] =	sbarrier.arrive $0xFFFF;
	s2 =	simm.s32 @!p0 $0x1C02  }
0x98: {  	[timem:s3], [sflag:s2] =	dma.local @!p0 [hbm:s0], s1  }
0x99: {  	s0 =	simm.s32 @!p0 $0x2  }
0x9a: {  	_ =	swait.ge @!p0 [sflag:s0], s1  }
0x9b: {  	s1 =	ssub.s32 @!p0 $0x0, s1;
	[sflag:s0] =	ssyncset.done @!p0 $0x0  }
0x9c: {  	[sflag:s0] =	ssyncadd.s32 @!p0 s1  }
0x9d: {  	[bflag:$0x3] =	sbarrier.arrive $0xFFFF  }
0x9e: {  	_ =	shalt  }

// kernel: kernel.28.cloned.1.call-start
scs
__scs_entry_jumppad:
0x0: {  	(pc) =	sbr.rel $0x88, $3  }
0x1: {  	(tag) =	ssettag $0x0;
	lr =	simm.s32 $0x1  }
0x2: {  	[smem:$0x3F9A] =	sst lr;
	_ =	strace $0xD0000000  }
0x3: {  	_ = 	snop  }
0x4: {  	_ = 	snop  }
0x5: {  	_ = 	snop  }
0x6: {  	_ = 	snop  }
0x7: {  	_ = 	snop  }
__scs_overlays_trampoline_lowered:
0x8: {  	[smem:$0x3FA9] =	sst s0  }
0x9: {  	[smem:$0x3FAA] =	sst s1  }
0xa: {  	[smem:$0x3FAB] =	sst s2  }
0xb: {  	[smem:$0x3FAC] =	sst s3  }
0xc: {  	[smem:$0x3FAD] =	sst s4  }
0xd: {  	[smem:$0x3FAE] =	sst s5  }
0xe: {  	[smem:$0x3FAF] =	sst s6  }
0xf: {  	[smem:$0x3FB0] =	sst s7  }
0x10: {  	[smem:$0x3FB1] =	sst s8  }
0x11: {  	[smem:$0x3FB2] =	sst s9;
	s0 =	simm.s32 @!p0 $0x0  }
0x12: {  	s1 =	sld [smem:$0x3F98];
	s0 =	simm.s32 @p0 $0x1  }
0x13: {  	[smem:$0x3FB3] =	sst s0;
	s0 =	simm.s32 @!p1 $0x0  }
0x14: {  	s2 =	sld [smem:$0x3F97];
	s0 =	simm.s32 @p1 $0x1  }
0x15: {  	[smem:$0x3FB4] =	sst s0;
	s0 =	simm.s32 @!p2 $0x0  }
0x16: {  	s3 =	sld [smem:$0x3FDB];
	s0 =	simm.s32 @p2 $0x1  }
0x17: {  	s4 =	simm.s32 $0x1BF5;
	[smem:$0x3FB6] =	sst s0  }
0x18: {  	s0 =	sld [smem:$0x3F99];
	_ =	swait.ge [sflag:s4], $0x0  }
0x19: {  	s7 =	sld [smem:$0x3F9A]  }
0x1a: {  	s8 =	sadd.s32 $0xFFFFE003, lr  }
0x1b: {  	s9 =	sadd.s32 $0xFFFFFEF7, lr;
	s5 =	simm.s32 $0xFFFFFFFF;
	p2 =	slt.u32 s8, $0xFFFFF086  }
0x1c: {  	p1 =	slt.u32 s9, $0xF7A;
	s5 =	simm.s32 @!p2 $0x0  }
0x1d: {  	s5 =	simm.s32 @p1 $0x1;
	p0 =	seq.s32 s7, s2  }
0x1e: {  	s7 =	smul.u32 @!p0 $0xF7A, s2;
	p2 =	seq.s32 @!p0 s5, $0x0  }
0x1f: {  	s9 =	smul.u32 $0xF7A, s1;
	s8 =	simm.s32 @!p0 $0x1BF5;
	p2 =	por !p2, p0  }
0x20: {  	[sflag:s8] =	ssyncset.s32 @!p0 $0xFFFFF086;
	s6 =	sadd.s32 @!p0 s3, s7;
	s7 =	simm.s32 @!p0 $0x108  }
0x21: {  	s3 =	sadd.s32 s3, s9;
	s6 =	sadd.s32 @!p0 $0x88, s6;
	s7 =	simm.s32 @p2 $0x1082  }
0x22: {  	[simem:s7], [sflag:s8] =	dma.local @!p0 [hbm:s6], $0xF7A  }
0x23: {  	s9 =	sor.u32 $0xD0000000, s2;
	s6 =	simm.s32 $0x108;
	_ =	swait.ge @!p0 [sflag:s8], $0x0  }
0x24: {  	s3 =	sadd.s32 $0x88, s3;
	s6 =	simm.s32 @!p1 $0x1082;
	[sflag:s4] =	ssyncset.s32 $0xFFFFF086  }
0x25: {  	[simem:s6], [sflag:s4] =	dma.local [hbm:s3], $0xF7A  }
0x26: {  	[smem:$0x3F9A] =	sst s1;
	(tag) =	ssettag s2;
	_ =	strace s9  }
0x27: {  	s1 =	sld [smem:$0x3FAA]  }
0x28: {  	s2 =	sld [smem:$0x3FAB]  }
0x29: {  	s4 =	sld [smem:$0x3FAD]  }
0x2a: {  	p0 =	seq.s32 s5, $0x0;
	s5 =	sld [smem:$0x3FAE]  }
0x2b: {  	s6 =	sld [smem:$0x3FAF]  }
0x2c: {  	s7 =	sld [smem:$0x3FB0]  }
0x2d: {  	s3 =	simm.s32 $0x108;
	s8 =	sld [smem:$0x3FB1]  }
0x2e: {  	s3 =	simm.s32 @!p0 $0x1082;
	s9 =	sld [smem:$0x3FB2]  }
0x2f: {  	lr =	sadd.s32 s0, s3;
	s0 =	sld [smem:$0x3FA9]  }
0x30: {  	s3 =	sld [smem:$0x3FAC]  }
0x31: {  	[smem:$0x3FB5] =	sst s10  }
0x32: {  	s10 =	sld [smem:$0x3FB3];
	_ =	sdelay $0x3  }
0x33: {  	p0 =	seq.s32 s10, $0x1;
	s10 =	sld [smem:$0x3FB5];
	_ =	sdelay $0x3  }
0x34: {  	[smem:$0x3FB5] =	sst s10  }
0x35: {  	s10 =	sld [smem:$0x3FB4];
	_ =	sdelay $0x3  }
0x36: {  	p1 =	seq.s32 s10, $0x1;
	s10 =	sld [smem:$0x3FB5];
	_ =	sdelay $0x3  }
0x37: {  	[smem:$0x3FB5] =	sst s10  }
0x38: {  	s10 =	sld [smem:$0x3FB6]  }
0x39: {  	_ = 	snop;
	(pc) =	sbr.ind lr, $3  }
0x3a: {  	_ = 	snop  }
0x3b: {  	_ = 	snop  }
0x3c: {  	p2 =	seq.s32 s10, $0x1;
	s10 =	sld [smem:$0x3FB5]  }
0x3d: {  	_ =	shalt  }
0x3e: {  	_ =	shalt  }
0x3f: {  	_ =	shalt  }
0x40: {  	_ =	shalt  }
0x41: {  	_ =	shalt  }
0x42: {  	_ =	shalt  }
0x43: {  	_ =	shalt  }
0x44: {  	_ =	shalt  }
0x45: {  	_ =	shalt  }
0x46: {  	_ =	shalt  }
0x47: {  	_ =	shalt  }
0x48: {  	_ =	shalt  }
0x49: {  	_ =	shalt  }
0x4a: {  	_ =	shalt  }
0x4b: {  	_ =	shalt  }
0x4c: {  	_ =	shalt  }
0x4d: {  	_ =	shalt  }
0x4e: {  	_ =	shalt  }
0x4f: {  	_ =	shalt  }
0x50: {  	_ =	shalt  }
0x51: {  	_ =	shalt  }
0x52: {  	_ =	shalt  }
0x53: {  	_ =	shalt  }
0x54: {  	_ =	shalt  }
0x55: {  	_ =	shalt  }
0x56: {  	_ =	shalt  }
0x57: {  	_ =	shalt  }
0x58: {  	_ =	shalt  }
0x59: {  	_ =	shalt  }
0x5a: {  	_ =	shalt  }
0x5b: {  	_ =	shalt  }
0x5c: {  	_ =	shalt  }
0x5d: {  	_ =	shalt  }
0x5e: {  	_ =	shalt  }
0x5f: {  	_ =	shalt  }
0x60: {  	_ =	shalt  }
0x61: {  	_ =	shalt  }
0x62: {  	_ =	shalt  }
0x63: {  	_ =	shalt  }
0x64: {  	_ =	shalt  }
0x65: {  	_ =	shalt  }
0x66: {  	_ =	shalt  }
0x67: {  	_ =	shalt  }
0x68: {  	_ =	shalt  }
0x69: {  	_ =	shalt  }
0x6a: {  	_ =	shalt  }
0x6b: {  	_ =	shalt  }
0x6c: {  	_ =	shalt  }
0x6d: {  	_ =	shalt  }
0x6e: {  	_ =	shalt  }
0x6f: {  	_ =	shalt  }
0x70: {  	_ =	shalt  }
0x71: {  	_ =	shalt  }
0x72: {  	_ =	shalt  }
0x73: {  	_ =	shalt  }
0x74: {  	_ =	shalt  }
0x75: {  	_ =	shalt  }
0x76: {  	_ =	shalt  }
0x77: {  	_ =	shalt  }
0x78: {  	_ =	shalt  }
0x79: {  	_ =	shalt  }
0x7a: {  	_ =	shalt  }
0x7b: {  	_ =	shalt  }
0x7c: {  	_ =	shalt  }
0x7d: {  	_ =	shalt  }
0x7e: {  	_ =	shalt  }
0x7f: {  	_ =	shalt  }
0x80: {  	_ =	shalt  }
0x81: {  	_ =	shalt  }
0x82: {  	_ =	shalt  }
0x83: {  	_ =	shalt  }
0x84: {  	_ =	shalt  }
0x85: {  	_ =	shalt  }
0x86: {  	_ =	shalt  }
0x87: {  	_ =	shalt  }
.Lfunc_end0:
.L_simem_size_0:
called_computation.4_lowered:
.L_overlay_start_0:
0x88: {  	s2 =	sld [smem:$0x3FD9]  }
0x89: {  	s3 =	sld [smem:$0x3FFE];
	_ =	sdelay $0x1  }
0x8a: {  	s1 =	srdreg.scid  }
0x8b: {  	s0 =	sand.u32 $0x1, s1  }
0x8c: {  	s17 =	sshll.u32 s0, $0xA;
	s2 =	sadd.s32 s3, s2  }
0x8d: {  	s2 =	sadd.s32 s2, s17  }
0x8e: {  	[smem:$0x3FC1] =	sst s2  }
0x8f: {  	_ = 	snop  }
0x90: {  	s2 =	sld [smem:$0x3FD0];
	(tm) =	ssettm $0x1  }
0x91: {  	s18 =	sld [smem:$0x3FFB];
	_ =	sdelay $0x3  }
0x92: {  	_ =	strace s18  }
0x93: {  	s3 =	sld [smem:$0x3FFC];
	_ =	sdelay $0x3  }
0x94: {  	_ =	strace s3  }
0x95: {  	s3 =	sld [smem:$0x3FFD];
	_ =	sdelay $0x3  }
0x96: {  	_ =	strace s3  }
0x97: {  	_ =	strace $0x8FFFFFFF  }
0x98: {  	s19 =	sld [smem:$0x3FDB];
	_ =	sdelay $0x1  }
0x99: {  	s4 =	simm.s32 $_scs_section_size  }
0x9a: {  	s5 =	simm.s32 $_size__tile_overlayer_lowered;
	s6 =	simm.s32 $_tile_overlayer_lowered  }
0x9b: {  	s22 =	simm.s32 $0x1BFF;
	s21 =	sshll.u32 s6, $0x1;
	s3 =	sadd.s32 s4, s19  }
0x9c: {  	s7 =	simm.s32 $0x0;
	s20 =	sshll.u32 s5, $0x1;
	s5 =	sadd.s32 s21, s3  }
0x9d: {  	[timem:s7], [sflag:s22] =	dma.local [hbm:s5], s20  }
0x9e: {  	_ =	swait.ge [sflag:s22], s20  }
0x9f: {  	s4 =	ssub.s32 $0x0, s20;
	[sflag:s22] =	ssyncset.done $0x0  }
0xa0: {  	[sflag:s22] =	ssyncadd.s32 s4;
	_ =	sdelay $0x1  }
0xa1: {  	s23 =	simm.s32 $0x1B8B  }
0xa2: {  	_ =	swait.ge [sflag:s23], $0x1  }
0xa3: {  	[sflag:s23] =	ssyncset.done $0x0  }
0xa4: {  	s25 =	simm.s32 $0x1B8E;
	s24 =	sld [smem:$0x3FFE];
	[sflag:s23] =	ssyncadd.s32 $0xFFFFFFFF  }
0xa5: {  	s26 =	simm.s32 $execute0_lowered;
	[smem:$0x3FD2] =	sst s25  }
0xa6: {  	s5 =	sshll.u32 s26, $0x1;
	_ =	strace $0x80000052;
	[dreg:$0x1] =	wrdreg $0xFFFFFFFF  }
0xa7: {  	s28 =	simm.s32 $_size_execute0_lowered;
	s3 =	sadd.s32 s3, s5;
	[dreg:$0x0] =	wrdreg $0x0  }
0xa8: {  	s5 =	sshll.u32 s28, $0x1;
	[dreg:$0x2] =	wrdreg s3  }
0xa9: {  	[dreg:$0x3] =	wrdreg s5  }
0xaa: {  	[dreg:$0x4] =	wrdreg $0xC0  }
0xab: {  	_ =	task [dreg:s7], $0x5FFFF  }
0xac: {  	[dreg:$0x1] =	wrdreg $0xFFFFFFFF  }
0xad: {  	[dreg:$0x0] =	wrdreg $0x60  }
0xae: {  	[dreg:$0x2] =	wrdreg s2  }
0xaf: {  	[dreg:$0x3] =	wrdreg s24  }
0xb0: {  	[dreg:$0x4] =	wrdreg $0xB7800  }
0xb1: {  	[dreg:$0x5] =	wrdreg $0x9  }
0xb2: {  	_ =	task.clear_ibuf [dreg:s7], $0x6FFFF;
	_ =	strace $0x90000052  }
0xb3: {  	s29 =	simm.s32 $0x9;
	_ =	strace $0x80000054  }
0xb4: {  	_ =	swait.ge [sflag:s29], $0x1  }
0xb5: {  	[sflag:s29] =	ssyncadd.s32 $0xFFFFFFFF  }
0xb6: {  	_ =	strace $0x90000054  }
0xb7: {  	_ =	sfence  }
0xb8: {  	s30 =	sld [smem:$0x0];
	_ =	sdelay $0x2  }
0xb9: {  	s31 =	sshll.u32 s1, $0xD;
	s1 =	sshrl.u32 s1, $0x2  }
0xba: {  	s3 =	sand.u32 $0x4000, s31;
	s1 =	sadd.s32 s1, s30  }
0xbb: {  	s0 =	sor.u32 s3, s0;
	s1 =	sshll.u32 s1, $0x11  }
0xbc: {  	s0 =	sor.u32 s1, s0  }
0xbd: {  	s0 =	sadd.s32 $0x8F2B, s0  }
0xbe: {  	[sflag:s0] =	ssyncadd.remote.s32 $0x1  }
0xbf: {  	_ =	sfence.sel $0xFFFF  }
0xc0: {  	[dreg:$0x0] =	wrdreg $0xFFFFFFFF;
	(pc) =	sbr.abs _section_cstart, $3  }
0xc1: {  	[dreg:$0x1] =	wrdreg $0xFFFFFFFF  }
0xc2: {  	_ =	task.clear_ibuf [dreg:s7], $0x2FFFF;
	_ =	strace $0x9FFFFFFF  }
0xc3: {  	(tm) =	ssettm $0x7FFFFFFF  }
tec
execute0_lowered:
.L_overlay_start_1:
0x0: {  	(tag) =	ssettag $0x1  }
0x1: {  	s2 =	srdreg.scid  }
0x2: {  	s0 =	stileid.u32;
	s1 =	rddreg [dreg:$0x0]  }
0x3: {  	s5 =	rddreg [dreg:$0x1];
	s21 =	simm.s32 $0x2800;
	s22 =	simm.s32 $0x80  }
0x4: {  	s23 =	simm.s32 $0x400;
	s24 =	simm.s32 $0x5000;
	s2 =	sand.u32 $0x1, s2  }
0x5: {  	s3 =	sshll.u32 s0, $0x1;
	s4 =	sshrl.u32 s0, $0x2;
	s26 =	smul.u32 $0x50000, s0  }
0x6: {  	s11 =	smul.u32 $0x14000, s0;
	s17 =	sadd.s32 $0x23800, s5;
	s6 =	sor.u32 s2, s3  }
0x7: {  	s3 =	rddreg [dreg:$0x2];
	s7 =	smul.u32 $0x13C00, s4;
	s4 =	simm.s32 $0x0  }
0x8: {  	s28 =	ssub.s32 $0x2, s2;
	s2 =	smul.u32 $0x140000, s2;
	s25 =	sshll.u32 s6, $0x7  }
0x9: {  	s6 =	smul.u32 $0x500, s6;
	[smem:$0x7FF] =	sst s4;
	s29 =	sshrl.u32 s28, $0x1  }
0xa: {  	s30 =	sshrl.u32 s26, $0x2;
	s14 =	sadd.s32 $0x4000, s11;
	s15 =	sadd.s32 $0x8000, s11  }
0xb: {  	s16 =	sadd.s32 $0xC000, s11;
	s19 =	sadd.s32 $0x10000, s11;
	s8 =	sand.u32 $0x380, s25  }
0xc: {  	_ =	strace $0x80000053;
	s18 =	ssub.s32 s28, s29;
	s9 =	sadd.s32 s19, s3  }
0xd: {  	s20 =	sadd.s32 s11, s2;
	s25 =	simm.s32 $0x1;
	s7 =	sor.u32 s7, s8  }
0xe: {  	s13 =	sadd.s32 s6, s5;
	s6 =	sadd.s32 s14, s3;
	s8 =	sadd.s32 s16, s3  }
0xf: {  	s31 =	sshrl.u32 s20, $0x3;
	s14 =	sadd.s32 s2, s14;
	s16 =	sadd.s32 s2, s16  }
0x10: {  	s18 =	smax.u32 s18, $0x1;
	s20 =	simm.s32 $0x2;
	s7 =	sshrl.u32 s7, $0x3  }
0x11: {  	s10 =	sadd.s32 $0x5000, s13;
	s11 =	sadd.s32 $0x19800, s13;
	s13 =	sadd.s32 s17, s31  }
0x12: {  	s14 =	sshrl.u32 s14, $0x3;
	s16 =	sshrl.u32 s16, $0x3;
	s12 =	sadd.s32 s7, s5  }
0x13: {  	s5 =	sadd.s32 s30, s3;
	s7 =	sadd.s32 s15, s3;
	s14 =	sadd.s32 s17, s14  }
0x14: {  	s15 =	sadd.s32 s2, s15;
	s2 =	sadd.s32 s2, s19;
	s16 =	sadd.s32 s17, s16  }
0x15: {  	s19 =	simm.s32 $0x7780;
	s15 =	sshrl.u32 s15, $0x3;
	s2 =	sshrl.u32 s2, $0x3  }
0x16: {  	v0 =	vimm.f32 $0.0e+00;
	s12 =	sadd.s32 $0xFA00, s12;
	s15 =	sadd.s32 s17, s15;
	s17 =	sadd.s32 s17, s2  }
.LBB2_1:
0x17: {  	s2 =	simm.s32 $0x0;
	s26 =	simm.s32 $0x200  }
.LBB2_2:
0x18: {  	p0 =	sne.s32 s26, $0xFE00;
	[tilespmem:s2+$0x77F0] =	vst v0  }
0x19: {  	[tilespmem:s2+$0x7780] =	vst v0  }
0x1a: {  	[tilespmem:s2+$0x7790] =	vst v0  }
.Ltmp0:
0x1b: {  	[tilespmem:s2+$0x77A0] =	vst v0;
	(pc) =	sbr.rel @p0 .LBB2_2-.Ltmp0, $4  }
0x1c: {  	[tilespmem:s2+$0x77B0] =	vst v0  }
0x1d: {  	[tilespmem:s2+$0x77C0] =	vst v0  }
0x1e: {  	[tilespmem:s2+$0x77D0] =	vst v0  }
0x1f: {  	[tilespmem:s2+$0x77E0] =	vst v0;
	s2 =	sshra.s32 s26, $0x2;
	s26 =	sadd.s32 $0x200, s26  }
0x20: {  	[tilespmem:s2+$0x77F0] =	vst v0  }
0x21: {  	[tilespmem:s2+$0x7780] =	vst v0  }
0x22: {  	[tilespmem:s2+$0x7790] =	vst v0  }
0x23: {  	[tilespmem:s2+$0x77A0] =	vst v0  }
0x24: {  	[tilespmem:s2+$0x77B0] =	vst v0  }
0x25: {  	[tilespmem:s2+$0x77C0] =	vst v0  }
0x26: {  	[tilespmem:s2+$0x77D0] =	vst v0  }
0x27: {  	[tilespmem:s2+$0x77E0] =	vst v0  }
0x28: {  	[spmem:s5] =	stream.linear.scatter [tilespmem:s19], [sflag:$0x2], $0x4000, $0x38;
	[tilespmem:$0x1F780] =	vst v63  }
0x29: {  	_ =	swait.ge [sflag:s20], $0x4000  }
0x2a: {  	[sflag:s20] =	ssyncset.done $0x0  }
0x2b: {  	[sflag:s20] =	ssyncadd.s32 $0xFFFFC000  }
0x2c: {  	[spmem:s6] =	stream.linear.scatter [tilespmem:s19], [sflag:$0x2], $0x4000, $0x38;
	[tilespmem:$0x1F780] =	vst v63  }
0x2d: {  	_ =	swait.ge [sflag:s20], $0x4000  }
0x2e: {  	[sflag:s20] =	ssyncset.done $0x0  }
0x2f: {  	[sflag:s20] =	ssyncadd.s32 $0xFFFFC000  }
0x30: {  	[spmem:s7] =	stream.linear.scatter [tilespmem:s19], [sflag:$0x2], $0x4000, $0x38;
	[tilespmem:$0x1F780] =	vst v63  }
0x31: {  	_ =	swait.ge [sflag:s20], $0x4000  }
0x32: {  	[sflag:s20] =	ssyncset.done $0x0  }
0x33: {  	[sflag:s20] =	ssyncadd.s32 $0xFFFFC000  }
0x34: {  	[spmem:s8] =	stream.linear.scatter [tilespmem:s19], [sflag:$0x2], $0x4000, $0x38;
	[tilespmem:$0x1F780] =	vst v63  }
0x35: {  	_ =	swait.ge [sflag:s20], $0x4000  }
0x36: {  	[sflag:s20] =	ssyncset.done $0x0  }
0x37: {  	[sflag:s20] =	ssyncadd.s32 $0xFFFFC000  }
0x38: {  	[spmem:s9] =	stream.linear.scatter [tilespmem:s19], [sflag:$0x2], $0x4000, $0x38;
	[tilespmem:$0x1F780] =	vst v63  }
0x39: {  	_ =	swait.ge [sflag:s20], $0x4000  }
0x3a: {  	[sflag:s20] =	ssyncset.done $0x0  }
0x3b: {  	s26 =	simm.s32 $0x0;
	[sflag:s20] =	ssyncadd.s32 $0xFFFFC000  }
0x3c: {  	[tilespmem:s26], [sflag:$0x2] =	stream.linear.gather [hbm4b:s10+s26], $0x2780, $0x38;
	[tilespmem:$0x1F780] =	vst v63  }
0x3d: {  	_ =	swait.ge [sflag:s20], $0x2780  }
0x3e: {  	[sflag:s20] =	ssyncset.done $0x0  }
0x3f: {  	[sflag:s20] =	ssyncadd.s32 $0xFFFFD880  }
0x40: {  	[tilespmem:s21], [sflag:$0x2] =	stream.linear.gather [hbm4b:s11+s26], $0x2780, $0x38;
	[tilespmem:$0x1F780] =	vst v63  }
0x41: {  	_ =	swait.ge [sflag:s20], $0x2780  }
0x42: {  	[sflag:s20] =	ssyncset.done $0x0  }
0x43: {  	[sflag:s20] =	ssyncadd.s32 $0xFFFFD880  }
0x44: {  	[tilespmem:s24], [sflag:$0x2] =	stream.strided.gather [hbm4b:s12+s22], $0x2780, s23, s22, $0x38;
	[tilespmem:$0x1F780] =	vst v63  }
0x45: {  	_ =	swait.ge [sflag:s20], $0x2780  }
0x46: {  	[sflag:s20] =	ssyncset.done $0x0  }
0x47: {  	[sflag:s20] =	ssyncadd.s32 $0xFFFFD880  }
0x48: {  	s28 =	simm.s32 $0x0;
	[bflag:$0x0] =	sbarrier.arrive $0xFFFF  }
.LBB2_4:
0x49: {  	s29 =	sshll.u32 s28, $0x7  }
0x4a: {  	s2 =	sadd.s32 $0x2800, s29  }
0x4b: {  	[tilespmem:s19], [sflag:$0x1] =	stream.indirect.gather [hbm4b:s1+s22], $0x80, s2, s22, $0xb8;
	[tilespmem:$0x1F780] =	vst v63  }
0x4c: {  	s0 =	sadd.s32 $0x0, s26;
	_ =	swait.ge [sflag:s25], $0x4000  }
0x4d: {  	v1 =	vmov s0;
	[sflag:s25] =	ssyncset.done $0x0  }
0x4e: {  	s30 =	simm.s32 $0x77C0;
	[sflag:s25] =	ssyncadd.s32 $0xFFFFC000  }
0x4f: {  	v5 =	vld [tilespmem:s30+$0x30]  }
0x50: {  	v8 =	vld [tilespmem:s30+$0x10]  }
0x51: {  	v6 =	vld [tilespmem:s30+$0xFFFFFFC0]  }
0x52: {  	v2 =	vld.idx.msk [tilespmem:v1+s24+$0x0], $0xffff  }
0x53: {  	v10 =	vld [tilespmem:s30+$0xFFFFFFE0]  }
0x54: {  	v1 =	vld [tilespmem:s30+$0xFFFFFFF0]  }
0x55: {  	v3 =	vld [tilespmem:s30+$0x20]  }
0x56: {  	v4 =	vld [tilespmem:s30+$0xFFFFFFD0]  }
0x57: {  	v9 =	vmul.f32 v5, v2;
	v5 =	vld [tilespmem:s30+$0x0]  }
0x58: {  	v7 =	vmul.f32 v6, v2  }
0x59: {  	s31 =	simm.s32 $0x1;
	s2 =	simm.s32 $0x77C0;
	v6 =	vmul.f32 v10, v2;
	v8 =	vmul.f32 v8, v2  }
.LBB2_5:
0x5a: {  	p0 =	sne.s32 s31, $0x7F  }
0x5b: {  	v4 =	vmul.f32 v4, v2;
	v3 =	vmul.f32 v3, v2;
	[tilespmem:s30+$0x30] =	vst v9;
	s2 =	sadd.s32 $0x80, s2;
	s0 =	smov.u32 s31;
	s31 =	sadd.s32 $0x1, s31  }
0x5c: {  	[tilespmem:s30+$0xFFFFFFC0] =	vst v7;
	v7 =	vmul.f32 v1, v2;
	v2 =	vmul.f32 v5, v2  }
0x5d: {  	s0 =	sadd.s32 s0, s26;
	[tilespmem:s30+$0x10] =	vst v8  }
0x5e: {  	v5 =	vmov s0;
	[tilespmem:s30+$0xFFFFFFE0] =	vst v6  }
0x5f: {  	v1 =	vld [tilespmem:s2+$0xFFFFFFF0];
	[tilespmem:s30+$0xFFFFFFF0] =	vst v7  }
0x60: {  	v6 =	vld [tilespmem:s2+$0x30];
	[tilespmem:s30+$0x0] =	vst v2  }
0x61: {  	v8 =	vld [tilespmem:s2+$0x10];
	[tilespmem:s30+$0x20] =	vst v3  }
0x62: {  	v7 =	vld [tilespmem:s2+$0xFFFFFFC0];
	[tilespmem:s30+$0xFFFFFFD0] =	vst v4;
	s30 =	smov.u32 s2  }
0x63: {  	v2 =	vld.idx.msk [tilespmem:v5+s24+$0x0], $0xffff  }
0x64: {  	v10 =	vld [tilespmem:s2+$0xFFFFFFE0]  }
0x65: {  	v3 =	vld [tilespmem:s2+$0x20]  }
.Ltmp1:
0x66: {  	v4 =	vld [tilespmem:s2+$0xFFFFFFD0];
	(pc) =	sbr.rel @p0 .LBB2_5-.Ltmp1, $3  }
0x67: {  	v5 =	vld [tilespmem:s2+$0x0];
	_ =	sdelay $0x1  }
0x68: {  	v7 =	vmul.f32 v7, v2;
	v9 =	vmul.f32 v6, v2  }
0x69: {  	v8 =	vmul.f32 v8, v2;
	v6 =	vmul.f32 v10, v2  }
0x6a: {  	[tilespmem:s30+$0x30] =	vst v9  }
0x6b: {  	[tilespmem:s30+$0xFFFFFFC0] =	vst v7  }
0x6c: {  	v1 =	vmul.f32 v1, v2;
	[tilespmem:s30+$0x10] =	vst v8  }
0x6d: {  	v3 =	vmul.f32 v3, v2;
	[tilespmem:s30+$0xFFFFFFE0] =	vst v6  }
0x6e: {  	v5 =	vmul.f32 v5, v2;
	[tilespmem:s30+$0xFFFFFFF0] =	vst v1  }
0x6f: {  	s28 =	sadd.s32 $0x1, s28;
	v1 =	vmul.f32 v4, v2;
	[tilespmem:s30+$0x20] =	vst v3  }
0x70: {  	p0 =	sne.s32 s28, $0x4F;
	[tilespmem:s30+$0x0] =	vst v5  }
.Ltmp2:
0x71: {  	[tilespmem:s30+$0xFFFFFFD0] =	vst v1;
	(pc) =	sbr.rel @p0 .LBB2_4-.Ltmp2, $4  }
0x72: {  	[spmem:s3] =	stream.indirect.scatter.add.f32 [tilespmem:s19], [sflag:$0x2], $0x80, s29, s22, $0xb8;
	[tilespmem:$0x1F780] =	vst v63  }
0x73: {  	_ =	swait.ge [sflag:s20], $0x4000  }
0x74: {  	[sflag:s20] =	ssyncset.done $0x0  }
0x75: {  	s26 =	sadd.s32 $0x80, s26;
	[sflag:s20] =	ssyncadd.s32 $0xFFFFC000  }
0x76: {  	s0 =	stileid.u32  }
0x77: {  	s0 =	sshll.u32 s0, $0x6  }
0x78: {  	[bflag:$0x0] =	sbarrier.arrive $0xFFFF;
	s2 =	sshrl.u32 s5, $0x3;
	s0 =	sor.u32 $0x1C02, s0  }
0x79: {  	[hbm:s13], [sflag:s0] =	dma.local [spmem:s2], $0x800  }
0x7a: {  	_ =	swait.ge [sflag:s20], $0x800  }
0x7b: {  	[sflag:s20] =	ssyncset.done $0x0  }
0x7c: {  	s28 =	sshrl.u32 s6, $0x3;
	[sflag:s20] =	ssyncadd.s32 $0xFFFFF800  }
0x7d: {  	[hbm:s14], [sflag:s0] =	dma.local [spmem:s28], $0x800  }
0x7e: {  	_ =	swait.ge [sflag:s20], $0x800  }
0x7f: {  	[sflag:s20] =	ssyncset.done $0x0  }
0x80: {  	s29 =	sshrl.u32 s7, $0x3;
	[sflag:s20] =	ssyncadd.s32 $0xFFFFF800  }
0x81: {  	[hbm:s15], [sflag:s0] =	dma.local [spmem:s29], $0x800  }
0x82: {  	_ =	swait.ge [sflag:s20], $0x800  }
0x83: {  	[sflag:s20] =	ssyncset.done $0x0  }
0x84: {  	s30 =	sshrl.u32 s8, $0x3;
	[sflag:s20] =	ssyncadd.s32 $0xFFFFF800  }
0x85: {  	[hbm:s16], [sflag:s0] =	dma.local [spmem:s30], $0x800  }
0x86: {  	s4 =	sadd.s32 $0x1, s4;
	_ =	swait.ge [sflag:s20], $0x800  }
0x87: {  	p0 =	sne.s32 s4, s18;
	[sflag:s20] =	ssyncset.done $0x0  }
.Ltmp3:
0x88: {  	s31 =	sshrl.u32 s9, $0x3;
	[sflag:s20] =	ssyncadd.s32 $0xFFFFF800;
	(pc) =	sbr.rel @p0 .LBB2_1-.Ltmp3, $4  }
0x89: {  	[hbm:s17], [sflag:s0] =	dma.local [spmem:s31], $0x800  }
0x8a: {  	_ =	swait.ge [sflag:s20], $0x800  }
0x8b: {  	[sflag:s20] =	ssyncset.done $0x0  }
0x8c: {  	[sflag:s20] =	ssyncadd.s32 $0xFFFFF800  }
0x8d: {  	_ =	sfence.sel $0x180000  }
0x8e: {  	[bflag:$0x0] =	sbarrier.arrive $0xFFFF  }
0x8f: {  	_ =	strace $0x90000053  }
0x90: {  	s0 =	stileid.u32;
	[bflag:$0x2] =	sbarrier.arrive $0xFFFF  }
0x91: {  	p0 =	sne.s32 s0, $0x0;
	s0 =	rddreg [dreg:$0x3]  }
0x92: {  	s0 =	sadd.s32 @!p0 $0x100000, s0  }
0x93: {  	[sflag:s0] =	ssyncadd.tile.s32 @!p0 $0x1;
	_ =	shalt  }
.Lfunc_end2:
_tile_overlayer_lowered:
.L_overlay_start_2:
0x94: {  	(tag) =	ssettag $0x2  }
0x95: {  	s0 =	rddreg [dreg:$0x0];
	s2 =	stileid.u32  }
0x96: {  	s1 =	rddreg [dreg:$0x1];
	p0 =	sne.s32 s2, $0x0  }
0x97: {  	s3 =	rddreg [dreg:$0x2];
	[bflag:$0x3] =	sbarrier.arrive $0xFFFF;
	s2 =	simm.s32 @!p0 $0x1C02  }
0x98: {  	[timem:s3], [sflag:s2] =	dma.local @!p0 [hbm:s0], s1  }
0x99: {  	s0 =	simm.s32 @!p0 $0x2  }
0x9a: {  	_ =	swait.ge @!p0 [sflag:s0], s1  }
0x9b: {  	s1 =	ssub.s32 @!p0 $0x0, s1;
	[sflag:s0] =	ssyncset.done @!p0 $0x0  }
0x9c: {  	[sflag:s0] =	ssyncadd.s32 @!p0 s1  }
0x9d: {  	[bflag:$0x3] =	sbarrier.arrive $0xFFFF  }
0x9e: {  	_ =	shalt  }

// kernel: kernel.31.cloned.1.call-start
scs
__scs_entry_jumppad:
0x0: {  	(pc) =	sbr.rel $0x88, $3  }
0x1: {  	(tag) =	ssettag $0x0;
	lr =	simm.s32 $0x1  }
0x2: {  	[smem:$0x3F9A] =	sst lr;
	_ =	strace $0xD0000000  }
0x3: {  	_ = 	snop  }
0x4: {  	_ = 	snop  }
0x5: {  	_ = 	snop  }
0x6: {  	_ = 	snop  }
0x7: {  	_ = 	snop  }
__scs_overlays_trampoline_lowered:
0x8: {  	[smem:$0x3FA9] =	sst s0  }
0x9: {  	[smem:$0x3FAA] =	sst s1  }
0xa: {  	[smem:$0x3FAB] =	sst s2  }
0xb: {  	[smem:$0x3FAC] =	sst s3  }
0xc: {  	[smem:$0x3FAD] =	sst s4  }
0xd: {  	[smem:$0x3FAE] =	sst s5  }
0xe: {  	[smem:$0x3FAF] =	sst s6  }
0xf: {  	[smem:$0x3FB0] =	sst s7  }
0x10: {  	[smem:$0x3FB1] =	sst s8  }
0x11: {  	[smem:$0x3FB2] =	sst s9;
	s0 =	simm.s32 @!p0 $0x0  }
0x12: {  	s1 =	sld [smem:$0x3F98];
	s0 =	simm.s32 @p0 $0x1  }
0x13: {  	[smem:$0x3FB3] =	sst s0;
	s0 =	simm.s32 @!p1 $0x0  }
0x14: {  	s2 =	sld [smem:$0x3F97];
	s0 =	simm.s32 @p1 $0x1  }
0x15: {  	[smem:$0x3FB4] =	sst s0;
	s0 =	simm.s32 @!p2 $0x0  }
0x16: {  	s3 =	sld [smem:$0x3FDB];
	s0 =	simm.s32 @p2 $0x1  }
0x17: {  	s4 =	simm.s32 $0x1BF5;
	[smem:$0x3FB6] =	sst s0  }
0x18: {  	s0 =	sld [smem:$0x3F99];
	_ =	swait.ge [sflag:s4], $0x0  }
0x19: {  	s7 =	sld [smem:$0x3F9A]  }
0x1a: {  	s8 =	sadd.s32 $0xFFFFE003, lr  }
0x1b: {  	s9 =	sadd.s32 $0xFFFFFEF7, lr;
	s5 =	simm.s32 $0xFFFFFFFF;
	p2 =	slt.u32 s8, $0xFFFFF086  }
0x1c: {  	p1 =	slt.u32 s9, $0xF7A;
	s5 =	simm.s32 @!p2 $0x0  }
0x1d: {  	s5 =	simm.s32 @p1 $0x1;
	p0 =	seq.s32 s7, s2  }
0x1e: {  	s7 =	smul.u32 @!p0 $0xF7A, s2;
	p2 =	seq.s32 @!p0 s5, $0x0  }
0x1f: {  	s9 =	smul.u32 $0xF7A, s1;
	s8 =	simm.s32 @!p0 $0x1BF5;
	p2 =	por !p2, p0  }
0x20: {  	[sflag:s8] =	ssyncset.s32 @!p0 $0xFFFFF086;
	s6 =	sadd.s32 @!p0 s3, s7;
	s7 =	simm.s32 @!p0 $0x108  }
0x21: {  	s3 =	sadd.s32 s3, s9;
	s6 =	sadd.s32 @!p0 $0x88, s6;
	s7 =	simm.s32 @p2 $0x1082  }
0x22: {  	[simem:s7], [sflag:s8] =	dma.local @!p0 [hbm:s6], $0xF7A  }
0x23: {  	s9 =	sor.u32 $0xD0000000, s2;
	s6 =	simm.s32 $0x108;
	_ =	swait.ge @!p0 [sflag:s8], $0x0  }
0x24: {  	s3 =	sadd.s32 $0x88, s3;
	s6 =	simm.s32 @!p1 $0x1082;
	[sflag:s4] =	ssyncset.s32 $0xFFFFF086  }
0x25: {  	[simem:s6], [sflag:s4] =	dma.local [hbm:s3], $0xF7A  }
0x26: {  	[smem:$0x3F9A] =	sst s1;
	(tag) =	ssettag s2;
	_ =	strace s9  }
0x27: {  	s1 =	sld [smem:$0x3FAA]  }
0x28: {  	s2 =	sld [smem:$0x3FAB]  }
0x29: {  	s4 =	sld [smem:$0x3FAD]  }
0x2a: {  	p0 =	seq.s32 s5, $0x0;
	s5 =	sld [smem:$0x3FAE]  }
0x2b: {  	s6 =	sld [smem:$0x3FAF]  }
0x2c: {  	s7 =	sld [smem:$0x3FB0]  }
0x2d: {  	s3 =	simm.s32 $0x108;
	s8 =	sld [smem:$0x3FB1]  }
0x2e: {  	s3 =	simm.s32 @!p0 $0x1082;
	s9 =	sld [smem:$0x3FB2]  }
0x2f: {  	lr =	sadd.s32 s0, s3;
	s0 =	sld [smem:$0x3FA9]  }
0x30: {  	s3 =	sld [smem:$0x3FAC]  }
0x31: {  	[smem:$0x3FB5] =	sst s10  }
0x32: {  	s10 =	sld [smem:$0x3FB3];
	_ =	sdelay $0x3  }
0x33: {  	p0 =	seq.s32 s10, $0x1;
	s10 =	sld [smem:$0x3FB5];
	_ =	sdelay $0x3  }
0x34: {  	[smem:$0x3FB5] =	sst s10  }
0x35: {  	s10 =	sld [smem:$0x3FB4];
	_ =	sdelay $0x3  }
0x36: {  	p1 =	seq.s32 s10, $0x1;
	s10 =	sld [smem:$0x3FB5];
	_ =	sdelay $0x3  }
0x37: {  	[smem:$0x3FB5] =	sst s10  }
0x38: {  	s10 =	sld [smem:$0x3FB6]  }
0x39: {  	_ = 	snop;
	(pc) =	sbr.ind lr, $3  }
0x3a: {  	_ = 	snop  }
0x3b: {  	_ = 	snop  }
0x3c: {  	p2 =	seq.s32 s10, $0x1;
	s10 =	sld [smem:$0x3FB5]  }
0x3d: {  	_ =	shalt  }
0x3e: {  	_ =	shalt  }
0x3f: {  	_ =	shalt  }
0x40: {  	_ =	shalt  }
0x41: {  	_ =	shalt  }
0x42: {  	_ =	shalt  }
0x43: {  	_ =	shalt  }
0x44: {  	_ =	shalt  }
0x45: {  	_ =	shalt  }
0x46: {  	_ =	shalt  }
0x47: {  	_ =	shalt  }
0x48: {  	_ =	shalt  }
0x49: {  	_ =	shalt  }
0x4a: {  	_ =	shalt  }
0x4b: {  	_ =	shalt  }
0x4c: {  	_ =	shalt  }
0x4d: {  	_ =	shalt  }
0x4e: {  	_ =	shalt  }
0x4f: {  	_ =	shalt  }
0x50: {  	_ =	shalt  }
0x51: {  	_ =	shalt  }
0x52: {  	_ =	shalt  }
0x53: {  	_ =	shalt  }
0x54: {  	_ =	shalt  }
0x55: {  	_ =	shalt  }
0x56: {  	_ =	shalt  }
0x57: {  	_ =	shalt  }
0x58: {  	_ =	shalt  }
0x59: {  	_ =	shalt  }
0x5a: {  	_ =	shalt  }
0x5b: {  	_ =	shalt  }
0x5c: {  	_ =	shalt  }
0x5d: {  	_ =	shalt  }
0x5e: {  	_ =	shalt  }
0x5f: {  	_ =	shalt  }
0x60: {  	_ =	shalt  }
0x61: {  	_ =	shalt  }
0x62: {  	_ =	shalt  }
0x63: {  	_ =	shalt  }
0x64: {  	_ =	shalt  }
0x65: {  	_ =	shalt  }
0x66: {  	_ =	shalt  }
0x67: {  	_ =	shalt  }
0x68: {  	_ =	shalt  }
0x69: {  	_ =	shalt  }
0x6a: {  	_ =	shalt  }
0x6b: {  	_ =	shalt  }
0x6c: {  	_ =	shalt  }
0x6d: {  	_ =	shalt  }
0x6e: {  	_ =	shalt  }
0x6f: {  	_ =	shalt  }
0x70: {  	_ =	shalt  }
0x71: {  	_ =	shalt  }
0x72: {  	_ =	shalt  }
0x73: {  	_ =	shalt  }
0x74: {  	_ =	shalt  }
0x75: {  	_ =	shalt  }
0x76: {  	_ =	shalt  }
0x77: {  	_ =	shalt  }
0x78: {  	_ =	shalt  }
0x79: {  	_ =	shalt  }
0x7a: {  	_ =	shalt  }
0x7b: {  	_ =	shalt  }
0x7c: {  	_ =	shalt  }
0x7d: {  	_ =	shalt  }
0x7e: {  	_ =	shalt  }
0x7f: {  	_ =	shalt  }
0x80: {  	_ =	shalt  }
0x81: {  	_ =	shalt  }
0x82: {  	_ =	shalt  }
0x83: {  	_ =	shalt  }
0x84: {  	_ =	shalt  }
0x85: {  	_ =	shalt  }
0x86: {  	_ =	shalt  }
0x87: {  	_ =	shalt  }
.Lfunc_end0:
.L_simem_size_0:
called_computation.5_lowered:
.L_overlay_start_0:
0x88: {  	s2 =	sld [smem:$0x3FD9]  }
0x89: {  	s3 =	sld [smem:$0x3FFE];
	_ =	sdelay $0x1  }
0x8a: {  	s1 =	srdreg.scid  }
0x8b: {  	s0 =	sand.u32 $0x1, s1  }
0x8c: {  	s17 =	sshll.u32 s0, $0xA;
	s2 =	sadd.s32 s3, s2  }
0x8d: {  	s2 =	sadd.s32 s2, s17  }
0x8e: {  	[smem:$0x3FC1] =	sst s2  }
0x8f: {  	_ = 	snop  }
0x90: {  	s2 =	sld [smem:$0x3FD0];
	(tm) =	ssettm $0x1  }
0x91: {  	s18 =	sld [smem:$0x3FFB];
	_ =	sdelay $0x3  }
0x92: {  	_ =	strace s18  }
0x93: {  	s3 =	sld [smem:$0x3FFC];
	_ =	sdelay $0x3  }
0x94: {  	_ =	strace s3  }
0x95: {  	s3 =	sld [smem:$0x3FFD];
	_ =	sdelay $0x3  }
0x96: {  	_ =	strace s3  }
0x97: {  	_ =	strace $0x8FFFFFFF  }
0x98: {  	s19 =	sld [smem:$0x3FDB];
	_ =	sdelay $0x1  }
0x99: {  	s4 =	simm.s32 $_scs_section_size  }
0x9a: {  	s5 =	simm.s32 $_size__tile_overlayer_lowered;
	s6 =	simm.s32 $_tile_overlayer_lowered  }
0x9b: {  	s22 =	simm.s32 $0x1BFF;
	s21 =	sshll.u32 s6, $0x1;
	s3 =	sadd.s32 s4, s19  }
0x9c: {  	s7 =	simm.s32 $0x0;
	s20 =	sshll.u32 s5, $0x1;
	s5 =	sadd.s32 s21, s3  }
0x9d: {  	[timem:s7], [sflag:s22] =	dma.local [hbm:s5], s20  }
0x9e: {  	_ =	swait.ge [sflag:s22], s20  }
0x9f: {  	s4 =	ssub.s32 $0x0, s20;
	[sflag:s22] =	ssyncset.done $0x0  }
0xa0: {  	[sflag:s22] =	ssyncadd.s32 s4;
	_ =	sdelay $0x1  }
0xa1: {  	s23 =	simm.s32 $0x1B8B  }
0xa2: {  	_ =	swait.ge [sflag:s23], $0x1  }
0xa3: {  	[sflag:s23] =	ssyncset.done $0x0  }
0xa4: {  	s25 =	simm.s32 $0x1B8E;
	s24 =	sld [smem:$0x3FFE];
	[sflag:s23] =	ssyncadd.s32 $0xFFFFFFFF  }
0xa5: {  	s26 =	simm.s32 $execute0_lowered;
	[smem:$0x3FD2] =	sst s25  }
0xa6: {  	s5 =	sshll.u32 s26, $0x1;
	_ =	strace $0x80000055;
	[dreg:$0x1] =	wrdreg $0xFFFFFFFF  }
0xa7: {  	s28 =	simm.s32 $_size_execute0_lowered;
	s3 =	sadd.s32 s3, s5;
	[dreg:$0x0] =	wrdreg $0x0  }
0xa8: {  	s5 =	sshll.u32 s28, $0x1;
	[dreg:$0x2] =	wrdreg s3  }
0xa9: {  	[dreg:$0x3] =	wrdreg s5  }
0xaa: {  	[dreg:$0x4] =	wrdreg $0xC0  }
0xab: {  	_ =	task [dreg:s7], $0x5FFFF  }
0xac: {  	[dreg:$0x1] =	wrdreg $0xFFFFFFFF  }
0xad: {  	[dreg:$0x0] =	wrdreg $0x60  }
0xae: {  	[dreg:$0x2] =	wrdreg s2  }
0xaf: {  	[dreg:$0x3] =	wrdreg s24  }
0xb0: {  	[dreg:$0x4] =	wrdreg $0xB7800  }
0xb1: {  	[dreg:$0x5] =	wrdreg $0x9  }
0xb2: {  	_ =	task.clear_ibuf [dreg:s7], $0x6FFFF;
	_ =	strace $0x90000055  }
0xb3: {  	s29 =	simm.s32 $0x9;
	_ =	strace $0x80000057  }
0xb4: {  	_ =	swait.ge [sflag:s29], $0x1  }
0xb5: {  	[sflag:s29] =	ssyncadd.s32 $0xFFFFFFFF  }
0xb6: {  	_ =	strace $0x90000057  }
0xb7: {  	_ =	sfence  }
0xb8: {  	s30 =	sld [smem:$0x0];
	_ =	sdelay $0x2  }
0xb9: {  	s31 =	sshll.u32 s1, $0xD;
	s1 =	sshrl.u32 s1, $0x2  }
0xba: {  	s3 =	sand.u32 $0x4000, s31;
	s1 =	sadd.s32 s1, s30  }
0xbb: {  	s0 =	sor.u32 s3, s0;
	s1 =	sshll.u32 s1, $0x11  }
0xbc: {  	s0 =	sor.u32 s1, s0  }
0xbd: {  	s0 =	sadd.s32 $0x8F2B, s0  }
0xbe: {  	[sflag:s0] =	ssyncadd.remote.s32 $0x1  }
0xbf: {  	_ =	sfence.sel $0xFFFF  }
0xc0: {  	[dreg:$0x0] =	wrdreg $0xFFFFFFFF;
	(pc) =	sbr.abs _section_cstart, $3  }
0xc1: {  	[dreg:$0x1] =	wrdreg $0xFFFFFFFF  }
0xc2: {  	_ =	task.clear_ibuf [dreg:s7], $0x2FFFF;
	_ =	strace $0x9FFFFFFF  }
0xc3: {  	(tm) =	ssettm $0x7FFFFFFF  }
tec
execute0_lowered:
.L_overlay_start_1:
0x0: {  	(tag) =	ssettag $0x1  }
0x1: {  	s2 =	srdreg.scid  }
0x2: {  	s0 =	stileid.u32;
	s1 =	rddreg [dreg:$0x0]  }
0x3: {  	s5 =	rddreg [dreg:$0x1];
	s21 =	simm.s32 $0x2800;
	s22 =	simm.s32 $0x80  }
0x4: {  	s23 =	simm.s32 $0x400;
	s24 =	simm.s32 $0x5000;
	s2 =	sand.u32 $0x1, s2  }
0x5: {  	s3 =	sshll.u32 s0, $0x1;
	s4 =	sshrl.u32 s0, $0x2;
	s26 =	smul.u32 $0x50000, s0  }
0x6: {  	s11 =	smul.u32 $0x14000, s0;
	s17 =	sadd.s32 $0x23800, s5;
	s6 =	sor.u32 s2, s3  }
0x7: {  	s3 =	rddreg [dreg:$0x2];
	s7 =	smul.u32 $0x13C00, s4;
	s4 =	simm.s32 $0x0  }
0x8: {  	s28 =	ssub.s32 $0x2, s2;
	s2 =	smul.u32 $0x140000, s2;
	s25 =	sshll.u32 s6, $0x7  }
0x9: {  	s6 =	smul.u32 $0x500, s6;
	[smem:$0x7FF] =	sst s4;
	s29 =	sshrl.u32 s28, $0x1  }
0xa: {  	s30 =	sshrl.u32 s26, $0x2;
	s14 =	sadd.s32 $0x4000, s11;
	s15 =	sadd.s32 $0x8000, s11  }
0xb: {  	s16 =	sadd.s32 $0xC000, s11;
	s19 =	sadd.s32 $0x10000, s11;
	s8 =	sand.u32 $0x380, s25  }
0xc: {  	_ =	strace $0x80000056;
	s18 =	ssub.s32 s28, s29;
	s9 =	sadd.s32 s19, s3  }
0xd: {  	s20 =	sadd.s32 s11, s2;
	s25 =	simm.s32 $0x1;
	s7 =	sor.u32 s7, s8  }
0xe: {  	s13 =	sadd.s32 s6, s5;
	s6 =	sadd.s32 s14, s3;
	s8 =	sadd.s32 s16, s3  }
0xf: {  	s31 =	sshrl.u32 s20, $0x3;
	s14 =	sadd.s32 s2, s14;
	s16 =	sadd.s32 s2, s16  }
0x10: {  	s18 =	smax.u32 s18, $0x1;
	s20 =	simm.s32 $0x2;
	s7 =	sshrl.u32 s7, $0x3  }
0x11: {  	s10 =	sadd.s32 $0x5000, s13;
	s11 =	sadd.s32 $0x19800, s13;
	s13 =	sadd.s32 s17, s31  }
0x12: {  	s14 =	sshrl.u32 s14, $0x3;
	s16 =	sshrl.u32 s16, $0x3;
	s12 =	sadd.s32 s7, s5  }
0x13: {  	s5 =	sadd.s32 s30, s3;
	s7 =	sadd.s32 s15, s3;
	s14 =	sadd.s32 s17, s14  }
0x14: {  	s15 =	sadd.s32 s2, s15;
	s2 =	sadd.s32 s2, s19;
	s16 =	sadd.s32 s17, s16  }
0x15: {  	s19 =	simm.s32 $0x7780;
	s15 =	sshrl.u32 s15, $0x3;
	s2 =	sshrl.u32 s2, $0x3  }
0x16: {  	v0 =	vimm.f32 $0.0e+00;
	s12 =	sadd.s32 $0xFA00, s12;
	s15 =	sadd.s32 s17, s15;
	s17 =	sadd.s32 s17, s2  }
.LBB2_1:
0x17: {  	s2 =	simm.s32 $0x0;
	s26 =	simm.s32 $0x200  }
.LBB2_2:
0x18: {  	p0 =	sne.s32 s26, $0xFE00;
	[tilespmem:s2+$0x77F0] =	vst v0  }
0x19: {  	[tilespmem:s2+$0x7780] =	vst v0  }
0x1a: {  	[tilespmem:s2+$0x7790] =	vst v0  }
.Ltmp0:
0x1b: {  	[tilespmem:s2+$0x77A0] =	vst v0;
	(pc) =	sbr.rel @p0 .LBB2_2-.Ltmp0, $4  }
0x1c: {  	[tilespmem:s2+$0x77B0] =	vst v0  }
0x1d: {  	[tilespmem:s2+$0x77C0] =	vst v0  }
0x1e: {  	[tilespmem:s2+$0x77D0] =	vst v0  }
0x1f: {  	[tilespmem:s2+$0x77E0] =	vst v0;
	s2 =	sshra.s32 s26, $0x2;
	s26 =	sadd.s32 $0x200, s26  }
0x20: {  	[tilespmem:s2+$0x77F0] =	vst v0  }
0x21: {  	[tilespmem:s2+$0x7780] =	vst v0  }
0x22: {  	[tilespmem:s2+$0x7790] =	vst v0  }
0x23: {  	[tilespmem:s2+$0x77A0] =	vst v0  }
0x24: {  	[tilespmem:s2+$0x77B0] =	vst v0  }
0x25: {  	[tilespmem:s2+$0x77C0] =	vst v0  }
0x26: {  	[tilespmem:s2+$0x77D0] =	vst v0  }
0x27: {  	[tilespmem:s2+$0x77E0] =	vst v0  }
0x28: {  	[spmem:s5] =	stream.linear.scatter [tilespmem:s19], [sflag:$0x2], $0x4000, $0x38;
	[tilespmem:$0x1F780] =	vst v63  }
0x29: {  	_ =	swait.ge [sflag:s20], $0x4000  }
0x2a: {  	[sflag:s20] =	ssyncset.done $0x0  }
0x2b: {  	[sflag:s20] =	ssyncadd.s32 $0xFFFFC000  }
0x2c: {  	[spmem:s6] =	stream.linear.scatter [tilespmem:s19], [sflag:$0x2], $0x4000, $0x38;
	[tilespmem:$0x1F780] =	vst v63  }
0x2d: {  	_ =	swait.ge [sflag:s20], $0x4000  }
0x2e: {  	[sflag:s20] =	ssyncset.done $0x0  }
0x2f: {  	[sflag:s20] =	ssyncadd.s32 $0xFFFFC000  }
0x30: {  	[spmem:s7] =	stream.linear.scatter [tilespmem:s19], [sflag:$0x2], $0x4000, $0x38;
	[tilespmem:$0x1F780] =	vst v63  }
0x31: {  	_ =	swait.ge [sflag:s20], $0x4000  }
0x32: {  	[sflag:s20] =	ssyncset.done $0x0  }
0x33: {  	[sflag:s20] =	ssyncadd.s32 $0xFFFFC000  }
0x34: {  	[spmem:s8] =	stream.linear.scatter [tilespmem:s19], [sflag:$0x2], $0x4000, $0x38;
	[tilespmem:$0x1F780] =	vst v63  }
0x35: {  	_ =	swait.ge [sflag:s20], $0x4000  }
0x36: {  	[sflag:s20] =	ssyncset.done $0x0  }
0x37: {  	[sflag:s20] =	ssyncadd.s32 $0xFFFFC000  }
0x38: {  	[spmem:s9] =	stream.linear.scatter [tilespmem:s19], [sflag:$0x2], $0x4000, $0x38;
	[tilespmem:$0x1F780] =	vst v63  }
0x39: {  	_ =	swait.ge [sflag:s20], $0x4000  }
0x3a: {  	[sflag:s20] =	ssyncset.done $0x0  }
0x3b: {  	s26 =	simm.s32 $0x0;
	[sflag:s20] =	ssyncadd.s32 $0xFFFFC000  }
0x3c: {  	[tilespmem:s26], [sflag:$0x2] =	stream.linear.gather [hbm4b:s10+s26], $0x2780, $0x38;
	[tilespmem:$0x1F780] =	vst v63  }
0x3d: {  	_ =	swait.ge [sflag:s20], $0x2780  }
0x3e: {  	[sflag:s20] =	ssyncset.done $0x0  }
0x3f: {  	[sflag:s20] =	ssyncadd.s32 $0xFFFFD880  }
0x40: {  	[tilespmem:s21], [sflag:$0x2] =	stream.linear.gather [hbm4b:s11+s26], $0x2780, $0x38;
	[tilespmem:$0x1F780] =	vst v63  }
0x41: {  	_ =	swait.ge [sflag:s20], $0x2780  }
0x42: {  	[sflag:s20] =	ssyncset.done $0x0  }
0x43: {  	[sflag:s20] =	ssyncadd.s32 $0xFFFFD880  }
0x44: {  	[tilespmem:s24], [sflag:$0x2] =	stream.strided.gather [hbm4b:s12+s22], $0x2780, s23, s22, $0x38;
	[tilespmem:$0x1F780] =	vst v63  }
0x45: {  	_ =	swait.ge [sflag:s20], $0x2780  }
0x46: {  	[sflag:s20] =	ssyncset.done $0x0  }
0x47: {  	[sflag:s20] =	ssyncadd.s32 $0xFFFFD880  }
0x48: {  	s28 =	simm.s32 $0x0;
	[bflag:$0x0] =	sbarrier.arrive $0xFFFF  }
.LBB2_4:
0x49: {  	s29 =	sshll.u32 s28, $0x7  }
0x4a: {  	s2 =	sadd.s32 $0x2800, s29  }
0x4b: {  	[tilespmem:s19], [sflag:$0x1] =	stream.indirect.gather [hbm4b:s1+s22], $0x80, s2, s22, $0xb8;
	[tilespmem:$0x1F780] =	vst v63  }
0x4c: {  	s0 =	sadd.s32 $0x0, s26;
	_ =	swait.ge [sflag:s25], $0x4000  }
0x4d: {  	v1 =	vmov s0;
	[sflag:s25] =	ssyncset.done $0x0  }
0x4e: {  	s30 =	simm.s32 $0x77C0;
	[sflag:s25] =	ssyncadd.s32 $0xFFFFC000  }
0x4f: {  	v5 =	vld [tilespmem:s30+$0x30]  }
0x50: {  	v8 =	vld [tilespmem:s30+$0x10]  }
0x51: {  	v6 =	vld [tilespmem:s30+$0xFFFFFFC0]  }
0x52: {  	v2 =	vld.idx.msk [tilespmem:v1+s24+$0x0], $0xffff  }
0x53: {  	v10 =	vld [tilespmem:s30+$0xFFFFFFE0]  }
0x54: {  	v1 =	vld [tilespmem:s30+$0xFFFFFFF0]  }
0x55: {  	v3 =	vld [tilespmem:s30+$0x20]  }
0x56: {  	v4 =	vld [tilespmem:s30+$0xFFFFFFD0]  }
0x57: {  	v9 =	vmul.f32 v5, v2;
	v5 =	vld [tilespmem:s30+$0x0]  }
0x58: {  	v7 =	vmul.f32 v6, v2  }
0x59: {  	s31 =	simm.s32 $0x1;
	s2 =	simm.s32 $0x77C0;
	v6 =	vmul.f32 v10, v2;
	v8 =	vmul.f32 v8, v2  }
.LBB2_5:
0x5a: {  	p0 =	sne.s32 s31, $0x7F  }
0x5b: {  	v4 =	vmul.f32 v4, v2;
	v3 =	vmul.f32 v3, v2;
	[tilespmem:s30+$0x30] =	vst v9;
	s2 =	sadd.s32 $0x80, s2;
	s0 =	smov.u32 s31;
	s31 =	sadd.s32 $0x1, s31  }
0x5c: {  	[tilespmem:s30+$0xFFFFFFC0] =	vst v7;
	v7 =	vmul.f32 v1, v2;
	v2 =	vmul.f32 v5, v2  }
0x5d: {  	s0 =	sadd.s32 s0, s26;
	[tilespmem:s30+$0x10] =	vst v8  }
0x5e: {  	v5 =	vmov s0;
	[tilespmem:s30+$0xFFFFFFE0] =	vst v6  }
0x5f: {  	v1 =	vld [tilespmem:s2+$0xFFFFFFF0];
	[tilespmem:s30+$0xFFFFFFF0] =	vst v7  }
0x60: {  	v6 =	vld [tilespmem:s2+$0x30];
	[tilespmem:s30+$0x0] =	vst v2  }
0x61: {  	v8 =	vld [tilespmem:s2+$0x10];
	[tilespmem:s30+$0x20] =	vst v3  }
0x62: {  	v7 =	vld [tilespmem:s2+$0xFFFFFFC0];
	[tilespmem:s30+$0xFFFFFFD0] =	vst v4;
	s30 =	smov.u32 s2  }
0x63: {  	v2 =	vld.idx.msk [tilespmem:v5+s24+$0x0], $0xffff  }
0x64: {  	v10 =	vld [tilespmem:s2+$0xFFFFFFE0]  }
0x65: {  	v3 =	vld [tilespmem:s2+$0x20]  }
.Ltmp1:
0x66: {  	v4 =	vld [tilespmem:s2+$0xFFFFFFD0];
	(pc) =	sbr.rel @p0 .LBB2_5-.Ltmp1, $3  }
0x67: {  	v5 =	vld [tilespmem:s2+$0x0];
	_ =	sdelay $0x1  }
0x68: {  	v7 =	vmul.f32 v7, v2;
	v9 =	vmul.f32 v6, v2  }
0x69: {  	v8 =	vmul.f32 v8, v2;
	v6 =	vmul.f32 v10, v2  }
0x6a: {  	[tilespmem:s30+$0x30] =	vst v9  }
0x6b: {  	[tilespmem:s30+$0xFFFFFFC0] =	vst v7  }
0x6c: {  	v1 =	vmul.f32 v1, v2;
	[tilespmem:s30+$0x10] =	vst v8  }
0x6d: {  	v3 =	vmul.f32 v3, v2;
	[tilespmem:s30+$0xFFFFFFE0] =	vst v6  }
0x6e: {  	v5 =	vmul.f32 v5, v2;
	[tilespmem:s30+$0xFFFFFFF0] =	vst v1  }
0x6f: {  	s28 =	sadd.s32 $0x1, s28;
	v1 =	vmul.f32 v4, v2;
	[tilespmem:s30+$0x20] =	vst v3  }
0x70: {  	p0 =	sne.s32 s28, $0x4F;
	[tilespmem:s30+$0x0] =	vst v5  }
.Ltmp2:
0x71: {  	[tilespmem:s30+$0xFFFFFFD0] =	vst v1;
	(pc) =	sbr.rel @p0 .LBB2_4-.Ltmp2, $4  }
0x72: {  	[spmem:s3] =	stream.indirect.scatter.add.f32 [tilespmem:s19], [sflag:$0x2], $0x80, s29, s22, $0xb8;
	[tilespmem:$0x1F780] =	vst v63  }
0x73: {  	_ =	swait.ge [sflag:s20], $0x4000  }
0x74: {  	[sflag:s20] =	ssyncset.done $0x0  }
0x75: {  	s26 =	sadd.s32 $0x80, s26;
	[sflag:s20] =	ssyncadd.s32 $0xFFFFC000  }
0x76: {  	s0 =	stileid.u32  }
0x77: {  	s0 =	sshll.u32 s0, $0x6  }
0x78: {  	[bflag:$0x0] =	sbarrier.arrive $0xFFFF;
	s2 =	sshrl.u32 s5, $0x3;
	s0 =	sor.u32 $0x1C02, s0  }
0x79: {  	[hbm:s13], [sflag:s0] =	dma.local [spmem:s2], $0x800  }
0x7a: {  	_ =	swait.ge [sflag:s20], $0x800  }
0x7b: {  	[sflag:s20] =	ssyncset.done $0x0  }
0x7c: {  	s28 =	sshrl.u32 s6, $0x3;
	[sflag:s20] =	ssyncadd.s32 $0xFFFFF800  }
0x7d: {  	[hbm:s14], [sflag:s0] =	dma.local [spmem:s28], $0x800  }
0x7e: {  	_ =	swait.ge [sflag:s20], $0x800  }
0x7f: {  	[sflag:s20] =	ssyncset.done $0x0  }
0x80: {  	s29 =	sshrl.u32 s7, $0x3;
	[sflag:s20] =	ssyncadd.s32 $0xFFFFF800  }
0x81: {  	[hbm:s15], [sflag:s0] =	dma.local [spmem:s29], $0x800  }
0x82: {  	_ =	swait.ge [sflag:s20], $0x800  }
0x83: {  	[sflag:s20] =	ssyncset.done $0x0  }
0x84: {  	s30 =	sshrl.u32 s8, $0x3;
	[sflag:s20] =	ssyncadd.s32 $0xFFFFF800  }
0x85: {  	[hbm:s16], [sflag:s0] =	dma.local [spmem:s30], $0x800  }
0x86: {  	s4 =	sadd.s32 $0x1, s4;
	_ =	swait.ge [sflag:s20], $0x800  }
0x87: {  	p0 =	sne.s32 s4, s18;
	[sflag:s20] =	ssyncset.done $0x0  }
.Ltmp3:
0x88: {  	s31 =	sshrl.u32 s9, $0x3;
	[sflag:s20] =	ssyncadd.s32 $0xFFFFF800;
	(pc) =	sbr.rel @p0 .LBB2_1-.Ltmp3, $4  }
0x89: {  	[hbm:s17], [sflag:s0] =	dma.local [spmem:s31], $0x800  }
0x8a: {  	_ =	swait.ge [sflag:s20], $0x800  }
0x8b: {  	[sflag:s20] =	ssyncset.done $0x0  }
0x8c: {  	[sflag:s20] =	ssyncadd.s32 $0xFFFFF800  }
0x8d: {  	_ =	sfence.sel $0x180000  }
0x8e: {  	[bflag:$0x0] =	sbarrier.arrive $0xFFFF  }
0x8f: {  	_ =	strace $0x90000056  }
0x90: {  	s0 =	stileid.u32;
	[bflag:$0x2] =	sbarrier.arrive $0xFFFF  }
0x91: {  	p0 =	sne.s32 s0, $0x0;
	s0 =	rddreg [dreg:$0x3]  }
0x92: {  	s0 =	sadd.s32 @!p0 $0x100000, s0  }
0x93: {  	[sflag:s0] =	ssyncadd.tile.s32 @!p0 $0x1;
	_ =	shalt  }
.Lfunc_end2:
_tile_overlayer_lowered:
.L_overlay_start_2:
0x94: {  	(tag) =	ssettag $0x2  }
0x95: {  	s0 =	rddreg [dreg:$0x0];
	s2 =	stileid.u32  }
0x96: {  	s1 =	rddreg [dreg:$0x1];
	p0 =	sne.s32 s2, $0x0  }
0x97: {  	s3 =	rddreg [dreg:$0x2];
	[bflag:$0x3] =	sbarrier.arrive $0xFFFF;
	s2 =	simm.s32 @!p0 $0x1C02  }
0x98: {  	[timem:s3], [sflag:s2] =	dma.local @!p0 [hbm:s0], s1  }
0x99: {  	s0 =	simm.s32 @!p0 $0x2  }
0x9a: {  	_ =	swait.ge @!p0 [sflag:s0], s1  }
0x9b: {  	s1 =	ssub.s32 @!p0 $0x0, s1;
	[sflag:s0] =	ssyncset.done @!p0 $0x0  }
0x9c: {  	[sflag:s0] =	ssyncadd.s32 @!p0 s1  }
0x9d: {  	[bflag:$0x3] =	sbarrier.arrive $0xFFFF  }
0x9e: {  	_ =	shalt  }

</sc_bundles>
